<compile_context>
chip_gen: v7x
topology: tpu7x:2x2x1
jax: 0.10.2.dev20260603
libtpu: 0.0.44.dev20260713+nightly
codegen_flags: <defaults>
</compile_context>

<pallas_src>
import functools

import jax
import jax.numpy as jnp
from jax import lax
from jax.experimental import pallas as pl
from jax.experimental.pallas import tpu as pltpu
from jax.experimental.pallas import tpu_sc as plsc

GAMMA = 6.0
ER = 0.1
ERT = 0.1
PI = 3.141592653589793

B = 4096
NEG = 50
D = 64
DH = D // 2
NW = 32
EB = B // NW
PW = EB * NEG
NT = 1000
L = 16
NE = 1000000

PH_SCALE = (PI / ER) * 0.5
C3 = -0.16658124
C5 = 0.00789374
RSQRT_MAGIC = 0x5F3759DF


def _sc_score(ent, et_flat, ett, tts_flat, bmap, pw16, mw16):
    mesh = plsc.VectorSubcoreMesh(core_axis_name="c", subcore_axis_name="s")

    @functools.partial(
        pl.kernel,
        mesh=mesh,
        compiler_params=pltpu.CompilerParams(
            use_tc_tiling_on_sc=True, needs_layout_passes=False),
        out_type=jax.ShapeDtypeStruct((B * NEG,), jnp.float32),
        scratch_types=[
            pltpu.VMEM((EB,), jnp.int32),
            [pltpu.VMEM((D, 128), jnp.float32) for _ in range(4)],
            [pltpu.SemaphoreType.DMA for _ in range(4)],
            pltpu.VMEM((EB * D,), jnp.float32),
            pltpu.VMEM((PW,), jnp.int32),
            pltpu.VMEM((PW,), jnp.int32),
            pltpu.VMEM((NT * D,), jnp.float32),
            pltpu.VMEM((PW,), jnp.float32),
            pltpu.VMEM((L,), jnp.float32),
            pltpu.VMEM((L,), jnp.float32),
        ],
    )
    def k(ent_hbm, et_hbm, ett_hbm, ttf_hbm, bmap_hbm, pw_hbm, mw_hbm,
          out_hbm, eidx_v, slabs, slab_sems, erow_v, tidx_v, bmap_v,
          tt_v, out_v, pw_v, mw_v):
        wid = lax.axis_index("s") * 2 + lax.axis_index("c")
        ebase = wid * EB
        pbase = wid * PW

        pltpu.sync_copy(ent_hbm.at[pl.ds(ebase, EB)], eidx_v)
        pltpu.sync_copy(et_hbm.at[pl.ds(pbase, PW)], tidx_v)
        pltpu.sync_copy(bmap_hbm, bmap_v)
        pltpu.sync_copy(ttf_hbm, tt_v)
        pltpu.sync_copy(pw_hbm, pw_v)
        pltpu.sync_copy(mw_hbm, mw_v)

        lane = lax.iota(jnp.int32, L)
        dvec = [lane + k_ * L for k_ in range(4)]

        def ent_scalar(i):
            base = pl.multiple_of((i // L) * L, L)
            v = eidx_v[pl.ds(base, L)]
            sel = jnp.where(lane == (i - base), v, 0)
            return jnp.sum(sel)

        NBUF = 4

        def fire(j, entity_i):
            e = ent_scalar(entity_i)
            w = pl.multiple_of(
                jnp.minimum(lax.shift_right_logical(e, 7) * 128, NE - 128),
                128)
            pltpu.async_copy(
                ett_hbm.at[:, pl.ds(w, 128)], slabs[j], slab_sems[j])
            return e - w

        def extract(j, i, col):
            colv = jnp.full((L,), col, jnp.int32)
            for k_ in range(4):
                v = plsc.load_gather(slabs[j], [dvec[k_], colv])
                if k_ < 2:
                    v = v * PH_SCALE
                erow_v[pl.ds(i * D + k_ * L, L)] = v

        ecols0 = []
        for j in range(NBUF):
            ecols0.append(fire(j, j))

        def stage(i, ecols):
            base = i * NBUF
            nxt = []
            for j in range(NBUF):
                pltpu.make_async_copy(
                    ett_hbm.at[:, pl.ds(0, 128)], slabs[j],
                    slab_sems[j]).wait()
                extract(j, base + j, ecols[j])
                refetch = jnp.minimum(base + NBUF + j, EB - 1)
                nxt.append(fire(j, refetch))
            return tuple(nxt)

        pw = pw_v[...]
        mw = mw_v[...]

        erow_f = erow_v
        lane_eq = [lane == l_ for l_ in range(L)]
        dv16 = lane + L
        dv32 = lane + 2 * L
        dv48 = lane + 3 * L

        def group(g, carry):
            p0 = pl.multiple_of(g * L, L)
            p0v = jnp.full((L,), p0, jnp.int32)
            psum = jnp.zeros((L,), jnp.float32)
            msum = jnp.zeros((L,), jnp.float32)
            for l_ in range(L):
                pb = p0v | l_
                ta = plsc.load_gather(tidx_v, [pb])
                ea = plsc.load_gather(bmap_v, [pb])
                t0 = plsc.load_gather(tt_v, [ta | lane])
                t1 = plsc.load_gather(tt_v, [ta | dv16])
                t2 = plsc.load_gather(tt_v, [ta | dv32])
                t3 = plsc.load_gather(tt_v, [ta | dv48])
                e0 = plsc.load_gather(erow_f, [ea | lane])
                e1 = plsc.load_gather(erow_f, [ea | dv16])
                e2 = plsc.load_gather(erow_f, [ea | dv32])
                e3 = plsc.load_gather(erow_f, [ea | dv48])
                x0 = e0 - t0
                x1 = e1 - t1
                a0 = jnp.abs(x0)
                a1 = jnp.abs(x1)
                r0 = jnp.minimum(a0, PI - a0)
                r1 = jnp.minimum(a1, PI - a1)
                q0 = r0 * r0
                q1 = r1 * r1
                s0 = r0 + r0 * q0 * (C3 + q0 * C5)
                s1 = r1 + r1 * q1 * (C3 + q1 * C5)
                d2 = e2 - t2
                d3 = e3 - t3
                ph = s0 + s1
                md = d2 * d2 + d3 * d3
                psc = jnp.sum(ph)
                msc = jnp.sum(md)
                psum = jnp.where(lane_eq[l_], psc, psum)
                msum = jnp.where(lane_eq[l_], msc, msum)
            msafe = jnp.maximum(msum, 1e-35)
            yi = RSQRT_MAGIC - lax.shift_right_logical(
                plsc.bitcast(msafe, jnp.int32), 1)
            y = plsc.bitcast(yi, jnp.float32)
            for _ in range(3):
                y = y * (1.5 - 0.5 * msafe * y * y)
            res = psum * pw + (msum * y) * mw - GAMMA
            out_v[pl.ds(p0, L)] = res
            return carry

        def chunk(c, ecols):
            ecols = lax.fori_loop(2 * c, 2 * c + 2, stage, ecols)
            lax.fori_loop(25 * c, 25 * c + 25, group, 0)
            return ecols

        lax.fori_loop(0, EB // 8, chunk, tuple(ecols0))
        for j in range(NBUF):
            pltpu.make_async_copy(
                ett_hbm.at[:, pl.ds(0, 128)], slabs[j], slab_sems[j]).wait()
        pltpu.sync_copy(out_v, out_hbm.at[pl.ds(pbase, PW)])

    return k(ent, et_flat, ett, tts_flat, bmap, pw16, mw16)


def kernel(ent, ent_type, ent_table, type_table, phase_weight, modulus_weight):
    ett = ent_table.T
    et_flat = ent_type.reshape(-1) * D
    tts = jnp.concatenate(
        [type_table[:, :DH] * PH_SCALE, type_table[:, DH:]], axis=1)
    tts_flat = tts.reshape(-1)
    bmap = (jnp.arange(PW, dtype=jnp.int32) // NEG) * D
    pw16 = jnp.broadcast_to(phase_weight.reshape(1), (L,))
    mw16 = jnp.broadcast_to(modulus_weight.reshape(1), (L,))
    out = _sc_score(ent, et_flat, ett, tts_flat, bmap, pw16, mw16)
    return out.reshape(B, NEG)

# --- scband reference (transcript-rebuilt; emitter-appended) ---
"""Pipeline reference for scband-hake-type-9509057593809 (READ-ONLY COPY).

The authoritative reference and input builder live on the scoring server;
editing this copy changes nothing except your own understanding.
"""

import jax, jax.numpy as jnp
import numpy as np

GAMMA = 6.0
ER = 0.1
ERT = 0.1
PI = 3.141592653589793


def setup_inputs(seed: int = 0) -> dict:
    key = jax.random.key(seed)
    k1, k2, k3, k4 = jax.random.split(key, 4)
    ent = jax.random.randint(k1, (4096,), 0, 1000000)
    ent_type = jax.random.randint(k2, (4096, 50), 0, 1000)
    ent_table = jax.random.uniform(k3, (1000000, 64), minval=-ER, maxval=ER, dtype=jnp.float32)
    type_table = jax.random.uniform(k4, (1000, 64), minval=-ERT, maxval=ERT, dtype=jnp.float32)
    phase_weight = jnp.array([[0.5 * ER]], dtype=jnp.float32)
    modulus_weight = jnp.array([[1.0]], dtype=jnp.float32)
    return {"ent": ent, "ent_type": ent_type, "ent_table": ent_table,
            "type_table": type_table, "phase_weight": phase_weight,
            "modulus_weight": modulus_weight}


def reference(ent, ent_type, ent_table, type_table, phase_weight, modulus_weight):
    # embed (negative-batch branch): e -> [B, 1, D], t -> [B, neg, D]
    e = jnp.take(ent_table, ent, axis=0)[:, None, :]
    bs, neg = ent_type.shape
    t = jnp.take(type_table, ent_type.reshape(-1), axis=0).reshape(bs, neg, -1)
    phase_ent, mod_ent = jnp.split(e, 2, axis=2)
    phase_type, mod_type = jnp.split(t, 2, axis=2)
    phase_ent = phase_ent / (ER / PI)
    phase_type = phase_type / (ERT / PI)
    mod_score = jnp.linalg.norm(mod_ent - mod_type, axis=2) * modulus_weight
    phase_score = jnp.sum(jnp.abs(jnp.sin((phase_ent - phase_type) / 2.0)), axis=2) * phase_weight
    return -(GAMMA - (phase_score + mod_score))

if __name__ == "__main__":
    import jax
    _d = setup_inputs()
    print(jax.jit(kernel)(*tuple(_d.values())))

</pallas_src>

<mosaic_0001>
#map = affine_map<(d0, d1) -> (0)>
#map1 = affine_map<(d0, d1) -> (0, 0)>
module attributes {stable_mosaic.version = 14 : i64} {
  func.func @k(%arg0: i32, %arg1: i32, %arg2: memref<4096xi32, #tpu.memory_space<hbm>>, %arg3: memref<204800xi32, #tpu.memory_space<hbm>>, %arg4: memref<64x1000000xf32, #tpu.memory_space<hbm>>, %arg5: memref<64000xf32, #tpu.memory_space<hbm>>, %arg6: memref<6400xi32, #tpu.memory_space<hbm>>, %arg7: memref<16xf32, #tpu.memory_space<hbm>>, %arg8: memref<16xf32, #tpu.memory_space<hbm>>, %arg9: memref<204800xf32, #tpu.memory_space<hbm>>, %arg10: memref<128xi32, #tpu.memory_space<vmem>>, %arg11: memref<64x128xf32, #tpu.memory_space<vmem>>, %arg12: memref<64x128xf32, #tpu.memory_space<vmem>>, %arg13: memref<64x128xf32, #tpu.memory_space<vmem>>, %arg14: memref<64x128xf32, #tpu.memory_space<vmem>>, %arg15: memref<!tpu.dma_semaphore, #tpu.memory_space<semaphore_mem>>, %arg16: memref<!tpu.dma_semaphore, #tpu.memory_space<semaphore_mem>>, %arg17: memref<!tpu.dma_semaphore, #tpu.memory_space<semaphore_mem>>, %arg18: memref<!tpu.dma_semaphore, #tpu.memory_space<semaphore_mem>>, %arg19: memref<8192xf32, #tpu.memory_space<vmem>>, %arg20: memref<6400xi32, #tpu.memory_space<vmem>>, %arg21: memref<6400xi32, #tpu.memory_space<vmem>>, %arg22: memref<64000xf32, #tpu.memory_space<vmem>>, %arg23: memref<6400xf32, #tpu.memory_space<vmem>>, %arg24: memref<16xf32, #tpu.memory_space<vmem>>, %arg25: memref<16xf32, #tpu.memory_space<vmem>>) attributes {dimension_semantics = [#tpu.dimension_semantics<core_parallel>, #tpu.dimension_semantics<subcore_parallel>], iteration_bounds = array<i64: 2, 16>, scalar_prefetch = 0 : i64, scratch_operands = 16 : i64, tpu.core_type = #tpu.core_type<sc_vector_subcore>, window_params = [{transform_indices = #map}, {transform_indices = #map}, {transform_indices = #map1}, {transform_indices = #map}, {transform_indices = #map}, {transform_indices = #map}, {transform_indices = #map}, {transform_indices = #map}]} {
    %mul3A = arith.constant 2 : i32
    %mul3A_0 = arith.muli %arg1, %mul3A : i32
    %add3A = arith.addi %mul3A_0, %arg0 : i32
    %mul3A_1 = arith.constant 128 : i32
    %mul3A_2 = arith.muli %add3A, %mul3A_1 : i32
    %mul3A_3 = arith.constant 6400 : i32
    %mul3A_4 = arith.muli %add3A, %mul3A_3 : i32
    "tpu.region"() ({
      %run_scoped3A = tpu.sem_alloc : memref<!tpu.dma_semaphore, #tpu.memory_space<semaphore_mem>>
      %dma_start3A_203 = tpu.memref_slice %arg2[%mul3A_2] : memref<4096xi32, #tpu.memory_space<hbm>> -> memref<128xi32, #tpu.memory_space<hbm>>
      %dma_start3A_204 = tpu.memref_slice %arg2[%mul3A_2] : memref<4096xi32, #tpu.memory_space<hbm>> -> memref<128xi32, #tpu.memory_space<hbm>>
      tpu.enqueue_dma source(%dma_start3A_204 : memref<128xi32, #tpu.memory_space<hbm>>) target(%arg10 : memref<128xi32, #tpu.memory_space<vmem>>) target_semaphore(%run_scoped3A : memref<!tpu.dma_semaphore, #tpu.memory_space<semaphore_mem>>)
      %dma_wait3A_205 = tpu.memref_slice %arg2[%mul3A_2] : memref<4096xi32, #tpu.memory_space<hbm>> -> memref<128xi32, #tpu.memory_space<hbm>>
      %dma_wait3A_206 = tpu.memref_slice %arg2[%mul3A_2] : memref<4096xi32, #tpu.memory_space<hbm>> -> memref<128xi32, #tpu.memory_space<hbm>>
      tpu.wait_dma2 semaphore(%run_scoped3A : memref<!tpu.dma_semaphore, #tpu.memory_space<semaphore_mem>>) src(%dma_wait3A_206 : memref<128xi32, #tpu.memory_space<hbm>>) dst(%arg10 : memref<128xi32, #tpu.memory_space<vmem>>)
      tpu.yield
    }) : () -> ()
    "tpu.region"() ({
      %run_scoped3A = tpu.sem_alloc : memref<!tpu.dma_semaphore, #tpu.memory_space<semaphore_mem>>
      %dma_start3A_203 = tpu.memref_slice %arg3[%mul3A_4] : memref<204800xi32, #tpu.memory_space<hbm>> -> memref<6400xi32, #tpu.memory_space<hbm>>
      %dma_start3A_204 = tpu.memref_slice %arg3[%mul3A_4] : memref<204800xi32, #tpu.memory_space<hbm>> -> memref<6400xi32, #tpu.memory_space<hbm>>
      tpu.enqueue_dma source(%dma_start3A_204 : memref<6400xi32, #tpu.memory_space<hbm>>) target(%arg20 : memref<6400xi32, #tpu.memory_space<vmem>>) target_semaphore(%run_scoped3A : memref<!tpu.dma_semaphore, #tpu.memory_space<semaphore_mem>>)
      %dma_wait3A_205 = tpu.memref_slice %arg3[%mul3A_4] : memref<204800xi32, #tpu.memory_space<hbm>> -> memref<6400xi32, #tpu.memory_space<hbm>>
      %dma_wait3A_206 = tpu.memref_slice %arg3[%mul3A_4] : memref<204800xi32, #tpu.memory_space<hbm>> -> memref<6400xi32, #tpu.memory_space<hbm>>
      tpu.wait_dma2 semaphore(%run_scoped3A : memref<!tpu.dma_semaphore, #tpu.memory_space<semaphore_mem>>) src(%dma_wait3A_206 : memref<6400xi32, #tpu.memory_space<hbm>>) dst(%arg20 : memref<6400xi32, #tpu.memory_space<vmem>>)
      tpu.yield
    }) : () -> ()
    "tpu.region"() ({
      %run_scoped3A = tpu.sem_alloc : memref<!tpu.dma_semaphore, #tpu.memory_space<semaphore_mem>>
      tpu.enqueue_dma source(%arg6 : memref<6400xi32, #tpu.memory_space<hbm>>) target(%arg21 : memref<6400xi32, #tpu.memory_space<vmem>>) target_semaphore(%run_scoped3A : memref<!tpu.dma_semaphore, #tpu.memory_space<semaphore_mem>>)
      tpu.wait_dma2 semaphore(%run_scoped3A : memref<!tpu.dma_semaphore, #tpu.memory_space<semaphore_mem>>) src(%arg6 : memref<6400xi32, #tpu.memory_space<hbm>>) dst(%arg21 : memref<6400xi32, #tpu.memory_space<vmem>>)
      tpu.yield
    }) : () -> ()
    "tpu.region"() ({
      %run_scoped3A = tpu.sem_alloc : memref<!tpu.dma_semaphore, #tpu.memory_space<semaphore_mem>>
      tpu.enqueue_dma source(%arg5 : memref<64000xf32, #tpu.memory_space<hbm>>) target(%arg22 : memref<64000xf32, #tpu.memory_space<vmem>>) target_semaphore(%run_scoped3A : memref<!tpu.dma_semaphore, #tpu.memory_space<semaphore_mem>>)
      tpu.wait_dma2 semaphore(%run_scoped3A : memref<!tpu.dma_semaphore, #tpu.memory_space<semaphore_mem>>) src(%arg5 : memref<64000xf32, #tpu.memory_space<hbm>>) dst(%arg22 : memref<64000xf32, #tpu.memory_space<vmem>>)
      tpu.yield
    }) : () -> ()
    "tpu.region"() ({
      %run_scoped3A = tpu.sem_alloc : memref<!tpu.dma_semaphore, #tpu.memory_space<semaphore_mem>>
      tpu.enqueue_dma source(%arg7 : memref<16xf32, #tpu.memory_space<hbm>>) target(%arg24 : memref<16xf32, #tpu.memory_space<vmem>>) target_semaphore(%run_scoped3A : memref<!tpu.dma_semaphore, #tpu.memory_space<semaphore_mem>>)
      tpu.wait_dma2 semaphore(%run_scoped3A : memref<!tpu.dma_semaphore, #tpu.memory_space<semaphore_mem>>) src(%arg7 : memref<16xf32, #tpu.memory_space<hbm>>) dst(%arg24 : memref<16xf32, #tpu.memory_space<vmem>>)
      tpu.yield
    }) : () -> ()
    "tpu.region"() ({
      %run_scoped3A = tpu.sem_alloc : memref<!tpu.dma_semaphore, #tpu.memory_space<semaphore_mem>>
      tpu.enqueue_dma source(%arg8 : memref<16xf32, #tpu.memory_space<hbm>>) target(%arg25 : memref<16xf32, #tpu.memory_space<vmem>>) target_semaphore(%run_scoped3A : memref<!tpu.dma_semaphore, #tpu.memory_space<semaphore_mem>>)
      tpu.wait_dma2 semaphore(%run_scoped3A : memref<!tpu.dma_semaphore, #tpu.memory_space<semaphore_mem>>) src(%arg8 : memref<16xf32, #tpu.memory_space<hbm>>) dst(%arg25 : memref<16xf32, #tpu.memory_space<vmem>>)
      tpu.yield
    }) : () -> ()
    %iota3A = tpu.iota {dimensions = array<i32: 0>} : vector<16xi32>
    %add3A_5 = arith.constant 0 : i32
    %add3A_6 = vector.broadcast %add3A_5 : i32 to vector<16xi32>
    %add3A_7 = arith.addi %iota3A, %add3A_6 : vector<16xi32>
    %add3A_8 = arith.constant 16 : i32
    %add3A_9 = vector.broadcast %add3A_8 : i32 to vector<16xi32>
    %add3A_10 = arith.addi %iota3A, %add3A_9 : vector<16xi32>
    %add3A_11 = arith.constant 32 : i32
    %add3A_12 = vector.broadcast %add3A_11 : i32 to vector<16xi32>
    %add3A_13 = arith.addi %iota3A, %add3A_12 : vector<16xi32>
    %add3A_14 = arith.constant 48 : i32
    %add3A_15 = vector.broadcast %add3A_14 : i32 to vector<16xi32>
    %add3A_16 = arith.addi %iota3A, %add3A_15 : vector<16xi32>
    %multiple_of3A = arith.constant 0 : i32
    %multiple_of3A_17 = tpu.assume_multiple %multiple_of3A, 16 : i32
    %get3A = arith.index_cast %multiple_of3A_17 : i32 to index
    %get3A_18 = tpu.vector_load %arg10[%get3A] {strides = array<i32>} : memref<128xi32, #tpu.memory_space<vmem>>, vector<16xi32>,
    %sub3A = arith.constant 0 : i32
    %sub3A_19 = arith.subi %sub3A, %multiple_of3A_17 : i32
    %eq3A = vector.broadcast %sub3A_19 : i32 to vector<16xi32>
    %eq3A_20 = arith.cmpi eq, %iota3A, %eq3A : vector<16xi32>
    %jit3A = arith.constant 0 : i32
    %broadcast_in_dim3A = vector.broadcast %jit3A : i32 to vector<16xi32>
    %select_n3A = arith.select %eq3A_20, %get3A_18, %broadcast_in_dim3A : vector<16xi1>, vector<16xi32>
    %reduce_sum3A = arith.constant true
    %reduce_sum3A_21 = vector.broadcast %reduce_sum3A : i1 to vector<16xi1>
    %reduce_sum3A_22 = tpu.scan <sum>, %select_n3A masked %reduce_sum3A_21 : vector<16xi32>, vector<16xi1> -> vector<16xi32>
    %reduce_sum3A_23 = vector.extract %reduce_sum3A_22[15] : i32 from vector<16xi32>
    %shift_right_logical3A = arith.constant 7 : i32
    %shift_right_logical3A_24 = arith.shrui %reduce_sum3A_23, %shift_right_logical3A : i32
    %mul3A_25 = arith.constant 128 : i32
    %mul3A_26 = arith.muli %shift_right_logical3A_24, %mul3A_25 : i32
    %min3A = arith.constant 999872 : i32
    %min3A_27 = arith.minsi %mul3A_26, %min3A : i32
    %multiple_of3A_28 = tpu.assume_multiple %min3A_27, 128 : i32
    %dma_start3A = arith.constant 0 : i32
    %dma_start3A_29 = tpu.memref_slice %arg4[%dma_start3A, %multiple_of3A_28] : memref<64x1000000xf32, #tpu.memory_space<hbm>> -> memref<64x128xf32, #tpu.memory_space<hbm>>
    %dma_start3A_30 = arith.constant 0 : i32
    %dma_start3A_31 = tpu.memref_slice %arg4[%dma_start3A_30, %multiple_of3A_28] : memref<64x1000000xf32, #tpu.memory_space<hbm>> -> memref<64x128xf32, #tpu.memory_space<hbm>>
    tpu.enqueue_dma source(%dma_start3A_31 : memref<64x128xf32, #tpu.memory_space<hbm>>) target(%arg11 : memref<64x128xf32, #tpu.memory_space<vmem>>) target_semaphore(%arg15 : memref<!tpu.dma_semaphore, #tpu.memory_space<semaphore_mem>>)
    %sub3A_32 = arith.subi %reduce_sum3A_23, %multiple_of3A_28 : i32
    %multiple_of3A_33 = arith.constant 0 : i32
    %multiple_of3A_34 = tpu.assume_multiple %multiple_of3A_33, 16 : i32
    %get3A_35 = arith.index_cast %multiple_of3A_34 : i32 to index
    %get3A_36 = tpu.vector_load %arg10[%get3A_35] {strides = array<i32>} : memref<128xi32, #tpu.memory_space<vmem>>, vector<16xi32>,
    %sub3A_37 = arith.constant 1 : i32
    %sub3A_38 = arith.subi %sub3A_37, %multiple_of3A_34 : i32
    %eq3A_39 = vector.broadcast %sub3A_38 : i32 to vector<16xi32>
    %eq3A_40 = arith.cmpi eq, %iota3A, %eq3A_39 : vector<16xi32>
    %jit3A_41 = arith.constant 0 : i32
    %broadcast_in_dim3A_42 = vector.broadcast %jit3A_41 : i32 to vector<16xi32>
    %select_n3A_43 = arith.select %eq3A_40, %get3A_36, %broadcast_in_dim3A_42 : vector<16xi1>, vector<16xi32>
    %reduce_sum3A_44 = arith.constant true
    %reduce_sum3A_45 = vector.broadcast %reduce_sum3A_44 : i1 to vector<16xi1>
    %reduce_sum3A_46 = tpu.scan <sum>, %select_n3A_43 masked %reduce_sum3A_45 : vector<16xi32>, vector<16xi1> -> vector<16xi32>
    %reduce_sum3A_47 = vector.extract %reduce_sum3A_46[15] : i32 from vector<16xi32>
    %shift_right_logical3A_48 = arith.constant 7 : i32
    %shift_right_logical3A_49 = arith.shrui %reduce_sum3A_47, %shift_right_logical3A_48 : i32
    %mul3A_50 = arith.constant 128 : i32
    %mul3A_51 = arith.muli %shift_right_logical3A_49, %mul3A_50 : i32
    %min3A_52 = arith.constant 999872 : i32
    %min3A_53 = arith.minsi %mul3A_51, %min3A_52 : i32
    %multiple_of3A_54 = tpu.assume_multiple %min3A_53, 128 : i32
    %dma_start3A_55 = arith.constant 0 : i32
    %dma_start3A_56 = tpu.memref_slice %arg4[%dma_start3A_55, %multiple_of3A_54] : memref<64x1000000xf32, #tpu.memory_space<hbm>> -> memref<64x128xf32, #tpu.memory_space<hbm>>
    %dma_start3A_57 = arith.constant 0 : i32
    %dma_start3A_58 = tpu.memref_slice %arg4[%dma_start3A_57, %multiple_of3A_54] : memref<64x1000000xf32, #tpu.memory_space<hbm>> -> memref<64x128xf32, #tpu.memory_space<hbm>>
    tpu.enqueue_dma source(%dma_start3A_58 : memref<64x128xf32, #tpu.memory_space<hbm>>) target(%arg12 : memref<64x128xf32, #tpu.memory_space<vmem>>) target_semaphore(%arg16 : memref<!tpu.dma_semaphore, #tpu.memory_space<semaphore_mem>>)
    %sub3A_59 = arith.subi %reduce_sum3A_47, %multiple_of3A_54 : i32
    %multiple_of3A_60 = arith.constant 0 : i32
    %multiple_of3A_61 = tpu.assume_multiple %multiple_of3A_60, 16 : i32
    %get3A_62 = arith.index_cast %multiple_of3A_61 : i32 to index
    %get3A_63 = tpu.vector_load %arg10[%get3A_62] {strides = array<i32>} : memref<128xi32, #tpu.memory_space<vmem>>, vector<16xi32>,
    %sub3A_64 = arith.constant 2 : i32
    %sub3A_65 = arith.subi %sub3A_64, %multiple_of3A_61 : i32
    %eq3A_66 = vector.broadcast %sub3A_65 : i32 to vector<16xi32>
    %eq3A_67 = arith.cmpi eq, %iota3A, %eq3A_66 : vector<16xi32>
    %jit3A_68 = arith.constant 0 : i32
    %broadcast_in_dim3A_69 = vector.broadcast %jit3A_68 : i32 to vector<16xi32>
    %select_n3A_70 = arith.select %eq3A_67, %get3A_63, %broadcast_in_dim3A_69 : vector<16xi1>, vector<16xi32>
    %reduce_sum3A_71 = arith.constant true
    %reduce_sum3A_72 = vector.broadcast %reduce_sum3A_71 : i1 to vector<16xi1>
    %reduce_sum3A_73 = tpu.scan <sum>, %select_n3A_70 masked %reduce_sum3A_72 : vector<16xi32>, vector<16xi1> -> vector<16xi32>
    %reduce_sum3A_74 = vector.extract %reduce_sum3A_73[15] : i32 from vector<16xi32>
    %shift_right_logical3A_75 = arith.constant 7 : i32
    %shift_right_logical3A_76 = arith.shrui %reduce_sum3A_74, %shift_right_logical3A_75 : i32
    %mul3A_77 = arith.constant 128 : i32
    %mul3A_78 = arith.muli %shift_right_logical3A_76, %mul3A_77 : i32
    %min3A_79 = arith.constant 999872 : i32
    %min3A_80 = arith.minsi %mul3A_78, %min3A_79 : i32
    %multiple_of3A_81 = tpu.assume_multiple %min3A_80, 128 : i32
    %dma_start3A_82 = arith.constant 0 : i32
    %dma_start3A_83 = tpu.memref_slice %arg4[%dma_start3A_82, %multiple_of3A_81] : memref<64x1000000xf32, #tpu.memory_space<hbm>> -> memref<64x128xf32, #tpu.memory_space<hbm>>
    %dma_start3A_84 = arith.constant 0 : i32
    %dma_start3A_85 = tpu.memref_slice %arg4[%dma_start3A_84, %multiple_of3A_81] : memref<64x1000000xf32, #tpu.memory_space<hbm>> -> memref<64x128xf32, #tpu.memory_space<hbm>>
    tpu.enqueue_dma source(%dma_start3A_85 : memref<64x128xf32, #tpu.memory_space<hbm>>) target(%arg13 : memref<64x128xf32, #tpu.memory_space<vmem>>) target_semaphore(%arg17 : memref<!tpu.dma_semaphore, #tpu.memory_space<semaphore_mem>>)
    %sub3A_86 = arith.subi %reduce_sum3A_74, %multiple_of3A_81 : i32
    %multiple_of3A_87 = arith.constant 0 : i32
    %multiple_of3A_88 = tpu.assume_multiple %multiple_of3A_87, 16 : i32
    %get3A_89 = arith.index_cast %multiple_of3A_88 : i32 to index
    %get3A_90 = tpu.vector_load %arg10[%get3A_89] {strides = array<i32>} : memref<128xi32, #tpu.memory_space<vmem>>, vector<16xi32>,
    %sub3A_91 = arith.constant 3 : i32
    %sub3A_92 = arith.subi %sub3A_91, %multiple_of3A_88 : i32
    %eq3A_93 = vector.broadcast %sub3A_92 : i32 to vector<16xi32>
    %eq3A_94 = arith.cmpi eq, %iota3A, %eq3A_93 : vector<16xi32>
    %jit3A_95 = arith.constant 0 : i32
    %broadcast_in_dim3A_96 = vector.broadcast %jit3A_95 : i32 to vector<16xi32>
    %select_n3A_97 = arith.select %eq3A_94, %get3A_90, %broadcast_in_dim3A_96 : vector<16xi1>, vector<16xi32>
    %reduce_sum3A_98 = arith.constant true
    %reduce_sum3A_99 = vector.broadcast %reduce_sum3A_98 : i1 to vector<16xi1>
    %reduce_sum3A_100 = tpu.scan <sum>, %select_n3A_97 masked %reduce_sum3A_99 : vector<16xi32>, vector<16xi1> -> vector<16xi32>
    %reduce_sum3A_101 = vector.extract %reduce_sum3A_100[15] : i32 from vector<16xi32>
    %shift_right_logical3A_102 = arith.constant 7 : i32
    %shift_right_logical3A_103 = arith.shrui %reduce_sum3A_101, %shift_right_logical3A_102 : i32
    %mul3A_104 = arith.constant 128 : i32
    %mul3A_105 = arith.muli %shift_right_logical3A_103, %mul3A_104 : i32
    %min3A_106 = arith.constant 999872 : i32
    %min3A_107 = arith.minsi %mul3A_105, %min3A_106 : i32
    %multiple_of3A_108 = tpu.assume_multiple %min3A_107, 128 : i32
    %dma_start3A_109 = arith.constant 0 : i32
    %dma_start3A_110 = tpu.memref_slice %arg4[%dma_start3A_109, %multiple_of3A_108] : memref<64x1000000xf32, #tpu.memory_space<hbm>> -> memref<64x128xf32, #tpu.memory_space<hbm>>
    %dma_start3A_111 = arith.constant 0 : i32
    %dma_start3A_112 = tpu.memref_slice %arg4[%dma_start3A_111, %multiple_of3A_108] : memref<64x1000000xf32, #tpu.memory_space<hbm>> -> memref<64x128xf32, #tpu.memory_space<hbm>>
    tpu.enqueue_dma source(%dma_start3A_112 : memref<64x128xf32, #tpu.memory_space<hbm>>) target(%arg14 : memref<64x128xf32, #tpu.memory_space<vmem>>) target_semaphore(%arg18 : memref<!tpu.dma_semaphore, #tpu.memory_space<semaphore_mem>>)
    %sub3A_113 = arith.subi %reduce_sum3A_101, %multiple_of3A_108 : i32
    %get3A_114 = arith.constant 0 : index
    %get3A_115 = tpu.vector_load %arg24[%get3A_114] {strides = array<i32>} : memref<16xf32, #tpu.memory_space<vmem>>, vector<16xf32>,
    %get3A_116 = arith.constant 0 : index
    %get3A_117 = tpu.vector_load %arg25[%get3A_116] {strides = array<i32>} : memref<16xf32, #tpu.memory_space<vmem>>, vector<16xf32>,
    %eq3A_118 = arith.constant 0 : i32
    %eq3A_119 = vector.broadcast %eq3A_118 : i32 to vector<16xi32>
    %eq3A_120 = arith.cmpi eq, %iota3A, %eq3A_119 : vector<16xi32>
    %eq3A_121 = arith.constant 1 : i32
    %eq3A_122 = vector.broadcast %eq3A_121 : i32 to vector<16xi32>
    %eq3A_123 = arith.cmpi eq, %iota3A, %eq3A_122 : vector<16xi32>
    %eq3A_124 = arith.constant 2 : i32
    %eq3A_125 = vector.broadcast %eq3A_124 : i32 to vector<16xi32>
    %eq3A_126 = arith.cmpi eq, %iota3A, %eq3A_125 : vector<16xi32>
    %eq3A_127 = arith.constant 3 : i32
    %eq3A_128 = vector.broadcast %eq3A_127 : i32 to vector<16xi32>
    %eq3A_129 = arith.cmpi eq, %iota3A, %eq3A_128 : vector<16xi32>
    %eq3A_130 = arith.constant 4 : i32
    %eq3A_131 = vector.broadcast %eq3A_130 : i32 to vector<16xi32>
    %eq3A_132 = arith.cmpi eq, %iota3A, %eq3A_131 : vector<16xi32>
    %eq3A_133 = arith.constant 5 : i32
    %eq3A_134 = vector.broadcast %eq3A_133 : i32 to vector<16xi32>
    %eq3A_135 = arith.cmpi eq, %iota3A, %eq3A_134 : vector<16xi32>
    %eq3A_136 = arith.constant 6 : i32
    %eq3A_137 = vector.broadcast %eq3A_136 : i32 to vector<16xi32>
    %eq3A_138 = arith.cmpi eq, %iota3A, %eq3A_137 : vector<16xi32>
    %eq3A_139 = arith.constant 7 : i32
    %eq3A_140 = vector.broadcast %eq3A_139 : i32 to vector<16xi32>
    %eq3A_141 = arith.cmpi eq, %iota3A, %eq3A_140 : vector<16xi32>
    %eq3A_142 = arith.constant 8 : i32
    %eq3A_143 = vector.broadcast %eq3A_142 : i32 to vector<16xi32>
    %eq3A_144 = arith.cmpi eq, %iota3A, %eq3A_143 : vector<16xi32>
    %eq3A_145 = arith.constant 9 : i32
    %eq3A_146 = vector.broadcast %eq3A_145 : i32 to vector<16xi32>
    %eq3A_147 = arith.cmpi eq, %iota3A, %eq3A_146 : vector<16xi32>
    %eq3A_148 = arith.constant 10 : i32
    %eq3A_149 = vector.broadcast %eq3A_148 : i32 to vector<16xi32>
    %eq3A_150 = arith.cmpi eq, %iota3A, %eq3A_149 : vector<16xi32>
    %eq3A_151 = arith.constant 11 : i32
    %eq3A_152 = vector.broadcast %eq3A_151 : i32 to vector<16xi32>
    %eq3A_153 = arith.cmpi eq, %iota3A, %eq3A_152 : vector<16xi32>
    %eq3A_154 = arith.constant 12 : i32
    %eq3A_155 = vector.broadcast %eq3A_154 : i32 to vector<16xi32>
    %eq3A_156 = arith.cmpi eq, %iota3A, %eq3A_155 : vector<16xi32>
    %eq3A_157 = arith.constant 13 : i32
    %eq3A_158 = vector.broadcast %eq3A_157 : i32 to vector<16xi32>
    %eq3A_159 = arith.cmpi eq, %iota3A, %eq3A_158 : vector<16xi32>
    %eq3A_160 = arith.constant 14 : i32
    %eq3A_161 = vector.broadcast %eq3A_160 : i32 to vector<16xi32>
    %eq3A_162 = arith.cmpi eq, %iota3A, %eq3A_161 : vector<16xi32>
    %eq3A_163 = arith.constant 15 : i32
    %eq3A_164 = vector.broadcast %eq3A_163 : i32 to vector<16xi32>
    %eq3A_165 = arith.cmpi eq, %iota3A, %eq3A_164 : vector<16xi32>
    %add3A_166 = arith.constant 16 : i32
    %add3A_167 = vector.broadcast %add3A_166 : i32 to vector<16xi32>
    %add3A_168 = arith.addi %iota3A, %add3A_167 : vector<16xi32>
    %add3A_169 = arith.constant 32 : i32
    %add3A_170 = vector.broadcast %add3A_169 : i32 to vector<16xi32>
    %add3A_171 = arith.addi %iota3A, %add3A_170 : vector<16xi32>
    %add3A_172 = arith.constant 48 : i32
    %add3A_173 = vector.broadcast %add3A_172 : i32 to vector<16xi32>
    %add3A_174 = arith.addi %iota3A, %add3A_173 : vector<16xi32>
    %scan3A = arith.constant 0 : i32
    %scan3A_175 = arith.constant 16 : i32
    %scan3A_176 = arith.addi %scan3A, %scan3A_175 : i32
    %scan3A_177 = arith.constant 1 : i32
    %scan3A_178:4 = scf.for %scan3A_203 = %scan3A to %scan3A_176 step %scan3A_177 iter_args(%scan3A_204 = %sub3A_32, %scan3A_205 = %sub3A_59, %scan3A_206 = %sub3A_86, %scan3A_207 = %sub3A_113) -> (i32, i32, i32, i32)  : i32 {
      %mul3A_208 = arith.constant 2 : i32
      %mul3A_209 = arith.muli %mul3A_208, %scan3A_203 : i32
      %mul3A_210 = arith.constant 2 : i32
      %mul3A_211 = arith.muli %mul3A_210, %scan3A_203 : i32
      %add3A_212 = arith.constant 2 : i32
      %add3A_213 = arith.addi %mul3A_211, %add3A_212 : i32
      %while3A = arith.subi %add3A_213, %mul3A_209 : i32
      %while3A_214 = arith.addi %mul3A_209, %while3A : i32
      %while3A_215 = arith.constant 1 : i32
      %while3A_216 = arith.divsi %while3A, %while3A_215 : i32
      %while3A_217 = arith.muli %while3A_216, %while3A_215 : i32
      %while3A_218 = arith.addi %mul3A_209, %while3A_217 : i32
      %while3A_219 = arith.constant 1 : i32
      %while3A_220:4 = scf.for %while3A_238 = %mul3A_209 to %while3A_218 step %while3A_219 iter_args(%while3A_239 = %scan3A_204, %while3A_240 = %scan3A_205, %while3A_241 = %scan3A_206, %while3A_242 = %scan3A_207) -> (i32, i32, i32, i32)  : i32 {
        %mul3A_243 = arith.constant 4 : i32
        %mul3A_244 = arith.muli %while3A_238, %mul3A_243 : i32
        %dma_wait3A_245 = arith.constant 0 : i32
        %dma_wait3A_246 = arith.constant 0 : i32
        %dma_wait3A_247 = tpu.memref_slice %arg4[%dma_wait3A_245, %dma_wait3A_246] : memref<64x1000000xf32, #tpu.memory_space<hbm>> -> memref<64x128xf32, #tpu.memory_space<hbm>>
        %dma_wait3A_248 = arith.constant 0 : i32
        %dma_wait3A_249 = arith.constant 0 : i32
        %dma_wait3A_250 = tpu.memref_slice %arg4[%dma_wait3A_248, %dma_wait3A_249] : memref<64x1000000xf32, #tpu.memory_space<hbm>> -> memref<64x128xf32, #tpu.memory_space<hbm>>
        tpu.wait_dma2 semaphore(%arg15 : memref<!tpu.dma_semaphore, #tpu.memory_space<semaphore_mem>>) src(%dma_wait3A_250 : memref<64x128xf32, #tpu.memory_space<hbm>>) dst(%arg11 : memref<64x128xf32, #tpu.memory_space<vmem>>)
        %add3A_251 = arith.constant 0 : i32
        %add3A_252 = arith.addi %mul3A_244, %add3A_251 : i32
        %broadcast_in_dim3A_253 = vector.broadcast %while3A_239 : i32 to vector<16xi32>
        %gather3A = tpu.vector_load_idx %arg11[%add3A_7, %broadcast_in_dim3A_253] : memref<64x128xf32, #tpu.memory_space<vmem>>[vector<16xi32>, vector<16xi32>], vector<16xf32>,
        %mul3A_254 = arith.constant 15.707963 : f32
        %mul3A_255 = vector.broadcast %mul3A_254 : f32 to vector<16xf32>
        %mul3A_256 = arith.mulf %gather3A, %mul3A_255 : vector<16xf32>
        %mul3A_257 = arith.constant 64 : i32
        %mul3A_258 = arith.muli %add3A_252, %mul3A_257 : i32
        %add3A_259 = arith.constant 0 : i32
        %add3A_260 = arith.addi %mul3A_258, %add3A_259 : i32
        %swap3A = arith.index_cast %add3A_260 : i32 to index
        %swap3A_261 = tpu.vector_load %arg19[%swap3A] {strides = array<i32>} : memref<8192xf32, #tpu.memory_space<vmem>>, vector<16xf32>,
        tpu.vector_store %arg19[%swap3A], %mul3A_256 {strides = array<i32>} : memref<8192xf32, #tpu.memory_space<vmem>>, vector<16xf32>,
        %gather3A_262 = tpu.vector_load_idx %arg11[%add3A_10, %broadcast_in_dim3A_253] : memref<64x128xf32, #tpu.memory_space<vmem>>[vector<16xi32>, vector<16xi32>], vector<16xf32>,
        %mul3A_263 = arith.constant 15.707963 : f32
        %mul3A_264 = vector.broadcast %mul3A_263 : f32 to vector<16xf32>
        %mul3A_265 = arith.mulf %gather3A_262, %mul3A_264 : vector<16xf32>
        %mul3A_266 = arith.constant 64 : i32
        %mul3A_267 = arith.muli %add3A_252, %mul3A_266 : i32
        %add3A_268 = arith.constant 16 : i32
        %add3A_269 = arith.addi %mul3A_267, %add3A_268 : i32
        %swap3A_270 = arith.index_cast %add3A_269 : i32 to index
        %swap3A_271 = tpu.vector_load %arg19[%swap3A_270] {strides = array<i32>} : memref<8192xf32, #tpu.memory_space<vmem>>, vector<16xf32>,
        tpu.vector_store %arg19[%swap3A_270], %mul3A_265 {strides = array<i32>} : memref<8192xf32, #tpu.memory_space<vmem>>, vector<16xf32>,
        %gather3A_272 = tpu.vector_load_idx %arg11[%add3A_13, %broadcast_in_dim3A_253] : memref<64x128xf32, #tpu.memory_space<vmem>>[vector<16xi32>, vector<16xi32>], vector<16xf32>,
        %mul3A_273 = arith.constant 64 : i32
        %mul3A_274 = arith.muli %add3A_252, %mul3A_273 : i32
        %add3A_275 = arith.constant 32 : i32
        %add3A_276 = arith.addi %mul3A_274, %add3A_275 : i32
        %swap3A_277 = arith.index_cast %add3A_276 : i32 to index
        %swap3A_278 = tpu.vector_load %arg19[%swap3A_277] {strides = array<i32>} : memref<8192xf32, #tpu.memory_space<vmem>>, vector<16xf32>,
        tpu.vector_store %arg19[%swap3A_277], %gather3A_272 {strides = array<i32>} : memref<8192xf32, #tpu.memory_space<vmem>>, vector<16xf32>,
        %gather3A_279 = tpu.vector_load_idx %arg11[%add3A_16, %broadcast_in_dim3A_253] : memref<64x128xf32, #tpu.memory_space<vmem>>[vector<16xi32>, vector<16xi32>], vector<16xf32>,
        %mul3A_280 = arith.constant 64 : i32
        %mul3A_281 = arith.muli %add3A_252, %mul3A_280 : i32
        %add3A_282 = arith.constant 48 : i32
        %add3A_283 = arith.addi %mul3A_281, %add3A_282 : i32
        %swap3A_284 = arith.index_cast %add3A_283 : i32 to index
        %swap3A_285 = tpu.vector_load %arg19[%swap3A_284] {strides = array<i32>} : memref<8192xf32, #tpu.memory_space<vmem>>, vector<16xf32>,
        tpu.vector_store %arg19[%swap3A_284], %gather3A_279 {strides = array<i32>} : memref<8192xf32, #tpu.memory_space<vmem>>, vector<16xf32>,
        %add3A_286 = arith.constant 4 : i32
        %add3A_287 = arith.addi %mul3A_244, %add3A_286 : i32
        %add3A_288 = arith.constant 0 : i32
        %add3A_289 = arith.addi %add3A_287, %add3A_288 : i32
        %min3A_290 = arith.constant 127 : i32
        %min3A_291 = arith.minsi %add3A_289, %min3A_290 : i32
        %jit3A_292 = arith.constant 16 : i32
        %div3A = arith.divsi %min3A_291, %jit3A_292 : i32
        %sign3A = arith.constant 0 : i32
        %sign3A_293 = arith.cmpi sgt, %min3A_291, %sign3A : i32
        %sign3A_294 = arith.extui %sign3A_293 : i1 to i32
        %sign3A_295 = arith.constant 0 : i32
        %sign3A_296 = arith.cmpi slt, %min3A_291, %sign3A_295 : i32
        %sign3A_297 = arith.extui %sign3A_296 : i1 to i32
        %sign3A_298 = arith.subi %sign3A_294, %sign3A_297 : i32
        %sign3A_299 = arith.constant 0 : i32
        %sign3A_300 = arith.cmpi sgt, %jit3A_292, %sign3A_299 : i32
        %sign3A_301 = arith.extui %sign3A_300 : i1 to i32
        %sign3A_302 = arith.constant 0 : i32
        %sign3A_303 = arith.cmpi slt, %jit3A_292, %sign3A_302 : i32
        %sign3A_304 = arith.extui %sign3A_303 : i1 to i32
        %sign3A_305 = arith.subi %sign3A_301, %sign3A_304 : i32
        %ne3A = arith.cmpi ne, %sign3A_298, %sign3A_305 : i32
        %rem3A = arith.remsi %min3A_291, %jit3A_292 : i32
        %ne3A_306 = arith.constant 0 : i32
        %ne3A_307 = arith.cmpi ne, %rem3A, %ne3A_306 : i32
        %and3A = arith.andi %ne3A, %ne3A_307 : i1
        %sub3A_308 = arith.constant 1 : i32
        %sub3A_309 = arith.subi %div3A, %sub3A_308 : i32
        %select_n3A_310 = arith.select %and3A, %sub3A_309, %div3A : i32
        %mul3A_311 = arith.constant 16 : i32
        %mul3A_312 = arith.muli %select_n3A_310, %mul3A_311 : i32
        %multiple_of3A_313 = tpu.assume_multiple %mul3A_312, 16 : i32
        %get3A_314 = arith.index_cast %multiple_of3A_313 : i32 to index
        %get3A_315 = tpu.vector_load %arg10[%get3A_314] {strides = array<i32>} : memref<128xi32, #tpu.memory_space<vmem>>, vector<16xi32>,
        %sub3A_316 = arith.subi %min3A_291, %multiple_of3A_313 : i32
        %eq3A_317 = vector.broadcast %sub3A_316 : i32 to vector<16xi32>
        %eq3A_318 = arith.cmpi eq, %iota3A, %eq3A_317 : vector<16xi32>
        %jit3A_319 = arith.constant 0 : i32
        %broadcast_in_dim3A_320 = vector.broadcast %jit3A_319 : i32 to vector<16xi32>
        %select_n3A_321 = arith.select %eq3A_318, %get3A_315, %broadcast_in_dim3A_320 : vector<16xi1>, vector<16xi32>
        %reduce_sum3A_322 = arith.constant true
        %reduce_sum3A_323 = vector.broadcast %reduce_sum3A_322 : i1 to vector<16xi1>
        %reduce_sum3A_324 = tpu.scan <sum>, %select_n3A_321 masked %reduce_sum3A_323 : vector<16xi32>, vector<16xi1> -> vector<16xi32>
        %reduce_sum3A_325 = vector.extract %reduce_sum3A_324[15] : i32 from vector<16xi32>
        %shift_right_logical3A_326 = arith.constant 7 : i32
        %shift_right_logical3A_327 = arith.shrui %reduce_sum3A_325, %shift_right_logical3A_326 : i32
        %mul3A_328 = arith.constant 128 : i32
        %mul3A_329 = arith.muli %shift_right_logical3A_327, %mul3A_328 : i32
        %min3A_330 = arith.constant 999872 : i32
        %min3A_331 = arith.minsi %mul3A_329, %min3A_330 : i32
        %multiple_of3A_332 = tpu.assume_multiple %min3A_331, 128 : i32
        %dma_start3A_333 = arith.constant 0 : i32
        %dma_start3A_334 = tpu.memref_slice %arg4[%dma_start3A_333, %multiple_of3A_332] : memref<64x1000000xf32, #tpu.memory_space<hbm>> -> memref<64x128xf32, #tpu.memory_space<hbm>>
        %dma_start3A_335 = arith.constant 0 : i32
        %dma_start3A_336 = tpu.memref_slice %arg4[%dma_start3A_335, %multiple_of3A_332] : memref<64x1000000xf32, #tpu.memory_space<hbm>> -> memref<64x128xf32, #tpu.memory_space<hbm>>
        tpu.enqueue_dma source(%dma_start3A_336 : memref<64x128xf32, #tpu.memory_space<hbm>>) target(%arg11 : memref<64x128xf32, #tpu.memory_space<vmem>>) target_semaphore(%arg15 : memref<!tpu.dma_semaphore, #tpu.memory_space<semaphore_mem>>)
        %sub3A_337 = arith.subi %reduce_sum3A_325, %multiple_of3A_332 : i32
        %dma_wait3A_338 = arith.constant 0 : i32
        %dma_wait3A_339 = arith.constant 0 : i32
        %dma_wait3A_340 = tpu.memref_slice %arg4[%dma_wait3A_338, %dma_wait3A_339] : memref<64x1000000xf32, #tpu.memory_space<hbm>> -> memref<64x128xf32, #tpu.memory_space<hbm>>
        %dma_wait3A_341 = arith.constant 0 : i32
        %dma_wait3A_342 = arith.constant 0 : i32
        %dma_wait3A_343 = tpu.memref_slice %arg4[%dma_wait3A_341, %dma_wait3A_342] : memref<64x1000000xf32, #tpu.memory_space<hbm>> -> memref<64x128xf32, #tpu.memory_space<hbm>>
        tpu.wait_dma2 semaphore(%arg16 : memref<!tpu.dma_semaphore, #tpu.memory_space<semaphore_mem>>) src(%dma_wait3A_343 : memref<64x128xf32, #tpu.memory_space<hbm>>) dst(%arg12 : memref<64x128xf32, #tpu.memory_space<vmem>>)
        %add3A_344 = arith.constant 1 : i32
        %add3A_345 = arith.addi %mul3A_244, %add3A_344 : i32
        %broadcast_in_dim3A_346 = vector.broadcast %while3A_240 : i32 to vector<16xi32>
        %gather3A_347 = tpu.vector_load_idx %arg12[%add3A_7, %broadcast_in_dim3A_346] : memref<64x128xf32, #tpu.memory_space<vmem>>[vector<16xi32>, vector<16xi32>], vector<16xf32>,
        %mul3A_348 = arith.constant 15.707963 : f32
        %mul3A_349 = vector.broadcast %mul3A_348 : f32 to vector<16xf32>
        %mul3A_350 = arith.mulf %gather3A_347, %mul3A_349 : vector<16xf32>
        %mul3A_351 = arith.constant 64 : i32
        %mul3A_352 = arith.muli %add3A_345, %mul3A_351 : i32
        %add3A_353 = arith.constant 0 : i32
        %add3A_354 = arith.addi %mul3A_352, %add3A_353 : i32
        %swap3A_355 = arith.index_cast %add3A_354 : i32 to index
        %swap3A_356 = tpu.vector_load %arg19[%swap3A_355] {strides = array<i32>} : memref<8192xf32, #tpu.memory_space<vmem>>, vector<16xf32>,
        tpu.vector_store %arg19[%swap3A_355], %mul3A_350 {strides = array<i32>} : memref<8192xf32, #tpu.memory_space<vmem>>, vector<16xf32>,
        %gather3A_357 = tpu.vector_load_idx %arg12[%add3A_10, %broadcast_in_dim3A_346] : memref<64x128xf32, #tpu.memory_space<vmem>>[vector<16xi32>, vector<16xi32>], vector<16xf32>,
        %mul3A_358 = arith.constant 15.707963 : f32
        %mul3A_359 = vector.broadcast %mul3A_358 : f32 to vector<16xf32>
        %mul3A_360 = arith.mulf %gather3A_357, %mul3A_359 : vector<16xf32>
        %mul3A_361 = arith.constant 64 : i32
        %mul3A_362 = arith.muli %add3A_345, %mul3A_361 : i32
        %add3A_363 = arith.constant 16 : i32
        %add3A_364 = arith.addi %mul3A_362, %add3A_363 : i32
        %swap3A_365 = arith.index_cast %add3A_364 : i32 to index
        %swap3A_366 = tpu.vector_load %arg19[%swap3A_365] {strides = array<i32>} : memref<8192xf32, #tpu.memory_space<vmem>>, vector<16xf32>,
        tpu.vector_store %arg19[%swap3A_365], %mul3A_360 {strides = array<i32>} : memref<8192xf32, #tpu.memory_space<vmem>>, vector<16xf32>,
        %gather3A_367 = tpu.vector_load_idx %arg12[%add3A_13, %broadcast_in_dim3A_346] : memref<64x128xf32, #tpu.memory_space<vmem>>[vector<16xi32>, vector<16xi32>], vector<16xf32>,
        %mul3A_368 = arith.constant 64 : i32
        %mul3A_369 = arith.muli %add3A_345, %mul3A_368 : i32
        %add3A_370 = arith.constant 32 : i32
        %add3A_371 = arith.addi %mul3A_369, %add3A_370 : i32
        %swap3A_372 = arith.index_cast %add3A_371 : i32 to index
        %swap3A_373 = tpu.vector_load %arg19[%swap3A_372] {strides = array<i32>} : memref<8192xf32, #tpu.memory_space<vmem>>, vector<16xf32>,
        tpu.vector_store %arg19[%swap3A_372], %gather3A_367 {strides = array<i32>} : memref<8192xf32, #tpu.memory_space<vmem>>, vector<16xf32>,
        %gather3A_374 = tpu.vector_load_idx %arg12[%add3A_16, %broadcast_in_dim3A_346] : memref<64x128xf32, #tpu.memory_space<vmem>>[vector<16xi32>, vector<16xi32>], vector<16xf32>,
        %mul3A_375 = arith.constant 64 : i32
        %mul3A_376 = arith.muli %add3A_345, %mul3A_375 : i32
        %add3A_377 = arith.constant 48 : i32
        %add3A_378 = arith.addi %mul3A_376, %add3A_377 : i32
        %swap3A_379 = arith.index_cast %add3A_378 : i32 to index
        %swap3A_380 = tpu.vector_load %arg19[%swap3A_379] {strides = array<i32>} : memref<8192xf32, #tpu.memory_space<vmem>>, vector<16xf32>,
        tpu.vector_store %arg19[%swap3A_379], %gather3A_374 {strides = array<i32>} : memref<8192xf32, #tpu.memory_space<vmem>>, vector<16xf32>,
        %add3A_381 = arith.constant 4 : i32
        %add3A_382 = arith.addi %mul3A_244, %add3A_381 : i32
        %add3A_383 = arith.constant 1 : i32
        %add3A_384 = arith.addi %add3A_382, %add3A_383 : i32
        %min3A_385 = arith.constant 127 : i32
        %min3A_386 = arith.minsi %add3A_384, %min3A_385 : i32
        %jit3A_387 = arith.constant 16 : i32
        %div3A_388 = arith.divsi %min3A_386, %jit3A_387 : i32
        %sign3A_389 = arith.constant 0 : i32
        %sign3A_390 = arith.cmpi sgt, %min3A_386, %sign3A_389 : i32
        %sign3A_391 = arith.extui %sign3A_390 : i1 to i32
        %sign3A_392 = arith.constant 0 : i32
        %sign3A_393 = arith.cmpi slt, %min3A_386, %sign3A_392 : i32
        %sign3A_394 = arith.extui %sign3A_393 : i1 to i32
        %sign3A_395 = arith.subi %sign3A_391, %sign3A_394 : i32
        %sign3A_396 = arith.constant 0 : i32
        %sign3A_397 = arith.cmpi sgt, %jit3A_387, %sign3A_396 : i32
        %sign3A_398 = arith.extui %sign3A_397 : i1 to i32
        %sign3A_399 = arith.constant 0 : i32
        %sign3A_400 = arith.cmpi slt, %jit3A_387, %sign3A_399 : i32
        %sign3A_401 = arith.extui %sign3A_400 : i1 to i32
        %sign3A_402 = arith.subi %sign3A_398, %sign3A_401 : i32
        %ne3A_403 = arith.cmpi ne, %sign3A_395, %sign3A_402 : i32
        %rem3A_404 = arith.remsi %min3A_386, %jit3A_387 : i32
        %ne3A_405 = arith.constant 0 : i32
        %ne3A_406 = arith.cmpi ne, %rem3A_404, %ne3A_405 : i32
        %and3A_407 = arith.andi %ne3A_403, %ne3A_406 : i1
        %sub3A_408 = arith.constant 1 : i32
        %sub3A_409 = arith.subi %div3A_388, %sub3A_408 : i32
        %select_n3A_410 = arith.select %and3A_407, %sub3A_409, %div3A_388 : i32
        %mul3A_411 = arith.constant 16 : i32
        %mul3A_412 = arith.muli %select_n3A_410, %mul3A_411 : i32
        %multiple_of3A_413 = tpu.assume_multiple %mul3A_412, 16 : i32
        %get3A_414 = arith.index_cast %multiple_of3A_413 : i32 to index
        %get3A_415 = tpu.vector_load %arg10[%get3A_414] {strides = array<i32>} : memref<128xi32, #tpu.memory_space<vmem>>, vector<16xi32>,
        %sub3A_416 = arith.subi %min3A_386, %multiple_of3A_413 : i32
        %eq3A_417 = vector.broadcast %sub3A_416 : i32 to vector<16xi32>
        %eq3A_418 = arith.cmpi eq, %iota3A, %eq3A_417 : vector<16xi32>
        %jit3A_419 = arith.constant 0 : i32
        %broadcast_in_dim3A_420 = vector.broadcast %jit3A_419 : i32 to vector<16xi32>
        %select_n3A_421 = arith.select %eq3A_418, %get3A_415, %broadcast_in_dim3A_420 : vector<16xi1>, vector<16xi32>
        %reduce_sum3A_422 = arith.constant true
        %reduce_sum3A_423 = vector.broadcast %reduce_sum3A_422 : i1 to vector<16xi1>
        %reduce_sum3A_424 = tpu.scan <sum>, %select_n3A_421 masked %reduce_sum3A_423 : vector<16xi32>, vector<16xi1> -> vector<16xi32>
        %reduce_sum3A_425 = vector.extract %reduce_sum3A_424[15] : i32 from vector<16xi32>
        %shift_right_logical3A_426 = arith.constant 7 : i32
        %shift_right_logical3A_427 = arith.shrui %reduce_sum3A_425, %shift_right_logical3A_426 : i32
        %mul3A_428 = arith.constant 128 : i32
        %mul3A_429 = arith.muli %shift_right_logical3A_427, %mul3A_428 : i32
        %min3A_430 = arith.constant 999872 : i32
        %min3A_431 = arith.minsi %mul3A_429, %min3A_430 : i32
        %multiple_of3A_432 = tpu.assume_multiple %min3A_431, 128 : i32
        %dma_start3A_433 = arith.constant 0 : i32
        %dma_start3A_434 = tpu.memref_slice %arg4[%dma_start3A_433, %multiple_of3A_432] : memref<64x1000000xf32, #tpu.memory_space<hbm>> -> memref<64x128xf32, #tpu.memory_space<hbm>>
        %dma_start3A_435 = arith.constant 0 : i32
        %dma_start3A_436 = tpu.memref_slice %arg4[%dma_start3A_435, %multiple_of3A_432] : memref<64x1000000xf32, #tpu.memory_space<hbm>> -> memref<64x128xf32, #tpu.memory_space<hbm>>
        tpu.enqueue_dma source(%dma_start3A_436 : memref<64x128xf32, #tpu.memory_space<hbm>>) target(%arg12 : memref<64x128xf32, #tpu.memory_space<vmem>>) target_semaphore(%arg16 : memref<!tpu.dma_semaphore, #tpu.memory_space<semaphore_mem>>)
        %sub3A_437 = arith.subi %reduce_sum3A_425, %multiple_of3A_432 : i32
        %dma_wait3A_438 = arith.constant 0 : i32
        %dma_wait3A_439 = arith.constant 0 : i32
        %dma_wait3A_440 = tpu.memref_slice %arg4[%dma_wait3A_438, %dma_wait3A_439] : memref<64x1000000xf32, #tpu.memory_space<hbm>> -> memref<64x128xf32, #tpu.memory_space<hbm>>
        %dma_wait3A_441 = arith.constant 0 : i32
        %dma_wait3A_442 = arith.constant 0 : i32
        %dma_wait3A_443 = tpu.memref_slice %arg4[%dma_wait3A_441, %dma_wait3A_442] : memref<64x1000000xf32, #tpu.memory_space<hbm>> -> memref<64x128xf32, #tpu.memory_space<hbm>>
        tpu.wait_dma2 semaphore(%arg17 : memref<!tpu.dma_semaphore, #tpu.memory_space<semaphore_mem>>) src(%dma_wait3A_443 : memref<64x128xf32, #tpu.memory_space<hbm>>) dst(%arg13 : memref<64x128xf32, #tpu.memory_space<vmem>>)
        %add3A_444 = arith.constant 2 : i32
        %add3A_445 = arith.addi %mul3A_244, %add3A_444 : i32
        %broadcast_in_dim3A_446 = vector.broadcast %while3A_241 : i32 to vector<16xi32>
        %gather3A_447 = tpu.vector_load_idx %arg13[%add3A_7, %broadcast_in_dim3A_446] : memref<64x128xf32, #tpu.memory_space<vmem>>[vector<16xi32>, vector<16xi32>], vector<16xf32>,
        %mul3A_448 = arith.constant 15.707963 : f32
        %mul3A_449 = vector.broadcast %mul3A_448 : f32 to vector<16xf32>
        %mul3A_450 = arith.mulf %gather3A_447, %mul3A_449 : vector<16xf32>
        %mul3A_451 = arith.constant 64 : i32
        %mul3A_452 = arith.muli %add3A_445, %mul3A_451 : i32
        %add3A_453 = arith.constant 0 : i32
        %add3A_454 = arith.addi %mul3A_452, %add3A_453 : i32
        %swap3A_455 = arith.index_cast %add3A_454 : i32 to index
        %swap3A_456 = tpu.vector_load %arg19[%swap3A_455] {strides = array<i32>} : memref<8192xf32, #tpu.memory_space<vmem>>, vector<16xf32>,
        tpu.vector_store %arg19[%swap3A_455], %mul3A_450 {strides = array<i32>} : memref<8192xf32, #tpu.memory_space<vmem>>, vector<16xf32>,
        %gather3A_457 = tpu.vector_load_idx %arg13[%add3A_10, %broadcast_in_dim3A_446] : memref<64x128xf32, #tpu.memory_space<vmem>>[vector<16xi32>, vector<16xi32>], vector<16xf32>,
        %mul3A_458 = arith.constant 15.707963 : f32
        %mul3A_459 = vector.broadcast %mul3A_458 : f32 to vector<16xf32>
        %mul3A_460 = arith.mulf %gather3A_457, %mul3A_459 : vector<16xf32>
        %mul3A_461 = arith.constant 64 : i32
        %mul3A_462 = arith.muli %add3A_445, %mul3A_461 : i32
        %add3A_463 = arith.constant 16 : i32
        %add3A_464 = arith.addi %mul3A_462, %add3A_463 : i32
        %swap3A_465 = arith.index_cast %add3A_464 : i32 to index
        %swap3A_466 = tpu.vector_load %arg19[%swap3A_465] {strides = array<i32>} : memref<8192xf32, #tpu.memory_space<vmem>>, vector<16xf32>,
        tpu.vector_store %arg19[%swap3A_465], %mul3A_460 {strides = array<i32>} : memref<8192xf32, #tpu.memory_space<vmem>>, vector<16xf32>,
        %gather3A_467 = tpu.vector_load_idx %arg13[%add3A_13, %broadcast_in_dim3A_446] : memref<64x128xf32, #tpu.memory_space<vmem>>[vector<16xi32>, vector<16xi32>], vector<16xf32>,
        %mul3A_468 = arith.constant 64 : i32
        %mul3A_469 = arith.muli %add3A_445, %mul3A_468 : i32
        %add3A_470 = arith.constant 32 : i32
        %add3A_471 = arith.addi %mul3A_469, %add3A_470 : i32
        %swap3A_472 = arith.index_cast %add3A_471 : i32 to index
        %swap3A_473 = tpu.vector_load %arg19[%swap3A_472] {strides = array<i32>} : memref<8192xf32, #tpu.memory_space<vmem>>, vector<16xf32>,
        tpu.vector_store %arg19[%swap3A_472], %gather3A_467 {strides = array<i32>} : memref<8192xf32, #tpu.memory_space<vmem>>, vector<16xf32>,
        %gather3A_474 = tpu.vector_load_idx %arg13[%add3A_16, %broadcast_in_dim3A_446] : memref<64x128xf32, #tpu.memory_space<vmem>>[vector<16xi32>, vector<16xi32>], vector<16xf32>,
        %mul3A_475 = arith.constant 64 : i32
        %mul3A_476 = arith.muli %add3A_445, %mul3A_475 : i32
        %add3A_477 = arith.constant 48 : i32
        %add3A_478 = arith.addi %mul3A_476, %add3A_477 : i32
        %swap3A_479 = arith.index_cast %add3A_478 : i32 to index
        %swap3A_480 = tpu.vector_load %arg19[%swap3A_479] {strides = array<i32>} : memref<8192xf32, #tpu.memory_space<vmem>>, vector<16xf32>,
        tpu.vector_store %arg19[%swap3A_479], %gather3A_474 {strides = array<i32>} : memref<8192xf32, #tpu.memory_space<vmem>>, vector<16xf32>,
        %add3A_481 = arith.constant 4 : i32
        %add3A_482 = arith.addi %mul3A_244, %add3A_481 : i32
        %add3A_483 = arith.constant 2 : i32
        %add3A_484 = arith.addi %add3A_482, %add3A_483 : i32
        %min3A_485 = arith.constant 127 : i32
        %min3A_486 = arith.minsi %add3A_484, %min3A_485 : i32
        %jit3A_487 = arith.constant 16 : i32
        %div3A_488 = arith.divsi %min3A_486, %jit3A_487 : i32
        %sign3A_489 = arith.constant 0 : i32
        %sign3A_490 = arith.cmpi sgt, %min3A_486, %sign3A_489 : i32
        %sign3A_491 = arith.extui %sign3A_490 : i1 to i32
        %sign3A_492 = arith.constant 0 : i32
        %sign3A_493 = arith.cmpi slt, %min3A_486, %sign3A_492 : i32
        %sign3A_494 = arith.extui %sign3A_493 : i1 to i32
        %sign3A_495 = arith.subi %sign3A_491, %sign3A_494 : i32
        %sign3A_496 = arith.constant 0 : i32
        %sign3A_497 = arith.cmpi sgt, %jit3A_487, %sign3A_496 : i32
        %sign3A_498 = arith.extui %sign3A_497 : i1 to i32
        %sign3A_499 = arith.constant 0 : i32
        %sign3A_500 = arith.cmpi slt, %jit3A_487, %sign3A_499 : i32
        %sign3A_501 = arith.extui %sign3A_500 : i1 to i32
        %sign3A_502 = arith.subi %sign3A_498, %sign3A_501 : i32
        %ne3A_503 = arith.cmpi ne, %sign3A_495, %sign3A_502 : i32
        %rem3A_504 = arith.remsi %min3A_486, %jit3A_487 : i32
        %ne3A_505 = arith.constant 0 : i32
        %ne3A_506 = arith.cmpi ne, %rem3A_504, %ne3A_505 : i32
        %and3A_507 = arith.andi %ne3A_503, %ne3A_506 : i1
        %sub3A_508 = arith.constant 1 : i32
        %sub3A_509 = arith.subi %div3A_488, %sub3A_508 : i32
        %select_n3A_510 = arith.select %and3A_507, %sub3A_509, %div3A_488 : i32
        %mul3A_511 = arith.constant 16 : i32
        %mul3A_512 = arith.muli %select_n3A_510, %mul3A_511 : i32
        %multiple_of3A_513 = tpu.assume_multiple %mul3A_512, 16 : i32
        %get3A_514 = arith.index_cast %multiple_of3A_513 : i32 to index
        %get3A_515 = tpu.vector_load %arg10[%get3A_514] {strides = array<i32>} : memref<128xi32, #tpu.memory_space<vmem>>, vector<16xi32>,
        %sub3A_516 = arith.subi %min3A_486, %multiple_of3A_513 : i32
        %eq3A_517 = vector.broadcast %sub3A_516 : i32 to vector<16xi32>
        %eq3A_518 = arith.cmpi eq, %iota3A, %eq3A_517 : vector<16xi32>
        %jit3A_519 = arith.constant 0 : i32
        %broadcast_in_dim3A_520 = vector.broadcast %jit3A_519 : i32 to vector<16xi32>
        %select_n3A_521 = arith.select %eq3A_518, %get3A_515, %broadcast_in_dim3A_520 : vector<16xi1>, vector<16xi32>
        %reduce_sum3A_522 = arith.constant true
        %reduce_sum3A_523 = vector.broadcast %reduce_sum3A_522 : i1 to vector<16xi1>
        %reduce_sum3A_524 = tpu.scan <sum>, %select_n3A_521 masked %reduce_sum3A_523 : vector<16xi32>, vector<16xi1> -> vector<16xi32>
        %reduce_sum3A_525 = vector.extract %reduce_sum3A_524[15] : i32 from vector<16xi32>
        %shift_right_logical3A_526 = arith.constant 7 : i32
        %shift_right_logical3A_527 = arith.shrui %reduce_sum3A_525, %shift_right_logical3A_526 : i32
        %mul3A_528 = arith.constant 128 : i32
        %mul3A_529 = arith.muli %shift_right_logical3A_527, %mul3A_528 : i32
        %min3A_530 = arith.constant 999872 : i32
        %min3A_531 = arith.minsi %mul3A_529, %min3A_530 : i32
        %multiple_of3A_532 = tpu.assume_multiple %min3A_531, 128 : i32
        %dma_start3A_533 = arith.constant 0 : i32
        %dma_start3A_534 = tpu.memref_slice %arg4[%dma_start3A_533, %multiple_of3A_532] : memref<64x1000000xf32, #tpu.memory_space<hbm>> -> memref<64x128xf32, #tpu.memory_space<hbm>>
        %dma_start3A_535 = arith.constant 0 : i32
        %dma_start3A_536 = tpu.memref_slice %arg4[%dma_start3A_535, %multiple_of3A_532] : memref<64x1000000xf32, #tpu.memory_space<hbm>> -> memref<64x128xf32, #tpu.memory_space<hbm>>
        tpu.enqueue_dma source(%dma_start3A_536 : memref<64x128xf32, #tpu.memory_space<hbm>>) target(%arg13 : memref<64x128xf32, #tpu.memory_space<vmem>>) target_semaphore(%arg17 : memref<!tpu.dma_semaphore, #tpu.memory_space<semaphore_mem>>)
        %sub3A_537 = arith.subi %reduce_sum3A_525, %multiple_of3A_532 : i32
        %dma_wait3A_538 = arith.constant 0 : i32
        %dma_wait3A_539 = arith.constant 0 : i32
        %dma_wait3A_540 = tpu.memref_slice %arg4[%dma_wait3A_538, %dma_wait3A_539] : memref<64x1000000xf32, #tpu.memory_space<hbm>> -> memref<64x128xf32, #tpu.memory_space<hbm>>
        %dma_wait3A_541 = arith.constant 0 : i32
        %dma_wait3A_542 = arith.constant 0 : i32
        %dma_wait3A_543 = tpu.memref_slice %arg4[%dma_wait3A_541, %dma_wait3A_542] : memref<64x1000000xf32, #tpu.memory_space<hbm>> -> memref<64x128xf32, #tpu.memory_space<hbm>>
        tpu.wait_dma2 semaphore(%arg18 : memref<!tpu.dma_semaphore, #tpu.memory_space<semaphore_mem>>) src(%dma_wait3A_543 : memref<64x128xf32, #tpu.memory_space<hbm>>) dst(%arg14 : memref<64x128xf32, #tpu.memory_space<vmem>>)
        %add3A_544 = arith.constant 3 : i32
        %add3A_545 = arith.addi %mul3A_244, %add3A_544 : i32
        %broadcast_in_dim3A_546 = vector.broadcast %while3A_242 : i32 to vector<16xi32>
        %gather3A_547 = tpu.vector_load_idx %arg14[%add3A_7, %broadcast_in_dim3A_546] : memref<64x128xf32, #tpu.memory_space<vmem>>[vector<16xi32>, vector<16xi32>], vector<16xf32>,
        %mul3A_548 = arith.constant 15.707963 : f32
        %mul3A_549 = vector.broadcast %mul3A_548 : f32 to vector<16xf32>
        %mul3A_550 = arith.mulf %gather3A_547, %mul3A_549 : vector<16xf32>
        %mul3A_551 = arith.constant 64 : i32
        %mul3A_552 = arith.muli %add3A_545, %mul3A_551 : i32
        %add3A_553 = arith.constant 0 : i32
        %add3A_554 = arith.addi %mul3A_552, %add3A_553 : i32
        %swap3A_555 = arith.index_cast %add3A_554 : i32 to index
        %swap3A_556 = tpu.vector_load %arg19[%swap3A_555] {strides = array<i32>} : memref<8192xf32, #tpu.memory_space<vmem>>, vector<16xf32>,
        tpu.vector_store %arg19[%swap3A_555], %mul3A_550 {strides = array<i32>} : memref<8192xf32, #tpu.memory_space<vmem>>, vector<16xf32>,
        %gather3A_557 = tpu.vector_load_idx %arg14[%add3A_10, %broadcast_in_dim3A_546] : memref<64x128xf32, #tpu.memory_space<vmem>>[vector<16xi32>, vector<16xi32>], vector<16xf32>,
        %mul3A_558 = arith.constant 15.707963 : f32
        %mul3A_559 = vector.broadcast %mul3A_558 : f32 to vector<16xf32>
        %mul3A_560 = arith.mulf %gather3A_557, %mul3A_559 : vector<16xf32>
        %mul3A_561 = arith.constant 64 : i32
        %mul3A_562 = arith.muli %add3A_545, %mul3A_561 : i32
        %add3A_563 = arith.constant 16 : i32
        %add3A_564 = arith.addi %mul3A_562, %add3A_563 : i32
        %swap3A_565 = arith.index_cast %add3A_564 : i32 to index
        %swap3A_566 = tpu.vector_load %arg19[%swap3A_565] {strides = array<i32>} : memref<8192xf32, #tpu.memory_space<vmem>>, vector<16xf32>,
        tpu.vector_store %arg19[%swap3A_565], %mul3A_560 {strides = array<i32>} : memref<8192xf32, #tpu.memory_space<vmem>>, vector<16xf32>,
        %gather3A_567 = tpu.vector_load_idx %arg14[%add3A_13, %broadcast_in_dim3A_546] : memref<64x128xf32, #tpu.memory_space<vmem>>[vector<16xi32>, vector<16xi32>], vector<16xf32>,
        %mul3A_568 = arith.constant 64 : i32
        %mul3A_569 = arith.muli %add3A_545, %mul3A_568 : i32
        %add3A_570 = arith.constant 32 : i32
        %add3A_571 = arith.addi %mul3A_569, %add3A_570 : i32
        %swap3A_572 = arith.index_cast %add3A_571 : i32 to index
        %swap3A_573 = tpu.vector_load %arg19[%swap3A_572] {strides = array<i32>} : memref<8192xf32, #tpu.memory_space<vmem>>, vector<16xf32>,
        tpu.vector_store %arg19[%swap3A_572], %gather3A_567 {strides = array<i32>} : memref<8192xf32, #tpu.memory_space<vmem>>, vector<16xf32>,
        %gather3A_574 = tpu.vector_load_idx %arg14[%add3A_16, %broadcast_in_dim3A_546] : memref<64x128xf32, #tpu.memory_space<vmem>>[vector<16xi32>, vector<16xi32>], vector<16xf32>,
        %mul3A_575 = arith.constant 64 : i32
        %mul3A_576 = arith.muli %add3A_545, %mul3A_575 : i32
        %add3A_577 = arith.constant 48 : i32
        %add3A_578 = arith.addi %mul3A_576, %add3A_577 : i32
        %swap3A_579 = arith.index_cast %add3A_578 : i32 to index
        %swap3A_580 = tpu.vector_load %arg19[%swap3A_579] {strides = array<i32>} : memref<8192xf32, #tpu.memory_space<vmem>>, vector<16xf32>,
        tpu.vector_store %arg19[%swap3A_579], %gather3A_574 {strides = array<i32>} : memref<8192xf32, #tpu.memory_space<vmem>>, vector<16xf32>,
        %add3A_581 = arith.constant 4 : i32
        %add3A_582 = arith.addi %mul3A_244, %add3A_581 : i32
        %add3A_583 = arith.constant 3 : i32
        %add3A_584 = arith.addi %add3A_582, %add3A_583 : i32
        %min3A_585 = arith.constant 127 : i32
        %min3A_586 = arith.minsi %add3A_584, %min3A_585 : i32
        %jit3A_587 = arith.constant 16 : i32
        %div3A_588 = arith.divsi %min3A_586, %jit3A_587 : i32
        %sign3A_589 = arith.constant 0 : i32
        %sign3A_590 = arith.cmpi sgt, %min3A_586, %sign3A_589 : i32
        %sign3A_591 = arith.extui %sign3A_590 : i1 to i32
        %sign3A_592 = arith.constant 0 : i32
        %sign3A_593 = arith.cmpi slt, %min3A_586, %sign3A_592 : i32
        %sign3A_594 = arith.extui %sign3A_593 : i1 to i32
        %sign3A_595 = arith.subi %sign3A_591, %sign3A_594 : i32
        %sign3A_596 = arith.constant 0 : i32
        %sign3A_597 = arith.cmpi sgt, %jit3A_587, %sign3A_596 : i32
        %sign3A_598 = arith.extui %sign3A_597 : i1 to i32
        %sign3A_599 = arith.constant 0 : i32
        %sign3A_600 = arith.cmpi slt, %jit3A_587, %sign3A_599 : i32
        %sign3A_601 = arith.extui %sign3A_600 : i1 to i32
        %sign3A_602 = arith.subi %sign3A_598, %sign3A_601 : i32
        %ne3A_603 = arith.cmpi ne, %sign3A_595, %sign3A_602 : i32
        %rem3A_604 = arith.remsi %min3A_586, %jit3A_587 : i32
        %ne3A_605 = arith.constant 0 : i32
        %ne3A_606 = arith.cmpi ne, %rem3A_604, %ne3A_605 : i32
        %and3A_607 = arith.andi %ne3A_603, %ne3A_606 : i1
        %sub3A_608 = arith.constant 1 : i32
        %sub3A_609 = arith.subi %div3A_588, %sub3A_608 : i32
        %select_n3A_610 = arith.select %and3A_607, %sub3A_609, %div3A_588 : i32
        %mul3A_611 = arith.constant 16 : i32
        %mul3A_612 = arith.muli %select_n3A_610, %mul3A_611 : i32
        %multiple_of3A_613 = tpu.assume_multiple %mul3A_612, 16 : i32
        %get3A_614 = arith.index_cast %multiple_of3A_613 : i32 to index
        %get3A_615 = tpu.vector_load %arg10[%get3A_614] {strides = array<i32>} : memref<128xi32, #tpu.memory_space<vmem>>, vector<16xi32>,
        %sub3A_616 = arith.subi %min3A_586, %multiple_of3A_613 : i32
        %eq3A_617 = vector.broadcast %sub3A_616 : i32 to vector<16xi32>
        %eq3A_618 = arith.cmpi eq, %iota3A, %eq3A_617 : vector<16xi32>
        %jit3A_619 = arith.constant 0 : i32
        %broadcast_in_dim3A_620 = vector.broadcast %jit3A_619 : i32 to vector<16xi32>
        %select_n3A_621 = arith.select %eq3A_618, %get3A_615, %broadcast_in_dim3A_620 : vector<16xi1>, vector<16xi32>
        %reduce_sum3A_622 = arith.constant true
        %reduce_sum3A_623 = vector.broadcast %reduce_sum3A_622 : i1 to vector<16xi1>
        %reduce_sum3A_624 = tpu.scan <sum>, %select_n3A_621 masked %reduce_sum3A_623 : vector<16xi32>, vector<16xi1> -> vector<16xi32>
        %reduce_sum3A_625 = vector.extract %reduce_sum3A_624[15] : i32 from vector<16xi32>
        %shift_right_logical3A_626 = arith.constant 7 : i32
        %shift_right_logical3A_627 = arith.shrui %reduce_sum3A_625, %shift_right_logical3A_626 : i32
        %mul3A_628 = arith.constant 128 : i32
        %mul3A_629 = arith.muli %shift_right_logical3A_627, %mul3A_628 : i32
        %min3A_630 = arith.constant 999872 : i32
        %min3A_631 = arith.minsi %mul3A_629, %min3A_630 : i32
        %multiple_of3A_632 = tpu.assume_multiple %min3A_631, 128 : i32
        %dma_start3A_633 = arith.constant 0 : i32
        %dma_start3A_634 = tpu.memref_slice %arg4[%dma_start3A_633, %multiple_of3A_632] : memref<64x1000000xf32, #tpu.memory_space<hbm>> -> memref<64x128xf32, #tpu.memory_space<hbm>>
        %dma_start3A_635 = arith.constant 0 : i32
        %dma_start3A_636 = tpu.memref_slice %arg4[%dma_start3A_635, %multiple_of3A_632] : memref<64x1000000xf32, #tpu.memory_space<hbm>> -> memref<64x128xf32, #tpu.memory_space<hbm>>
        tpu.enqueue_dma source(%dma_start3A_636 : memref<64x128xf32, #tpu.memory_space<hbm>>) target(%arg14 : memref<64x128xf32, #tpu.memory_space<vmem>>) target_semaphore(%arg18 : memref<!tpu.dma_semaphore, #tpu.memory_space<semaphore_mem>>)
        %sub3A_637 = arith.subi %reduce_sum3A_625, %multiple_of3A_632 : i32
        scf.yield %sub3A_337, %sub3A_437, %sub3A_537, %sub3A_637 : i32, i32, i32, i32
      }
      %while3A_221 = arith.constant 1 : i32
      %while3A_222:4 = scf.for %while3A_238 = %while3A_218 to %while3A_214 step %while3A_221 iter_args(%while3A_239 = %while3A_220#0, %while3A_240 = %while3A_220#1, %while3A_241 = %while3A_220#2, %while3A_242 = %while3A_220#3) -> (i32, i32, i32, i32)  : i32 {
        %mul3A_243 = arith.constant 4 : i32
        %mul3A_244 = arith.muli %while3A_238, %mul3A_243 : i32
        %dma_wait3A_245 = arith.constant 0 : i32
        %dma_wait3A_246 = arith.constant 0 : i32
        %dma_wait3A_247 = tpu.memref_slice %arg4[%dma_wait3A_245, %dma_wait3A_246] : memref<64x1000000xf32, #tpu.memory_space<hbm>> -> memref<64x128xf32, #tpu.memory_space<hbm>>
        %dma_wait3A_248 = arith.constant 0 : i32
        %dma_wait3A_249 = arith.constant 0 : i32
        %dma_wait3A_250 = tpu.memref_slice %arg4[%dma_wait3A_248, %dma_wait3A_249] : memref<64x1000000xf32, #tpu.memory_space<hbm>> -> memref<64x128xf32, #tpu.memory_space<hbm>>
        tpu.wait_dma2 semaphore(%arg15 : memref<!tpu.dma_semaphore, #tpu.memory_space<semaphore_mem>>) src(%dma_wait3A_250 : memref<64x128xf32, #tpu.memory_space<hbm>>) dst(%arg11 : memref<64x128xf32, #tpu.memory_space<vmem>>)
        %add3A_251 = arith.constant 0 : i32
        %add3A_252 = arith.addi %mul3A_244, %add3A_251 : i32
        %broadcast_in_dim3A_253 = vector.broadcast %while3A_239 : i32 to vector<16xi32>
        %gather3A = tpu.vector_load_idx %arg11[%add3A_7, %broadcast_in_dim3A_253] : memref<64x128xf32, #tpu.memory_space<vmem>>[vector<16xi32>, vector<16xi32>], vector<16xf32>,
        %mul3A_254 = arith.constant 15.707963 : f32
        %mul3A_255 = vector.broadcast %mul3A_254 : f32 to vector<16xf32>
        %mul3A_256 = arith.mulf %gather3A, %mul3A_255 : vector<16xf32>
        %mul3A_257 = arith.constant 64 : i32
        %mul3A_258 = arith.muli %add3A_252, %mul3A_257 : i32
        %add3A_259 = arith.constant 0 : i32
        %add3A_260 = arith.addi %mul3A_258, %add3A_259 : i32
        %swap3A = arith.index_cast %add3A_260 : i32 to index
        %swap3A_261 = tpu.vector_load %arg19[%swap3A] {strides = array<i32>} : memref<8192xf32, #tpu.memory_space<vmem>>, vector<16xf32>,
        tpu.vector_store %arg19[%swap3A], %mul3A_256 {strides = array<i32>} : memref<8192xf32, #tpu.memory_space<vmem>>, vector<16xf32>,
        %gather3A_262 = tpu.vector_load_idx %arg11[%add3A_10, %broadcast_in_dim3A_253] : memref<64x128xf32, #tpu.memory_space<vmem>>[vector<16xi32>, vector<16xi32>], vector<16xf32>,
        %mul3A_263 = arith.constant 15.707963 : f32
        %mul3A_264 = vector.broadcast %mul3A_263 : f32 to vector<16xf32>
        %mul3A_265 = arith.mulf %gather3A_262, %mul3A_264 : vector<16xf32>
        %mul3A_266 = arith.constant 64 : i32
        %mul3A_267 = arith.muli %add3A_252, %mul3A_266 : i32
        %add3A_268 = arith.constant 16 : i32
        %add3A_269 = arith.addi %mul3A_267, %add3A_268 : i32
        %swap3A_270 = arith.index_cast %add3A_269 : i32 to index
        %swap3A_271 = tpu.vector_load %arg19[%swap3A_270] {strides = array<i32>} : memref<8192xf32, #tpu.memory_space<vmem>>, vector<16xf32>,
        tpu.vector_store %arg19[%swap3A_270], %mul3A_265 {strides = array<i32>} : memref<8192xf32, #tpu.memory_space<vmem>>, vector<16xf32>,
        %gather3A_272 = tpu.vector_load_idx %arg11[%add3A_13, %broadcast_in_dim3A_253] : memref<64x128xf32, #tpu.memory_space<vmem>>[vector<16xi32>, vector<16xi32>], vector<16xf32>,
        %mul3A_273 = arith.constant 64 : i32
        %mul3A_274 = arith.muli %add3A_252, %mul3A_273 : i32
        %add3A_275 = arith.constant 32 : i32
        %add3A_276 = arith.addi %mul3A_274, %add3A_275 : i32
        %swap3A_277 = arith.index_cast %add3A_276 : i32 to index
        %swap3A_278 = tpu.vector_load %arg19[%swap3A_277] {strides = array<i32>} : memref<8192xf32, #tpu.memory_space<vmem>>, vector<16xf32>,
        tpu.vector_store %arg19[%swap3A_277], %gather3A_272 {strides = array<i32>} : memref<8192xf32, #tpu.memory_space<vmem>>, vector<16xf32>,
        %gather3A_279 = tpu.vector_load_idx %arg11[%add3A_16, %broadcast_in_dim3A_253] : memref<64x128xf32, #tpu.memory_space<vmem>>[vector<16xi32>, vector<16xi32>], vector<16xf32>,
        %mul3A_280 = arith.constant 64 : i32
        %mul3A_281 = arith.muli %add3A_252, %mul3A_280 : i32
        %add3A_282 = arith.constant 48 : i32
        %add3A_283 = arith.addi %mul3A_281, %add3A_282 : i32
        %swap3A_284 = arith.index_cast %add3A_283 : i32 to index
        %swap3A_285 = tpu.vector_load %arg19[%swap3A_284] {strides = array<i32>} : memref<8192xf32, #tpu.memory_space<vmem>>, vector<16xf32>,
        tpu.vector_store %arg19[%swap3A_284], %gather3A_279 {strides = array<i32>} : memref<8192xf32, #tpu.memory_space<vmem>>, vector<16xf32>,
        %add3A_286 = arith.constant 4 : i32
        %add3A_287 = arith.addi %mul3A_244, %add3A_286 : i32
        %add3A_288 = arith.constant 0 : i32
        %add3A_289 = arith.addi %add3A_287, %add3A_288 : i32
        %min3A_290 = arith.constant 127 : i32
        %min3A_291 = arith.minsi %add3A_289, %min3A_290 : i32
        %jit3A_292 = arith.constant 16 : i32
        %div3A = arith.divsi %min3A_291, %jit3A_292 : i32
        %sign3A = arith.constant 0 : i32
        %sign3A_293 = arith.cmpi sgt, %min3A_291, %sign3A : i32
        %sign3A_294 = arith.extui %sign3A_293 : i1 to i32
        %sign3A_295 = arith.constant 0 : i32
        %sign3A_296 = arith.cmpi slt, %min3A_291, %sign3A_295 : i32
        %sign3A_297 = arith.extui %sign3A_296 : i1 to i32
        %sign3A_298 = arith.subi %sign3A_294, %sign3A_297 : i32
        %sign3A_299 = arith.constant 0 : i32
        %sign3A_300 = arith.cmpi sgt, %jit3A_292, %sign3A_299 : i32
        %sign3A_301 = arith.extui %sign3A_300 : i1 to i32
        %sign3A_302 = arith.constant 0 : i32
        %sign3A_303 = arith.cmpi slt, %jit3A_292, %sign3A_302 : i32
        %sign3A_304 = arith.extui %sign3A_303 : i1 to i32
        %sign3A_305 = arith.subi %sign3A_301, %sign3A_304 : i32
        %ne3A = arith.cmpi ne, %sign3A_298, %sign3A_305 : i32
        %rem3A = arith.remsi %min3A_291, %jit3A_292 : i32
        %ne3A_306 = arith.constant 0 : i32
        %ne3A_307 = arith.cmpi ne, %rem3A, %ne3A_306 : i32
        %and3A = arith.andi %ne3A, %ne3A_307 : i1
        %sub3A_308 = arith.constant 1 : i32
        %sub3A_309 = arith.subi %div3A, %sub3A_308 : i32
        %select_n3A_310 = arith.select %and3A, %sub3A_309, %div3A : i32
        %mul3A_311 = arith.constant 16 : i32
        %mul3A_312 = arith.muli %select_n3A_310, %mul3A_311 : i32
        %multiple_of3A_313 = tpu.assume_multiple %mul3A_312, 16 : i32
        %get3A_314 = arith.index_cast %multiple_of3A_313 : i32 to index
        %get3A_315 = tpu.vector_load %arg10[%get3A_314] {strides = array<i32>} : memref<128xi32, #tpu.memory_space<vmem>>, vector<16xi32>,
        %sub3A_316 = arith.subi %min3A_291, %multiple_of3A_313 : i32
        %eq3A_317 = vector.broadcast %sub3A_316 : i32 to vector<16xi32>
        %eq3A_318 = arith.cmpi eq, %iota3A, %eq3A_317 : vector<16xi32>
        %jit3A_319 = arith.constant 0 : i32
        %broadcast_in_dim3A_320 = vector.broadcast %jit3A_319 : i32 to vector<16xi32>
        %select_n3A_321 = arith.select %eq3A_318, %get3A_315, %broadcast_in_dim3A_320 : vector<16xi1>, vector<16xi32>
        %reduce_sum3A_322 = arith.constant true
        %reduce_sum3A_323 = vector.broadcast %reduce_sum3A_322 : i1 to vector<16xi1>
        %reduce_sum3A_324 = tpu.scan <sum>, %select_n3A_321 masked %reduce_sum3A_323 : vector<16xi32>, vector<16xi1> -> vector<16xi32>
        %reduce_sum3A_325 = vector.extract %reduce_sum3A_324[15] : i32 from vector<16xi32>
        %shift_right_logical3A_326 = arith.constant 7 : i32
        %shift_right_logical3A_327 = arith.shrui %reduce_sum3A_325, %shift_right_logical3A_326 : i32
        %mul3A_328 = arith.constant 128 : i32
        %mul3A_329 = arith.muli %shift_right_logical3A_327, %mul3A_328 : i32
        %min3A_330 = arith.constant 999872 : i32
        %min3A_331 = arith.minsi %mul3A_329, %min3A_330 : i32
        %multiple_of3A_332 = tpu.assume_multiple %min3A_331, 128 : i32
        %dma_start3A_333 = arith.constant 0 : i32
        %dma_start3A_334 = tpu.memref_slice %arg4[%dma_start3A_333, %multiple_of3A_332] : memref<64x1000000xf32, #tpu.memory_space<hbm>> -> memref<64x128xf32, #tpu.memory_space<hbm>>
        %dma_start3A_335 = arith.constant 0 : i32
        %dma_start3A_336 = tpu.memref_slice %arg4[%dma_start3A_335, %multiple_of3A_332] : memref<64x1000000xf32, #tpu.memory_space<hbm>> -> memref<64x128xf32, #tpu.memory_space<hbm>>
        tpu.enqueue_dma source(%dma_start3A_336 : memref<64x128xf32, #tpu.memory_space<hbm>>) target(%arg11 : memref<64x128xf32, #tpu.memory_space<vmem>>) target_semaphore(%arg15 : memref<!tpu.dma_semaphore, #tpu.memory_space<semaphore_mem>>)
        %sub3A_337 = arith.subi %reduce_sum3A_325, %multiple_of3A_332 : i32
        %dma_wait3A_338 = arith.constant 0 : i32
        %dma_wait3A_339 = arith.constant 0 : i32
        %dma_wait3A_340 = tpu.memref_slice %arg4[%dma_wait3A_338, %dma_wait3A_339] : memref<64x1000000xf32, #tpu.memory_space<hbm>> -> memref<64x128xf32, #tpu.memory_space<hbm>>
        %dma_wait3A_341 = arith.constant 0 : i32
        %dma_wait3A_342 = arith.constant 0 : i32
        %dma_wait3A_343 = tpu.memref_slice %arg4[%dma_wait3A_341, %dma_wait3A_342] : memref<64x1000000xf32, #tpu.memory_space<hbm>> -> memref<64x128xf32, #tpu.memory_space<hbm>>
        tpu.wait_dma2 semaphore(%arg16 : memref<!tpu.dma_semaphore, #tpu.memory_space<semaphore_mem>>) src(%dma_wait3A_343 : memref<64x128xf32, #tpu.memory_space<hbm>>) dst(%arg12 : memref<64x128xf32, #tpu.memory_space<vmem>>)
        %add3A_344 = arith.constant 1 : i32
        %add3A_345 = arith.addi %mul3A_244, %add3A_344 : i32
        %broadcast_in_dim3A_346 = vector.broadcast %while3A_240 : i32 to vector<16xi32>
        %gather3A_347 = tpu.vector_load_idx %arg12[%add3A_7, %broadcast_in_dim3A_346] : memref<64x128xf32, #tpu.memory_space<vmem>>[vector<16xi32>, vector<16xi32>], vector<16xf32>,
        %mul3A_348 = arith.constant 15.707963 : f32
        %mul3A_349 = vector.broadcast %mul3A_348 : f32 to vector<16xf32>
        %mul3A_350 = arith.mulf %gather3A_347, %mul3A_349 : vector<16xf32>
        %mul3A_351 = arith.constant 64 : i32
        %mul3A_352 = arith.muli %add3A_345, %mul3A_351 : i32
        %add3A_353 = arith.constant 0 : i32
        %add3A_354 = arith.addi %mul3A_352, %add3A_353 : i32
        %swap3A_355 = arith.index_cast %add3A_354 : i32 to index
        %swap3A_356 = tpu.vector_load %arg19[%swap3A_355] {strides = array<i32>} : memref<8192xf32, #tpu.memory_space<vmem>>, vector<16xf32>,
        tpu.vector_store %arg19[%swap3A_355], %mul3A_350 {strides = array<i32>} : memref<8192xf32, #tpu.memory_space<vmem>>, vector<16xf32>,
        %gather3A_357 = tpu.vector_load_idx %arg12[%add3A_10, %broadcast_in_dim3A_346] : memref<64x128xf32, #tpu.memory_space<vmem>>[vector<16xi32>, vector<16xi32>], vector<16xf32>,
        %mul3A_358 = arith.constant 15.707963 : f32
        %mul3A_359 = vector.broadcast %mul3A_358 : f32 to vector<16xf32>
        %mul3A_360 = arith.mulf %gather3A_357, %mul3A_359 : vector<16xf32>
        %mul3A_361 = arith.constant 64 : i32
        %mul3A_362 = arith.muli %add3A_345, %mul3A_361 : i32
        %add3A_363 = arith.constant 16 : i32
        %add3A_364 = arith.addi %mul3A_362, %add3A_363 : i32
        %swap3A_365 = arith.index_cast %add3A_364 : i32 to index
        %swap3A_366 = tpu.vector_load %arg19[%swap3A_365] {strides = array<i32>} : memref<8192xf32, #tpu.memory_space<vmem>>, vector<16xf32>,
        tpu.vector_store %arg19[%swap3A_365], %mul3A_360 {strides = array<i32>} : memref<8192xf32, #tpu.memory_space<vmem>>, vector<16xf32>,
        %gather3A_367 = tpu.vector_load_idx %arg12[%add3A_13, %broadcast_in_dim3A_346] : memref<64x128xf32, #tpu.memory_space<vmem>>[vector<16xi32>, vector<16xi32>], vector<16xf32>,
        %mul3A_368 = arith.constant 64 : i32
        %mul3A_369 = arith.muli %add3A_345, %mul3A_368 : i32
        %add3A_370 = arith.constant 32 : i32
        %add3A_371 = arith.addi %mul3A_369, %add3A_370 : i32
        %swap3A_372 = arith.index_cast %add3A_371 : i32 to index
        %swap3A_373 = tpu.vector_load %arg19[%swap3A_372] {strides = array<i32>} : memref<8192xf32, #tpu.memory_space<vmem>>, vector<16xf32>,
        tpu.vector_store %arg19[%swap3A_372], %gather3A_367 {strides = array<i32>} : memref<8192xf32, #tpu.memory_space<vmem>>, vector<16xf32>,
        %gather3A_374 = tpu.vector_load_idx %arg12[%add3A_16, %broadcast_in_dim3A_346] : memref<64x128xf32, #tpu.memory_space<vmem>>[vector<16xi32>, vector<16xi32>], vector<16xf32>,
        %mul3A_375 = arith.constant 64 : i32
        %mul3A_376 = arith.muli %add3A_345, %mul3A_375 : i32
        %add3A_377 = arith.constant 48 : i32
        %add3A_378 = arith.addi %mul3A_376, %add3A_377 : i32
        %swap3A_379 = arith.index_cast %add3A_378 : i32 to index
        %swap3A_380 = tpu.vector_load %arg19[%swap3A_379] {strides = array<i32>} : memref<8192xf32, #tpu.memory_space<vmem>>, vector<16xf32>,
        tpu.vector_store %arg19[%swap3A_379], %gather3A_374 {strides = array<i32>} : memref<8192xf32, #tpu.memory_space<vmem>>, vector<16xf32>,
        %add3A_381 = arith.constant 4 : i32
        %add3A_382 = arith.addi %mul3A_244, %add3A_381 : i32
        %add3A_383 = arith.constant 1 : i32
        %add3A_384 = arith.addi %add3A_382, %add3A_383 : i32
        %min3A_385 = arith.constant 127 : i32
        %min3A_386 = arith.minsi %add3A_384, %min3A_385 : i32
        %jit3A_387 = arith.constant 16 : i32
        %div3A_388 = arith.divsi %min3A_386, %jit3A_387 : i32
        %sign3A_389 = arith.constant 0 : i32
        %sign3A_390 = arith.cmpi sgt, %min3A_386, %sign3A_389 : i32
        %sign3A_391 = arith.extui %sign3A_390 : i1 to i32
        %sign3A_392 = arith.constant 0 : i32
        %sign3A_393 = arith.cmpi slt, %min3A_386, %sign3A_392 : i32
        %sign3A_394 = arith.extui %sign3A_393 : i1 to i32
        %sign3A_395 = arith.subi %sign3A_391, %sign3A_394 : i32
        %sign3A_396 = arith.constant 0 : i32
        %sign3A_397 = arith.cmpi sgt, %jit3A_387, %sign3A_396 : i32
        %sign3A_398 = arith.extui %sign3A_397 : i1 to i32
        %sign3A_399 = arith.constant 0 : i32
        %sign3A_400 = arith.cmpi slt, %jit3A_387, %sign3A_399 : i32
        %sign3A_401 = arith.extui %sign3A_400 : i1 to i32
        %sign3A_402 = arith.subi %sign3A_398, %sign3A_401 : i32
        %ne3A_403 = arith.cmpi ne, %sign3A_395, %sign3A_402 : i32
        %rem3A_404 = arith.remsi %min3A_386, %jit3A_387 : i32
        %ne3A_405 = arith.constant 0 : i32
        %ne3A_406 = arith.cmpi ne, %rem3A_404, %ne3A_405 : i32
        %and3A_407 = arith.andi %ne3A_403, %ne3A_406 : i1
        %sub3A_408 = arith.constant 1 : i32
        %sub3A_409 = arith.subi %div3A_388, %sub3A_408 : i32
        %select_n3A_410 = arith.select %and3A_407, %sub3A_409, %div3A_388 : i32
        %mul3A_411 = arith.constant 16 : i32
        %mul3A_412 = arith.muli %select_n3A_410, %mul3A_411 : i32
        %multiple_of3A_413 = tpu.assume_multiple %mul3A_412, 16 : i32
        %get3A_414 = arith.index_cast %multiple_of3A_413 : i32 to index
        %get3A_415 = tpu.vector_load %arg10[%get3A_414] {strides = array<i32>} : memref<128xi32, #tpu.memory_space<vmem>>, vector<16xi32>,
        %sub3A_416 = arith.subi %min3A_386, %multiple_of3A_413 : i32
        %eq3A_417 = vector.broadcast %sub3A_416 : i32 to vector<16xi32>
        %eq3A_418 = arith.cmpi eq, %iota3A, %eq3A_417 : vector<16xi32>
        %jit3A_419 = arith.constant 0 : i32
        %broadcast_in_dim3A_420 = vector.broadcast %jit3A_419 : i32 to vector<16xi32>
        %select_n3A_421 = arith.select %eq3A_418, %get3A_415, %broadcast_in_dim3A_420 : vector<16xi1>, vector<16xi32>
        %reduce_sum3A_422 = arith.constant true
        %reduce_sum3A_423 = vector.broadcast %reduce_sum3A_422 : i1 to vector<16xi1>
        %reduce_sum3A_424 = tpu.scan <sum>, %select_n3A_421 masked %reduce_sum3A_423 : vector<16xi32>, vector<16xi1> -> vector<16xi32>
        %reduce_sum3A_425 = vector.extract %reduce_sum3A_424[15] : i32 from vector<16xi32>
        %shift_right_logical3A_426 = arith.constant 7 : i32
        %shift_right_logical3A_427 = arith.shrui %reduce_sum3A_425, %shift_right_logical3A_426 : i32
        %mul3A_428 = arith.constant 128 : i32
        %mul3A_429 = arith.muli %shift_right_logical3A_427, %mul3A_428 : i32
        %min3A_430 = arith.constant 999872 : i32
        %min3A_431 = arith.minsi %mul3A_429, %min3A_430 : i32
        %multiple_of3A_432 = tpu.assume_multiple %min3A_431, 128 : i32
        %dma_start3A_433 = arith.constant 0 : i32
        %dma_start3A_434 = tpu.memref_slice %arg4[%dma_start3A_433, %multiple_of3A_432] : memref<64x1000000xf32, #tpu.memory_space<hbm>> -> memref<64x128xf32, #tpu.memory_space<hbm>>
        %dma_start3A_435 = arith.constant 0 : i32
        %dma_start3A_436 = tpu.memref_slice %arg4[%dma_start3A_435, %multiple_of3A_432] : memref<64x1000000xf32, #tpu.memory_space<hbm>> -> memref<64x128xf32, #tpu.memory_space<hbm>>
        tpu.enqueue_dma source(%dma_start3A_436 : memref<64x128xf32, #tpu.memory_space<hbm>>) target(%arg12 : memref<64x128xf32, #tpu.memory_space<vmem>>) target_semaphore(%arg16 : memref<!tpu.dma_semaphore, #tpu.memory_space<semaphore_mem>>)
        %sub3A_437 = arith.subi %reduce_sum3A_425, %multiple_of3A_432 : i32
        %dma_wait3A_438 = arith.constant 0 : i32
        %dma_wait3A_439 = arith.constant 0 : i32
        %dma_wait3A_440 = tpu.memref_slice %arg4[%dma_wait3A_438, %dma_wait3A_439] : memref<64x1000000xf32, #tpu.memory_space<hbm>> -> memref<64x128xf32, #tpu.memory_space<hbm>>
        %dma_wait3A_441 = arith.constant 0 : i32
        %dma_wait3A_442 = arith.constant 0 : i32
        %dma_wait3A_443 = tpu.memref_slice %arg4[%dma_wait3A_441, %dma_wait3A_442] : memref<64x1000000xf32, #tpu.memory_space<hbm>> -> memref<64x128xf32, #tpu.memory_space<hbm>>
        tpu.wait_dma2 semaphore(%arg17 : memref<!tpu.dma_semaphore, #tpu.memory_space<semaphore_mem>>) src(%dma_wait3A_443 : memref<64x128xf32, #tpu.memory_space<hbm>>) dst(%arg13 : memref<64x128xf32, #tpu.memory_space<vmem>>)
        %add3A_444 = arith.constant 2 : i32
        %add3A_445 = arith.addi %mul3A_244, %add3A_444 : i32
        %broadcast_in_dim3A_446 = vector.broadcast %while3A_241 : i32 to vector<16xi32>
        %gather3A_447 = tpu.vector_load_idx %arg13[%add3A_7, %broadcast_in_dim3A_446] : memref<64x128xf32, #tpu.memory_space<vmem>>[vector<16xi32>, vector<16xi32>], vector<16xf32>,
        %mul3A_448 = arith.constant 15.707963 : f32
        %mul3A_449 = vector.broadcast %mul3A_448 : f32 to vector<16xf32>
        %mul3A_450 = arith.mulf %gather3A_447, %mul3A_449 : vector<16xf32>
        %mul3A_451 = arith.constant 64 : i32
        %mul3A_452 = arith.muli %add3A_445, %mul3A_451 : i32
        %add3A_453 = arith.constant 0 : i32
        %add3A_454 = arith.addi %mul3A_452, %add3A_453 : i32
        %swap3A_455 = arith.index_cast %add3A_454 : i32 to index
        %swap3A_456 = tpu.vector_load %arg19[%swap3A_455] {strides = array<i32>} : memref<8192xf32, #tpu.memory_space<vmem>>, vector<16xf32>,
        tpu.vector_store %arg19[%swap3A_455], %mul3A_450 {strides = array<i32>} : memref<8192xf32, #tpu.memory_space<vmem>>, vector<16xf32>,
        %gather3A_457 = tpu.vector_load_idx %arg13[%add3A_10, %broadcast_in_dim3A_446] : memref<64x128xf32, #tpu.memory_space<vmem>>[vector<16xi32>, vector<16xi32>], vector<16xf32>,
        %mul3A_458 = arith.constant 15.707963 : f32
        %mul3A_459 = vector.broadcast %mul3A_458 : f32 to vector<16xf32>
        %mul3A_460 = arith.mulf %gather3A_457, %mul3A_459 : vector<16xf32>
        %mul3A_461 = arith.constant 64 : i32
        %mul3A_462 = arith.muli %add3A_445, %mul3A_461 : i32
        %add3A_463 = arith.constant 16 : i32
        %add3A_464 = arith.addi %mul3A_462, %add3A_463 : i32
        %swap3A_465 = arith.index_cast %add3A_464 : i32 to index
        %swap3A_466 = tpu.vector_load %arg19[%swap3A_465] {strides = array<i32>} : memref<8192xf32, #tpu.memory_space<vmem>>, vector<16xf32>,
        tpu.vector_store %arg19[%swap3A_465], %mul3A_460 {strides = array<i32>} : memref<8192xf32, #tpu.memory_space<vmem>>, vector<16xf32>,
        %gather3A_467 = tpu.vector_load_idx %arg13[%add3A_13, %broadcast_in_dim3A_446] : memref<64x128xf32, #tpu.memory_space<vmem>>[vector<16xi32>, vector<16xi32>], vector<16xf32>,
        %mul3A_468 = arith.constant 64 : i32
        %mul3A_469 = arith.muli %add3A_445, %mul3A_468 : i32
        %add3A_470 = arith.constant 32 : i32
        %add3A_471 = arith.addi %mul3A_469, %add3A_470 : i32
        %swap3A_472 = arith.index_cast %add3A_471 : i32 to index
        %swap3A_473 = tpu.vector_load %arg19[%swap3A_472] {strides = array<i32>} : memref<8192xf32, #tpu.memory_space<vmem>>, vector<16xf32>,
        tpu.vector_store %arg19[%swap3A_472], %gather3A_467 {strides = array<i32>} : memref<8192xf32, #tpu.memory_space<vmem>>, vector<16xf32>,
        %gather3A_474 = tpu.vector_load_idx %arg13[%add3A_16, %broadcast_in_dim3A_446] : memref<64x128xf32, #tpu.memory_space<vmem>>[vector<16xi32>, vector<16xi32>], vector<16xf32>,
        %mul3A_475 = arith.constant 64 : i32
        %mul3A_476 = arith.muli %add3A_445, %mul3A_475 : i32
        %add3A_477 = arith.constant 48 : i32
        %add3A_478 = arith.addi %mul3A_476, %add3A_477 : i32
        %swap3A_479 = arith.index_cast %add3A_478 : i32 to index
        %swap3A_480 = tpu.vector_load %arg19[%swap3A_479] {strides = array<i32>} : memref<8192xf32, #tpu.memory_space<vmem>>, vector<16xf32>,
        tpu.vector_store %arg19[%swap3A_479], %gather3A_474 {strides = array<i32>} : memref<8192xf32, #tpu.memory_space<vmem>>, vector<16xf32>,
        %add3A_481 = arith.constant 4 : i32
        %add3A_482 = arith.addi %mul3A_244, %add3A_481 : i32
        %add3A_483 = arith.constant 2 : i32
        %add3A_484 = arith.addi %add3A_482, %add3A_483 : i32
        %min3A_485 = arith.constant 127 : i32
        %min3A_486 = arith.minsi %add3A_484, %min3A_485 : i32
        %jit3A_487 = arith.constant 16 : i32
        %div3A_488 = arith.divsi %min3A_486, %jit3A_487 : i32
        %sign3A_489 = arith.constant 0 : i32
        %sign3A_490 = arith.cmpi sgt, %min3A_486, %sign3A_489 : i32
        %sign3A_491 = arith.extui %sign3A_490 : i1 to i32
        %sign3A_492 = arith.constant 0 : i32
        %sign3A_493 = arith.cmpi slt, %min3A_486, %sign3A_492 : i32
        %sign3A_494 = arith.extui %sign3A_493 : i1 to i32
        %sign3A_495 = arith.subi %sign3A_491, %sign3A_494 : i32
        %sign3A_496 = arith.constant 0 : i32
        %sign3A_497 = arith.cmpi sgt, %jit3A_487, %sign3A_496 : i32
        %sign3A_498 = arith.extui %sign3A_497 : i1 to i32
        %sign3A_499 = arith.constant 0 : i32
        %sign3A_500 = arith.cmpi slt, %jit3A_487, %sign3A_499 : i32
        %sign3A_501 = arith.extui %sign3A_500 : i1 to i32
        %sign3A_502 = arith.subi %sign3A_498, %sign3A_501 : i32
        %ne3A_503 = arith.cmpi ne, %sign3A_495, %sign3A_502 : i32
        %rem3A_504 = arith.remsi %min3A_486, %jit3A_487 : i32
        %ne3A_505 = arith.constant 0 : i32
        %ne3A_506 = arith.cmpi ne, %rem3A_504, %ne3A_505 : i32
        %and3A_507 = arith.andi %ne3A_503, %ne3A_506 : i1
        %sub3A_508 = arith.constant 1 : i32
        %sub3A_509 = arith.subi %div3A_488, %sub3A_508 : i32
        %select_n3A_510 = arith.select %and3A_507, %sub3A_509, %div3A_488 : i32
        %mul3A_511 = arith.constant 16 : i32
        %mul3A_512 = arith.muli %select_n3A_510, %mul3A_511 : i32
        %multiple_of3A_513 = tpu.assume_multiple %mul3A_512, 16 : i32
        %get3A_514 = arith.index_cast %multiple_of3A_513 : i32 to index
        %get3A_515 = tpu.vector_load %arg10[%get3A_514] {strides = array<i32>} : memref<128xi32, #tpu.memory_space<vmem>>, vector<16xi32>,
        %sub3A_516 = arith.subi %min3A_486, %multiple_of3A_513 : i32
        %eq3A_517 = vector.broadcast %sub3A_516 : i32 to vector<16xi32>
        %eq3A_518 = arith.cmpi eq, %iota3A, %eq3A_517 : vector<16xi32>
        %jit3A_519 = arith.constant 0 : i32
        %broadcast_in_dim3A_520 = vector.broadcast %jit3A_519 : i32 to vector<16xi32>
        %select_n3A_521 = arith.select %eq3A_518, %get3A_515, %broadcast_in_dim3A_520 : vector<16xi1>, vector<16xi32>
        %reduce_sum3A_522 = arith.constant true
        %reduce_sum3A_523 = vector.broadcast %reduce_sum3A_522 : i1 to vector<16xi1>
        %reduce_sum3A_524 = tpu.scan <sum>, %select_n3A_521 masked %reduce_sum3A_523 : vector<16xi32>, vector<16xi1> -> vector<16xi32>
        %reduce_sum3A_525 = vector.extract %reduce_sum3A_524[15] : i32 from vector<16xi32>
        %shift_right_logical3A_526 = arith.constant 7 : i32
        %shift_right_logical3A_527 = arith.shrui %reduce_sum3A_525, %shift_right_logical3A_526 : i32
        %mul3A_528 = arith.constant 128 : i32
        %mul3A_529 = arith.muli %shift_right_logical3A_527, %mul3A_528 : i32
        %min3A_530 = arith.constant 999872 : i32
        %min3A_531 = arith.minsi %mul3A_529, %min3A_530 : i32
        %multiple_of3A_532 = tpu.assume_multiple %min3A_531, 128 : i32
        %dma_start3A_533 = arith.constant 0 : i32
        %dma_start3A_534 = tpu.memref_slice %arg4[%dma_start3A_533, %multiple_of3A_532] : memref<64x1000000xf32, #tpu.memory_space<hbm>> -> memref<64x128xf32, #tpu.memory_space<hbm>>
        %dma_start3A_535 = arith.constant 0 : i32
        %dma_start3A_536 = tpu.memref_slice %arg4[%dma_start3A_535, %multiple_of3A_532] : memref<64x1000000xf32, #tpu.memory_space<hbm>> -> memref<64x128xf32, #tpu.memory_space<hbm>>
        tpu.enqueue_dma source(%dma_start3A_536 : memref<64x128xf32, #tpu.memory_space<hbm>>) target(%arg13 : memref<64x128xf32, #tpu.memory_space<vmem>>) target_semaphore(%arg17 : memref<!tpu.dma_semaphore, #tpu.memory_space<semaphore_mem>>)
        %sub3A_537 = arith.subi %reduce_sum3A_525, %multiple_of3A_532 : i32
        %dma_wait3A_538 = arith.constant 0 : i32
        %dma_wait3A_539 = arith.constant 0 : i32
        %dma_wait3A_540 = tpu.memref_slice %arg4[%dma_wait3A_538, %dma_wait3A_539] : memref<64x1000000xf32, #tpu.memory_space<hbm>> -> memref<64x128xf32, #tpu.memory_space<hbm>>
        %dma_wait3A_541 = arith.constant 0 : i32
        %dma_wait3A_542 = arith.constant 0 : i32
        %dma_wait3A_543 = tpu.memref_slice %arg4[%dma_wait3A_541, %dma_wait3A_542] : memref<64x1000000xf32, #tpu.memory_space<hbm>> -> memref<64x128xf32, #tpu.memory_space<hbm>>
        tpu.wait_dma2 semaphore(%arg18 : memref<!tpu.dma_semaphore, #tpu.memory_space<semaphore_mem>>) src(%dma_wait3A_543 : memref<64x128xf32, #tpu.memory_space<hbm>>) dst(%arg14 : memref<64x128xf32, #tpu.memory_space<vmem>>)
        %add3A_544 = arith.constant 3 : i32
        %add3A_545 = arith.addi %mul3A_244, %add3A_544 : i32
        %broadcast_in_dim3A_546 = vector.broadcast %while3A_242 : i32 to vector<16xi32>
        %gather3A_547 = tpu.vector_load_idx %arg14[%add3A_7, %broadcast_in_dim3A_546] : memref<64x128xf32, #tpu.memory_space<vmem>>[vector<16xi32>, vector<16xi32>], vector<16xf32>,
        %mul3A_548 = arith.constant 15.707963 : f32
        %mul3A_549 = vector.broadcast %mul3A_548 : f32 to vector<16xf32>
        %mul3A_550 = arith.mulf %gather3A_547, %mul3A_549 : vector<16xf32>
        %mul3A_551 = arith.constant 64 : i32
        %mul3A_552 = arith.muli %add3A_545, %mul3A_551 : i32
        %add3A_553 = arith.constant 0 : i32
        %add3A_554 = arith.addi %mul3A_552, %add3A_553 : i32
        %swap3A_555 = arith.index_cast %add3A_554 : i32 to index
        %swap3A_556 = tpu.vector_load %arg19[%swap3A_555] {strides = array<i32>} : memref<8192xf32, #tpu.memory_space<vmem>>, vector<16xf32>,
        tpu.vector_store %arg19[%swap3A_555], %mul3A_550 {strides = array<i32>} : memref<8192xf32, #tpu.memory_space<vmem>>, vector<16xf32>,
        %gather3A_557 = tpu.vector_load_idx %arg14[%add3A_10, %broadcast_in_dim3A_546] : memref<64x128xf32, #tpu.memory_space<vmem>>[vector<16xi32>, vector<16xi32>], vector<16xf32>,
        %mul3A_558 = arith.constant 15.707963 : f32
        %mul3A_559 = vector.broadcast %mul3A_558 : f32 to vector<16xf32>
        %mul3A_560 = arith.mulf %gather3A_557, %mul3A_559 : vector<16xf32>
        %mul3A_561 = arith.constant 64 : i32
        %mul3A_562 = arith.muli %add3A_545, %mul3A_561 : i32
        %add3A_563 = arith.constant 16 : i32
        %add3A_564 = arith.addi %mul3A_562, %add3A_563 : i32
        %swap3A_565 = arith.index_cast %add3A_564 : i32 to index
        %swap3A_566 = tpu.vector_load %arg19[%swap3A_565] {strides = array<i32>} : memref<8192xf32, #tpu.memory_space<vmem>>, vector<16xf32>,
        tpu.vector_store %arg19[%swap3A_565], %mul3A_560 {strides = array<i32>} : memref<8192xf32, #tpu.memory_space<vmem>>, vector<16xf32>,
        %gather3A_567 = tpu.vector_load_idx %arg14[%add3A_13, %broadcast_in_dim3A_546] : memref<64x128xf32, #tpu.memory_space<vmem>>[vector<16xi32>, vector<16xi32>], vector<16xf32>,
        %mul3A_568 = arith.constant 64 : i32
        %mul3A_569 = arith.muli %add3A_545, %mul3A_568 : i32
        %add3A_570 = arith.constant 32 : i32
        %add3A_571 = arith.addi %mul3A_569, %add3A_570 : i32
        %swap3A_572 = arith.index_cast %add3A_571 : i32 to index
        %swap3A_573 = tpu.vector_load %arg19[%swap3A_572] {strides = array<i32>} : memref<8192xf32, #tpu.memory_space<vmem>>, vector<16xf32>,
        tpu.vector_store %arg19[%swap3A_572], %gather3A_567 {strides = array<i32>} : memref<8192xf32, #tpu.memory_space<vmem>>, vector<16xf32>,
        %gather3A_574 = tpu.vector_load_idx %arg14[%add3A_16, %broadcast_in_dim3A_546] : memref<64x128xf32, #tpu.memory_space<vmem>>[vector<16xi32>, vector<16xi32>], vector<16xf32>,
        %mul3A_575 = arith.constant 64 : i32
        %mul3A_576 = arith.muli %add3A_545, %mul3A_575 : i32
        %add3A_577 = arith.constant 48 : i32
        %add3A_578 = arith.addi %mul3A_576, %add3A_577 : i32
        %swap3A_579 = arith.index_cast %add3A_578 : i32 to index
        %swap3A_580 = tpu.vector_load %arg19[%swap3A_579] {strides = array<i32>} : memref<8192xf32, #tpu.memory_space<vmem>>, vector<16xf32>,
        tpu.vector_store %arg19[%swap3A_579], %gather3A_574 {strides = array<i32>} : memref<8192xf32, #tpu.memory_space<vmem>>, vector<16xf32>,
        %add3A_581 = arith.constant 4 : i32
        %add3A_582 = arith.addi %mul3A_244, %add3A_581 : i32
        %add3A_583 = arith.constant 3 : i32
        %add3A_584 = arith.addi %add3A_582, %add3A_583 : i32
        %min3A_585 = arith.constant 127 : i32
        %min3A_586 = arith.minsi %add3A_584, %min3A_585 : i32
        %jit3A_587 = arith.constant 16 : i32
        %div3A_588 = arith.divsi %min3A_586, %jit3A_587 : i32
        %sign3A_589 = arith.constant 0 : i32
        %sign3A_590 = arith.cmpi sgt, %min3A_586, %sign3A_589 : i32
        %sign3A_591 = arith.extui %sign3A_590 : i1 to i32
        %sign3A_592 = arith.constant 0 : i32
        %sign3A_593 = arith.cmpi slt, %min3A_586, %sign3A_592 : i32
        %sign3A_594 = arith.extui %sign3A_593 : i1 to i32
        %sign3A_595 = arith.subi %sign3A_591, %sign3A_594 : i32
        %sign3A_596 = arith.constant 0 : i32
        %sign3A_597 = arith.cmpi sgt, %jit3A_587, %sign3A_596 : i32
        %sign3A_598 = arith.extui %sign3A_597 : i1 to i32
        %sign3A_599 = arith.constant 0 : i32
        %sign3A_600 = arith.cmpi slt, %jit3A_587, %sign3A_599 : i32
        %sign3A_601 = arith.extui %sign3A_600 : i1 to i32
        %sign3A_602 = arith.subi %sign3A_598, %sign3A_601 : i32
        %ne3A_603 = arith.cmpi ne, %sign3A_595, %sign3A_602 : i32
        %rem3A_604 = arith.remsi %min3A_586, %jit3A_587 : i32
        %ne3A_605 = arith.constant 0 : i32
        %ne3A_606 = arith.cmpi ne, %rem3A_604, %ne3A_605 : i32
        %and3A_607 = arith.andi %ne3A_603, %ne3A_606 : i1
        %sub3A_608 = arith.constant 1 : i32
        %sub3A_609 = arith.subi %div3A_588, %sub3A_608 : i32
        %select_n3A_610 = arith.select %and3A_607, %sub3A_609, %div3A_588 : i32
        %mul3A_611 = arith.constant 16 : i32
        %mul3A_612 = arith.muli %select_n3A_610, %mul3A_611 : i32
        %multiple_of3A_613 = tpu.assume_multiple %mul3A_612, 16 : i32
        %get3A_614 = arith.index_cast %multiple_of3A_613 : i32 to index
        %get3A_615 = tpu.vector_load %arg10[%get3A_614] {strides = array<i32>} : memref<128xi32, #tpu.memory_space<vmem>>, vector<16xi32>,
        %sub3A_616 = arith.subi %min3A_586, %multiple_of3A_613 : i32
        %eq3A_617 = vector.broadcast %sub3A_616 : i32 to vector<16xi32>
        %eq3A_618 = arith.cmpi eq, %iota3A, %eq3A_617 : vector<16xi32>
        %jit3A_619 = arith.constant 0 : i32
        %broadcast_in_dim3A_620 = vector.broadcast %jit3A_619 : i32 to vector<16xi32>
        %select_n3A_621 = arith.select %eq3A_618, %get3A_615, %broadcast_in_dim3A_620 : vector<16xi1>, vector<16xi32>
        %reduce_sum3A_622 = arith.constant true
        %reduce_sum3A_623 = vector.broadcast %reduce_sum3A_622 : i1 to vector<16xi1>
        %reduce_sum3A_624 = tpu.scan <sum>, %select_n3A_621 masked %reduce_sum3A_623 : vector<16xi32>, vector<16xi1> -> vector<16xi32>
        %reduce_sum3A_625 = vector.extract %reduce_sum3A_624[15] : i32 from vector<16xi32>
        %shift_right_logical3A_626 = arith.constant 7 : i32
        %shift_right_logical3A_627 = arith.shrui %reduce_sum3A_625, %shift_right_logical3A_626 : i32
        %mul3A_628 = arith.constant 128 : i32
        %mul3A_629 = arith.muli %shift_right_logical3A_627, %mul3A_628 : i32
        %min3A_630 = arith.constant 999872 : i32
        %min3A_631 = arith.minsi %mul3A_629, %min3A_630 : i32
        %multiple_of3A_632 = tpu.assume_multiple %min3A_631, 128 : i32
        %dma_start3A_633 = arith.constant 0 : i32
        %dma_start3A_634 = tpu.memref_slice %arg4[%dma_start3A_633, %multiple_of3A_632] : memref<64x1000000xf32, #tpu.memory_space<hbm>> -> memref<64x128xf32, #tpu.memory_space<hbm>>
        %dma_start3A_635 = arith.constant 0 : i32
        %dma_start3A_636 = tpu.memref_slice %arg4[%dma_start3A_635, %multiple_of3A_632] : memref<64x1000000xf32, #tpu.memory_space<hbm>> -> memref<64x128xf32, #tpu.memory_space<hbm>>
        tpu.enqueue_dma source(%dma_start3A_636 : memref<64x128xf32, #tpu.memory_space<hbm>>) target(%arg14 : memref<64x128xf32, #tpu.memory_space<vmem>>) target_semaphore(%arg18 : memref<!tpu.dma_semaphore, #tpu.memory_space<semaphore_mem>>)
        %sub3A_637 = arith.subi %reduce_sum3A_625, %multiple_of3A_632 : i32
        scf.yield %sub3A_337, %sub3A_437, %sub3A_537, %sub3A_637 : i32, i32, i32, i32
      }
      %mul3A_223 = arith.constant 25 : i32
      %mul3A_224 = arith.muli %mul3A_223, %scan3A_203 : i32
      %mul3A_225 = arith.constant 25 : i32
      %mul3A_226 = arith.muli %mul3A_225, %scan3A_203 : i32
      %add3A_227 = arith.constant 25 : i32
      %add3A_228 = arith.addi %mul3A_226, %add3A_227 : i32
      %while3A_229 = arith.constant 0 : i32
      %while3A_230 = arith.subi %add3A_228, %mul3A_224 : i32
      %while3A_231 = arith.addi %mul3A_224, %while3A_230 : i32
      %while3A_232 = arith.constant 1 : i32
      %while3A_233 = arith.divsi %while3A_230, %while3A_232 : i32
      %while3A_234 = arith.muli %while3A_233, %while3A_232 : i32
      %while3A_235 = arith.addi %mul3A_224, %while3A_234 : i32
      %while3A_236 = arith.constant 1 : i32
      scf.for %while3A_238 = %mul3A_224 to %while3A_235 step %while3A_236  : i32 {
        %mul3A_239 = arith.constant 16 : i32
        %mul3A_240 = arith.muli %while3A_238, %mul3A_239 : i32
        %multiple_of3A_241 = tpu.assume_multiple %mul3A_240, 16 : i32
        %broadcast_in_dim3A_242 = vector.broadcast %multiple_of3A_241 : i32 to vector<16xi32>
        %broadcast_in_dim3A_243 = arith.constant 0.000000e+00 : f32
        %broadcast_in_dim3A_244 = vector.broadcast %broadcast_in_dim3A_243 : f32 to vector<16xf32>
        %broadcast_in_dim3A_245 = arith.constant 0.000000e+00 : f32
        %broadcast_in_dim3A_246 = vector.broadcast %broadcast_in_dim3A_245 : f32 to vector<16xf32>
        %or3A = arith.constant 0 : i32
        %or3A_247 = vector.broadcast %or3A : i32 to vector<16xi32>
        %or3A_248 = arith.ori %broadcast_in_dim3A_242, %or3A_247 : vector<16xi32>
        %gather3A = tpu.vector_load_idx %arg20[%or3A_248] : memref<6400xi32, #tpu.memory_space<vmem>>[vector<16xi32>], vector<16xi32>,
        %gather3A_249 = tpu.vector_load_idx %arg21[%or3A_248] : memref<6400xi32, #tpu.memory_space<vmem>>[vector<16xi32>], vector<16xi32>,
        %or3A_250 = arith.ori %gather3A, %iota3A : vector<16xi32>
        %gather3A_251 = tpu.vector_load_idx %arg22[%or3A_250] : memref<64000xf32, #tpu.memory_space<vmem>>[vector<16xi32>], vector<16xf32>,
        %or3A_252 = arith.ori %gather3A, %add3A_168 : vector<16xi32>
        %gather3A_253 = tpu.vector_load_idx %arg22[%or3A_252] : memref<64000xf32, #tpu.memory_space<vmem>>[vector<16xi32>], vector<16xf32>,
        %or3A_254 = arith.ori %gather3A, %add3A_171 : vector<16xi32>
        %gather3A_255 = tpu.vector_load_idx %arg22[%or3A_254] : memref<64000xf32, #tpu.memory_space<vmem>>[vector<16xi32>], vector<16xf32>,
        %or3A_256 = arith.ori %gather3A, %add3A_174 : vector<16xi32>
        %gather3A_257 = tpu.vector_load_idx %arg22[%or3A_256] : memref<64000xf32, #tpu.memory_space<vmem>>[vector<16xi32>], vector<16xf32>,
        %or3A_258 = arith.ori %gather3A_249, %iota3A : vector<16xi32>
        %gather3A_259 = tpu.vector_load_idx %arg19[%or3A_258] : memref<8192xf32, #tpu.memory_space<vmem>>[vector<16xi32>], vector<16xf32>,
        %or3A_260 = arith.ori %gather3A_249, %add3A_168 : vector<16xi32>
        %gather3A_261 = tpu.vector_load_idx %arg19[%or3A_260] : memref<8192xf32, #tpu.memory_space<vmem>>[vector<16xi32>], vector<16xf32>,
        %or3A_262 = arith.ori %gather3A_249, %add3A_171 : vector<16xi32>
        %gather3A_263 = tpu.vector_load_idx %arg19[%or3A_262] : memref<8192xf32, #tpu.memory_space<vmem>>[vector<16xi32>], vector<16xf32>,
        %or3A_264 = arith.ori %gather3A_249, %add3A_174 : vector<16xi32>
        %gather3A_265 = tpu.vector_load_idx %arg19[%or3A_264] : memref<8192xf32, #tpu.memory_space<vmem>>[vector<16xi32>], vector<16xf32>,
        %sub3A_266 = arith.subf %gather3A_259, %gather3A_251 : vector<16xf32>
        %sub3A_267 = arith.subf %gather3A_261, %gather3A_253 : vector<16xf32>
        %abs3A = math.absf %sub3A_266 : vector<16xf32>
        %abs3A_268 = math.absf %sub3A_267 : vector<16xf32>
        %sub3A_269 = arith.constant 3.14159274 : f32
        %sub3A_270 = vector.broadcast %sub3A_269 : f32 to vector<16xf32>
        %sub3A_271 = arith.subf %sub3A_270, %abs3A : vector<16xf32>
        %min3A_272 = arith.minimumf %abs3A, %sub3A_271 : vector<16xf32>
        %sub3A_273 = arith.constant 3.14159274 : f32
        %sub3A_274 = vector.broadcast %sub3A_273 : f32 to vector<16xf32>
        %sub3A_275 = arith.subf %sub3A_274, %abs3A_268 : vector<16xf32>
        %min3A_276 = arith.minimumf %abs3A_268, %sub3A_275 : vector<16xf32>
        %mul3A_277 = arith.mulf %min3A_272, %min3A_272 : vector<16xf32>
        %mul3A_278 = arith.mulf %min3A_276, %min3A_276 : vector<16xf32>
        %mul3A_279 = arith.mulf %min3A_272, %mul3A_277 : vector<16xf32>
        %mul3A_280 = arith.constant 7.893740e-03 : f32
        %mul3A_281 = vector.broadcast %mul3A_280 : f32 to vector<16xf32>
        %mul3A_282 = arith.mulf %mul3A_277, %mul3A_281 : vector<16xf32>
        %add3A_283 = arith.constant -0.166581243 : f32
        %add3A_284 = vector.broadcast %add3A_283 : f32 to vector<16xf32>
        %add3A_285 = arith.addf %add3A_284, %mul3A_282 : vector<16xf32>
        %mul3A_286 = arith.mulf %mul3A_279, %add3A_285 : vector<16xf32>
        %add3A_287 = arith.addf %min3A_272, %mul3A_286 : vector<16xf32>
        %mul3A_288 = arith.mulf %min3A_276, %mul3A_278 : vector<16xf32>
        %mul3A_289 = arith.constant 7.893740e-03 : f32
        %mul3A_290 = vector.broadcast %mul3A_289 : f32 to vector<16xf32>
        %mul3A_291 = arith.mulf %mul3A_278, %mul3A_290 : vector<16xf32>
        %add3A_292 = arith.constant -0.166581243 : f32
        %add3A_293 = vector.broadcast %add3A_292 : f32 to vector<16xf32>
        %add3A_294 = arith.addf %add3A_293, %mul3A_291 : vector<16xf32>
        %mul3A_295 = arith.mulf %mul3A_288, %add3A_294 : vector<16xf32>
        %add3A_296 = arith.addf %min3A_276, %mul3A_295 : vector<16xf32>
        %sub3A_297 = arith.subf %gather3A_263, %gather3A_255 : vector<16xf32>
        %sub3A_298 = arith.subf %gather3A_265, %gather3A_257 : vector<16xf32>
        %add3A_299 = arith.addf %add3A_287, %add3A_296 : vector<16xf32>
        %mul3A_300 = arith.mulf %sub3A_297, %sub3A_297 : vector<16xf32>
        %mul3A_301 = arith.mulf %sub3A_298, %sub3A_298 : vector<16xf32>
        %add3A_302 = arith.addf %mul3A_300, %mul3A_301 : vector<16xf32>
        %reduce_sum3A_303 = arith.constant true
        %reduce_sum3A_304 = vector.broadcast %reduce_sum3A_303 : i1 to vector<16xi1>
        %reduce_sum3A_305 = tpu.scan <sum>, %add3A_299 masked %reduce_sum3A_304 : vector<16xf32>, vector<16xi1> -> vector<16xf32>
        %reduce_sum3A_306 = vector.extract %reduce_sum3A_305[15] : f32 from vector<16xf32>
        %reduce_sum3A_307 = arith.constant true
        %reduce_sum3A_308 = vector.broadcast %reduce_sum3A_307 : i1 to vector<16xi1>
        %reduce_sum3A_309 = tpu.scan <sum>, %add3A_302 masked %reduce_sum3A_308 : vector<16xf32>, vector<16xi1> -> vector<16xf32>
        %reduce_sum3A_310 = vector.extract %reduce_sum3A_309[15] : f32 from vector<16xf32>
        %broadcast_in_dim3A_311 = vector.broadcast %reduce_sum3A_306 : f32 to vector<16xf32>
        %select_n3A_312 = arith.select %eq3A_120, %broadcast_in_dim3A_311, %broadcast_in_dim3A_244 : vector<16xi1>, vector<16xf32>
        %broadcast_in_dim3A_313 = vector.broadcast %reduce_sum3A_310 : f32 to vector<16xf32>
        %select_n3A_314 = arith.select %eq3A_120, %broadcast_in_dim3A_313, %broadcast_in_dim3A_246 : vector<16xi1>, vector<16xf32>
        %or3A_315 = arith.constant 1 : i32
        %or3A_316 = vector.broadcast %or3A_315 : i32 to vector<16xi32>
        %or3A_317 = arith.ori %broadcast_in_dim3A_242, %or3A_316 : vector<16xi32>
        %gather3A_318 = tpu.vector_load_idx %arg20[%or3A_317] : memref<6400xi32, #tpu.memory_space<vmem>>[vector<16xi32>], vector<16xi32>,
        %gather3A_319 = tpu.vector_load_idx %arg21[%or3A_317] : memref<6400xi32, #tpu.memory_space<vmem>>[vector<16xi32>], vector<16xi32>,
        %or3A_320 = arith.ori %gather3A_318, %iota3A : vector<16xi32>
        %gather3A_321 = tpu.vector_load_idx %arg22[%or3A_320] : memref<64000xf32, #tpu.memory_space<vmem>>[vector<16xi32>], vector<16xf32>,
        %or3A_322 = arith.ori %gather3A_318, %add3A_168 : vector<16xi32>
        %gather3A_323 = tpu.vector_load_idx %arg22[%or3A_322] : memref<64000xf32, #tpu.memory_space<vmem>>[vector<16xi32>], vector<16xf32>,
        %or3A_324 = arith.ori %gather3A_318, %add3A_171 : vector<16xi32>
        %gather3A_325 = tpu.vector_load_idx %arg22[%or3A_324] : memref<64000xf32, #tpu.memory_space<vmem>>[vector<16xi32>], vector<16xf32>,
        %or3A_326 = arith.ori %gather3A_318, %add3A_174 : vector<16xi32>
        %gather3A_327 = tpu.vector_load_idx %arg22[%or3A_326] : memref<64000xf32, #tpu.memory_space<vmem>>[vector<16xi32>], vector<16xf32>,
        %or3A_328 = arith.ori %gather3A_319, %iota3A : vector<16xi32>
        %gather3A_329 = tpu.vector_load_idx %arg19[%or3A_328] : memref<8192xf32, #tpu.memory_space<vmem>>[vector<16xi32>], vector<16xf32>,
        %or3A_330 = arith.ori %gather3A_319, %add3A_168 : vector<16xi32>
        %gather3A_331 = tpu.vector_load_idx %arg19[%or3A_330] : memref<8192xf32, #tpu.memory_space<vmem>>[vector<16xi32>], vector<16xf32>,
        %or3A_332 = arith.ori %gather3A_319, %add3A_171 : vector<16xi32>
        %gather3A_333 = tpu.vector_load_idx %arg19[%or3A_332] : memref<8192xf32, #tpu.memory_space<vmem>>[vector<16xi32>], vector<16xf32>,
        %or3A_334 = arith.ori %gather3A_319, %add3A_174 : vector<16xi32>
        %gather3A_335 = tpu.vector_load_idx %arg19[%or3A_334] : memref<8192xf32, #tpu.memory_space<vmem>>[vector<16xi32>], vector<16xf32>,
        %sub3A_336 = arith.subf %gather3A_329, %gather3A_321 : vector<16xf32>
        %sub3A_337 = arith.subf %gather3A_331, %gather3A_323 : vector<16xf32>
        %abs3A_338 = math.absf %sub3A_336 : vector<16xf32>
        %abs3A_339 = math.absf %sub3A_337 : vector<16xf32>
        %sub3A_340 = arith.constant 3.14159274 : f32
        %sub3A_341 = vector.broadcast %sub3A_340 : f32 to vector<16xf32>
        %sub3A_342 = arith.subf %sub3A_341, %abs3A_338 : vector<16xf32>
        %min3A_343 = arith.minimumf %abs3A_338, %sub3A_342 : vector<16xf32>
        %sub3A_344 = arith.constant 3.14159274 : f32
        %sub3A_345 = vector.broadcast %sub3A_344 : f32 to vector<16xf32>
        %sub3A_346 = arith.subf %sub3A_345, %abs3A_339 : vector<16xf32>
        %min3A_347 = arith.minimumf %abs3A_339, %sub3A_346 : vector<16xf32>
        %mul3A_348 = arith.mulf %min3A_343, %min3A_343 : vector<16xf32>
        %mul3A_349 = arith.mulf %min3A_347, %min3A_347 : vector<16xf32>
        %mul3A_350 = arith.mulf %min3A_343, %mul3A_348 : vector<16xf32>
        %mul3A_351 = arith.constant 7.893740e-03 : f32
        %mul3A_352 = vector.broadcast %mul3A_351 : f32 to vector<16xf32>
        %mul3A_353 = arith.mulf %mul3A_348, %mul3A_352 : vector<16xf32>
        %add3A_354 = arith.constant -0.166581243 : f32
        %add3A_355 = vector.broadcast %add3A_354 : f32 to vector<16xf32>
        %add3A_356 = arith.addf %add3A_355, %mul3A_353 : vector<16xf32>
        %mul3A_357 = arith.mulf %mul3A_350, %add3A_356 : vector<16xf32>
        %add3A_358 = arith.addf %min3A_343, %mul3A_357 : vector<16xf32>
        %mul3A_359 = arith.mulf %min3A_347, %mul3A_349 : vector<16xf32>
        %mul3A_360 = arith.constant 7.893740e-03 : f32
        %mul3A_361 = vector.broadcast %mul3A_360 : f32 to vector<16xf32>
        %mul3A_362 = arith.mulf %mul3A_349, %mul3A_361 : vector<16xf32>
        %add3A_363 = arith.constant -0.166581243 : f32
        %add3A_364 = vector.broadcast %add3A_363 : f32 to vector<16xf32>
        %add3A_365 = arith.addf %add3A_364, %mul3A_362 : vector<16xf32>
        %mul3A_366 = arith.mulf %mul3A_359, %add3A_365 : vector<16xf32>
        %add3A_367 = arith.addf %min3A_347, %mul3A_366 : vector<16xf32>
        %sub3A_368 = arith.subf %gather3A_333, %gather3A_325 : vector<16xf32>
        %sub3A_369 = arith.subf %gather3A_335, %gather3A_327 : vector<16xf32>
        %add3A_370 = arith.addf %add3A_358, %add3A_367 : vector<16xf32>
        %mul3A_371 = arith.mulf %sub3A_368, %sub3A_368 : vector<16xf32>
        %mul3A_372 = arith.mulf %sub3A_369, %sub3A_369 : vector<16xf32>
        %add3A_373 = arith.addf %mul3A_371, %mul3A_372 : vector<16xf32>
        %reduce_sum3A_374 = arith.constant true
        %reduce_sum3A_375 = vector.broadcast %reduce_sum3A_374 : i1 to vector<16xi1>
        %reduce_sum3A_376 = tpu.scan <sum>, %add3A_370 masked %reduce_sum3A_375 : vector<16xf32>, vector<16xi1> -> vector<16xf32>
        %reduce_sum3A_377 = vector.extract %reduce_sum3A_376[15] : f32 from vector<16xf32>
        %reduce_sum3A_378 = arith.constant true
        %reduce_sum3A_379 = vector.broadcast %reduce_sum3A_378 : i1 to vector<16xi1>
        %reduce_sum3A_380 = tpu.scan <sum>, %add3A_373 masked %reduce_sum3A_379 : vector<16xf32>, vector<16xi1> -> vector<16xf32>
        %reduce_sum3A_381 = vector.extract %reduce_sum3A_380[15] : f32 from vector<16xf32>
        %broadcast_in_dim3A_382 = vector.broadcast %reduce_sum3A_377 : f32 to vector<16xf32>
        %select_n3A_383 = arith.select %eq3A_123, %broadcast_in_dim3A_382, %select_n3A_312 : vector<16xi1>, vector<16xf32>
        %broadcast_in_dim3A_384 = vector.broadcast %reduce_sum3A_381 : f32 to vector<16xf32>
        %select_n3A_385 = arith.select %eq3A_123, %broadcast_in_dim3A_384, %select_n3A_314 : vector<16xi1>, vector<16xf32>
        %or3A_386 = arith.constant 2 : i32
        %or3A_387 = vector.broadcast %or3A_386 : i32 to vector<16xi32>
        %or3A_388 = arith.ori %broadcast_in_dim3A_242, %or3A_387 : vector<16xi32>
        %gather3A_389 = tpu.vector_load_idx %arg20[%or3A_388] : memref<6400xi32, #tpu.memory_space<vmem>>[vector<16xi32>], vector<16xi32>,
        %gather3A_390 = tpu.vector_load_idx %arg21[%or3A_388] : memref<6400xi32, #tpu.memory_space<vmem>>[vector<16xi32>], vector<16xi32>,
        %or3A_391 = arith.ori %gather3A_389, %iota3A : vector<16xi32>
        %gather3A_392 = tpu.vector_load_idx %arg22[%or3A_391] : memref<64000xf32, #tpu.memory_space<vmem>>[vector<16xi32>], vector<16xf32>,
        %or3A_393 = arith.ori %gather3A_389, %add3A_168 : vector<16xi32>
        %gather3A_394 = tpu.vector_load_idx %arg22[%or3A_393] : memref<64000xf32, #tpu.memory_space<vmem>>[vector<16xi32>], vector<16xf32>,
        %or3A_395 = arith.ori %gather3A_389, %add3A_171 : vector<16xi32>
        %gather3A_396 = tpu.vector_load_idx %arg22[%or3A_395] : memref<64000xf32, #tpu.memory_space<vmem>>[vector<16xi32>], vector<16xf32>,
        %or3A_397 = arith.ori %gather3A_389, %add3A_174 : vector<16xi32>
        %gather3A_398 = tpu.vector_load_idx %arg22[%or3A_397] : memref<64000xf32, #tpu.memory_space<vmem>>[vector<16xi32>], vector<16xf32>,
        %or3A_399 = arith.ori %gather3A_390, %iota3A : vector<16xi32>
        %gather3A_400 = tpu.vector_load_idx %arg19[%or3A_399] : memref<8192xf32, #tpu.memory_space<vmem>>[vector<16xi32>], vector<16xf32>,
        %or3A_401 = arith.ori %gather3A_390, %add3A_168 : vector<16xi32>
        %gather3A_402 = tpu.vector_load_idx %arg19[%or3A_401] : memref<8192xf32, #tpu.memory_space<vmem>>[vector<16xi32>], vector<16xf32>,
        %or3A_403 = arith.ori %gather3A_390, %add3A_171 : vector<16xi32>
        %gather3A_404 = tpu.vector_load_idx %arg19[%or3A_403] : memref<8192xf32, #tpu.memory_space<vmem>>[vector<16xi32>], vector<16xf32>,
        %or3A_405 = arith.ori %gather3A_390, %add3A_174 : vector<16xi32>
        %gather3A_406 = tpu.vector_load_idx %arg19[%or3A_405] : memref<8192xf32, #tpu.memory_space<vmem>>[vector<16xi32>], vector<16xf32>,
        %sub3A_407 = arith.subf %gather3A_400, %gather3A_392 : vector<16xf32>
        %sub3A_408 = arith.subf %gather3A_402, %gather3A_394 : vector<16xf32>
        %abs3A_409 = math.absf %sub3A_407 : vector<16xf32>
        %abs3A_410 = math.absf %sub3A_408 : vector<16xf32>
        %sub3A_411 = arith.constant 3.14159274 : f32
        %sub3A_412 = vector.broadcast %sub3A_411 : f32 to vector<16xf32>
        %sub3A_413 = arith.subf %sub3A_412, %abs3A_409 : vector<16xf32>
        %min3A_414 = arith.minimumf %abs3A_409, %sub3A_413 : vector<16xf32>
        %sub3A_415 = arith.constant 3.14159274 : f32
        %sub3A_416 = vector.broadcast %sub3A_415 : f32 to vector<16xf32>
        %sub3A_417 = arith.subf %sub3A_416, %abs3A_410 : vector<16xf32>
        %min3A_418 = arith.minimumf %abs3A_410, %sub3A_417 : vector<16xf32>
        %mul3A_419 = arith.mulf %min3A_414, %min3A_414 : vector<16xf32>
        %mul3A_420 = arith.mulf %min3A_418, %min3A_418 : vector<16xf32>
        %mul3A_421 = arith.mulf %min3A_414, %mul3A_419 : vector<16xf32>
        %mul3A_422 = arith.constant 7.893740e-03 : f32
        %mul3A_423 = vector.broadcast %mul3A_422 : f32 to vector<16xf32>
        %mul3A_424 = arith.mulf %mul3A_419, %mul3A_423 : vector<16xf32>
        %add3A_425 = arith.constant -0.166581243 : f32
        %add3A_426 = vector.broadcast %add3A_425 : f32 to vector<16xf32>
        %add3A_427 = arith.addf %add3A_426, %mul3A_424 : vector<16xf32>
        %mul3A_428 = arith.mulf %mul3A_421, %add3A_427 : vector<16xf32>
        %add3A_429 = arith.addf %min3A_414, %mul3A_428 : vector<16xf32>
        %mul3A_430 = arith.mulf %min3A_418, %mul3A_420 : vector<16xf32>
        %mul3A_431 = arith.constant 7.893740e-03 : f32
        %mul3A_432 = vector.broadcast %mul3A_431 : f32 to vector<16xf32>
        %mul3A_433 = arith.mulf %mul3A_420, %mul3A_432 : vector<16xf32>
        %add3A_434 = arith.constant -0.166581243 : f32
        %add3A_435 = vector.broadcast %add3A_434 : f32 to vector<16xf32>
        %add3A_436 = arith.addf %add3A_435, %mul3A_433 : vector<16xf32>
        %mul3A_437 = arith.mulf %mul3A_430, %add3A_436 : vector<16xf32>
        %add3A_438 = arith.addf %min3A_418, %mul3A_437 : vector<16xf32>
        %sub3A_439 = arith.subf %gather3A_404, %gather3A_396 : vector<16xf32>
        %sub3A_440 = arith.subf %gather3A_406, %gather3A_398 : vector<16xf32>
        %add3A_441 = arith.addf %add3A_429, %add3A_438 : vector<16xf32>
        %mul3A_442 = arith.mulf %sub3A_439, %sub3A_439 : vector<16xf32>
        %mul3A_443 = arith.mulf %sub3A_440, %sub3A_440 : vector<16xf32>
        %add3A_444 = arith.addf %mul3A_442, %mul3A_443 : vector<16xf32>
        %reduce_sum3A_445 = arith.constant true
        %reduce_sum3A_446 = vector.broadcast %reduce_sum3A_445 : i1 to vector<16xi1>
        %reduce_sum3A_447 = tpu.scan <sum>, %add3A_441 masked %reduce_sum3A_446 : vector<16xf32>, vector<16xi1> -> vector<16xf32>
        %reduce_sum3A_448 = vector.extract %reduce_sum3A_447[15] : f32 from vector<16xf32>
        %reduce_sum3A_449 = arith.constant true
        %reduce_sum3A_450 = vector.broadcast %reduce_sum3A_449 : i1 to vector<16xi1>
        %reduce_sum3A_451 = tpu.scan <sum>, %add3A_444 masked %reduce_sum3A_450 : vector<16xf32>, vector<16xi1> -> vector<16xf32>
        %reduce_sum3A_452 = vector.extract %reduce_sum3A_451[15] : f32 from vector<16xf32>
        %broadcast_in_dim3A_453 = vector.broadcast %reduce_sum3A_448 : f32 to vector<16xf32>
        %select_n3A_454 = arith.select %eq3A_126, %broadcast_in_dim3A_453, %select_n3A_383 : vector<16xi1>, vector<16xf32>
        %broadcast_in_dim3A_455 = vector.broadcast %reduce_sum3A_452 : f32 to vector<16xf32>
        %select_n3A_456 = arith.select %eq3A_126, %broadcast_in_dim3A_455, %select_n3A_385 : vector<16xi1>, vector<16xf32>
        %or3A_457 = arith.constant 3 : i32
        %or3A_458 = vector.broadcast %or3A_457 : i32 to vector<16xi32>
        %or3A_459 = arith.ori %broadcast_in_dim3A_242, %or3A_458 : vector<16xi32>
        %gather3A_460 = tpu.vector_load_idx %arg20[%or3A_459] : memref<6400xi32, #tpu.memory_space<vmem>>[vector<16xi32>], vector<16xi32>,
        %gather3A_461 = tpu.vector_load_idx %arg21[%or3A_459] : memref<6400xi32, #tpu.memory_space<vmem>>[vector<16xi32>], vector<16xi32>,
        %or3A_462 = arith.ori %gather3A_460, %iota3A : vector<16xi32>
        %gather3A_463 = tpu.vector_load_idx %arg22[%or3A_462] : memref<64000xf32, #tpu.memory_space<vmem>>[vector<16xi32>], vector<16xf32>,
        %or3A_464 = arith.ori %gather3A_460, %add3A_168 : vector<16xi32>
        %gather3A_465 = tpu.vector_load_idx %arg22[%or3A_464] : memref<64000xf32, #tpu.memory_space<vmem>>[vector<16xi32>], vector<16xf32>,
        %or3A_466 = arith.ori %gather3A_460, %add3A_171 : vector<16xi32>
        %gather3A_467 = tpu.vector_load_idx %arg22[%or3A_466] : memref<64000xf32, #tpu.memory_space<vmem>>[vector<16xi32>], vector<16xf32>,
        %or3A_468 = arith.ori %gather3A_460, %add3A_174 : vector<16xi32>
        %gather3A_469 = tpu.vector_load_idx %arg22[%or3A_468] : memref<64000xf32, #tpu.memory_space<vmem>>[vector<16xi32>], vector<16xf32>,
        %or3A_470 = arith.ori %gather3A_461, %iota3A : vector<16xi32>
        %gather3A_471 = tpu.vector_load_idx %arg19[%or3A_470] : memref<8192xf32, #tpu.memory_space<vmem>>[vector<16xi32>], vector<16xf32>,
        %or3A_472 = arith.ori %gather3A_461, %add3A_168 : vector<16xi32>
        %gather3A_473 = tpu.vector_load_idx %arg19[%or3A_472] : memref<8192xf32, #tpu.memory_space<vmem>>[vector<16xi32>], vector<16xf32>,
        %or3A_474 = arith.ori %gather3A_461, %add3A_171 : vector<16xi32>
        %gather3A_475 = tpu.vector_load_idx %arg19[%or3A_474] : memref<8192xf32, #tpu.memory_space<vmem>>[vector<16xi32>], vector<16xf32>,
        %or3A_476 = arith.ori %gather3A_461, %add3A_174 : vector<16xi32>
        %gather3A_477 = tpu.vector_load_idx %arg19[%or3A_476] : memref<8192xf32, #tpu.memory_space<vmem>>[vector<16xi32>], vector<16xf32>,
        %sub3A_478 = arith.subf %gather3A_471, %gather3A_463 : vector<16xf32>
        %sub3A_479 = arith.subf %gather3A_473, %gather3A_465 : vector<16xf32>
        %abs3A_480 = math.absf %sub3A_478 : vector<16xf32>
        %abs3A_481 = math.absf %sub3A_479 : vector<16xf32>
        %sub3A_482 = arith.constant 3.14159274 : f32
        %sub3A_483 = vector.broadcast %sub3A_482 : f32 to vector<16xf32>
        %sub3A_484 = arith.subf %sub3A_483, %abs3A_480 : vector<16xf32>
        %min3A_485 = arith.minimumf %abs3A_480, %sub3A_484 : vector<16xf32>
        %sub3A_486 = arith.constant 3.14159274 : f32
        %sub3A_487 = vector.broadcast %sub3A_486 : f32 to vector<16xf32>
        %sub3A_488 = arith.subf %sub3A_487, %abs3A_481 : vector<16xf32>
        %min3A_489 = arith.minimumf %abs3A_481, %sub3A_488 : vector<16xf32>
        %mul3A_490 = arith.mulf %min3A_485, %min3A_485 : vector<16xf32>
        %mul3A_491 = arith.mulf %min3A_489, %min3A_489 : vector<16xf32>
        %mul3A_492 = arith.mulf %min3A_485, %mul3A_490 : vector<16xf32>
        %mul3A_493 = arith.constant 7.893740e-03 : f32
        %mul3A_494 = vector.broadcast %mul3A_493 : f32 to vector<16xf32>
        %mul3A_495 = arith.mulf %mul3A_490, %mul3A_494 : vector<16xf32>
        %add3A_496 = arith.constant -0.166581243 : f32
        %add3A_497 = vector.broadcast %add3A_496 : f32 to vector<16xf32>
        %add3A_498 = arith.addf %add3A_497, %mul3A_495 : vector<16xf32>
        %mul3A_499 = arith.mulf %mul3A_492, %add3A_498 : vector<16xf32>
        %add3A_500 = arith.addf %min3A_485, %mul3A_499 : vector<16xf32>
        %mul3A_501 = arith.mulf %min3A_489, %mul3A_491 : vector<16xf32>
        %mul3A_502 = arith.constant 7.893740e-03 : f32
        %mul3A_503 = vector.broadcast %mul3A_502 : f32 to vector<16xf32>
        %mul3A_504 = arith.mulf %mul3A_491, %mul3A_503 : vector<16xf32>
        %add3A_505 = arith.constant -0.166581243 : f32
        %add3A_506 = vector.broadcast %add3A_505 : f32 to vector<16xf32>
        %add3A_507 = arith.addf %add3A_506, %mul3A_504 : vector<16xf32>
        %mul3A_508 = arith.mulf %mul3A_501, %add3A_507 : vector<16xf32>
        %add3A_509 = arith.addf %min3A_489, %mul3A_508 : vector<16xf32>
        %sub3A_510 = arith.subf %gather3A_475, %gather3A_467 : vector<16xf32>
        %sub3A_511 = arith.subf %gather3A_477, %gather3A_469 : vector<16xf32>
        %add3A_512 = arith.addf %add3A_500, %add3A_509 : vector<16xf32>
        %mul3A_513 = arith.mulf %sub3A_510, %sub3A_510 : vector<16xf32>
        %mul3A_514 = arith.mulf %sub3A_511, %sub3A_511 : vector<16xf32>
        %add3A_515 = arith.addf %mul3A_513, %mul3A_514 : vector<16xf32>
        %reduce_sum3A_516 = arith.constant true
        %reduce_sum3A_517 = vector.broadcast %reduce_sum3A_516 : i1 to vector<16xi1>
        %reduce_sum3A_518 = tpu.scan <sum>, %add3A_512 masked %reduce_sum3A_517 : vector<16xf32>, vector<16xi1> -> vector<16xf32>
        %reduce_sum3A_519 = vector.extract %reduce_sum3A_518[15] : f32 from vector<16xf32>
        %reduce_sum3A_520 = arith.constant true
        %reduce_sum3A_521 = vector.broadcast %reduce_sum3A_520 : i1 to vector<16xi1>
        %reduce_sum3A_522 = tpu.scan <sum>, %add3A_515 masked %reduce_sum3A_521 : vector<16xf32>, vector<16xi1> -> vector<16xf32>
        %reduce_sum3A_523 = vector.extract %reduce_sum3A_522[15] : f32 from vector<16xf32>
        %broadcast_in_dim3A_524 = vector.broadcast %reduce_sum3A_519 : f32 to vector<16xf32>
        %select_n3A_525 = arith.select %eq3A_129, %broadcast_in_dim3A_524, %select_n3A_454 : vector<16xi1>, vector<16xf32>
        %broadcast_in_dim3A_526 = vector.broadcast %reduce_sum3A_523 : f32 to vector<16xf32>
        %select_n3A_527 = arith.select %eq3A_129, %broadcast_in_dim3A_526, %select_n3A_456 : vector<16xi1>, vector<16xf32>
        %or3A_528 = arith.constant 4 : i32
        %or3A_529 = vector.broadcast %or3A_528 : i32 to vector<16xi32>
        %or3A_530 = arith.ori %broadcast_in_dim3A_242, %or3A_529 : vector<16xi32>
        %gather3A_531 = tpu.vector_load_idx %arg20[%or3A_530] : memref<6400xi32, #tpu.memory_space<vmem>>[vector<16xi32>], vector<16xi32>,
        %gather3A_532 = tpu.vector_load_idx %arg21[%or3A_530] : memref<6400xi32, #tpu.memory_space<vmem>>[vector<16xi32>], vector<16xi32>,
        %or3A_533 = arith.ori %gather3A_531, %iota3A : vector<16xi32>
        %gather3A_534 = tpu.vector_load_idx %arg22[%or3A_533] : memref<64000xf32, #tpu.memory_space<vmem>>[vector<16xi32>], vector<16xf32>,
        %or3A_535 = arith.ori %gather3A_531, %add3A_168 : vector<16xi32>
        %gather3A_536 = tpu.vector_load_idx %arg22[%or3A_535] : memref<64000xf32, #tpu.memory_space<vmem>>[vector<16xi32>], vector<16xf32>,
        %or3A_537 = arith.ori %gather3A_531, %add3A_171 : vector<16xi32>
        %gather3A_538 = tpu.vector_load_idx %arg22[%or3A_537] : memref<64000xf32, #tpu.memory_space<vmem>>[vector<16xi32>], vector<16xf32>,
        %or3A_539 = arith.ori %gather3A_531, %add3A_174 : vector<16xi32>
        %gather3A_540 = tpu.vector_load_idx %arg22[%or3A_539] : memref<64000xf32, #tpu.memory_space<vmem>>[vector<16xi32>], vector<16xf32>,
        %or3A_541 = arith.ori %gather3A_532, %iota3A : vector<16xi32>
        %gather3A_542 = tpu.vector_load_idx %arg19[%or3A_541] : memref<8192xf32, #tpu.memory_space<vmem>>[vector<16xi32>], vector<16xf32>,
        %or3A_543 = arith.ori %gather3A_532, %add3A_168 : vector<16xi32>
        %gather3A_544 = tpu.vector_load_idx %arg19[%or3A_543] : memref<8192xf32, #tpu.memory_space<vmem>>[vector<16xi32>], vector<16xf32>,
        %or3A_545 = arith.ori %gather3A_532, %add3A_171 : vector<16xi32>
        %gather3A_546 = tpu.vector_load_idx %arg19[%or3A_545] : memref<8192xf32, #tpu.memory_space<vmem>>[vector<16xi32>], vector<16xf32>,
        %or3A_547 = arith.ori %gather3A_532, %add3A_174 : vector<16xi32>
        %gather3A_548 = tpu.vector_load_idx %arg19[%or3A_547] : memref<8192xf32, #tpu.memory_space<vmem>>[vector<16xi32>], vector<16xf32>,
        %sub3A_549 = arith.subf %gather3A_542, %gather3A_534 : vector<16xf32>
        %sub3A_550 = arith.subf %gather3A_544, %gather3A_536 : vector<16xf32>
        %abs3A_551 = math.absf %sub3A_549 : vector<16xf32>
        %abs3A_552 = math.absf %sub3A_550 : vector<16xf32>
        %sub3A_553 = arith.constant 3.14159274 : f32
        %sub3A_554 = vector.broadcast %sub3A_553 : f32 to vector<16xf32>
        %sub3A_555 = arith.subf %sub3A_554, %abs3A_551 : vector<16xf32>
        %min3A_556 = arith.minimumf %abs3A_551, %sub3A_555 : vector<16xf32>
        %sub3A_557 = arith.constant 3.14159274 : f32
        %sub3A_558 = vector.broadcast %sub3A_557 : f32 to vector<16xf32>
        %sub3A_559 = arith.subf %sub3A_558, %abs3A_552 : vector<16xf32>
        %min3A_560 = arith.minimumf %abs3A_552, %sub3A_559 : vector<16xf32>
        %mul3A_561 = arith.mulf %min3A_556, %min3A_556 : vector<16xf32>
        %mul3A_562 = arith.mulf %min3A_560, %min3A_560 : vector<16xf32>
        %mul3A_563 = arith.mulf %min3A_556, %mul3A_561 : vector<16xf32>
        %mul3A_564 = arith.constant 7.893740e-03 : f32
        %mul3A_565 = vector.broadcast %mul3A_564 : f32 to vector<16xf32>
        %mul3A_566 = arith.mulf %mul3A_561, %mul3A_565 : vector<16xf32>
        %add3A_567 = arith.constant -0.166581243 : f32
        %add3A_568 = vector.broadcast %add3A_567 : f32 to vector<16xf32>
        %add3A_569 = arith.addf %add3A_568, %mul3A_566 : vector<16xf32>
        %mul3A_570 = arith.mulf %mul3A_563, %add3A_569 : vector<16xf32>
        %add3A_571 = arith.addf %min3A_556, %mul3A_570 : vector<16xf32>
        %mul3A_572 = arith.mulf %min3A_560, %mul3A_562 : vector<16xf32>
        %mul3A_573 = arith.constant 7.893740e-03 : f32
        %mul3A_574 = vector.broadcast %mul3A_573 : f32 to vector<16xf32>
        %mul3A_575 = arith.mulf %mul3A_562, %mul3A_574 : vector<16xf32>
        %add3A_576 = arith.constant -0.166581243 : f32
        %add3A_577 = vector.broadcast %add3A_576 : f32 to vector<16xf32>
        %add3A_578 = arith.addf %add3A_577, %mul3A_575 : vector<16xf32>
        %mul3A_579 = arith.mulf %mul3A_572, %add3A_578 : vector<16xf32>
        %add3A_580 = arith.addf %min3A_560, %mul3A_579 : vector<16xf32>
        %sub3A_581 = arith.subf %gather3A_546, %gather3A_538 : vector<16xf32>
        %sub3A_582 = arith.subf %gather3A_548, %gather3A_540 : vector<16xf32>
        %add3A_583 = arith.addf %add3A_571, %add3A_580 : vector<16xf32>
        %mul3A_584 = arith.mulf %sub3A_581, %sub3A_581 : vector<16xf32>
        %mul3A_585 = arith.mulf %sub3A_582, %sub3A_582 : vector<16xf32>
        %add3A_586 = arith.addf %mul3A_584, %mul3A_585 : vector<16xf32>
        %reduce_sum3A_587 = arith.constant true
        %reduce_sum3A_588 = vector.broadcast %reduce_sum3A_587 : i1 to vector<16xi1>
        %reduce_sum3A_589 = tpu.scan <sum>, %add3A_583 masked %reduce_sum3A_588 : vector<16xf32>, vector<16xi1> -> vector<16xf32>
        %reduce_sum3A_590 = vector.extract %reduce_sum3A_589[15] : f32 from vector<16xf32>
        %reduce_sum3A_591 = arith.constant true
        %reduce_sum3A_592 = vector.broadcast %reduce_sum3A_591 : i1 to vector<16xi1>
        %reduce_sum3A_593 = tpu.scan <sum>, %add3A_586 masked %reduce_sum3A_592 : vector<16xf32>, vector<16xi1> -> vector<16xf32>
        %reduce_sum3A_594 = vector.extract %reduce_sum3A_593[15] : f32 from vector<16xf32>
        %broadcast_in_dim3A_595 = vector.broadcast %reduce_sum3A_590 : f32 to vector<16xf32>
        %select_n3A_596 = arith.select %eq3A_132, %broadcast_in_dim3A_595, %select_n3A_525 : vector<16xi1>, vector<16xf32>
        %broadcast_in_dim3A_597 = vector.broadcast %reduce_sum3A_594 : f32 to vector<16xf32>
        %select_n3A_598 = arith.select %eq3A_132, %broadcast_in_dim3A_597, %select_n3A_527 : vector<16xi1>, vector<16xf32>
        %or3A_599 = arith.constant 5 : i32
        %or3A_600 = vector.broadcast %or3A_599 : i32 to vector<16xi32>
        %or3A_601 = arith.ori %broadcast_in_dim3A_242, %or3A_600 : vector<16xi32>
        %gather3A_602 = tpu.vector_load_idx %arg20[%or3A_601] : memref<6400xi32, #tpu.memory_space<vmem>>[vector<16xi32>], vector<16xi32>,
        %gather3A_603 = tpu.vector_load_idx %arg21[%or3A_601] : memref<6400xi32, #tpu.memory_space<vmem>>[vector<16xi32>], vector<16xi32>,
        %or3A_604 = arith.ori %gather3A_602, %iota3A : vector<16xi32>
        %gather3A_605 = tpu.vector_load_idx %arg22[%or3A_604] : memref<64000xf32, #tpu.memory_space<vmem>>[vector<16xi32>], vector<16xf32>,
        %or3A_606 = arith.ori %gather3A_602, %add3A_168 : vector<16xi32>
        %gather3A_607 = tpu.vector_load_idx %arg22[%or3A_606] : memref<64000xf32, #tpu.memory_space<vmem>>[vector<16xi32>], vector<16xf32>,
        %or3A_608 = arith.ori %gather3A_602, %add3A_171 : vector<16xi32>
        %gather3A_609 = tpu.vector_load_idx %arg22[%or3A_608] : memref<64000xf32, #tpu.memory_space<vmem>>[vector<16xi32>], vector<16xf32>,
        %or3A_610 = arith.ori %gather3A_602, %add3A_174 : vector<16xi32>
        %gather3A_611 = tpu.vector_load_idx %arg22[%or3A_610] : memref<64000xf32, #tpu.memory_space<vmem>>[vector<16xi32>], vector<16xf32>,
        %or3A_612 = arith.ori %gather3A_603, %iota3A : vector<16xi32>
        %gather3A_613 = tpu.vector_load_idx %arg19[%or3A_612] : memref<8192xf32, #tpu.memory_space<vmem>>[vector<16xi32>], vector<16xf32>,
        %or3A_614 = arith.ori %gather3A_603, %add3A_168 : vector<16xi32>
        %gather3A_615 = tpu.vector_load_idx %arg19[%or3A_614] : memref<8192xf32, #tpu.memory_space<vmem>>[vector<16xi32>], vector<16xf32>,
        %or3A_616 = arith.ori %gather3A_603, %add3A_171 : vector<16xi32>
        %gather3A_617 = tpu.vector_load_idx %arg19[%or3A_616] : memref<8192xf32, #tpu.memory_space<vmem>>[vector<16xi32>], vector<16xf32>,
        %or3A_618 = arith.ori %gather3A_603, %add3A_174 : vector<16xi32>
        %gather3A_619 = tpu.vector_load_idx %arg19[%or3A_618] : memref<8192xf32, #tpu.memory_space<vmem>>[vector<16xi32>], vector<16xf32>,
        %sub3A_620 = arith.subf %gather3A_613, %gather3A_605 : vector<16xf32>
        %sub3A_621 = arith.subf %gather3A_615, %gather3A_607 : vector<16xf32>
        %abs3A_622 = math.absf %sub3A_620 : vector<16xf32>
        %abs3A_623 = math.absf %sub3A_621 : vector<16xf32>
        %sub3A_624 = arith.constant 3.14159274 : f32
        %sub3A_625 = vector.broadcast %sub3A_624 : f32 to vector<16xf32>
        %sub3A_626 = arith.subf %sub3A_625, %abs3A_622 : vector<16xf32>
        %min3A_627 = arith.minimumf %abs3A_622, %sub3A_626 : vector<16xf32>
        %sub3A_628 = arith.constant 3.14159274 : f32
        %sub3A_629 = vector.broadcast %sub3A_628 : f32 to vector<16xf32>
        %sub3A_630 = arith.subf %sub3A_629, %abs3A_623 : vector<16xf32>
        %min3A_631 = arith.minimumf %abs3A_623, %sub3A_630 : vector<16xf32>
        %mul3A_632 = arith.mulf %min3A_627, %min3A_627 : vector<16xf32>
        %mul3A_633 = arith.mulf %min3A_631, %min3A_631 : vector<16xf32>
        %mul3A_634 = arith.mulf %min3A_627, %mul3A_632 : vector<16xf32>
        %mul3A_635 = arith.constant 7.893740e-03 : f32
        %mul3A_636 = vector.broadcast %mul3A_635 : f32 to vector<16xf32>
        %mul3A_637 = arith.mulf %mul3A_632, %mul3A_636 : vector<16xf32>
        %add3A_638 = arith.constant -0.166581243 : f32
        %add3A_639 = vector.broadcast %add3A_638 : f32 to vector<16xf32>
        %add3A_640 = arith.addf %add3A_639, %mul3A_637 : vector<16xf32>
        %mul3A_641 = arith.mulf %mul3A_634, %add3A_640 : vector<16xf32>
        %add3A_642 = arith.addf %min3A_627, %mul3A_641 : vector<16xf32>
        %mul3A_643 = arith.mulf %min3A_631, %mul3A_633 : vector<16xf32>
        %mul3A_644 = arith.constant 7.893740e-03 : f32
        %mul3A_645 = vector.broadcast %mul3A_644 : f32 to vector<16xf32>
        %mul3A_646 = arith.mulf %mul3A_633, %mul3A_645 : vector<16xf32>
        %add3A_647 = arith.constant -0.166581243 : f32
        %add3A_648 = vector.broadcast %add3A_647 : f32 to vector<16xf32>
        %add3A_649 = arith.addf %add3A_648, %mul3A_646 : vector<16xf32>
        %mul3A_650 = arith.mulf %mul3A_643, %add3A_649 : vector<16xf32>
        %add3A_651 = arith.addf %min3A_631, %mul3A_650 : vector<16xf32>
        %sub3A_652 = arith.subf %gather3A_617, %gather3A_609 : vector<16xf32>
        %sub3A_653 = arith.subf %gather3A_619, %gather3A_611 : vector<16xf32>
        %add3A_654 = arith.addf %add3A_642, %add3A_651 : vector<16xf32>
        %mul3A_655 = arith.mulf %sub3A_652, %sub3A_652 : vector<16xf32>
        %mul3A_656 = arith.mulf %sub3A_653, %sub3A_653 : vector<16xf32>
        %add3A_657 = arith.addf %mul3A_655, %mul3A_656 : vector<16xf32>
        %reduce_sum3A_658 = arith.constant true
        %reduce_sum3A_659 = vector.broadcast %reduce_sum3A_658 : i1 to vector<16xi1>
        %reduce_sum3A_660 = tpu.scan <sum>, %add3A_654 masked %reduce_sum3A_659 : vector<16xf32>, vector<16xi1> -> vector<16xf32>
        %reduce_sum3A_661 = vector.extract %reduce_sum3A_660[15] : f32 from vector<16xf32>
        %reduce_sum3A_662 = arith.constant true
        %reduce_sum3A_663 = vector.broadcast %reduce_sum3A_662 : i1 to vector<16xi1>
        %reduce_sum3A_664 = tpu.scan <sum>, %add3A_657 masked %reduce_sum3A_663 : vector<16xf32>, vector<16xi1> -> vector<16xf32>
        %reduce_sum3A_665 = vector.extract %reduce_sum3A_664[15] : f32 from vector<16xf32>
        %broadcast_in_dim3A_666 = vector.broadcast %reduce_sum3A_661 : f32 to vector<16xf32>
        %select_n3A_667 = arith.select %eq3A_135, %broadcast_in_dim3A_666, %select_n3A_596 : vector<16xi1>, vector<16xf32>
        %broadcast_in_dim3A_668 = vector.broadcast %reduce_sum3A_665 : f32 to vector<16xf32>
        %select_n3A_669 = arith.select %eq3A_135, %broadcast_in_dim3A_668, %select_n3A_598 : vector<16xi1>, vector<16xf32>
        %or3A_670 = arith.constant 6 : i32
        %or3A_671 = vector.broadcast %or3A_670 : i32 to vector<16xi32>
        %or3A_672 = arith.ori %broadcast_in_dim3A_242, %or3A_671 : vector<16xi32>
        %gather3A_673 = tpu.vector_load_idx %arg20[%or3A_672] : memref<6400xi32, #tpu.memory_space<vmem>>[vector<16xi32>], vector<16xi32>,
        %gather3A_674 = tpu.vector_load_idx %arg21[%or3A_672] : memref<6400xi32, #tpu.memory_space<vmem>>[vector<16xi32>], vector<16xi32>,
        %or3A_675 = arith.ori %gather3A_673, %iota3A : vector<16xi32>
        %gather3A_676 = tpu.vector_load_idx %arg22[%or3A_675] : memref<64000xf32, #tpu.memory_space<vmem>>[vector<16xi32>], vector<16xf32>,
        %or3A_677 = arith.ori %gather3A_673, %add3A_168 : vector<16xi32>
        %gather3A_678 = tpu.vector_load_idx %arg22[%or3A_677] : memref<64000xf32, #tpu.memory_space<vmem>>[vector<16xi32>], vector<16xf32>,
        %or3A_679 = arith.ori %gather3A_673, %add3A_171 : vector<16xi32>
        %gather3A_680 = tpu.vector_load_idx %arg22[%or3A_679] : memref<64000xf32, #tpu.memory_space<vmem>>[vector<16xi32>], vector<16xf32>,
        %or3A_681 = arith.ori %gather3A_673, %add3A_174 : vector<16xi32>
        %gather3A_682 = tpu.vector_load_idx %arg22[%or3A_681] : memref<64000xf32, #tpu.memory_space<vmem>>[vector<16xi32>], vector<16xf32>,
        %or3A_683 = arith.ori %gather3A_674, %iota3A : vector<16xi32>
        %gather3A_684 = tpu.vector_load_idx %arg19[%or3A_683] : memref<8192xf32, #tpu.memory_space<vmem>>[vector<16xi32>], vector<16xf32>,
        %or3A_685 = arith.ori %gather3A_674, %add3A_168 : vector<16xi32>
        %gather3A_686 = tpu.vector_load_idx %arg19[%or3A_685] : memref<8192xf32, #tpu.memory_space<vmem>>[vector<16xi32>], vector<16xf32>,
        %or3A_687 = arith.ori %gather3A_674, %add3A_171 : vector<16xi32>
        %gather3A_688 = tpu.vector_load_idx %arg19[%or3A_687] : memref<8192xf32, #tpu.memory_space<vmem>>[vector<16xi32>], vector<16xf32>,
        %or3A_689 = arith.ori %gather3A_674, %add3A_174 : vector<16xi32>
        %gather3A_690 = tpu.vector_load_idx %arg19[%or3A_689] : memref<8192xf32, #tpu.memory_space<vmem>>[vector<16xi32>], vector<16xf32>,
        %sub3A_691 = arith.subf %gather3A_684, %gather3A_676 : vector<16xf32>
        %sub3A_692 = arith.subf %gather3A_686, %gather3A_678 : vector<16xf32>
        %abs3A_693 = math.absf %sub3A_691 : vector<16xf32>
        %abs3A_694 = math.absf %sub3A_692 : vector<16xf32>
        %sub3A_695 = arith.constant 3.14159274 : f32
        %sub3A_696 = vector.broadcast %sub3A_695 : f32 to vector<16xf32>
        %sub3A_697 = arith.subf %sub3A_696, %abs3A_693 : vector<16xf32>
        %min3A_698 = arith.minimumf %abs3A_693, %sub3A_697 : vector<16xf32>
        %sub3A_699 = arith.constant 3.14159274 : f32
        %sub3A_700 = vector.broadcast %sub3A_699 : f32 to vector<16xf32>
        %sub3A_701 = arith.subf %sub3A_700, %abs3A_694 : vector<16xf32>
        %min3A_702 = arith.minimumf %abs3A_694, %sub3A_701 : vector<16xf32>
        %mul3A_703 = arith.mulf %min3A_698, %min3A_698 : vector<16xf32>
        %mul3A_704 = arith.mulf %min3A_702, %min3A_702 : vector<16xf32>
        %mul3A_705 = arith.mulf %min3A_698, %mul3A_703 : vector<16xf32>
        %mul3A_706 = arith.constant 7.893740e-03 : f32
        %mul3A_707 = vector.broadcast %mul3A_706 : f32 to vector<16xf32>
        %mul3A_708 = arith.mulf %mul3A_703, %mul3A_707 : vector<16xf32>
        %add3A_709 = arith.constant -0.166581243 : f32
        %add3A_710 = vector.broadcast %add3A_709 : f32 to vector<16xf32>
        %add3A_711 = arith.addf %add3A_710, %mul3A_708 : vector<16xf32>
        %mul3A_712 = arith.mulf %mul3A_705, %add3A_711 : vector<16xf32>
        %add3A_713 = arith.addf %min3A_698, %mul3A_712 : vector<16xf32>
        %mul3A_714 = arith.mulf %min3A_702, %mul3A_704 : vector<16xf32>
        %mul3A_715 = arith.constant 7.893740e-03 : f32
        %mul3A_716 = vector.broadcast %mul3A_715 : f32 to vector<16xf32>
        %mul3A_717 = arith.mulf %mul3A_704, %mul3A_716 : vector<16xf32>
        %add3A_718 = arith.constant -0.166581243 : f32
        %add3A_719 = vector.broadcast %add3A_718 : f32 to vector<16xf32>
        %add3A_720 = arith.addf %add3A_719, %mul3A_717 : vector<16xf32>
        %mul3A_721 = arith.mulf %mul3A_714, %add3A_720 : vector<16xf32>
        %add3A_722 = arith.addf %min3A_702, %mul3A_721 : vector<16xf32>
        %sub3A_723 = arith.subf %gather3A_688, %gather3A_680 : vector<16xf32>
        %sub3A_724 = arith.subf %gather3A_690, %gather3A_682 : vector<16xf32>
        %add3A_725 = arith.addf %add3A_713, %add3A_722 : vector<16xf32>
        %mul3A_726 = arith.mulf %sub3A_723, %sub3A_723 : vector<16xf32>
        %mul3A_727 = arith.mulf %sub3A_724, %sub3A_724 : vector<16xf32>
        %add3A_728 = arith.addf %mul3A_726, %mul3A_727 : vector<16xf32>
        %reduce_sum3A_729 = arith.constant true
        %reduce_sum3A_730 = vector.broadcast %reduce_sum3A_729 : i1 to vector<16xi1>
        %reduce_sum3A_731 = tpu.scan <sum>, %add3A_725 masked %reduce_sum3A_730 : vector<16xf32>, vector<16xi1> -> vector<16xf32>
        %reduce_sum3A_732 = vector.extract %reduce_sum3A_731[15] : f32 from vector<16xf32>
        %reduce_sum3A_733 = arith.constant true
        %reduce_sum3A_734 = vector.broadcast %reduce_sum3A_733 : i1 to vector<16xi1>
        %reduce_sum3A_735 = tpu.scan <sum>, %add3A_728 masked %reduce_sum3A_734 : vector<16xf32>, vector<16xi1> -> vector<16xf32>
        %reduce_sum3A_736 = vector.extract %reduce_sum3A_735[15] : f32 from vector<16xf32>
        %broadcast_in_dim3A_737 = vector.broadcast %reduce_sum3A_732 : f32 to vector<16xf32>
        %select_n3A_738 = arith.select %eq3A_138, %broadcast_in_dim3A_737, %select_n3A_667 : vector<16xi1>, vector<16xf32>
        %broadcast_in_dim3A_739 = vector.broadcast %reduce_sum3A_736 : f32 to vector<16xf32>
        %select_n3A_740 = arith.select %eq3A_138, %broadcast_in_dim3A_739, %select_n3A_669 : vector<16xi1>, vector<16xf32>
        %or3A_741 = arith.constant 7 : i32
        %or3A_742 = vector.broadcast %or3A_741 : i32 to vector<16xi32>
        %or3A_743 = arith.ori %broadcast_in_dim3A_242, %or3A_742 : vector<16xi32>
        %gather3A_744 = tpu.vector_load_idx %arg20[%or3A_743] : memref<6400xi32, #tpu.memory_space<vmem>>[vector<16xi32>], vector<16xi32>,
        %gather3A_745 = tpu.vector_load_idx %arg21[%or3A_743] : memref<6400xi32, #tpu.memory_space<vmem>>[vector<16xi32>], vector<16xi32>,
        %or3A_746 = arith.ori %gather3A_744, %iota3A : vector<16xi32>
        %gather3A_747 = tpu.vector_load_idx %arg22[%or3A_746] : memref<64000xf32, #tpu.memory_space<vmem>>[vector<16xi32>], vector<16xf32>,
        %or3A_748 = arith.ori %gather3A_744, %add3A_168 : vector<16xi32>
        %gather3A_749 = tpu.vector_load_idx %arg22[%or3A_748] : memref<64000xf32, #tpu.memory_space<vmem>>[vector<16xi32>], vector<16xf32>,
        %or3A_750 = arith.ori %gather3A_744, %add3A_171 : vector<16xi32>
        %gather3A_751 = tpu.vector_load_idx %arg22[%or3A_750] : memref<64000xf32, #tpu.memory_space<vmem>>[vector<16xi32>], vector<16xf32>,
        %or3A_752 = arith.ori %gather3A_744, %add3A_174 : vector<16xi32>
        %gather3A_753 = tpu.vector_load_idx %arg22[%or3A_752] : memref<64000xf32, #tpu.memory_space<vmem>>[vector<16xi32>], vector<16xf32>,
        %or3A_754 = arith.ori %gather3A_745, %iota3A : vector<16xi32>
        %gather3A_755 = tpu.vector_load_idx %arg19[%or3A_754] : memref<8192xf32, #tpu.memory_space<vmem>>[vector<16xi32>], vector<16xf32>,
        %or3A_756 = arith.ori %gather3A_745, %add3A_168 : vector<16xi32>
        %gather3A_757 = tpu.vector_load_idx %arg19[%or3A_756] : memref<8192xf32, #tpu.memory_space<vmem>>[vector<16xi32>], vector<16xf32>,
        %or3A_758 = arith.ori %gather3A_745, %add3A_171 : vector<16xi32>
        %gather3A_759 = tpu.vector_load_idx %arg19[%or3A_758] : memref<8192xf32, #tpu.memory_space<vmem>>[vector<16xi32>], vector<16xf32>,
        %or3A_760 = arith.ori %gather3A_745, %add3A_174 : vector<16xi32>
        %gather3A_761 = tpu.vector_load_idx %arg19[%or3A_760] : memref<8192xf32, #tpu.memory_space<vmem>>[vector<16xi32>], vector<16xf32>,
        %sub3A_762 = arith.subf %gather3A_755, %gather3A_747 : vector<16xf32>
        %sub3A_763 = arith.subf %gather3A_757, %gather3A_749 : vector<16xf32>
        %abs3A_764 = math.absf %sub3A_762 : vector<16xf32>
        %abs3A_765 = math.absf %sub3A_763 : vector<16xf32>
        %sub3A_766 = arith.constant 3.14159274 : f32
        %sub3A_767 = vector.broadcast %sub3A_766 : f32 to vector<16xf32>
        %sub3A_768 = arith.subf %sub3A_767, %abs3A_764 : vector<16xf32>
        %min3A_769 = arith.minimumf %abs3A_764, %sub3A_768 : vector<16xf32>
        %sub3A_770 = arith.constant 3.14159274 : f32
        %sub3A_771 = vector.broadcast %sub3A_770 : f32 to vector<16xf32>
        %sub3A_772 = arith.subf %sub3A_771, %abs3A_765 : vector<16xf32>
        %min3A_773 = arith.minimumf %abs3A_765, %sub3A_772 : vector<16xf32>
        %mul3A_774 = arith.mulf %min3A_769, %min3A_769 : vector<16xf32>
        %mul3A_775 = arith.mulf %min3A_773, %min3A_773 : vector<16xf32>
        %mul3A_776 = arith.mulf %min3A_769, %mul3A_774 : vector<16xf32>
        %mul3A_777 = arith.constant 7.893740e-03 : f32
        %mul3A_778 = vector.broadcast %mul3A_777 : f32 to vector<16xf32>
        %mul3A_779 = arith.mulf %mul3A_774, %mul3A_778 : vector<16xf32>
        %add3A_780 = arith.constant -0.166581243 : f32
        %add3A_781 = vector.broadcast %add3A_780 : f32 to vector<16xf32>
        %add3A_782 = arith.addf %add3A_781, %mul3A_779 : vector<16xf32>
        %mul3A_783 = arith.mulf %mul3A_776, %add3A_782 : vector<16xf32>
        %add3A_784 = arith.addf %min3A_769, %mul3A_783 : vector<16xf32>
        %mul3A_785 = arith.mulf %min3A_773, %mul3A_775 : vector<16xf32>
        %mul3A_786 = arith.constant 7.893740e-03 : f32
        %mul3A_787 = vector.broadcast %mul3A_786 : f32 to vector<16xf32>
        %mul3A_788 = arith.mulf %mul3A_775, %mul3A_787 : vector<16xf32>
        %add3A_789 = arith.constant -0.166581243 : f32
        %add3A_790 = vector.broadcast %add3A_789 : f32 to vector<16xf32>
        %add3A_791 = arith.addf %add3A_790, %mul3A_788 : vector<16xf32>
        %mul3A_792 = arith.mulf %mul3A_785, %add3A_791 : vector<16xf32>
        %add3A_793 = arith.addf %min3A_773, %mul3A_792 : vector<16xf32>
        %sub3A_794 = arith.subf %gather3A_759, %gather3A_751 : vector<16xf32>
        %sub3A_795 = arith.subf %gather3A_761, %gather3A_753 : vector<16xf32>
        %add3A_796 = arith.addf %add3A_784, %add3A_793 : vector<16xf32>
        %mul3A_797 = arith.mulf %sub3A_794, %sub3A_794 : vector<16xf32>
        %mul3A_798 = arith.mulf %sub3A_795, %sub3A_795 : vector<16xf32>
        %add3A_799 = arith.addf %mul3A_797, %mul3A_798 : vector<16xf32>
        %reduce_sum3A_800 = arith.constant true
        %reduce_sum3A_801 = vector.broadcast %reduce_sum3A_800 : i1 to vector<16xi1>
        %reduce_sum3A_802 = tpu.scan <sum>, %add3A_796 masked %reduce_sum3A_801 : vector<16xf32>, vector<16xi1> -> vector<16xf32>
        %reduce_sum3A_803 = vector.extract %reduce_sum3A_802[15] : f32 from vector<16xf32>
        %reduce_sum3A_804 = arith.constant true
        %reduce_sum3A_805 = vector.broadcast %reduce_sum3A_804 : i1 to vector<16xi1>
        %reduce_sum3A_806 = tpu.scan <sum>, %add3A_799 masked %reduce_sum3A_805 : vector<16xf32>, vector<16xi1> -> vector<16xf32>
        %reduce_sum3A_807 = vector.extract %reduce_sum3A_806[15] : f32 from vector<16xf32>
        %broadcast_in_dim3A_808 = vector.broadcast %reduce_sum3A_803 : f32 to vector<16xf32>
        %select_n3A_809 = arith.select %eq3A_141, %broadcast_in_dim3A_808, %select_n3A_738 : vector<16xi1>, vector<16xf32>
        %broadcast_in_dim3A_810 = vector.broadcast %reduce_sum3A_807 : f32 to vector<16xf32>
        %select_n3A_811 = arith.select %eq3A_141, %broadcast_in_dim3A_810, %select_n3A_740 : vector<16xi1>, vector<16xf32>
        %or3A_812 = arith.constant 8 : i32
        %or3A_813 = vector.broadcast %or3A_812 : i32 to vector<16xi32>
        %or3A_814 = arith.ori %broadcast_in_dim3A_242, %or3A_813 : vector<16xi32>
        %gather3A_815 = tpu.vector_load_idx %arg20[%or3A_814] : memref<6400xi32, #tpu.memory_space<vmem>>[vector<16xi32>], vector<16xi32>,
        %gather3A_816 = tpu.vector_load_idx %arg21[%or3A_814] : memref<6400xi32, #tpu.memory_space<vmem>>[vector<16xi32>], vector<16xi32>,
        %or3A_817 = arith.ori %gather3A_815, %iota3A : vector<16xi32>
        %gather3A_818 = tpu.vector_load_idx %arg22[%or3A_817] : memref<64000xf32, #tpu.memory_space<vmem>>[vector<16xi32>], vector<16xf32>,
        %or3A_819 = arith.ori %gather3A_815, %add3A_168 : vector<16xi32>
        %gather3A_820 = tpu.vector_load_idx %arg22[%or3A_819] : memref<64000xf32, #tpu.memory_space<vmem>>[vector<16xi32>], vector<16xf32>,
        %or3A_821 = arith.ori %gather3A_815, %add3A_171 : vector<16xi32>
        %gather3A_822 = tpu.vector_load_idx %arg22[%or3A_821] : memref<64000xf32, #tpu.memory_space<vmem>>[vector<16xi32>], vector<16xf32>,
        %or3A_823 = arith.ori %gather3A_815, %add3A_174 : vector<16xi32>
        %gather3A_824 = tpu.vector_load_idx %arg22[%or3A_823] : memref<64000xf32, #tpu.memory_space<vmem>>[vector<16xi32>], vector<16xf32>,
        %or3A_825 = arith.ori %gather3A_816, %iota3A : vector<16xi32>
        %gather3A_826 = tpu.vector_load_idx %arg19[%or3A_825] : memref<8192xf32, #tpu.memory_space<vmem>>[vector<16xi32>], vector<16xf32>,
        %or3A_827 = arith.ori %gather3A_816, %add3A_168 : vector<16xi32>
        %gather3A_828 = tpu.vector_load_idx %arg19[%or3A_827] : memref<8192xf32, #tpu.memory_space<vmem>>[vector<16xi32>], vector<16xf32>,
        %or3A_829 = arith.ori %gather3A_816, %add3A_171 : vector<16xi32>
        %gather3A_830 = tpu.vector_load_idx %arg19[%or3A_829] : memref<8192xf32, #tpu.memory_space<vmem>>[vector<16xi32>], vector<16xf32>,
        %or3A_831 = arith.ori %gather3A_816, %add3A_174 : vector<16xi32>
        %gather3A_832 = tpu.vector_load_idx %arg19[%or3A_831] : memref<8192xf32, #tpu.memory_space<vmem>>[vector<16xi32>], vector<16xf32>,
        %sub3A_833 = arith.subf %gather3A_826, %gather3A_818 : vector<16xf32>
        %sub3A_834 = arith.subf %gather3A_828, %gather3A_820 : vector<16xf32>
        %abs3A_835 = math.absf %sub3A_833 : vector<16xf32>
        %abs3A_836 = math.absf %sub3A_834 : vector<16xf32>
        %sub3A_837 = arith.constant 3.14159274 : f32
        %sub3A_838 = vector.broadcast %sub3A_837 : f32 to vector<16xf32>
        %sub3A_839 = arith.subf %sub3A_838, %abs3A_835 : vector<16xf32>
        %min3A_840 = arith.minimumf %abs3A_835, %sub3A_839 : vector<16xf32>
        %sub3A_841 = arith.constant 3.14159274 : f32
        %sub3A_842 = vector.broadcast %sub3A_841 : f32 to vector<16xf32>
        %sub3A_843 = arith.subf %sub3A_842, %abs3A_836 : vector<16xf32>
        %min3A_844 = arith.minimumf %abs3A_836, %sub3A_843 : vector<16xf32>
        %mul3A_845 = arith.mulf %min3A_840, %min3A_840 : vector<16xf32>
        %mul3A_846 = arith.mulf %min3A_844, %min3A_844 : vector<16xf32>
        %mul3A_847 = arith.mulf %min3A_840, %mul3A_845 : vector<16xf32>
        %mul3A_848 = arith.constant 7.893740e-03 : f32
        %mul3A_849 = vector.broadcast %mul3A_848 : f32 to vector<16xf32>
        %mul3A_850 = arith.mulf %mul3A_845, %mul3A_849 : vector<16xf32>
        %add3A_851 = arith.constant -0.166581243 : f32
        %add3A_852 = vector.broadcast %add3A_851 : f32 to vector<16xf32>
        %add3A_853 = arith.addf %add3A_852, %mul3A_850 : vector<16xf32>
        %mul3A_854 = arith.mulf %mul3A_847, %add3A_853 : vector<16xf32>
        %add3A_855 = arith.addf %min3A_840, %mul3A_854 : vector<16xf32>
        %mul3A_856 = arith.mulf %min3A_844, %mul3A_846 : vector<16xf32>
        %mul3A_857 = arith.constant 7.893740e-03 : f32
        %mul3A_858 = vector.broadcast %mul3A_857 : f32 to vector<16xf32>
        %mul3A_859 = arith.mulf %mul3A_846, %mul3A_858 : vector<16xf32>
        %add3A_860 = arith.constant -0.166581243 : f32
        %add3A_861 = vector.broadcast %add3A_860 : f32 to vector<16xf32>
        %add3A_862 = arith.addf %add3A_861, %mul3A_859 : vector<16xf32>
        %mul3A_863 = arith.mulf %mul3A_856, %add3A_862 : vector<16xf32>
        %add3A_864 = arith.addf %min3A_844, %mul3A_863 : vector<16xf32>
        %sub3A_865 = arith.subf %gather3A_830, %gather3A_822 : vector<16xf32>
        %sub3A_866 = arith.subf %gather3A_832, %gather3A_824 : vector<16xf32>
        %add3A_867 = arith.addf %add3A_855, %add3A_864 : vector<16xf32>
        %mul3A_868 = arith.mulf %sub3A_865, %sub3A_865 : vector<16xf32>
        %mul3A_869 = arith.mulf %sub3A_866, %sub3A_866 : vector<16xf32>
        %add3A_870 = arith.addf %mul3A_868, %mul3A_869 : vector<16xf32>
        %reduce_sum3A_871 = arith.constant true
        %reduce_sum3A_872 = vector.broadcast %reduce_sum3A_871 : i1 to vector<16xi1>
        %reduce_sum3A_873 = tpu.scan <sum>, %add3A_867 masked %reduce_sum3A_872 : vector<16xf32>, vector<16xi1> -> vector<16xf32>
        %reduce_sum3A_874 = vector.extract %reduce_sum3A_873[15] : f32 from vector<16xf32>
        %reduce_sum3A_875 = arith.constant true
        %reduce_sum3A_876 = vector.broadcast %reduce_sum3A_875 : i1 to vector<16xi1>
        %reduce_sum3A_877 = tpu.scan <sum>, %add3A_870 masked %reduce_sum3A_876 : vector<16xf32>, vector<16xi1> -> vector<16xf32>
        %reduce_sum3A_878 = vector.extract %reduce_sum3A_877[15] : f32 from vector<16xf32>
        %broadcast_in_dim3A_879 = vector.broadcast %reduce_sum3A_874 : f32 to vector<16xf32>
        %select_n3A_880 = arith.select %eq3A_144, %broadcast_in_dim3A_879, %select_n3A_809 : vector<16xi1>, vector<16xf32>
        %broadcast_in_dim3A_881 = vector.broadcast %reduce_sum3A_878 : f32 to vector<16xf32>
        %select_n3A_882 = arith.select %eq3A_144, %broadcast_in_dim3A_881, %select_n3A_811 : vector<16xi1>, vector<16xf32>
        %or3A_883 = arith.constant 9 : i32
        %or3A_884 = vector.broadcast %or3A_883 : i32 to vector<16xi32>
        %or3A_885 = arith.ori %broadcast_in_dim3A_242, %or3A_884 : vector<16xi32>
        %gather3A_886 = tpu.vector_load_idx %arg20[%or3A_885] : memref<6400xi32, #tpu.memory_space<vmem>>[vector<16xi32>], vector<16xi32>,
        %gather3A_887 = tpu.vector_load_idx %arg21[%or3A_885] : memref<6400xi32, #tpu.memory_space<vmem>>[vector<16xi32>], vector<16xi32>,
        %or3A_888 = arith.ori %gather3A_886, %iota3A : vector<16xi32>
        %gather3A_889 = tpu.vector_load_idx %arg22[%or3A_888] : memref<64000xf32, #tpu.memory_space<vmem>>[vector<16xi32>], vector<16xf32>,
        %or3A_890 = arith.ori %gather3A_886, %add3A_168 : vector<16xi32>
        %gather3A_891 = tpu.vector_load_idx %arg22[%or3A_890] : memref<64000xf32, #tpu.memory_space<vmem>>[vector<16xi32>], vector<16xf32>,
        %or3A_892 = arith.ori %gather3A_886, %add3A_171 : vector<16xi32>
        %gather3A_893 = tpu.vector_load_idx %arg22[%or3A_892] : memref<64000xf32, #tpu.memory_space<vmem>>[vector<16xi32>], vector<16xf32>,
        %or3A_894 = arith.ori %gather3A_886, %add3A_174 : vector<16xi32>
        %gather3A_895 = tpu.vector_load_idx %arg22[%or3A_894] : memref<64000xf32, #tpu.memory_space<vmem>>[vector<16xi32>], vector<16xf32>,
        %or3A_896 = arith.ori %gather3A_887, %iota3A : vector<16xi32>
        %gather3A_897 = tpu.vector_load_idx %arg19[%or3A_896] : memref<8192xf32, #tpu.memory_space<vmem>>[vector<16xi32>], vector<16xf32>,
        %or3A_898 = arith.ori %gather3A_887, %add3A_168 : vector<16xi32>
        %gather3A_899 = tpu.vector_load_idx %arg19[%or3A_898] : memref<8192xf32, #tpu.memory_space<vmem>>[vector<16xi32>], vector<16xf32>,
        %or3A_900 = arith.ori %gather3A_887, %add3A_171 : vector<16xi32>
        %gather3A_901 = tpu.vector_load_idx %arg19[%or3A_900] : memref<8192xf32, #tpu.memory_space<vmem>>[vector<16xi32>], vector<16xf32>,
        %or3A_902 = arith.ori %gather3A_887, %add3A_174 : vector<16xi32>
        %gather3A_903 = tpu.vector_load_idx %arg19[%or3A_902] : memref<8192xf32, #tpu.memory_space<vmem>>[vector<16xi32>], vector<16xf32>,
        %sub3A_904 = arith.subf %gather3A_897, %gather3A_889 : vector<16xf32>
        %sub3A_905 = arith.subf %gather3A_899, %gather3A_891 : vector<16xf32>
        %abs3A_906 = math.absf %sub3A_904 : vector<16xf32>
        %abs3A_907 = math.absf %sub3A_905 : vector<16xf32>
        %sub3A_908 = arith.constant 3.14159274 : f32
        %sub3A_909 = vector.broadcast %sub3A_908 : f32 to vector<16xf32>
        %sub3A_910 = arith.subf %sub3A_909, %abs3A_906 : vector<16xf32>
        %min3A_911 = arith.minimumf %abs3A_906, %sub3A_910 : vector<16xf32>
        %sub3A_912 = arith.constant 3.14159274 : f32
        %sub3A_913 = vector.broadcast %sub3A_912 : f32 to vector<16xf32>
        %sub3A_914 = arith.subf %sub3A_913, %abs3A_907 : vector<16xf32>
        %min3A_915 = arith.minimumf %abs3A_907, %sub3A_914 : vector<16xf32>
        %mul3A_916 = arith.mulf %min3A_911, %min3A_911 : vector<16xf32>
        %mul3A_917 = arith.mulf %min3A_915, %min3A_915 : vector<16xf32>
        %mul3A_918 = arith.mulf %min3A_911, %mul3A_916 : vector<16xf32>
        %mul3A_919 = arith.constant 7.893740e-03 : f32
        %mul3A_920 = vector.broadcast %mul3A_919 : f32 to vector<16xf32>
        %mul3A_921 = arith.mulf %mul3A_916, %mul3A_920 : vector<16xf32>
        %add3A_922 = arith.constant -0.166581243 : f32
        %add3A_923 = vector.broadcast %add3A_922 : f32 to vector<16xf32>
        %add3A_924 = arith.addf %add3A_923, %mul3A_921 : vector<16xf32>
        %mul3A_925 = arith.mulf %mul3A_918, %add3A_924 : vector<16xf32>
        %add3A_926 = arith.addf %min3A_911, %mul3A_925 : vector<16xf32>
        %mul3A_927 = arith.mulf %min3A_915, %mul3A_917 : vector<16xf32>
        %mul3A_928 = arith.constant 7.893740e-03 : f32
        %mul3A_929 = vector.broadcast %mul3A_928 : f32 to vector<16xf32>
        %mul3A_930 = arith.mulf %mul3A_917, %mul3A_929 : vector<16xf32>
        %add3A_931 = arith.constant -0.166581243 : f32
        %add3A_932 = vector.broadcast %add3A_931 : f32 to vector<16xf32>
        %add3A_933 = arith.addf %add3A_932, %mul3A_930 : vector<16xf32>
        %mul3A_934 = arith.mulf %mul3A_927, %add3A_933 : vector<16xf32>
        %add3A_935 = arith.addf %min3A_915, %mul3A_934 : vector<16xf32>
        %sub3A_936 = arith.subf %gather3A_901, %gather3A_893 : vector<16xf32>
        %sub3A_937 = arith.subf %gather3A_903, %gather3A_895 : vector<16xf32>
        %add3A_938 = arith.addf %add3A_926, %add3A_935 : vector<16xf32>
        %mul3A_939 = arith.mulf %sub3A_936, %sub3A_936 : vector<16xf32>
        %mul3A_940 = arith.mulf %sub3A_937, %sub3A_937 : vector<16xf32>
        %add3A_941 = arith.addf %mul3A_939, %mul3A_940 : vector<16xf32>
        %reduce_sum3A_942 = arith.constant true
        %reduce_sum3A_943 = vector.broadcast %reduce_sum3A_942 : i1 to vector<16xi1>
        %reduce_sum3A_944 = tpu.scan <sum>, %add3A_938 masked %reduce_sum3A_943 : vector<16xf32>, vector<16xi1> -> vector<16xf32>
        %reduce_sum3A_945 = vector.extract %reduce_sum3A_944[15] : f32 from vector<16xf32>
        %reduce_sum3A_946 = arith.constant true
        %reduce_sum3A_947 = vector.broadcast %reduce_sum3A_946 : i1 to vector<16xi1>
        %reduce_sum3A_948 = tpu.scan <sum>, %add3A_941 masked %reduce_sum3A_947 : vector<16xf32>, vector<16xi1> -> vector<16xf32>
        %reduce_sum3A_949 = vector.extract %reduce_sum3A_948[15] : f32 from vector<16xf32>
        %broadcast_in_dim3A_950 = vector.broadcast %reduce_sum3A_945 : f32 to vector<16xf32>
        %select_n3A_951 = arith.select %eq3A_147, %broadcast_in_dim3A_950, %select_n3A_880 : vector<16xi1>, vector<16xf32>
        %broadcast_in_dim3A_952 = vector.broadcast %reduce_sum3A_949 : f32 to vector<16xf32>
        %select_n3A_953 = arith.select %eq3A_147, %broadcast_in_dim3A_952, %select_n3A_882 : vector<16xi1>, vector<16xf32>
        %or3A_954 = arith.constant 10 : i32
        %or3A_955 = vector.broadcast %or3A_954 : i32 to vector<16xi32>
        %or3A_956 = arith.ori %broadcast_in_dim3A_242, %or3A_955 : vector<16xi32>
        %gather3A_957 = tpu.vector_load_idx %arg20[%or3A_956] : memref<6400xi32, #tpu.memory_space<vmem>>[vector<16xi32>], vector<16xi32>,
        %gather3A_958 = tpu.vector_load_idx %arg21[%or3A_956] : memref<6400xi32, #tpu.memory_space<vmem>>[vector<16xi32>], vector<16xi32>,
        %or3A_959 = arith.ori %gather3A_957, %iota3A : vector<16xi32>
        %gather3A_960 = tpu.vector_load_idx %arg22[%or3A_959] : memref<64000xf32, #tpu.memory_space<vmem>>[vector<16xi32>], vector<16xf32>,
        %or3A_961 = arith.ori %gather3A_957, %add3A_168 : vector<16xi32>
        %gather3A_962 = tpu.vector_load_idx %arg22[%or3A_961] : memref<64000xf32, #tpu.memory_space<vmem>>[vector<16xi32>], vector<16xf32>,
        %or3A_963 = arith.ori %gather3A_957, %add3A_171 : vector<16xi32>
        %gather3A_964 = tpu.vector_load_idx %arg22[%or3A_963] : memref<64000xf32, #tpu.memory_space<vmem>>[vector<16xi32>], vector<16xf32>,
        %or3A_965 = arith.ori %gather3A_957, %add3A_174 : vector<16xi32>
        %gather3A_966 = tpu.vector_load_idx %arg22[%or3A_965] : memref<64000xf32, #tpu.memory_space<vmem>>[vector<16xi32>], vector<16xf32>,
        %or3A_967 = arith.ori %gather3A_958, %iota3A : vector<16xi32>
        %gather3A_968 = tpu.vector_load_idx %arg19[%or3A_967] : memref<8192xf32, #tpu.memory_space<vmem>>[vector<16xi32>], vector<16xf32>,
        %or3A_969 = arith.ori %gather3A_958, %add3A_168 : vector<16xi32>
        %gather3A_970 = tpu.vector_load_idx %arg19[%or3A_969] : memref<8192xf32, #tpu.memory_space<vmem>>[vector<16xi32>], vector<16xf32>,
        %or3A_971 = arith.ori %gather3A_958, %add3A_171 : vector<16xi32>
        %gather3A_972 = tpu.vector_load_idx %arg19[%or3A_971] : memref<8192xf32, #tpu.memory_space<vmem>>[vector<16xi32>], vector<16xf32>,
        %or3A_973 = arith.ori %gather3A_958, %add3A_174 : vector<16xi32>
        %gather3A_974 = tpu.vector_load_idx %arg19[%or3A_973] : memref<8192xf32, #tpu.memory_space<vmem>>[vector<16xi32>], vector<16xf32>,
        %sub3A_975 = arith.subf %gather3A_968, %gather3A_960 : vector<16xf32>
        %sub3A_976 = arith.subf %gather3A_970, %gather3A_962 : vector<16xf32>
        %abs3A_977 = math.absf %sub3A_975 : vector<16xf32>
        %abs3A_978 = math.absf %sub3A_976 : vector<16xf32>
        %sub3A_979 = arith.constant 3.14159274 : f32
        %sub3A_980 = vector.broadcast %sub3A_979 : f32 to vector<16xf32>
        %sub3A_981 = arith.subf %sub3A_980, %abs3A_977 : vector<16xf32>
        %min3A_982 = arith.minimumf %abs3A_977, %sub3A_981 : vector<16xf32>
        %sub3A_983 = arith.constant 3.14159274 : f32
        %sub3A_984 = vector.broadcast %sub3A_983 : f32 to vector<16xf32>
        %sub3A_985 = arith.subf %sub3A_984, %abs3A_978 : vector<16xf32>
        %min3A_986 = arith.minimumf %abs3A_978, %sub3A_985 : vector<16xf32>
        %mul3A_987 = arith.mulf %min3A_982, %min3A_982 : vector<16xf32>
        %mul3A_988 = arith.mulf %min3A_986, %min3A_986 : vector<16xf32>
        %mul3A_989 = arith.mulf %min3A_982, %mul3A_987 : vector<16xf32>
        %mul3A_990 = arith.constant 7.893740e-03 : f32
        %mul3A_991 = vector.broadcast %mul3A_990 : f32 to vector<16xf32>
        %mul3A_992 = arith.mulf %mul3A_987, %mul3A_991 : vector<16xf32>
        %add3A_993 = arith.constant -0.166581243 : f32
        %add3A_994 = vector.broadcast %add3A_993 : f32 to vector<16xf32>
        %add3A_995 = arith.addf %add3A_994, %mul3A_992 : vector<16xf32>
        %mul3A_996 = arith.mulf %mul3A_989, %add3A_995 : vector<16xf32>
        %add3A_997 = arith.addf %min3A_982, %mul3A_996 : vector<16xf32>
        %mul3A_998 = arith.mulf %min3A_986, %mul3A_988 : vector<16xf32>
        %mul3A_999 = arith.constant 7.893740e-03 : f32
        %mul3A_1000 = vector.broadcast %mul3A_999 : f32 to vector<16xf32>
        %mul3A_1001 = arith.mulf %mul3A_988, %mul3A_1000 : vector<16xf32>
        %add3A_1002 = arith.constant -0.166581243 : f32
        %add3A_1003 = vector.broadcast %add3A_1002 : f32 to vector<16xf32>
        %add3A_1004 = arith.addf %add3A_1003, %mul3A_1001 : vector<16xf32>
        %mul3A_1005 = arith.mulf %mul3A_998, %add3A_1004 : vector<16xf32>
        %add3A_1006 = arith.addf %min3A_986, %mul3A_1005 : vector<16xf32>
        %sub3A_1007 = arith.subf %gather3A_972, %gather3A_964 : vector<16xf32>
        %sub3A_1008 = arith.subf %gather3A_974, %gather3A_966 : vector<16xf32>
        %add3A_1009 = arith.addf %add3A_997, %add3A_1006 : vector<16xf32>
        %mul3A_1010 = arith.mulf %sub3A_1007, %sub3A_1007 : vector<16xf32>
        %mul3A_1011 = arith.mulf %sub3A_1008, %sub3A_1008 : vector<16xf32>
        %add3A_1012 = arith.addf %mul3A_1010, %mul3A_1011 : vector<16xf32>
        %reduce_sum3A_1013 = arith.constant true
        %reduce_sum3A_1014 = vector.broadcast %reduce_sum3A_1013 : i1 to vector<16xi1>
        %reduce_sum3A_1015 = tpu.scan <sum>, %add3A_1009 masked %reduce_sum3A_1014 : vector<16xf32>, vector<16xi1> -> vector<16xf32>
        %reduce_sum3A_1016 = vector.extract %reduce_sum3A_1015[15] : f32 from vector<16xf32>
        %reduce_sum3A_1017 = arith.constant true
        %reduce_sum3A_1018 = vector.broadcast %reduce_sum3A_1017 : i1 to vector<16xi1>
        %reduce_sum3A_1019 = tpu.scan <sum>, %add3A_1012 masked %reduce_sum3A_1018 : vector<16xf32>, vector<16xi1> -> vector<16xf32>
        %reduce_sum3A_1020 = vector.extract %reduce_sum3A_1019[15] : f32 from vector<16xf32>
        %broadcast_in_dim3A_1021 = vector.broadcast %reduce_sum3A_1016 : f32 to vector<16xf32>
        %select_n3A_1022 = arith.select %eq3A_150, %broadcast_in_dim3A_1021, %select_n3A_951 : vector<16xi1>, vector<16xf32>
        %broadcast_in_dim3A_1023 = vector.broadcast %reduce_sum3A_1020 : f32 to vector<16xf32>
        %select_n3A_1024 = arith.select %eq3A_150, %broadcast_in_dim3A_1023, %select_n3A_953 : vector<16xi1>, vector<16xf32>
        %or3A_1025 = arith.constant 11 : i32
        %or3A_1026 = vector.broadcast %or3A_1025 : i32 to vector<16xi32>
        %or3A_1027 = arith.ori %broadcast_in_dim3A_242, %or3A_1026 : vector<16xi32>
        %gather3A_1028 = tpu.vector_load_idx %arg20[%or3A_1027] : memref<6400xi32, #tpu.memory_space<vmem>>[vector<16xi32>], vector<16xi32>,
        %gather3A_1029 = tpu.vector_load_idx %arg21[%or3A_1027] : memref<6400xi32, #tpu.memory_space<vmem>>[vector<16xi32>], vector<16xi32>,
        %or3A_1030 = arith.ori %gather3A_1028, %iota3A : vector<16xi32>
        %gather3A_1031 = tpu.vector_load_idx %arg22[%or3A_1030] : memref<64000xf32, #tpu.memory_space<vmem>>[vector<16xi32>], vector<16xf32>,
        %or3A_1032 = arith.ori %gather3A_1028, %add3A_168 : vector<16xi32>
        %gather3A_1033 = tpu.vector_load_idx %arg22[%or3A_1032] : memref<64000xf32, #tpu.memory_space<vmem>>[vector<16xi32>], vector<16xf32>,
        %or3A_1034 = arith.ori %gather3A_1028, %add3A_171 : vector<16xi32>
        %gather3A_1035 = tpu.vector_load_idx %arg22[%or3A_1034] : memref<64000xf32, #tpu.memory_space<vmem>>[vector<16xi32>], vector<16xf32>,
        %or3A_1036 = arith.ori %gather3A_1028, %add3A_174 : vector<16xi32>
        %gather3A_1037 = tpu.vector_load_idx %arg22[%or3A_1036] : memref<64000xf32, #tpu.memory_space<vmem>>[vector<16xi32>], vector<16xf32>,
        %or3A_1038 = arith.ori %gather3A_1029, %iota3A : vector<16xi32>
        %gather3A_1039 = tpu.vector_load_idx %arg19[%or3A_1038] : memref<8192xf32, #tpu.memory_space<vmem>>[vector<16xi32>], vector<16xf32>,
        %or3A_1040 = arith.ori %gather3A_1029, %add3A_168 : vector<16xi32>
        %gather3A_1041 = tpu.vector_load_idx %arg19[%or3A_1040] : memref<8192xf32, #tpu.memory_space<vmem>>[vector<16xi32>], vector<16xf32>,
        %or3A_1042 = arith.ori %gather3A_1029, %add3A_171 : vector<16xi32>
        %gather3A_1043 = tpu.vector_load_idx %arg19[%or3A_1042] : memref<8192xf32, #tpu.memory_space<vmem>>[vector<16xi32>], vector<16xf32>,
        %or3A_1044 = arith.ori %gather3A_1029, %add3A_174 : vector<16xi32>
        %gather3A_1045 = tpu.vector_load_idx %arg19[%or3A_1044] : memref<8192xf32, #tpu.memory_space<vmem>>[vector<16xi32>], vector<16xf32>,
        %sub3A_1046 = arith.subf %gather3A_1039, %gather3A_1031 : vector<16xf32>
        %sub3A_1047 = arith.subf %gather3A_1041, %gather3A_1033 : vector<16xf32>
        %abs3A_1048 = math.absf %sub3A_1046 : vector<16xf32>
        %abs3A_1049 = math.absf %sub3A_1047 : vector<16xf32>
        %sub3A_1050 = arith.constant 3.14159274 : f32
        %sub3A_1051 = vector.broadcast %sub3A_1050 : f32 to vector<16xf32>
        %sub3A_1052 = arith.subf %sub3A_1051, %abs3A_1048 : vector<16xf32>
        %min3A_1053 = arith.minimumf %abs3A_1048, %sub3A_1052 : vector<16xf32>
        %sub3A_1054 = arith.constant 3.14159274 : f32
        %sub3A_1055 = vector.broadcast %sub3A_1054 : f32 to vector<16xf32>
        %sub3A_1056 = arith.subf %sub3A_1055, %abs3A_1049 : vector<16xf32>
        %min3A_1057 = arith.minimumf %abs3A_1049, %sub3A_1056 : vector<16xf32>
        %mul3A_1058 = arith.mulf %min3A_1053, %min3A_1053 : vector<16xf32>
        %mul3A_1059 = arith.mulf %min3A_1057, %min3A_1057 : vector<16xf32>
        %mul3A_1060 = arith.mulf %min3A_1053, %mul3A_1058 : vector<16xf32>
        %mul3A_1061 = arith.constant 7.893740e-03 : f32
        %mul3A_1062 = vector.broadcast %mul3A_1061 : f32 to vector<16xf32>
        %mul3A_1063 = arith.mulf %mul3A_1058, %mul3A_1062 : vector<16xf32>
        %add3A_1064 = arith.constant -0.166581243 : f32
        %add3A_1065 = vector.broadcast %add3A_1064 : f32 to vector<16xf32>
        %add3A_1066 = arith.addf %add3A_1065, %mul3A_1063 : vector<16xf32>
        %mul3A_1067 = arith.mulf %mul3A_1060, %add3A_1066 : vector<16xf32>
        %add3A_1068 = arith.addf %min3A_1053, %mul3A_1067 : vector<16xf32>
        %mul3A_1069 = arith.mulf %min3A_1057, %mul3A_1059 : vector<16xf32>
        %mul3A_1070 = arith.constant 7.893740e-03 : f32
        %mul3A_1071 = vector.broadcast %mul3A_1070 : f32 to vector<16xf32>
        %mul3A_1072 = arith.mulf %mul3A_1059, %mul3A_1071 : vector<16xf32>
        %add3A_1073 = arith.constant -0.166581243 : f32
        %add3A_1074 = vector.broadcast %add3A_1073 : f32 to vector<16xf32>
        %add3A_1075 = arith.addf %add3A_1074, %mul3A_1072 : vector<16xf32>
        %mul3A_1076 = arith.mulf %mul3A_1069, %add3A_1075 : vector<16xf32>
        %add3A_1077 = arith.addf %min3A_1057, %mul3A_1076 : vector<16xf32>
        %sub3A_1078 = arith.subf %gather3A_1043, %gather3A_1035 : vector<16xf32>
        %sub3A_1079 = arith.subf %gather3A_1045, %gather3A_1037 : vector<16xf32>
        %add3A_1080 = arith.addf %add3A_1068, %add3A_1077 : vector<16xf32>
        %mul3A_1081 = arith.mulf %sub3A_1078, %sub3A_1078 : vector<16xf32>
        %mul3A_1082 = arith.mulf %sub3A_1079, %sub3A_1079 : vector<16xf32>
        %add3A_1083 = arith.addf %mul3A_1081, %mul3A_1082 : vector<16xf32>
        %reduce_sum3A_1084 = arith.constant true
        %reduce_sum3A_1085 = vector.broadcast %reduce_sum3A_1084 : i1 to vector<16xi1>
        %reduce_sum3A_1086 = tpu.scan <sum>, %add3A_1080 masked %reduce_sum3A_1085 : vector<16xf32>, vector<16xi1> -> vector<16xf32>
        %reduce_sum3A_1087 = vector.extract %reduce_sum3A_1086[15] : f32 from vector<16xf32>
        %reduce_sum3A_1088 = arith.constant true
        %reduce_sum3A_1089 = vector.broadcast %reduce_sum3A_1088 : i1 to vector<16xi1>
        %reduce_sum3A_1090 = tpu.scan <sum>, %add3A_1083 masked %reduce_sum3A_1089 : vector<16xf32>, vector<16xi1> -> vector<16xf32>
        %reduce_sum3A_1091 = vector.extract %reduce_sum3A_1090[15] : f32 from vector<16xf32>
        %broadcast_in_dim3A_1092 = vector.broadcast %reduce_sum3A_1087 : f32 to vector<16xf32>
        %select_n3A_1093 = arith.select %eq3A_153, %broadcast_in_dim3A_1092, %select_n3A_1022 : vector<16xi1>, vector<16xf32>
        %broadcast_in_dim3A_1094 = vector.broadcast %reduce_sum3A_1091 : f32 to vector<16xf32>
        %select_n3A_1095 = arith.select %eq3A_153, %broadcast_in_dim3A_1094, %select_n3A_1024 : vector<16xi1>, vector<16xf32>
        %or3A_1096 = arith.constant 12 : i32
        %or3A_1097 = vector.broadcast %or3A_1096 : i32 to vector<16xi32>
        %or3A_1098 = arith.ori %broadcast_in_dim3A_242, %or3A_1097 : vector<16xi32>
        %gather3A_1099 = tpu.vector_load_idx %arg20[%or3A_1098] : memref<6400xi32, #tpu.memory_space<vmem>>[vector<16xi32>], vector<16xi32>,
        %gather3A_1100 = tpu.vector_load_idx %arg21[%or3A_1098] : memref<6400xi32, #tpu.memory_space<vmem>>[vector<16xi32>], vector<16xi32>,
        %or3A_1101 = arith.ori %gather3A_1099, %iota3A : vector<16xi32>
        %gather3A_1102 = tpu.vector_load_idx %arg22[%or3A_1101] : memref<64000xf32, #tpu.memory_space<vmem>>[vector<16xi32>], vector<16xf32>,
        %or3A_1103 = arith.ori %gather3A_1099, %add3A_168 : vector<16xi32>
        %gather3A_1104 = tpu.vector_load_idx %arg22[%or3A_1103] : memref<64000xf32, #tpu.memory_space<vmem>>[vector<16xi32>], vector<16xf32>,
        %or3A_1105 = arith.ori %gather3A_1099, %add3A_171 : vector<16xi32>
        %gather3A_1106 = tpu.vector_load_idx %arg22[%or3A_1105] : memref<64000xf32, #tpu.memory_space<vmem>>[vector<16xi32>], vector<16xf32>,
        %or3A_1107 = arith.ori %gather3A_1099, %add3A_174 : vector<16xi32>
        %gather3A_1108 = tpu.vector_load_idx %arg22[%or3A_1107] : memref<64000xf32, #tpu.memory_space<vmem>>[vector<16xi32>], vector<16xf32>,
        %or3A_1109 = arith.ori %gather3A_1100, %iota3A : vector<16xi32>
        %gather3A_1110 = tpu.vector_load_idx %arg19[%or3A_1109] : memref<8192xf32, #tpu.memory_space<vmem>>[vector<16xi32>], vector<16xf32>,
        %or3A_1111 = arith.ori %gather3A_1100, %add3A_168 : vector<16xi32>
        %gather3A_1112 = tpu.vector_load_idx %arg19[%or3A_1111] : memref<8192xf32, #tpu.memory_space<vmem>>[vector<16xi32>], vector<16xf32>,
        %or3A_1113 = arith.ori %gather3A_1100, %add3A_171 : vector<16xi32>
        %gather3A_1114 = tpu.vector_load_idx %arg19[%or3A_1113] : memref<8192xf32, #tpu.memory_space<vmem>>[vector<16xi32>], vector<16xf32>,
        %or3A_1115 = arith.ori %gather3A_1100, %add3A_174 : vector<16xi32>
        %gather3A_1116 = tpu.vector_load_idx %arg19[%or3A_1115] : memref<8192xf32, #tpu.memory_space<vmem>>[vector<16xi32>], vector<16xf32>,
        %sub3A_1117 = arith.subf %gather3A_1110, %gather3A_1102 : vector<16xf32>
        %sub3A_1118 = arith.subf %gather3A_1112, %gather3A_1104 : vector<16xf32>
        %abs3A_1119 = math.absf %sub3A_1117 : vector<16xf32>
        %abs3A_1120 = math.absf %sub3A_1118 : vector<16xf32>
        %sub3A_1121 = arith.constant 3.14159274 : f32
        %sub3A_1122 = vector.broadcast %sub3A_1121 : f32 to vector<16xf32>
        %sub3A_1123 = arith.subf %sub3A_1122, %abs3A_1119 : vector<16xf32>
        %min3A_1124 = arith.minimumf %abs3A_1119, %sub3A_1123 : vector<16xf32>
        %sub3A_1125 = arith.constant 3.14159274 : f32
        %sub3A_1126 = vector.broadcast %sub3A_1125 : f32 to vector<16xf32>
        %sub3A_1127 = arith.subf %sub3A_1126, %abs3A_1120 : vector<16xf32>
        %min3A_1128 = arith.minimumf %abs3A_1120, %sub3A_1127 : vector<16xf32>
        %mul3A_1129 = arith.mulf %min3A_1124, %min3A_1124 : vector<16xf32>
        %mul3A_1130 = arith.mulf %min3A_1128, %min3A_1128 : vector<16xf32>
        %mul3A_1131 = arith.mulf %min3A_1124, %mul3A_1129 : vector<16xf32>
        %mul3A_1132 = arith.constant 7.893740e-03 : f32
        %mul3A_1133 = vector.broadcast %mul3A_1132 : f32 to vector<16xf32>
        %mul3A_1134 = arith.mulf %mul3A_1129, %mul3A_1133 : vector<16xf32>
        %add3A_1135 = arith.constant -0.166581243 : f32
        %add3A_1136 = vector.broadcast %add3A_1135 : f32 to vector<16xf32>
        %add3A_1137 = arith.addf %add3A_1136, %mul3A_1134 : vector<16xf32>
        %mul3A_1138 = arith.mulf %mul3A_1131, %add3A_1137 : vector<16xf32>
        %add3A_1139 = arith.addf %min3A_1124, %mul3A_1138 : vector<16xf32>
        %mul3A_1140 = arith.mulf %min3A_1128, %mul3A_1130 : vector<16xf32>
        %mul3A_1141 = arith.constant 7.893740e-03 : f32
        %mul3A_1142 = vector.broadcast %mul3A_1141 : f32 to vector<16xf32>
        %mul3A_1143 = arith.mulf %mul3A_1130, %mul3A_1142 : vector<16xf32>
        %add3A_1144 = arith.constant -0.166581243 : f32
        %add3A_1145 = vector.broadcast %add3A_1144 : f32 to vector<16xf32>
        %add3A_1146 = arith.addf %add3A_1145, %mul3A_1143 : vector<16xf32>
        %mul3A_1147 = arith.mulf %mul3A_1140, %add3A_1146 : vector<16xf32>
        %add3A_1148 = arith.addf %min3A_1128, %mul3A_1147 : vector<16xf32>
        %sub3A_1149 = arith.subf %gather3A_1114, %gather3A_1106 : vector<16xf32>
        %sub3A_1150 = arith.subf %gather3A_1116, %gather3A_1108 : vector<16xf32>
        %add3A_1151 = arith.addf %add3A_1139, %add3A_1148 : vector<16xf32>
        %mul3A_1152 = arith.mulf %sub3A_1149, %sub3A_1149 : vector<16xf32>
        %mul3A_1153 = arith.mulf %sub3A_1150, %sub3A_1150 : vector<16xf32>
        %add3A_1154 = arith.addf %mul3A_1152, %mul3A_1153 : vector<16xf32>
        %reduce_sum3A_1155 = arith.constant true
        %reduce_sum3A_1156 = vector.broadcast %reduce_sum3A_1155 : i1 to vector<16xi1>
        %reduce_sum3A_1157 = tpu.scan <sum>, %add3A_1151 masked %reduce_sum3A_1156 : vector<16xf32>, vector<16xi1> -> vector<16xf32>
        %reduce_sum3A_1158 = vector.extract %reduce_sum3A_1157[15] : f32 from vector<16xf32>
        %reduce_sum3A_1159 = arith.constant true
        %reduce_sum3A_1160 = vector.broadcast %reduce_sum3A_1159 : i1 to vector<16xi1>
        %reduce_sum3A_1161 = tpu.scan <sum>, %add3A_1154 masked %reduce_sum3A_1160 : vector<16xf32>, vector<16xi1> -> vector<16xf32>
        %reduce_sum3A_1162 = vector.extract %reduce_sum3A_1161[15] : f32 from vector<16xf32>
        %broadcast_in_dim3A_1163 = vector.broadcast %reduce_sum3A_1158 : f32 to vector<16xf32>
        %select_n3A_1164 = arith.select %eq3A_156, %broadcast_in_dim3A_1163, %select_n3A_1093 : vector<16xi1>, vector<16xf32>
        %broadcast_in_dim3A_1165 = vector.broadcast %reduce_sum3A_1162 : f32 to vector<16xf32>
        %select_n3A_1166 = arith.select %eq3A_156, %broadcast_in_dim3A_1165, %select_n3A_1095 : vector<16xi1>, vector<16xf32>
        %or3A_1167 = arith.constant 13 : i32
        %or3A_1168 = vector.broadcast %or3A_1167 : i32 to vector<16xi32>
        %or3A_1169 = arith.ori %broadcast_in_dim3A_242, %or3A_1168 : vector<16xi32>
        %gather3A_1170 = tpu.vector_load_idx %arg20[%or3A_1169] : memref<6400xi32, #tpu.memory_space<vmem>>[vector<16xi32>], vector<16xi32>,
        %gather3A_1171 = tpu.vector_load_idx %arg21[%or3A_1169] : memref<6400xi32, #tpu.memory_space<vmem>>[vector<16xi32>], vector<16xi32>,
        %or3A_1172 = arith.ori %gather3A_1170, %iota3A : vector<16xi32>
        %gather3A_1173 = tpu.vector_load_idx %arg22[%or3A_1172] : memref<64000xf32, #tpu.memory_space<vmem>>[vector<16xi32>], vector<16xf32>,
        %or3A_1174 = arith.ori %gather3A_1170, %add3A_168 : vector<16xi32>
        %gather3A_1175 = tpu.vector_load_idx %arg22[%or3A_1174] : memref<64000xf32, #tpu.memory_space<vmem>>[vector<16xi32>], vector<16xf32>,
        %or3A_1176 = arith.ori %gather3A_1170, %add3A_171 : vector<16xi32>
        %gather3A_1177 = tpu.vector_load_idx %arg22[%or3A_1176] : memref<64000xf32, #tpu.memory_space<vmem>>[vector<16xi32>], vector<16xf32>,
        %or3A_1178 = arith.ori %gather3A_1170, %add3A_174 : vector<16xi32>
        %gather3A_1179 = tpu.vector_load_idx %arg22[%or3A_1178] : memref<64000xf32, #tpu.memory_space<vmem>>[vector<16xi32>], vector<16xf32>,
        %or3A_1180 = arith.ori %gather3A_1171, %iota3A : vector<16xi32>
        %gather3A_1181 = tpu.vector_load_idx %arg19[%or3A_1180] : memref<8192xf32, #tpu.memory_space<vmem>>[vector<16xi32>], vector<16xf32>,
        %or3A_1182 = arith.ori %gather3A_1171, %add3A_168 : vector<16xi32>
        %gather3A_1183 = tpu.vector_load_idx %arg19[%or3A_1182] : memref<8192xf32, #tpu.memory_space<vmem>>[vector<16xi32>], vector<16xf32>,
        %or3A_1184 = arith.ori %gather3A_1171, %add3A_171 : vector<16xi32>
        %gather3A_1185 = tpu.vector_load_idx %arg19[%or3A_1184] : memref<8192xf32, #tpu.memory_space<vmem>>[vector<16xi32>], vector<16xf32>,
        %or3A_1186 = arith.ori %gather3A_1171, %add3A_174 : vector<16xi32>
        %gather3A_1187 = tpu.vector_load_idx %arg19[%or3A_1186] : memref<8192xf32, #tpu.memory_space<vmem>>[vector<16xi32>], vector<16xf32>,
        %sub3A_1188 = arith.subf %gather3A_1181, %gather3A_1173 : vector<16xf32>
        %sub3A_1189 = arith.subf %gather3A_1183, %gather3A_1175 : vector<16xf32>
        %abs3A_1190 = math.absf %sub3A_1188 : vector<16xf32>
        %abs3A_1191 = math.absf %sub3A_1189 : vector<16xf32>
        %sub3A_1192 = arith.constant 3.14159274 : f32
        %sub3A_1193 = vector.broadcast %sub3A_1192 : f32 to vector<16xf32>
        %sub3A_1194 = arith.subf %sub3A_1193, %abs3A_1190 : vector<16xf32>
        %min3A_1195 = arith.minimumf %abs3A_1190, %sub3A_1194 : vector<16xf32>
        %sub3A_1196 = arith.constant 3.14159274 : f32
        %sub3A_1197 = vector.broadcast %sub3A_1196 : f32 to vector<16xf32>
        %sub3A_1198 = arith.subf %sub3A_1197, %abs3A_1191 : vector<16xf32>
        %min3A_1199 = arith.minimumf %abs3A_1191, %sub3A_1198 : vector<16xf32>
        %mul3A_1200 = arith.mulf %min3A_1195, %min3A_1195 : vector<16xf32>
        %mul3A_1201 = arith.mulf %min3A_1199, %min3A_1199 : vector<16xf32>
        %mul3A_1202 = arith.mulf %min3A_1195, %mul3A_1200 : vector<16xf32>
        %mul3A_1203 = arith.constant 7.893740e-03 : f32
        %mul3A_1204 = vector.broadcast %mul3A_1203 : f32 to vector<16xf32>
        %mul3A_1205 = arith.mulf %mul3A_1200, %mul3A_1204 : vector<16xf32>
        %add3A_1206 = arith.constant -0.166581243 : f32
        %add3A_1207 = vector.broadcast %add3A_1206 : f32 to vector<16xf32>
        %add3A_1208 = arith.addf %add3A_1207, %mul3A_1205 : vector<16xf32>
        %mul3A_1209 = arith.mulf %mul3A_1202, %add3A_1208 : vector<16xf32>
        %add3A_1210 = arith.addf %min3A_1195, %mul3A_1209 : vector<16xf32>
        %mul3A_1211 = arith.mulf %min3A_1199, %mul3A_1201 : vector<16xf32>
        %mul3A_1212 = arith.constant 7.893740e-03 : f32
        %mul3A_1213 = vector.broadcast %mul3A_1212 : f32 to vector<16xf32>
        %mul3A_1214 = arith.mulf %mul3A_1201, %mul3A_1213 : vector<16xf32>
        %add3A_1215 = arith.constant -0.166581243 : f32
        %add3A_1216 = vector.broadcast %add3A_1215 : f32 to vector<16xf32>
        %add3A_1217 = arith.addf %add3A_1216, %mul3A_1214 : vector<16xf32>
        %mul3A_1218 = arith.mulf %mul3A_1211, %add3A_1217 : vector<16xf32>
        %add3A_1219 = arith.addf %min3A_1199, %mul3A_1218 : vector<16xf32>
        %sub3A_1220 = arith.subf %gather3A_1185, %gather3A_1177 : vector<16xf32>
        %sub3A_1221 = arith.subf %gather3A_1187, %gather3A_1179 : vector<16xf32>
        %add3A_1222 = arith.addf %add3A_1210, %add3A_1219 : vector<16xf32>
        %mul3A_1223 = arith.mulf %sub3A_1220, %sub3A_1220 : vector<16xf32>
        %mul3A_1224 = arith.mulf %sub3A_1221, %sub3A_1221 : vector<16xf32>
        %add3A_1225 = arith.addf %mul3A_1223, %mul3A_1224 : vector<16xf32>
        %reduce_sum3A_1226 = arith.constant true
        %reduce_sum3A_1227 = vector.broadcast %reduce_sum3A_1226 : i1 to vector<16xi1>
        %reduce_sum3A_1228 = tpu.scan <sum>, %add3A_1222 masked %reduce_sum3A_1227 : vector<16xf32>, vector<16xi1> -> vector<16xf32>
        %reduce_sum3A_1229 = vector.extract %reduce_sum3A_1228[15] : f32 from vector<16xf32>
        %reduce_sum3A_1230 = arith.constant true
        %reduce_sum3A_1231 = vector.broadcast %reduce_sum3A_1230 : i1 to vector<16xi1>
        %reduce_sum3A_1232 = tpu.scan <sum>, %add3A_1225 masked %reduce_sum3A_1231 : vector<16xf32>, vector<16xi1> -> vector<16xf32>
        %reduce_sum3A_1233 = vector.extract %reduce_sum3A_1232[15] : f32 from vector<16xf32>
        %broadcast_in_dim3A_1234 = vector.broadcast %reduce_sum3A_1229 : f32 to vector<16xf32>
        %select_n3A_1235 = arith.select %eq3A_159, %broadcast_in_dim3A_1234, %select_n3A_1164 : vector<16xi1>, vector<16xf32>
        %broadcast_in_dim3A_1236 = vector.broadcast %reduce_sum3A_1233 : f32 to vector<16xf32>
        %select_n3A_1237 = arith.select %eq3A_159, %broadcast_in_dim3A_1236, %select_n3A_1166 : vector<16xi1>, vector<16xf32>
        %or3A_1238 = arith.constant 14 : i32
        %or3A_1239 = vector.broadcast %or3A_1238 : i32 to vector<16xi32>
        %or3A_1240 = arith.ori %broadcast_in_dim3A_242, %or3A_1239 : vector<16xi32>
        %gather3A_1241 = tpu.vector_load_idx %arg20[%or3A_1240] : memref<6400xi32, #tpu.memory_space<vmem>>[vector<16xi32>], vector<16xi32>,
        %gather3A_1242 = tpu.vector_load_idx %arg21[%or3A_1240] : memref<6400xi32, #tpu.memory_space<vmem>>[vector<16xi32>], vector<16xi32>,
        %or3A_1243 = arith.ori %gather3A_1241, %iota3A : vector<16xi32>
        %gather3A_1244 = tpu.vector_load_idx %arg22[%or3A_1243] : memref<64000xf32, #tpu.memory_space<vmem>>[vector<16xi32>], vector<16xf32>,
        %or3A_1245 = arith.ori %gather3A_1241, %add3A_168 : vector<16xi32>
        %gather3A_1246 = tpu.vector_load_idx %arg22[%or3A_1245] : memref<64000xf32, #tpu.memory_space<vmem>>[vector<16xi32>], vector<16xf32>,
        %or3A_1247 = arith.ori %gather3A_1241, %add3A_171 : vector<16xi32>
        %gather3A_1248 = tpu.vector_load_idx %arg22[%or3A_1247] : memref<64000xf32, #tpu.memory_space<vmem>>[vector<16xi32>], vector<16xf32>,
        %or3A_1249 = arith.ori %gather3A_1241, %add3A_174 : vector<16xi32>
        %gather3A_1250 = tpu.vector_load_idx %arg22[%or3A_1249] : memref<64000xf32, #tpu.memory_space<vmem>>[vector<16xi32>], vector<16xf32>,
        %or3A_1251 = arith.ori %gather3A_1242, %iota3A : vector<16xi32>
        %gather3A_1252 = tpu.vector_load_idx %arg19[%or3A_1251] : memref<8192xf32, #tpu.memory_space<vmem>>[vector<16xi32>], vector<16xf32>,
        %or3A_1253 = arith.ori %gather3A_1242, %add3A_168 : vector<16xi32>
        %gather3A_1254 = tpu.vector_load_idx %arg19[%or3A_1253] : memref<8192xf32, #tpu.memory_space<vmem>>[vector<16xi32>], vector<16xf32>,
        %or3A_1255 = arith.ori %gather3A_1242, %add3A_171 : vector<16xi32>
        %gather3A_1256 = tpu.vector_load_idx %arg19[%or3A_1255] : memref<8192xf32, #tpu.memory_space<vmem>>[vector<16xi32>], vector<16xf32>,
        %or3A_1257 = arith.ori %gather3A_1242, %add3A_174 : vector<16xi32>
        %gather3A_1258 = tpu.vector_load_idx %arg19[%or3A_1257] : memref<8192xf32, #tpu.memory_space<vmem>>[vector<16xi32>], vector<16xf32>,
        %sub3A_1259 = arith.subf %gather3A_1252, %gather3A_1244 : vector<16xf32>
        %sub3A_1260 = arith.subf %gather3A_1254, %gather3A_1246 : vector<16xf32>
        %abs3A_1261 = math.absf %sub3A_1259 : vector<16xf32>
        %abs3A_1262 = math.absf %sub3A_1260 : vector<16xf32>
        %sub3A_1263 = arith.constant 3.14159274 : f32
        %sub3A_1264 = vector.broadcast %sub3A_1263 : f32 to vector<16xf32>
        %sub3A_1265 = arith.subf %sub3A_1264, %abs3A_1261 : vector<16xf32>
        %min3A_1266 = arith.minimumf %abs3A_1261, %sub3A_1265 : vector<16xf32>
        %sub3A_1267 = arith.constant 3.14159274 : f32
        %sub3A_1268 = vector.broadcast %sub3A_1267 : f32 to vector<16xf32>
        %sub3A_1269 = arith.subf %sub3A_1268, %abs3A_1262 : vector<16xf32>
        %min3A_1270 = arith.minimumf %abs3A_1262, %sub3A_1269 : vector<16xf32>
        %mul3A_1271 = arith.mulf %min3A_1266, %min3A_1266 : vector<16xf32>
        %mul3A_1272 = arith.mulf %min3A_1270, %min3A_1270 : vector<16xf32>
        %mul3A_1273 = arith.mulf %min3A_1266, %mul3A_1271 : vector<16xf32>
        %mul3A_1274 = arith.constant 7.893740e-03 : f32
        %mul3A_1275 = vector.broadcast %mul3A_1274 : f32 to vector<16xf32>
        %mul3A_1276 = arith.mulf %mul3A_1271, %mul3A_1275 : vector<16xf32>
        %add3A_1277 = arith.constant -0.166581243 : f32
        %add3A_1278 = vector.broadcast %add3A_1277 : f32 to vector<16xf32>
        %add3A_1279 = arith.addf %add3A_1278, %mul3A_1276 : vector<16xf32>
        %mul3A_1280 = arith.mulf %mul3A_1273, %add3A_1279 : vector<16xf32>
        %add3A_1281 = arith.addf %min3A_1266, %mul3A_1280 : vector<16xf32>
        %mul3A_1282 = arith.mulf %min3A_1270, %mul3A_1272 : vector<16xf32>
        %mul3A_1283 = arith.constant 7.893740e-03 : f32
        %mul3A_1284 = vector.broadcast %mul3A_1283 : f32 to vector<16xf32>
        %mul3A_1285 = arith.mulf %mul3A_1272, %mul3A_1284 : vector<16xf32>
        %add3A_1286 = arith.constant -0.166581243 : f32
        %add3A_1287 = vector.broadcast %add3A_1286 : f32 to vector<16xf32>
        %add3A_1288 = arith.addf %add3A_1287, %mul3A_1285 : vector<16xf32>
        %mul3A_1289 = arith.mulf %mul3A_1282, %add3A_1288 : vector<16xf32>
        %add3A_1290 = arith.addf %min3A_1270, %mul3A_1289 : vector<16xf32>
        %sub3A_1291 = arith.subf %gather3A_1256, %gather3A_1248 : vector<16xf32>
        %sub3A_1292 = arith.subf %gather3A_1258, %gather3A_1250 : vector<16xf32>
        %add3A_1293 = arith.addf %add3A_1281, %add3A_1290 : vector<16xf32>
        %mul3A_1294 = arith.mulf %sub3A_1291, %sub3A_1291 : vector<16xf32>
        %mul3A_1295 = arith.mulf %sub3A_1292, %sub3A_1292 : vector<16xf32>
        %add3A_1296 = arith.addf %mul3A_1294, %mul3A_1295 : vector<16xf32>
        %reduce_sum3A_1297 = arith.constant true
        %reduce_sum3A_1298 = vector.broadcast %reduce_sum3A_1297 : i1 to vector<16xi1>
        %reduce_sum3A_1299 = tpu.scan <sum>, %add3A_1293 masked %reduce_sum3A_1298 : vector<16xf32>, vector<16xi1> -> vector<16xf32>
        %reduce_sum3A_1300 = vector.extract %reduce_sum3A_1299[15] : f32 from vector<16xf32>
        %reduce_sum3A_1301 = arith.constant true
        %reduce_sum3A_1302 = vector.broadcast %reduce_sum3A_1301 : i1 to vector<16xi1>
        %reduce_sum3A_1303 = tpu.scan <sum>, %add3A_1296 masked %reduce_sum3A_1302 : vector<16xf32>, vector<16xi1> -> vector<16xf32>
        %reduce_sum3A_1304 = vector.extract %reduce_sum3A_1303[15] : f32 from vector<16xf32>
        %broadcast_in_dim3A_1305 = vector.broadcast %reduce_sum3A_1300 : f32 to vector<16xf32>
        %select_n3A_1306 = arith.select %eq3A_162, %broadcast_in_dim3A_1305, %select_n3A_1235 : vector<16xi1>, vector<16xf32>
        %broadcast_in_dim3A_1307 = vector.broadcast %reduce_sum3A_1304 : f32 to vector<16xf32>
        %select_n3A_1308 = arith.select %eq3A_162, %broadcast_in_dim3A_1307, %select_n3A_1237 : vector<16xi1>, vector<16xf32>
        %or3A_1309 = arith.constant 15 : i32
        %or3A_1310 = vector.broadcast %or3A_1309 : i32 to vector<16xi32>
        %or3A_1311 = arith.ori %broadcast_in_dim3A_242, %or3A_1310 : vector<16xi32>
        %gather3A_1312 = tpu.vector_load_idx %arg20[%or3A_1311] : memref<6400xi32, #tpu.memory_space<vmem>>[vector<16xi32>], vector<16xi32>,
        %gather3A_1313 = tpu.vector_load_idx %arg21[%or3A_1311] : memref<6400xi32, #tpu.memory_space<vmem>>[vector<16xi32>], vector<16xi32>,
        %or3A_1314 = arith.ori %gather3A_1312, %iota3A : vector<16xi32>
        %gather3A_1315 = tpu.vector_load_idx %arg22[%or3A_1314] : memref<64000xf32, #tpu.memory_space<vmem>>[vector<16xi32>], vector<16xf32>,
        %or3A_1316 = arith.ori %gather3A_1312, %add3A_168 : vector<16xi32>
        %gather3A_1317 = tpu.vector_load_idx %arg22[%or3A_1316] : memref<64000xf32, #tpu.memory_space<vmem>>[vector<16xi32>], vector<16xf32>,
        %or3A_1318 = arith.ori %gather3A_1312, %add3A_171 : vector<16xi32>
        %gather3A_1319 = tpu.vector_load_idx %arg22[%or3A_1318] : memref<64000xf32, #tpu.memory_space<vmem>>[vector<16xi32>], vector<16xf32>,
        %or3A_1320 = arith.ori %gather3A_1312, %add3A_174 : vector<16xi32>
        %gather3A_1321 = tpu.vector_load_idx %arg22[%or3A_1320] : memref<64000xf32, #tpu.memory_space<vmem>>[vector<16xi32>], vector<16xf32>,
        %or3A_1322 = arith.ori %gather3A_1313, %iota3A : vector<16xi32>
        %gather3A_1323 = tpu.vector_load_idx %arg19[%or3A_1322] : memref<8192xf32, #tpu.memory_space<vmem>>[vector<16xi32>], vector<16xf32>,
        %or3A_1324 = arith.ori %gather3A_1313, %add3A_168 : vector<16xi32>
        %gather3A_1325 = tpu.vector_load_idx %arg19[%or3A_1324] : memref<8192xf32, #tpu.memory_space<vmem>>[vector<16xi32>], vector<16xf32>,
        %or3A_1326 = arith.ori %gather3A_1313, %add3A_171 : vector<16xi32>
        %gather3A_1327 = tpu.vector_load_idx %arg19[%or3A_1326] : memref<8192xf32, #tpu.memory_space<vmem>>[vector<16xi32>], vector<16xf32>,
        %or3A_1328 = arith.ori %gather3A_1313, %add3A_174 : vector<16xi32>
        %gather3A_1329 = tpu.vector_load_idx %arg19[%or3A_1328] : memref<8192xf32, #tpu.memory_space<vmem>>[vector<16xi32>], vector<16xf32>,
        %sub3A_1330 = arith.subf %gather3A_1323, %gather3A_1315 : vector<16xf32>
        %sub3A_1331 = arith.subf %gather3A_1325, %gather3A_1317 : vector<16xf32>
        %abs3A_1332 = math.absf %sub3A_1330 : vector<16xf32>
        %abs3A_1333 = math.absf %sub3A_1331 : vector<16xf32>
        %sub3A_1334 = arith.constant 3.14159274 : f32
        %sub3A_1335 = vector.broadcast %sub3A_1334 : f32 to vector<16xf32>
        %sub3A_1336 = arith.subf %sub3A_1335, %abs3A_1332 : vector<16xf32>
        %min3A_1337 = arith.minimumf %abs3A_1332, %sub3A_1336 : vector<16xf32>
        %sub3A_1338 = arith.constant 3.14159274 : f32
        %sub3A_1339 = vector.broadcast %sub3A_1338 : f32 to vector<16xf32>
        %sub3A_1340 = arith.subf %sub3A_1339, %abs3A_1333 : vector<16xf32>
        %min3A_1341 = arith.minimumf %abs3A_1333, %sub3A_1340 : vector<16xf32>
        %mul3A_1342 = arith.mulf %min3A_1337, %min3A_1337 : vector<16xf32>
        %mul3A_1343 = arith.mulf %min3A_1341, %min3A_1341 : vector<16xf32>
        %mul3A_1344 = arith.mulf %min3A_1337, %mul3A_1342 : vector<16xf32>
        %mul3A_1345 = arith.constant 7.893740e-03 : f32
        %mul3A_1346 = vector.broadcast %mul3A_1345 : f32 to vector<16xf32>
        %mul3A_1347 = arith.mulf %mul3A_1342, %mul3A_1346 : vector<16xf32>
        %add3A_1348 = arith.constant -0.166581243 : f32
        %add3A_1349 = vector.broadcast %add3A_1348 : f32 to vector<16xf32>
        %add3A_1350 = arith.addf %add3A_1349, %mul3A_1347 : vector<16xf32>
        %mul3A_1351 = arith.mulf %mul3A_1344, %add3A_1350 : vector<16xf32>
        %add3A_1352 = arith.addf %min3A_1337, %mul3A_1351 : vector<16xf32>
        %mul3A_1353 = arith.mulf %min3A_1341, %mul3A_1343 : vector<16xf32>
        %mul3A_1354 = arith.constant 7.893740e-03 : f32
        %mul3A_1355 = vector.broadcast %mul3A_1354 : f32 to vector<16xf32>
        %mul3A_1356 = arith.mulf %mul3A_1343, %mul3A_1355 : vector<16xf32>
        %add3A_1357 = arith.constant -0.166581243 : f32
        %add3A_1358 = vector.broadcast %add3A_1357 : f32 to vector<16xf32>
        %add3A_1359 = arith.addf %add3A_1358, %mul3A_1356 : vector<16xf32>
        %mul3A_1360 = arith.mulf %mul3A_1353, %add3A_1359 : vector<16xf32>
        %add3A_1361 = arith.addf %min3A_1341, %mul3A_1360 : vector<16xf32>
        %sub3A_1362 = arith.subf %gather3A_1327, %gather3A_1319 : vector<16xf32>
        %sub3A_1363 = arith.subf %gather3A_1329, %gather3A_1321 : vector<16xf32>
        %add3A_1364 = arith.addf %add3A_1352, %add3A_1361 : vector<16xf32>
        %mul3A_1365 = arith.mulf %sub3A_1362, %sub3A_1362 : vector<16xf32>
        %mul3A_1366 = arith.mulf %sub3A_1363, %sub3A_1363 : vector<16xf32>
        %add3A_1367 = arith.addf %mul3A_1365, %mul3A_1366 : vector<16xf32>
        %reduce_sum3A_1368 = arith.constant true
        %reduce_sum3A_1369 = vector.broadcast %reduce_sum3A_1368 : i1 to vector<16xi1>
        %reduce_sum3A_1370 = tpu.scan <sum>, %add3A_1364 masked %reduce_sum3A_1369 : vector<16xf32>, vector<16xi1> -> vector<16xf32>
        %reduce_sum3A_1371 = vector.extract %reduce_sum3A_1370[15] : f32 from vector<16xf32>
        %reduce_sum3A_1372 = arith.constant true
        %reduce_sum3A_1373 = vector.broadcast %reduce_sum3A_1372 : i1 to vector<16xi1>
        %reduce_sum3A_1374 = tpu.scan <sum>, %add3A_1367 masked %reduce_sum3A_1373 : vector<16xf32>, vector<16xi1> -> vector<16xf32>
        %reduce_sum3A_1375 = vector.extract %reduce_sum3A_1374[15] : f32 from vector<16xf32>
        %broadcast_in_dim3A_1376 = vector.broadcast %reduce_sum3A_1371 : f32 to vector<16xf32>
        %select_n3A_1377 = arith.select %eq3A_165, %broadcast_in_dim3A_1376, %select_n3A_1306 : vector<16xi1>, vector<16xf32>
        %broadcast_in_dim3A_1378 = vector.broadcast %reduce_sum3A_1375 : f32 to vector<16xf32>
        %select_n3A_1379 = arith.select %eq3A_165, %broadcast_in_dim3A_1378, %select_n3A_1308 : vector<16xi1>, vector<16xf32>
        %max3A = arith.constant 1.000000e-35 : f32
        %max3A_1380 = vector.broadcast %max3A : f32 to vector<16xf32>
        %max3A_1381 = arith.maximumf %select_n3A_1379, %max3A_1380 : vector<16xf32>
        %bitcast3A = vector.bitcast %max3A_1381 : vector<16xf32> to vector<16xi32>
        %shift_right_logical3A_1382 = arith.constant 1 : i32
        %shift_right_logical3A_1383 = vector.broadcast %shift_right_logical3A_1382 : i32 to vector<16xi32>
        %shift_right_logical3A_1384 = arith.shrui %bitcast3A, %shift_right_logical3A_1383 : vector<16xi32>
        %sub3A_1385 = arith.constant 1597463007 : i32
        %sub3A_1386 = vector.broadcast %sub3A_1385 : i32 to vector<16xi32>
        %sub3A_1387 = arith.subi %sub3A_1386, %shift_right_logical3A_1384 : vector<16xi32>
        %bitcast3A_1388 = vector.bitcast %sub3A_1387 : vector<16xi32> to vector<16xf32>
        %mul3A_1389 = arith.constant 5.000000e-01 : f32
        %mul3A_1390 = vector.broadcast %mul3A_1389 : f32 to vector<16xf32>
        %mul3A_1391 = arith.mulf %mul3A_1390, %max3A_1381 : vector<16xf32>
        %mul3A_1392 = arith.mulf %mul3A_1391, %bitcast3A_1388 : vector<16xf32>
        %mul3A_1393 = arith.mulf %mul3A_1392, %bitcast3A_1388 : vector<16xf32>
        %sub3A_1394 = arith.constant 1.500000e+00 : f32
        %sub3A_1395 = vector.broadcast %sub3A_1394 : f32 to vector<16xf32>
        %sub3A_1396 = arith.subf %sub3A_1395, %mul3A_1393 : vector<16xf32>
        %mul3A_1397 = arith.mulf %bitcast3A_1388, %sub3A_1396 : vector<16xf32>
        %mul3A_1398 = arith.constant 5.000000e-01 : f32
        %mul3A_1399 = vector.broadcast %mul3A_1398 : f32 to vector<16xf32>
        %mul3A_1400 = arith.mulf %mul3A_1399, %max3A_1381 : vector<16xf32>
        %mul3A_1401 = arith.mulf %mul3A_1400, %mul3A_1397 : vector<16xf32>
        %mul3A_1402 = arith.mulf %mul3A_1401, %mul3A_1397 : vector<16xf32>
        %sub3A_1403 = arith.constant 1.500000e+00 : f32
        %sub3A_1404 = vector.broadcast %sub3A_1403 : f32 to vector<16xf32>
        %sub3A_1405 = arith.subf %sub3A_1404, %mul3A_1402 : vector<16xf32>
        %mul3A_1406 = arith.mulf %mul3A_1397, %sub3A_1405 : vector<16xf32>
        %mul3A_1407 = arith.constant 5.000000e-01 : f32
        %mul3A_1408 = vector.broadcast %mul3A_1407 : f32 to vector<16xf32>
        %mul3A_1409 = arith.mulf %mul3A_1408, %max3A_1381 : vector<16xf32>
        %mul3A_1410 = arith.mulf %mul3A_1409, %mul3A_1406 : vector<16xf32>
        %mul3A_1411 = arith.mulf %mul3A_1410, %mul3A_1406 : vector<16xf32>
        %sub3A_1412 = arith.constant 1.500000e+00 : f32
        %sub3A_1413 = vector.broadcast %sub3A_1412 : f32 to vector<16xf32>
        %sub3A_1414 = arith.subf %sub3A_1413, %mul3A_1411 : vector<16xf32>
        %mul3A_1415 = arith.mulf %mul3A_1406, %sub3A_1414 : vector<16xf32>
        %mul3A_1416 = arith.mulf %select_n3A_1377, %get3A_115 : vector<16xf32>
        %mul3A_1417 = arith.mulf %select_n3A_1379, %mul3A_1415 : vector<16xf32>
        %mul3A_1418 = arith.mulf %mul3A_1417, %get3A_117 : vector<16xf32>
        %add3A_1419 = arith.addf %mul3A_1416, %mul3A_1418 : vector<16xf32>
        %sub3A_1420 = arith.constant 6.000000e+00 : f32
        %sub3A_1421 = vector.broadcast %sub3A_1420 : f32 to vector<16xf32>
        %sub3A_1422 = arith.subf %add3A_1419, %sub3A_1421 : vector<16xf32>
        %swap3A = arith.index_cast %multiple_of3A_241 : i32 to index
        %swap3A_1423 = tpu.vector_load %arg23[%swap3A] {strides = array<i32>} : memref<6400xf32, #tpu.memory_space<vmem>>, vector<16xf32>,
        tpu.vector_store %arg23[%swap3A], %sub3A_1422 {strides = array<i32>} : memref<6400xf32, #tpu.memory_space<vmem>>, vector<16xf32>,
      }
      %while3A_237 = arith.constant 1 : i32
      scf.for %while3A_238 = %while3A_235 to %while3A_231 step %while3A_237  : i32 {
        %mul3A_239 = arith.constant 16 : i32
        %mul3A_240 = arith.muli %while3A_238, %mul3A_239 : i32
        %multiple_of3A_241 = tpu.assume_multiple %mul3A_240, 16 : i32
        %broadcast_in_dim3A_242 = vector.broadcast %multiple_of3A_241 : i32 to vector<16xi32>
        %broadcast_in_dim3A_243 = arith.constant 0.000000e+00 : f32
        %broadcast_in_dim3A_244 = vector.broadcast %broadcast_in_dim3A_243 : f32 to vector<16xf32>
        %broadcast_in_dim3A_245 = arith.constant 0.000000e+00 : f32
        %broadcast_in_dim3A_246 = vector.broadcast %broadcast_in_dim3A_245 : f32 to vector<16xf32>
        %or3A = arith.constant 0 : i32
        %or3A_247 = vector.broadcast %or3A : i32 to vector<16xi32>
        %or3A_248 = arith.ori %broadcast_in_dim3A_242, %or3A_247 : vector<16xi32>
        %gather3A = tpu.vector_load_idx %arg20[%or3A_248] : memref<6400xi32, #tpu.memory_space<vmem>>[vector<16xi32>], vector<16xi32>,
        %gather3A_249 = tpu.vector_load_idx %arg21[%or3A_248] : memref<6400xi32, #tpu.memory_space<vmem>>[vector<16xi32>], vector<16xi32>,
        %or3A_250 = arith.ori %gather3A, %iota3A : vector<16xi32>
        %gather3A_251 = tpu.vector_load_idx %arg22[%or3A_250] : memref<64000xf32, #tpu.memory_space<vmem>>[vector<16xi32>], vector<16xf32>,
        %or3A_252 = arith.ori %gather3A, %add3A_168 : vector<16xi32>
        %gather3A_253 = tpu.vector_load_idx %arg22[%or3A_252] : memref<64000xf32, #tpu.memory_space<vmem>>[vector<16xi32>], vector<16xf32>,
        %or3A_254 = arith.ori %gather3A, %add3A_171 : vector<16xi32>
        %gather3A_255 = tpu.vector_load_idx %arg22[%or3A_254] : memref<64000xf32, #tpu.memory_space<vmem>>[vector<16xi32>], vector<16xf32>,
        %or3A_256 = arith.ori %gather3A, %add3A_174 : vector<16xi32>
        %gather3A_257 = tpu.vector_load_idx %arg22[%or3A_256] : memref<64000xf32, #tpu.memory_space<vmem>>[vector<16xi32>], vector<16xf32>,
        %or3A_258 = arith.ori %gather3A_249, %iota3A : vector<16xi32>
        %gather3A_259 = tpu.vector_load_idx %arg19[%or3A_258] : memref<8192xf32, #tpu.memory_space<vmem>>[vector<16xi32>], vector<16xf32>,
        %or3A_260 = arith.ori %gather3A_249, %add3A_168 : vector<16xi32>
        %gather3A_261 = tpu.vector_load_idx %arg19[%or3A_260] : memref<8192xf32, #tpu.memory_space<vmem>>[vector<16xi32>], vector<16xf32>,
        %or3A_262 = arith.ori %gather3A_249, %add3A_171 : vector<16xi32>
        %gather3A_263 = tpu.vector_load_idx %arg19[%or3A_262] : memref<8192xf32, #tpu.memory_space<vmem>>[vector<16xi32>], vector<16xf32>,
        %or3A_264 = arith.ori %gather3A_249, %add3A_174 : vector<16xi32>
        %gather3A_265 = tpu.vector_load_idx %arg19[%or3A_264] : memref<8192xf32, #tpu.memory_space<vmem>>[vector<16xi32>], vector<16xf32>,
        %sub3A_266 = arith.subf %gather3A_259, %gather3A_251 : vector<16xf32>
        %sub3A_267 = arith.subf %gather3A_261, %gather3A_253 : vector<16xf32>
        %abs3A = math.absf %sub3A_266 : vector<16xf32>
        %abs3A_268 = math.absf %sub3A_267 : vector<16xf32>
        %sub3A_269 = arith.constant 3.14159274 : f32
        %sub3A_270 = vector.broadcast %sub3A_269 : f32 to vector<16xf32>
        %sub3A_271 = arith.subf %sub3A_270, %abs3A : vector<16xf32>
        %min3A_272 = arith.minimumf %abs3A, %sub3A_271 : vector<16xf32>
        %sub3A_273 = arith.constant 3.14159274 : f32
        %sub3A_274 = vector.broadcast %sub3A_273 : f32 to vector<16xf32>
        %sub3A_275 = arith.subf %sub3A_274, %abs3A_268 : vector<16xf32>
        %min3A_276 = arith.minimumf %abs3A_268, %sub3A_275 : vector<16xf32>
        %mul3A_277 = arith.mulf %min3A_272, %min3A_272 : vector<16xf32>
        %mul3A_278 = arith.mulf %min3A_276, %min3A_276 : vector<16xf32>
        %mul3A_279 = arith.mulf %min3A_272, %mul3A_277 : vector<16xf32>
        %mul3A_280 = arith.constant 7.893740e-03 : f32
        %mul3A_281 = vector.broadcast %mul3A_280 : f32 to vector<16xf32>
        %mul3A_282 = arith.mulf %mul3A_277, %mul3A_281 : vector<16xf32>
        %add3A_283 = arith.constant -0.166581243 : f32
        %add3A_284 = vector.broadcast %add3A_283 : f32 to vector<16xf32>
        %add3A_285 = arith.addf %add3A_284, %mul3A_282 : vector<16xf32>
        %mul3A_286 = arith.mulf %mul3A_279, %add3A_285 : vector<16xf32>
        %add3A_287 = arith.addf %min3A_272, %mul3A_286 : vector<16xf32>
        %mul3A_288 = arith.mulf %min3A_276, %mul3A_278 : vector<16xf32>
        %mul3A_289 = arith.constant 7.893740e-03 : f32
        %mul3A_290 = vector.broadcast %mul3A_289 : f32 to vector<16xf32>
        %mul3A_291 = arith.mulf %mul3A_278, %mul3A_290 : vector<16xf32>
        %add3A_292 = arith.constant -0.166581243 : f32
        %add3A_293 = vector.broadcast %add3A_292 : f32 to vector<16xf32>
        %add3A_294 = arith.addf %add3A_293, %mul3A_291 : vector<16xf32>
        %mul3A_295 = arith.mulf %mul3A_288, %add3A_294 : vector<16xf32>
        %add3A_296 = arith.addf %min3A_276, %mul3A_295 : vector<16xf32>
        %sub3A_297 = arith.subf %gather3A_263, %gather3A_255 : vector<16xf32>
        %sub3A_298 = arith.subf %gather3A_265, %gather3A_257 : vector<16xf32>
        %add3A_299 = arith.addf %add3A_287, %add3A_296 : vector<16xf32>
        %mul3A_300 = arith.mulf %sub3A_297, %sub3A_297 : vector<16xf32>
        %mul3A_301 = arith.mulf %sub3A_298, %sub3A_298 : vector<16xf32>
        %add3A_302 = arith.addf %mul3A_300, %mul3A_301 : vector<16xf32>
        %reduce_sum3A_303 = arith.constant true
        %reduce_sum3A_304 = vector.broadcast %reduce_sum3A_303 : i1 to vector<16xi1>
        %reduce_sum3A_305 = tpu.scan <sum>, %add3A_299 masked %reduce_sum3A_304 : vector<16xf32>, vector<16xi1> -> vector<16xf32>
        %reduce_sum3A_306 = vector.extract %reduce_sum3A_305[15] : f32 from vector<16xf32>
        %reduce_sum3A_307 = arith.constant true
        %reduce_sum3A_308 = vector.broadcast %reduce_sum3A_307 : i1 to vector<16xi1>
        %reduce_sum3A_309 = tpu.scan <sum>, %add3A_302 masked %reduce_sum3A_308 : vector<16xf32>, vector<16xi1> -> vector<16xf32>
        %reduce_sum3A_310 = vector.extract %reduce_sum3A_309[15] : f32 from vector<16xf32>
        %broadcast_in_dim3A_311 = vector.broadcast %reduce_sum3A_306 : f32 to vector<16xf32>
        %select_n3A_312 = arith.select %eq3A_120, %broadcast_in_dim3A_311, %broadcast_in_dim3A_244 : vector<16xi1>, vector<16xf32>
        %broadcast_in_dim3A_313 = vector.broadcast %reduce_sum3A_310 : f32 to vector<16xf32>
        %select_n3A_314 = arith.select %eq3A_120, %broadcast_in_dim3A_313, %broadcast_in_dim3A_246 : vector<16xi1>, vector<16xf32>
        %or3A_315 = arith.constant 1 : i32
        %or3A_316 = vector.broadcast %or3A_315 : i32 to vector<16xi32>
        %or3A_317 = arith.ori %broadcast_in_dim3A_242, %or3A_316 : vector<16xi32>
        %gather3A_318 = tpu.vector_load_idx %arg20[%or3A_317] : memref<6400xi32, #tpu.memory_space<vmem>>[vector<16xi32>], vector<16xi32>,
        %gather3A_319 = tpu.vector_load_idx %arg21[%or3A_317] : memref<6400xi32, #tpu.memory_space<vmem>>[vector<16xi32>], vector<16xi32>,
        %or3A_320 = arith.ori %gather3A_318, %iota3A : vector<16xi32>
        %gather3A_321 = tpu.vector_load_idx %arg22[%or3A_320] : memref<64000xf32, #tpu.memory_space<vmem>>[vector<16xi32>], vector<16xf32>,
        %or3A_322 = arith.ori %gather3A_318, %add3A_168 : vector<16xi32>
        %gather3A_323 = tpu.vector_load_idx %arg22[%or3A_322] : memref<64000xf32, #tpu.memory_space<vmem>>[vector<16xi32>], vector<16xf32>,
        %or3A_324 = arith.ori %gather3A_318, %add3A_171 : vector<16xi32>
        %gather3A_325 = tpu.vector_load_idx %arg22[%or3A_324] : memref<64000xf32, #tpu.memory_space<vmem>>[vector<16xi32>], vector<16xf32>,
        %or3A_326 = arith.ori %gather3A_318, %add3A_174 : vector<16xi32>
        %gather3A_327 = tpu.vector_load_idx %arg22[%or3A_326] : memref<64000xf32, #tpu.memory_space<vmem>>[vector<16xi32>], vector<16xf32>,
        %or3A_328 = arith.ori %gather3A_319, %iota3A : vector<16xi32>
        %gather3A_329 = tpu.vector_load_idx %arg19[%or3A_328] : memref<8192xf32, #tpu.memory_space<vmem>>[vector<16xi32>], vector<16xf32>,
        %or3A_330 = arith.ori %gather3A_319, %add3A_168 : vector<16xi32>
        %gather3A_331 = tpu.vector_load_idx %arg19[%or3A_330] : memref<8192xf32, #tpu.memory_space<vmem>>[vector<16xi32>], vector<16xf32>,
        %or3A_332 = arith.ori %gather3A_319, %add3A_171 : vector<16xi32>
        %gather3A_333 = tpu.vector_load_idx %arg19[%or3A_332] : memref<8192xf32, #tpu.memory_space<vmem>>[vector<16xi32>], vector<16xf32>,
        %or3A_334 = arith.ori %gather3A_319, %add3A_174 : vector<16xi32>
        %gather3A_335 = tpu.vector_load_idx %arg19[%or3A_334] : memref<8192xf32, #tpu.memory_space<vmem>>[vector<16xi32>], vector<16xf32>,
        %sub3A_336 = arith.subf %gather3A_329, %gather3A_321 : vector<16xf32>
        %sub3A_337 = arith.subf %gather3A_331, %gather3A_323 : vector<16xf32>
        %abs3A_338 = math.absf %sub3A_336 : vector<16xf32>
        %abs3A_339 = math.absf %sub3A_337 : vector<16xf32>
        %sub3A_340 = arith.constant 3.14159274 : f32
        %sub3A_341 = vector.broadcast %sub3A_340 : f32 to vector<16xf32>
        %sub3A_342 = arith.subf %sub3A_341, %abs3A_338 : vector<16xf32>
        %min3A_343 = arith.minimumf %abs3A_338, %sub3A_342 : vector<16xf32>
        %sub3A_344 = arith.constant 3.14159274 : f32
        %sub3A_345 = vector.broadcast %sub3A_344 : f32 to vector<16xf32>
        %sub3A_346 = arith.subf %sub3A_345, %abs3A_339 : vector<16xf32>
        %min3A_347 = arith.minimumf %abs3A_339, %sub3A_346 : vector<16xf32>
        %mul3A_348 = arith.mulf %min3A_343, %min3A_343 : vector<16xf32>
        %mul3A_349 = arith.mulf %min3A_347, %min3A_347 : vector<16xf32>
        %mul3A_350 = arith.mulf %min3A_343, %mul3A_348 : vector<16xf32>
        %mul3A_351 = arith.constant 7.893740e-03 : f32
        %mul3A_352 = vector.broadcast %mul3A_351 : f32 to vector<16xf32>
        %mul3A_353 = arith.mulf %mul3A_348, %mul3A_352 : vector<16xf32>
        %add3A_354 = arith.constant -0.166581243 : f32
        %add3A_355 = vector.broadcast %add3A_354 : f32 to vector<16xf32>
        %add3A_356 = arith.addf %add3A_355, %mul3A_353 : vector<16xf32>
        %mul3A_357 = arith.mulf %mul3A_350, %add3A_356 : vector<16xf32>
        %add3A_358 = arith.addf %min3A_343, %mul3A_357 : vector<16xf32>
        %mul3A_359 = arith.mulf %min3A_347, %mul3A_349 : vector<16xf32>
        %mul3A_360 = arith.constant 7.893740e-03 : f32
        %mul3A_361 = vector.broadcast %mul3A_360 : f32 to vector<16xf32>
        %mul3A_362 = arith.mulf %mul3A_349, %mul3A_361 : vector<16xf32>
        %add3A_363 = arith.constant -0.166581243 : f32
        %add3A_364 = vector.broadcast %add3A_363 : f32 to vector<16xf32>
        %add3A_365 = arith.addf %add3A_364, %mul3A_362 : vector<16xf32>
        %mul3A_366 = arith.mulf %mul3A_359, %add3A_365 : vector<16xf32>
        %add3A_367 = arith.addf %min3A_347, %mul3A_366 : vector<16xf32>
        %sub3A_368 = arith.subf %gather3A_333, %gather3A_325 : vector<16xf32>
        %sub3A_369 = arith.subf %gather3A_335, %gather3A_327 : vector<16xf32>
        %add3A_370 = arith.addf %add3A_358, %add3A_367 : vector<16xf32>
        %mul3A_371 = arith.mulf %sub3A_368, %sub3A_368 : vector<16xf32>
        %mul3A_372 = arith.mulf %sub3A_369, %sub3A_369 : vector<16xf32>
        %add3A_373 = arith.addf %mul3A_371, %mul3A_372 : vector<16xf32>
        %reduce_sum3A_374 = arith.constant true
        %reduce_sum3A_375 = vector.broadcast %reduce_sum3A_374 : i1 to vector<16xi1>
        %reduce_sum3A_376 = tpu.scan <sum>, %add3A_370 masked %reduce_sum3A_375 : vector<16xf32>, vector<16xi1> -> vector<16xf32>
        %reduce_sum3A_377 = vector.extract %reduce_sum3A_376[15] : f32 from vector<16xf32>
        %reduce_sum3A_378 = arith.constant true
        %reduce_sum3A_379 = vector.broadcast %reduce_sum3A_378 : i1 to vector<16xi1>
        %reduce_sum3A_380 = tpu.scan <sum>, %add3A_373 masked %reduce_sum3A_379 : vector<16xf32>, vector<16xi1> -> vector<16xf32>
        %reduce_sum3A_381 = vector.extract %reduce_sum3A_380[15] : f32 from vector<16xf32>
        %broadcast_in_dim3A_382 = vector.broadcast %reduce_sum3A_377 : f32 to vector<16xf32>
        %select_n3A_383 = arith.select %eq3A_123, %broadcast_in_dim3A_382, %select_n3A_312 : vector<16xi1>, vector<16xf32>
        %broadcast_in_dim3A_384 = vector.broadcast %reduce_sum3A_381 : f32 to vector<16xf32>
        %select_n3A_385 = arith.select %eq3A_123, %broadcast_in_dim3A_384, %select_n3A_314 : vector<16xi1>, vector<16xf32>
        %or3A_386 = arith.constant 2 : i32
        %or3A_387 = vector.broadcast %or3A_386 : i32 to vector<16xi32>
        %or3A_388 = arith.ori %broadcast_in_dim3A_242, %or3A_387 : vector<16xi32>
        %gather3A_389 = tpu.vector_load_idx %arg20[%or3A_388] : memref<6400xi32, #tpu.memory_space<vmem>>[vector<16xi32>], vector<16xi32>,
        %gather3A_390 = tpu.vector_load_idx %arg21[%or3A_388] : memref<6400xi32, #tpu.memory_space<vmem>>[vector<16xi32>], vector<16xi32>,
        %or3A_391 = arith.ori %gather3A_389, %iota3A : vector<16xi32>
        %gather3A_392 = tpu.vector_load_idx %arg22[%or3A_391] : memref<64000xf32, #tpu.memory_space<vmem>>[vector<16xi32>], vector<16xf32>,
        %or3A_393 = arith.ori %gather3A_389, %add3A_168 : vector<16xi32>
        %gather3A_394 = tpu.vector_load_idx %arg22[%or3A_393] : memref<64000xf32, #tpu.memory_space<vmem>>[vector<16xi32>], vector<16xf32>,
        %or3A_395 = arith.ori %gather3A_389, %add3A_171 : vector<16xi32>
        %gather3A_396 = tpu.vector_load_idx %arg22[%or3A_395] : memref<64000xf32, #tpu.memory_space<vmem>>[vector<16xi32>], vector<16xf32>,
        %or3A_397 = arith.ori %gather3A_389, %add3A_174 : vector<16xi32>
        %gather3A_398 = tpu.vector_load_idx %arg22[%or3A_397] : memref<64000xf32, #tpu.memory_space<vmem>>[vector<16xi32>], vector<16xf32>,
        %or3A_399 = arith.ori %gather3A_390, %iota3A : vector<16xi32>
        %gather3A_400 = tpu.vector_load_idx %arg19[%or3A_399] : memref<8192xf32, #tpu.memory_space<vmem>>[vector<16xi32>], vector<16xf32>,
        %or3A_401 = arith.ori %gather3A_390, %add3A_168 : vector<16xi32>
        %gather3A_402 = tpu.vector_load_idx %arg19[%or3A_401] : memref<8192xf32, #tpu.memory_space<vmem>>[vector<16xi32>], vector<16xf32>,
        %or3A_403 = arith.ori %gather3A_390, %add3A_171 : vector<16xi32>
        %gather3A_404 = tpu.vector_load_idx %arg19[%or3A_403] : memref<8192xf32, #tpu.memory_space<vmem>>[vector<16xi32>], vector<16xf32>,
        %or3A_405 = arith.ori %gather3A_390, %add3A_174 : vector<16xi32>
        %gather3A_406 = tpu.vector_load_idx %arg19[%or3A_405] : memref<8192xf32, #tpu.memory_space<vmem>>[vector<16xi32>], vector<16xf32>,
        %sub3A_407 = arith.subf %gather3A_400, %gather3A_392 : vector<16xf32>
        %sub3A_408 = arith.subf %gather3A_402, %gather3A_394 : vector<16xf32>
        %abs3A_409 = math.absf %sub3A_407 : vector<16xf32>
        %abs3A_410 = math.absf %sub3A_408 : vector<16xf32>
        %sub3A_411 = arith.constant 3.14159274 : f32
        %sub3A_412 = vector.broadcast %sub3A_411 : f32 to vector<16xf32>
        %sub3A_413 = arith.subf %sub3A_412, %abs3A_409 : vector<16xf32>
        %min3A_414 = arith.minimumf %abs3A_409, %sub3A_413 : vector<16xf32>
        %sub3A_415 = arith.constant 3.14159274 : f32
        %sub3A_416 = vector.broadcast %sub3A_415 : f32 to vector<16xf32>
        %sub3A_417 = arith.subf %sub3A_416, %abs3A_410 : vector<16xf32>
        %min3A_418 = arith.minimumf %abs3A_410, %sub3A_417 : vector<16xf32>
        %mul3A_419 = arith.mulf %min3A_414, %min3A_414 : vector<16xf32>
        %mul3A_420 = arith.mulf %min3A_418, %min3A_418 : vector<16xf32>
        %mul3A_421 = arith.mulf %min3A_414, %mul3A_419 : vector<16xf32>
        %mul3A_422 = arith.constant 7.893740e-03 : f32
        %mul3A_423 = vector.broadcast %mul3A_422 : f32 to vector<16xf32>
        %mul3A_424 = arith.mulf %mul3A_419, %mul3A_423 : vector<16xf32>
        %add3A_425 = arith.constant -0.166581243 : f32
        %add3A_426 = vector.broadcast %add3A_425 : f32 to vector<16xf32>
        %add3A_427 = arith.addf %add3A_426, %mul3A_424 : vector<16xf32>
        %mul3A_428 = arith.mulf %mul3A_421, %add3A_427 : vector<16xf32>
        %add3A_429 = arith.addf %min3A_414, %mul3A_428 : vector<16xf32>
        %mul3A_430 = arith.mulf %min3A_418, %mul3A_420 : vector<16xf32>
        %mul3A_431 = arith.constant 7.893740e-03 : f32
        %mul3A_432 = vector.broadcast %mul3A_431 : f32 to vector<16xf32>
        %mul3A_433 = arith.mulf %mul3A_420, %mul3A_432 : vector<16xf32>
        %add3A_434 = arith.constant -0.166581243 : f32
        %add3A_435 = vector.broadcast %add3A_434 : f32 to vector<16xf32>
        %add3A_436 = arith.addf %add3A_435, %mul3A_433 : vector<16xf32>
        %mul3A_437 = arith.mulf %mul3A_430, %add3A_436 : vector<16xf32>
        %add3A_438 = arith.addf %min3A_418, %mul3A_437 : vector<16xf32>
        %sub3A_439 = arith.subf %gather3A_404, %gather3A_396 : vector<16xf32>
        %sub3A_440 = arith.subf %gather3A_406, %gather3A_398 : vector<16xf32>
        %add3A_441 = arith.addf %add3A_429, %add3A_438 : vector<16xf32>
        %mul3A_442 = arith.mulf %sub3A_439, %sub3A_439 : vector<16xf32>
        %mul3A_443 = arith.mulf %sub3A_440, %sub3A_440 : vector<16xf32>
        %add3A_444 = arith.addf %mul3A_442, %mul3A_443 : vector<16xf32>
        %reduce_sum3A_445 = arith.constant true
        %reduce_sum3A_446 = vector.broadcast %reduce_sum3A_445 : i1 to vector<16xi1>
        %reduce_sum3A_447 = tpu.scan <sum>, %add3A_441 masked %reduce_sum3A_446 : vector<16xf32>, vector<16xi1> -> vector<16xf32>
        %reduce_sum3A_448 = vector.extract %reduce_sum3A_447[15] : f32 from vector<16xf32>
        %reduce_sum3A_449 = arith.constant true
        %reduce_sum3A_450 = vector.broadcast %reduce_sum3A_449 : i1 to vector<16xi1>
        %reduce_sum3A_451 = tpu.scan <sum>, %add3A_444 masked %reduce_sum3A_450 : vector<16xf32>, vector<16xi1> -> vector<16xf32>
        %reduce_sum3A_452 = vector.extract %reduce_sum3A_451[15] : f32 from vector<16xf32>
        %broadcast_in_dim3A_453 = vector.broadcast %reduce_sum3A_448 : f32 to vector<16xf32>
        %select_n3A_454 = arith.select %eq3A_126, %broadcast_in_dim3A_453, %select_n3A_383 : vector<16xi1>, vector<16xf32>
        %broadcast_in_dim3A_455 = vector.broadcast %reduce_sum3A_452 : f32 to vector<16xf32>
        %select_n3A_456 = arith.select %eq3A_126, %broadcast_in_dim3A_455, %select_n3A_385 : vector<16xi1>, vector<16xf32>
        %or3A_457 = arith.constant 3 : i32
        %or3A_458 = vector.broadcast %or3A_457 : i32 to vector<16xi32>
        %or3A_459 = arith.ori %broadcast_in_dim3A_242, %or3A_458 : vector<16xi32>
        %gather3A_460 = tpu.vector_load_idx %arg20[%or3A_459] : memref<6400xi32, #tpu.memory_space<vmem>>[vector<16xi32>], vector<16xi32>,
        %gather3A_461 = tpu.vector_load_idx %arg21[%or3A_459] : memref<6400xi32, #tpu.memory_space<vmem>>[vector<16xi32>], vector<16xi32>,
        %or3A_462 = arith.ori %gather3A_460, %iota3A : vector<16xi32>
        %gather3A_463 = tpu.vector_load_idx %arg22[%or3A_462] : memref<64000xf32, #tpu.memory_space<vmem>>[vector<16xi32>], vector<16xf32>,
        %or3A_464 = arith.ori %gather3A_460, %add3A_168 : vector<16xi32>
        %gather3A_465 = tpu.vector_load_idx %arg22[%or3A_464] : memref<64000xf32, #tpu.memory_space<vmem>>[vector<16xi32>], vector<16xf32>,
        %or3A_466 = arith.ori %gather3A_460, %add3A_171 : vector<16xi32>
        %gather3A_467 = tpu.vector_load_idx %arg22[%or3A_466] : memref<64000xf32, #tpu.memory_space<vmem>>[vector<16xi32>], vector<16xf32>,
        %or3A_468 = arith.ori %gather3A_460, %add3A_174 : vector<16xi32>
        %gather3A_469 = tpu.vector_load_idx %arg22[%or3A_468] : memref<64000xf32, #tpu.memory_space<vmem>>[vector<16xi32>], vector<16xf32>,
        %or3A_470 = arith.ori %gather3A_461, %iota3A : vector<16xi32>
        %gather3A_471 = tpu.vector_load_idx %arg19[%or3A_470] : memref<8192xf32, #tpu.memory_space<vmem>>[vector<16xi32>], vector<16xf32>,
        %or3A_472 = arith.ori %gather3A_461, %add3A_168 : vector<16xi32>
        %gather3A_473 = tpu.vector_load_idx %arg19[%or3A_472] : memref<8192xf32, #tpu.memory_space<vmem>>[vector<16xi32>], vector<16xf32>,
        %or3A_474 = arith.ori %gather3A_461, %add3A_171 : vector<16xi32>
        %gather3A_475 = tpu.vector_load_idx %arg19[%or3A_474] : memref<8192xf32, #tpu.memory_space<vmem>>[vector<16xi32>], vector<16xf32>,
        %or3A_476 = arith.ori %gather3A_461, %add3A_174 : vector<16xi32>
        %gather3A_477 = tpu.vector_load_idx %arg19[%or3A_476] : memref<8192xf32, #tpu.memory_space<vmem>>[vector<16xi32>], vector<16xf32>,
        %sub3A_478 = arith.subf %gather3A_471, %gather3A_463 : vector<16xf32>
        %sub3A_479 = arith.subf %gather3A_473, %gather3A_465 : vector<16xf32>
        %abs3A_480 = math.absf %sub3A_478 : vector<16xf32>
        %abs3A_481 = math.absf %sub3A_479 : vector<16xf32>
        %sub3A_482 = arith.constant 3.14159274 : f32
        %sub3A_483 = vector.broadcast %sub3A_482 : f32 to vector<16xf32>
        %sub3A_484 = arith.subf %sub3A_483, %abs3A_480 : vector<16xf32>
        %min3A_485 = arith.minimumf %abs3A_480, %sub3A_484 : vector<16xf32>
        %sub3A_486 = arith.constant 3.14159274 : f32
        %sub3A_487 = vector.broadcast %sub3A_486 : f32 to vector<16xf32>
        %sub3A_488 = arith.subf %sub3A_487, %abs3A_481 : vector<16xf32>
        %min3A_489 = arith.minimumf %abs3A_481, %sub3A_488 : vector<16xf32>
        %mul3A_490 = arith.mulf %min3A_485, %min3A_485 : vector<16xf32>
        %mul3A_491 = arith.mulf %min3A_489, %min3A_489 : vector<16xf32>
        %mul3A_492 = arith.mulf %min3A_485, %mul3A_490 : vector<16xf32>
        %mul3A_493 = arith.constant 7.893740e-03 : f32
        %mul3A_494 = vector.broadcast %mul3A_493 : f32 to vector<16xf32>
        %mul3A_495 = arith.mulf %mul3A_490, %mul3A_494 : vector<16xf32>
        %add3A_496 = arith.constant -0.166581243 : f32
        %add3A_497 = vector.broadcast %add3A_496 : f32 to vector<16xf32>
        %add3A_498 = arith.addf %add3A_497, %mul3A_495 : vector<16xf32>
        %mul3A_499 = arith.mulf %mul3A_492, %add3A_498 : vector<16xf32>
        %add3A_500 = arith.addf %min3A_485, %mul3A_499 : vector<16xf32>
        %mul3A_501 = arith.mulf %min3A_489, %mul3A_491 : vector<16xf32>
        %mul3A_502 = arith.constant 7.893740e-03 : f32
        %mul3A_503 = vector.broadcast %mul3A_502 : f32 to vector<16xf32>
        %mul3A_504 = arith.mulf %mul3A_491, %mul3A_503 : vector<16xf32>
        %add3A_505 = arith.constant -0.166581243 : f32
        %add3A_506 = vector.broadcast %add3A_505 : f32 to vector<16xf32>
        %add3A_507 = arith.addf %add3A_506, %mul3A_504 : vector<16xf32>
        %mul3A_508 = arith.mulf %mul3A_501, %add3A_507 : vector<16xf32>
        %add3A_509 = arith.addf %min3A_489, %mul3A_508 : vector<16xf32>
        %sub3A_510 = arith.subf %gather3A_475, %gather3A_467 : vector<16xf32>
        %sub3A_511 = arith.subf %gather3A_477, %gather3A_469 : vector<16xf32>
        %add3A_512 = arith.addf %add3A_500, %add3A_509 : vector<16xf32>
        %mul3A_513 = arith.mulf %sub3A_510, %sub3A_510 : vector<16xf32>
        %mul3A_514 = arith.mulf %sub3A_511, %sub3A_511 : vector<16xf32>
        %add3A_515 = arith.addf %mul3A_513, %mul3A_514 : vector<16xf32>
        %reduce_sum3A_516 = arith.constant true
        %reduce_sum3A_517 = vector.broadcast %reduce_sum3A_516 : i1 to vector<16xi1>
        %reduce_sum3A_518 = tpu.scan <sum>, %add3A_512 masked %reduce_sum3A_517 : vector<16xf32>, vector<16xi1> -> vector<16xf32>
        %reduce_sum3A_519 = vector.extract %reduce_sum3A_518[15] : f32 from vector<16xf32>
        %reduce_sum3A_520 = arith.constant true
        %reduce_sum3A_521 = vector.broadcast %reduce_sum3A_520 : i1 to vector<16xi1>
        %reduce_sum3A_522 = tpu.scan <sum>, %add3A_515 masked %reduce_sum3A_521 : vector<16xf32>, vector<16xi1> -> vector<16xf32>
        %reduce_sum3A_523 = vector.extract %reduce_sum3A_522[15] : f32 from vector<16xf32>
        %broadcast_in_dim3A_524 = vector.broadcast %reduce_sum3A_519 : f32 to vector<16xf32>
        %select_n3A_525 = arith.select %eq3A_129, %broadcast_in_dim3A_524, %select_n3A_454 : vector<16xi1>, vector<16xf32>
        %broadcast_in_dim3A_526 = vector.broadcast %reduce_sum3A_523 : f32 to vector<16xf32>
        %select_n3A_527 = arith.select %eq3A_129, %broadcast_in_dim3A_526, %select_n3A_456 : vector<16xi1>, vector<16xf32>
        %or3A_528 = arith.constant 4 : i32
        %or3A_529 = vector.broadcast %or3A_528 : i32 to vector<16xi32>
        %or3A_530 = arith.ori %broadcast_in_dim3A_242, %or3A_529 : vector<16xi32>
        %gather3A_531 = tpu.vector_load_idx %arg20[%or3A_530] : memref<6400xi32, #tpu.memory_space<vmem>>[vector<16xi32>], vector<16xi32>,
        %gather3A_532 = tpu.vector_load_idx %arg21[%or3A_530] : memref<6400xi32, #tpu.memory_space<vmem>>[vector<16xi32>], vector<16xi32>,
        %or3A_533 = arith.ori %gather3A_531, %iota3A : vector<16xi32>
        %gather3A_534 = tpu.vector_load_idx %arg22[%or3A_533] : memref<64000xf32, #tpu.memory_space<vmem>>[vector<16xi32>], vector<16xf32>,
        %or3A_535 = arith.ori %gather3A_531, %add3A_168 : vector<16xi32>
        %gather3A_536 = tpu.vector_load_idx %arg22[%or3A_535] : memref<64000xf32, #tpu.memory_space<vmem>>[vector<16xi32>], vector<16xf32>,
        %or3A_537 = arith.ori %gather3A_531, %add3A_171 : vector<16xi32>
        %gather3A_538 = tpu.vector_load_idx %arg22[%or3A_537] : memref<64000xf32, #tpu.memory_space<vmem>>[vector<16xi32>], vector<16xf32>,
        %or3A_539 = arith.ori %gather3A_531, %add3A_174 : vector<16xi32>
        %gather3A_540 = tpu.vector_load_idx %arg22[%or3A_539] : memref<64000xf32, #tpu.memory_space<vmem>>[vector<16xi32>], vector<16xf32>,
        %or3A_541 = arith.ori %gather3A_532, %iota3A : vector<16xi32>
        %gather3A_542 = tpu.vector_load_idx %arg19[%or3A_541] : memref<8192xf32, #tpu.memory_space<vmem>>[vector<16xi32>], vector<16xf32>,
        %or3A_543 = arith.ori %gather3A_532, %add3A_168 : vector<16xi32>
        %gather3A_544 = tpu.vector_load_idx %arg19[%or3A_543] : memref<8192xf32, #tpu.memory_space<vmem>>[vector<16xi32>], vector<16xf32>,
        %or3A_545 = arith.ori %gather3A_532, %add3A_171 : vector<16xi32>
        %gather3A_546 = tpu.vector_load_idx %arg19[%or3A_545] : memref<8192xf32, #tpu.memory_space<vmem>>[vector<16xi32>], vector<16xf32>,
        %or3A_547 = arith.ori %gather3A_532, %add3A_174 : vector<16xi32>
        %gather3A_548 = tpu.vector_load_idx %arg19[%or3A_547] : memref<8192xf32, #tpu.memory_space<vmem>>[vector<16xi32>], vector<16xf32>,
        %sub3A_549 = arith.subf %gather3A_542, %gather3A_534 : vector<16xf32>
        %sub3A_550 = arith.subf %gather3A_544, %gather3A_536 : vector<16xf32>
        %abs3A_551 = math.absf %sub3A_549 : vector<16xf32>
        %abs3A_552 = math.absf %sub3A_550 : vector<16xf32>
        %sub3A_553 = arith.constant 3.14159274 : f32
        %sub3A_554 = vector.broadcast %sub3A_553 : f32 to vector<16xf32>
        %sub3A_555 = arith.subf %sub3A_554, %abs3A_551 : vector<16xf32>
        %min3A_556 = arith.minimumf %abs3A_551, %sub3A_555 : vector<16xf32>
        %sub3A_557 = arith.constant 3.14159274 : f32
        %sub3A_558 = vector.broadcast %sub3A_557 : f32 to vector<16xf32>
        %sub3A_559 = arith.subf %sub3A_558, %abs3A_552 : vector<16xf32>
        %min3A_560 = arith.minimumf %abs3A_552, %sub3A_559 : vector<16xf32>
        %mul3A_561 = arith.mulf %min3A_556, %min3A_556 : vector<16xf32>
        %mul3A_562 = arith.mulf %min3A_560, %min3A_560 : vector<16xf32>
        %mul3A_563 = arith.mulf %min3A_556, %mul3A_561 : vector<16xf32>
        %mul3A_564 = arith.constant 7.893740e-03 : f32
        %mul3A_565 = vector.broadcast %mul3A_564 : f32 to vector<16xf32>
        %mul3A_566 = arith.mulf %mul3A_561, %mul3A_565 : vector<16xf32>
        %add3A_567 = arith.constant -0.166581243 : f32
        %add3A_568 = vector.broadcast %add3A_567 : f32 to vector<16xf32>
        %add3A_569 = arith.addf %add3A_568, %mul3A_566 : vector<16xf32>
        %mul3A_570 = arith.mulf %mul3A_563, %add3A_569 : vector<16xf32>
        %add3A_571 = arith.addf %min3A_556, %mul3A_570 : vector<16xf32>
        %mul3A_572 = arith.mulf %min3A_560, %mul3A_562 : vector<16xf32>
        %mul3A_573 = arith.constant 7.893740e-03 : f32
        %mul3A_574 = vector.broadcast %mul3A_573 : f32 to vector<16xf32>
        %mul3A_575 = arith.mulf %mul3A_562, %mul3A_574 : vector<16xf32>
        %add3A_576 = arith.constant -0.166581243 : f32
        %add3A_577 = vector.broadcast %add3A_576 : f32 to vector<16xf32>
        %add3A_578 = arith.addf %add3A_577, %mul3A_575 : vector<16xf32>
        %mul3A_579 = arith.mulf %mul3A_572, %add3A_578 : vector<16xf32>
        %add3A_580 = arith.addf %min3A_560, %mul3A_579 : vector<16xf32>
        %sub3A_581 = arith.subf %gather3A_546, %gather3A_538 : vector<16xf32>
        %sub3A_582 = arith.subf %gather3A_548, %gather3A_540 : vector<16xf32>
        %add3A_583 = arith.addf %add3A_571, %add3A_580 : vector<16xf32>
        %mul3A_584 = arith.mulf %sub3A_581, %sub3A_581 : vector<16xf32>
        %mul3A_585 = arith.mulf %sub3A_582, %sub3A_582 : vector<16xf32>
        %add3A_586 = arith.addf %mul3A_584, %mul3A_585 : vector<16xf32>
        %reduce_sum3A_587 = arith.constant true
        %reduce_sum3A_588 = vector.broadcast %reduce_sum3A_587 : i1 to vector<16xi1>
        %reduce_sum3A_589 = tpu.scan <sum>, %add3A_583 masked %reduce_sum3A_588 : vector<16xf32>, vector<16xi1> -> vector<16xf32>
        %reduce_sum3A_590 = vector.extract %reduce_sum3A_589[15] : f32 from vector<16xf32>
        %reduce_sum3A_591 = arith.constant true
        %reduce_sum3A_592 = vector.broadcast %reduce_sum3A_591 : i1 to vector<16xi1>
        %reduce_sum3A_593 = tpu.scan <sum>, %add3A_586 masked %reduce_sum3A_592 : vector<16xf32>, vector<16xi1> -> vector<16xf32>
        %reduce_sum3A_594 = vector.extract %reduce_sum3A_593[15] : f32 from vector<16xf32>
        %broadcast_in_dim3A_595 = vector.broadcast %reduce_sum3A_590 : f32 to vector<16xf32>
        %select_n3A_596 = arith.select %eq3A_132, %broadcast_in_dim3A_595, %select_n3A_525 : vector<16xi1>, vector<16xf32>
        %broadcast_in_dim3A_597 = vector.broadcast %reduce_sum3A_594 : f32 to vector<16xf32>
        %select_n3A_598 = arith.select %eq3A_132, %broadcast_in_dim3A_597, %select_n3A_527 : vector<16xi1>, vector<16xf32>
        %or3A_599 = arith.constant 5 : i32
        %or3A_600 = vector.broadcast %or3A_599 : i32 to vector<16xi32>
        %or3A_601 = arith.ori %broadcast_in_dim3A_242, %or3A_600 : vector<16xi32>
        %gather3A_602 = tpu.vector_load_idx %arg20[%or3A_601] : memref<6400xi32, #tpu.memory_space<vmem>>[vector<16xi32>], vector<16xi32>,
        %gather3A_603 = tpu.vector_load_idx %arg21[%or3A_601] : memref<6400xi32, #tpu.memory_space<vmem>>[vector<16xi32>], vector<16xi32>,
        %or3A_604 = arith.ori %gather3A_602, %iota3A : vector<16xi32>
        %gather3A_605 = tpu.vector_load_idx %arg22[%or3A_604] : memref<64000xf32, #tpu.memory_space<vmem>>[vector<16xi32>], vector<16xf32>,
        %or3A_606 = arith.ori %gather3A_602, %add3A_168 : vector<16xi32>
        %gather3A_607 = tpu.vector_load_idx %arg22[%or3A_606] : memref<64000xf32, #tpu.memory_space<vmem>>[vector<16xi32>], vector<16xf32>,
        %or3A_608 = arith.ori %gather3A_602, %add3A_171 : vector<16xi32>
        %gather3A_609 = tpu.vector_load_idx %arg22[%or3A_608] : memref<64000xf32, #tpu.memory_space<vmem>>[vector<16xi32>], vector<16xf32>,
        %or3A_610 = arith.ori %gather3A_602, %add3A_174 : vector<16xi32>
        %gather3A_611 = tpu.vector_load_idx %arg22[%or3A_610] : memref<64000xf32, #tpu.memory_space<vmem>>[vector<16xi32>], vector<16xf32>,
        %or3A_612 = arith.ori %gather3A_603, %iota3A : vector<16xi32>
        %gather3A_613 = tpu.vector_load_idx %arg19[%or3A_612] : memref<8192xf32, #tpu.memory_space<vmem>>[vector<16xi32>], vector<16xf32>,
        %or3A_614 = arith.ori %gather3A_603, %add3A_168 : vector<16xi32>
        %gather3A_615 = tpu.vector_load_idx %arg19[%or3A_614] : memref<8192xf32, #tpu.memory_space<vmem>>[vector<16xi32>], vector<16xf32>,
        %or3A_616 = arith.ori %gather3A_603, %add3A_171 : vector<16xi32>
        %gather3A_617 = tpu.vector_load_idx %arg19[%or3A_616] : memref<8192xf32, #tpu.memory_space<vmem>>[vector<16xi32>], vector<16xf32>,
        %or3A_618 = arith.ori %gather3A_603, %add3A_174 : vector<16xi32>
        %gather3A_619 = tpu.vector_load_idx %arg19[%or3A_618] : memref<8192xf32, #tpu.memory_space<vmem>>[vector<16xi32>], vector<16xf32>,
        %sub3A_620 = arith.subf %gather3A_613, %gather3A_605 : vector<16xf32>
        %sub3A_621 = arith.subf %gather3A_615, %gather3A_607 : vector<16xf32>
        %abs3A_622 = math.absf %sub3A_620 : vector<16xf32>
        %abs3A_623 = math.absf %sub3A_621 : vector<16xf32>
        %sub3A_624 = arith.constant 3.14159274 : f32
        %sub3A_625 = vector.broadcast %sub3A_624 : f32 to vector<16xf32>
        %sub3A_626 = arith.subf %sub3A_625, %abs3A_622 : vector<16xf32>
        %min3A_627 = arith.minimumf %abs3A_622, %sub3A_626 : vector<16xf32>
        %sub3A_628 = arith.constant 3.14159274 : f32
        %sub3A_629 = vector.broadcast %sub3A_628 : f32 to vector<16xf32>
        %sub3A_630 = arith.subf %sub3A_629, %abs3A_623 : vector<16xf32>
        %min3A_631 = arith.minimumf %abs3A_623, %sub3A_630 : vector<16xf32>
        %mul3A_632 = arith.mulf %min3A_627, %min3A_627 : vector<16xf32>
        %mul3A_633 = arith.mulf %min3A_631, %min3A_631 : vector<16xf32>
        %mul3A_634 = arith.mulf %min3A_627, %mul3A_632 : vector<16xf32>
        %mul3A_635 = arith.constant 7.893740e-03 : f32
        %mul3A_636 = vector.broadcast %mul3A_635 : f32 to vector<16xf32>
        %mul3A_637 = arith.mulf %mul3A_632, %mul3A_636 : vector<16xf32>
        %add3A_638 = arith.constant -0.166581243 : f32
        %add3A_639 = vector.broadcast %add3A_638 : f32 to vector<16xf32>
        %add3A_640 = arith.addf %add3A_639, %mul3A_637 : vector<16xf32>
        %mul3A_641 = arith.mulf %mul3A_634, %add3A_640 : vector<16xf32>
        %add3A_642 = arith.addf %min3A_627, %mul3A_641 : vector<16xf32>
        %mul3A_643 = arith.mulf %min3A_631, %mul3A_633 : vector<16xf32>
        %mul3A_644 = arith.constant 7.893740e-03 : f32
        %mul3A_645 = vector.broadcast %mul3A_644 : f32 to vector<16xf32>
        %mul3A_646 = arith.mulf %mul3A_633, %mul3A_645 : vector<16xf32>
        %add3A_647 = arith.constant -0.166581243 : f32
        %add3A_648 = vector.broadcast %add3A_647 : f32 to vector<16xf32>
        %add3A_649 = arith.addf %add3A_648, %mul3A_646 : vector<16xf32>
        %mul3A_650 = arith.mulf %mul3A_643, %add3A_649 : vector<16xf32>
        %add3A_651 = arith.addf %min3A_631, %mul3A_650 : vector<16xf32>
        %sub3A_652 = arith.subf %gather3A_617, %gather3A_609 : vector<16xf32>
        %sub3A_653 = arith.subf %gather3A_619, %gather3A_611 : vector<16xf32>
        %add3A_654 = arith.addf %add3A_642, %add3A_651 : vector<16xf32>
        %mul3A_655 = arith.mulf %sub3A_652, %sub3A_652 : vector<16xf32>
        %mul3A_656 = arith.mulf %sub3A_653, %sub3A_653 : vector<16xf32>
        %add3A_657 = arith.addf %mul3A_655, %mul3A_656 : vector<16xf32>
        %reduce_sum3A_658 = arith.constant true
        %reduce_sum3A_659 = vector.broadcast %reduce_sum3A_658 : i1 to vector<16xi1>
        %reduce_sum3A_660 = tpu.scan <sum>, %add3A_654 masked %reduce_sum3A_659 : vector<16xf32>, vector<16xi1> -> vector<16xf32>
        %reduce_sum3A_661 = vector.extract %reduce_sum3A_660[15] : f32 from vector<16xf32>
        %reduce_sum3A_662 = arith.constant true
        %reduce_sum3A_663 = vector.broadcast %reduce_sum3A_662 : i1 to vector<16xi1>
        %reduce_sum3A_664 = tpu.scan <sum>, %add3A_657 masked %reduce_sum3A_663 : vector<16xf32>, vector<16xi1> -> vector<16xf32>
        %reduce_sum3A_665 = vector.extract %reduce_sum3A_664[15] : f32 from vector<16xf32>
        %broadcast_in_dim3A_666 = vector.broadcast %reduce_sum3A_661 : f32 to vector<16xf32>
        %select_n3A_667 = arith.select %eq3A_135, %broadcast_in_dim3A_666, %select_n3A_596 : vector<16xi1>, vector<16xf32>
        %broadcast_in_dim3A_668 = vector.broadcast %reduce_sum3A_665 : f32 to vector<16xf32>
        %select_n3A_669 = arith.select %eq3A_135, %broadcast_in_dim3A_668, %select_n3A_598 : vector<16xi1>, vector<16xf32>
        %or3A_670 = arith.constant 6 : i32
        %or3A_671 = vector.broadcast %or3A_670 : i32 to vector<16xi32>
        %or3A_672 = arith.ori %broadcast_in_dim3A_242, %or3A_671 : vector<16xi32>
        %gather3A_673 = tpu.vector_load_idx %arg20[%or3A_672] : memref<6400xi32, #tpu.memory_space<vmem>>[vector<16xi32>], vector<16xi32>,
        %gather3A_674 = tpu.vector_load_idx %arg21[%or3A_672] : memref<6400xi32, #tpu.memory_space<vmem>>[vector<16xi32>], vector<16xi32>,
        %or3A_675 = arith.ori %gather3A_673, %iota3A : vector<16xi32>
        %gather3A_676 = tpu.vector_load_idx %arg22[%or3A_675] : memref<64000xf32, #tpu.memory_space<vmem>>[vector<16xi32>], vector<16xf32>,
        %or3A_677 = arith.ori %gather3A_673, %add3A_168 : vector<16xi32>
        %gather3A_678 = tpu.vector_load_idx %arg22[%or3A_677] : memref<64000xf32, #tpu.memory_space<vmem>>[vector<16xi32>], vector<16xf32>,
        %or3A_679 = arith.ori %gather3A_673, %add3A_171 : vector<16xi32>
        %gather3A_680 = tpu.vector_load_idx %arg22[%or3A_679] : memref<64000xf32, #tpu.memory_space<vmem>>[vector<16xi32>], vector<16xf32>,
        %or3A_681 = arith.ori %gather3A_673, %add3A_174 : vector<16xi32>
        %gather3A_682 = tpu.vector_load_idx %arg22[%or3A_681] : memref<64000xf32, #tpu.memory_space<vmem>>[vector<16xi32>], vector<16xf32>,
        %or3A_683 = arith.ori %gather3A_674, %iota3A : vector<16xi32>
        %gather3A_684 = tpu.vector_load_idx %arg19[%or3A_683] : memref<8192xf32, #tpu.memory_space<vmem>>[vector<16xi32>], vector<16xf32>,
        %or3A_685 = arith.ori %gather3A_674, %add3A_168 : vector<16xi32>
        %gather3A_686 = tpu.vector_load_idx %arg19[%or3A_685] : memref<8192xf32, #tpu.memory_space<vmem>>[vector<16xi32>], vector<16xf32>,
        %or3A_687 = arith.ori %gather3A_674, %add3A_171 : vector<16xi32>
        %gather3A_688 = tpu.vector_load_idx %arg19[%or3A_687] : memref<8192xf32, #tpu.memory_space<vmem>>[vector<16xi32>], vector<16xf32>,
        %or3A_689 = arith.ori %gather3A_674, %add3A_174 : vector<16xi32>
        %gather3A_690 = tpu.vector_load_idx %arg19[%or3A_689] : memref<8192xf32, #tpu.memory_space<vmem>>[vector<16xi32>], vector<16xf32>,
        %sub3A_691 = arith.subf %gather3A_684, %gather3A_676 : vector<16xf32>
        %sub3A_692 = arith.subf %gather3A_686, %gather3A_678 : vector<16xf32>
        %abs3A_693 = math.absf %sub3A_691 : vector<16xf32>
        %abs3A_694 = math.absf %sub3A_692 : vector<16xf32>
        %sub3A_695 = arith.constant 3.14159274 : f32
        %sub3A_696 = vector.broadcast %sub3A_695 : f32 to vector<16xf32>
        %sub3A_697 = arith.subf %sub3A_696, %abs3A_693 : vector<16xf32>
        %min3A_698 = arith.minimumf %abs3A_693, %sub3A_697 : vector<16xf32>
        %sub3A_699 = arith.constant 3.14159274 : f32
        %sub3A_700 = vector.broadcast %sub3A_699 : f32 to vector<16xf32>
        %sub3A_701 = arith.subf %sub3A_700, %abs3A_694 : vector<16xf32>
        %min3A_702 = arith.minimumf %abs3A_694, %sub3A_701 : vector<16xf32>
        %mul3A_703 = arith.mulf %min3A_698, %min3A_698 : vector<16xf32>
        %mul3A_704 = arith.mulf %min3A_702, %min3A_702 : vector<16xf32>
        %mul3A_705 = arith.mulf %min3A_698, %mul3A_703 : vector<16xf32>
        %mul3A_706 = arith.constant 7.893740e-03 : f32
        %mul3A_707 = vector.broadcast %mul3A_706 : f32 to vector<16xf32>
        %mul3A_708 = arith.mulf %mul3A_703, %mul3A_707 : vector<16xf32>
        %add3A_709 = arith.constant -0.166581243 : f32
        %add3A_710 = vector.broadcast %add3A_709 : f32 to vector<16xf32>
        %add3A_711 = arith.addf %add3A_710, %mul3A_708 : vector<16xf32>
        %mul3A_712 = arith.mulf %mul3A_705, %add3A_711 : vector<16xf32>
        %add3A_713 = arith.addf %min3A_698, %mul3A_712 : vector<16xf32>
        %mul3A_714 = arith.mulf %min3A_702, %mul3A_704 : vector<16xf32>
        %mul3A_715 = arith.constant 7.893740e-03 : f32
        %mul3A_716 = vector.broadcast %mul3A_715 : f32 to vector<16xf32>
        %mul3A_717 = arith.mulf %mul3A_704, %mul3A_716 : vector<16xf32>
        %add3A_718 = arith.constant -0.166581243 : f32
        %add3A_719 = vector.broadcast %add3A_718 : f32 to vector<16xf32>
        %add3A_720 = arith.addf %add3A_719, %mul3A_717 : vector<16xf32>
        %mul3A_721 = arith.mulf %mul3A_714, %add3A_720 : vector<16xf32>
        %add3A_722 = arith.addf %min3A_702, %mul3A_721 : vector<16xf32>
        %sub3A_723 = arith.subf %gather3A_688, %gather3A_680 : vector<16xf32>
        %sub3A_724 = arith.subf %gather3A_690, %gather3A_682 : vector<16xf32>
        %add3A_725 = arith.addf %add3A_713, %add3A_722 : vector<16xf32>
        %mul3A_726 = arith.mulf %sub3A_723, %sub3A_723 : vector<16xf32>
        %mul3A_727 = arith.mulf %sub3A_724, %sub3A_724 : vector<16xf32>
        %add3A_728 = arith.addf %mul3A_726, %mul3A_727 : vector<16xf32>
        %reduce_sum3A_729 = arith.constant true
        %reduce_sum3A_730 = vector.broadcast %reduce_sum3A_729 : i1 to vector<16xi1>
        %reduce_sum3A_731 = tpu.scan <sum>, %add3A_725 masked %reduce_sum3A_730 : vector<16xf32>, vector<16xi1> -> vector<16xf32>
        %reduce_sum3A_732 = vector.extract %reduce_sum3A_731[15] : f32 from vector<16xf32>
        %reduce_sum3A_733 = arith.constant true
        %reduce_sum3A_734 = vector.broadcast %reduce_sum3A_733 : i1 to vector<16xi1>
        %reduce_sum3A_735 = tpu.scan <sum>, %add3A_728 masked %reduce_sum3A_734 : vector<16xf32>, vector<16xi1> -> vector<16xf32>
        %reduce_sum3A_736 = vector.extract %reduce_sum3A_735[15] : f32 from vector<16xf32>
        %broadcast_in_dim3A_737 = vector.broadcast %reduce_sum3A_732 : f32 to vector<16xf32>
        %select_n3A_738 = arith.select %eq3A_138, %broadcast_in_dim3A_737, %select_n3A_667 : vector<16xi1>, vector<16xf32>
        %broadcast_in_dim3A_739 = vector.broadcast %reduce_sum3A_736 : f32 to vector<16xf32>
        %select_n3A_740 = arith.select %eq3A_138, %broadcast_in_dim3A_739, %select_n3A_669 : vector<16xi1>, vector<16xf32>
        %or3A_741 = arith.constant 7 : i32
        %or3A_742 = vector.broadcast %or3A_741 : i32 to vector<16xi32>
        %or3A_743 = arith.ori %broadcast_in_dim3A_242, %or3A_742 : vector<16xi32>
        %gather3A_744 = tpu.vector_load_idx %arg20[%or3A_743] : memref<6400xi32, #tpu.memory_space<vmem>>[vector<16xi32>], vector<16xi32>,
        %gather3A_745 = tpu.vector_load_idx %arg21[%or3A_743] : memref<6400xi32, #tpu.memory_space<vmem>>[vector<16xi32>], vector<16xi32>,
        %or3A_746 = arith.ori %gather3A_744, %iota3A : vector<16xi32>
        %gather3A_747 = tpu.vector_load_idx %arg22[%or3A_746] : memref<64000xf32, #tpu.memory_space<vmem>>[vector<16xi32>], vector<16xf32>,
        %or3A_748 = arith.ori %gather3A_744, %add3A_168 : vector<16xi32>
        %gather3A_749 = tpu.vector_load_idx %arg22[%or3A_748] : memref<64000xf32, #tpu.memory_space<vmem>>[vector<16xi32>], vector<16xf32>,
        %or3A_750 = arith.ori %gather3A_744, %add3A_171 : vector<16xi32>
        %gather3A_751 = tpu.vector_load_idx %arg22[%or3A_750] : memref<64000xf32, #tpu.memory_space<vmem>>[vector<16xi32>], vector<16xf32>,
        %or3A_752 = arith.ori %gather3A_744, %add3A_174 : vector<16xi32>
        %gather3A_753 = tpu.vector_load_idx %arg22[%or3A_752] : memref<64000xf32, #tpu.memory_space<vmem>>[vector<16xi32>], vector<16xf32>,
        %or3A_754 = arith.ori %gather3A_745, %iota3A : vector<16xi32>
        %gather3A_755 = tpu.vector_load_idx %arg19[%or3A_754] : memref<8192xf32, #tpu.memory_space<vmem>>[vector<16xi32>], vector<16xf32>,
        %or3A_756 = arith.ori %gather3A_745, %add3A_168 : vector<16xi32>
        %gather3A_757 = tpu.vector_load_idx %arg19[%or3A_756] : memref<8192xf32, #tpu.memory_space<vmem>>[vector<16xi32>], vector<16xf32>,
        %or3A_758 = arith.ori %gather3A_745, %add3A_171 : vector<16xi32>
        %gather3A_759 = tpu.vector_load_idx %arg19[%or3A_758] : memref<8192xf32, #tpu.memory_space<vmem>>[vector<16xi32>], vector<16xf32>,
        %or3A_760 = arith.ori %gather3A_745, %add3A_174 : vector<16xi32>
        %gather3A_761 = tpu.vector_load_idx %arg19[%or3A_760] : memref<8192xf32, #tpu.memory_space<vmem>>[vector<16xi32>], vector<16xf32>,
        %sub3A_762 = arith.subf %gather3A_755, %gather3A_747 : vector<16xf32>
        %sub3A_763 = arith.subf %gather3A_757, %gather3A_749 : vector<16xf32>
        %abs3A_764 = math.absf %sub3A_762 : vector<16xf32>
        %abs3A_765 = math.absf %sub3A_763 : vector<16xf32>
        %sub3A_766 = arith.constant 3.14159274 : f32
        %sub3A_767 = vector.broadcast %sub3A_766 : f32 to vector<16xf32>
        %sub3A_768 = arith.subf %sub3A_767, %abs3A_764 : vector<16xf32>
        %min3A_769 = arith.minimumf %abs3A_764, %sub3A_768 : vector<16xf32>
        %sub3A_770 = arith.constant 3.14159274 : f32
        %sub3A_771 = vector.broadcast %sub3A_770 : f32 to vector<16xf32>
        %sub3A_772 = arith.subf %sub3A_771, %abs3A_765 : vector<16xf32>
        %min3A_773 = arith.minimumf %abs3A_765, %sub3A_772 : vector<16xf32>
        %mul3A_774 = arith.mulf %min3A_769, %min3A_769 : vector<16xf32>
        %mul3A_775 = arith.mulf %min3A_773, %min3A_773 : vector<16xf32>
        %mul3A_776 = arith.mulf %min3A_769, %mul3A_774 : vector<16xf32>
        %mul3A_777 = arith.constant 7.893740e-03 : f32
        %mul3A_778 = vector.broadcast %mul3A_777 : f32 to vector<16xf32>
        %mul3A_779 = arith.mulf %mul3A_774, %mul3A_778 : vector<16xf32>
        %add3A_780 = arith.constant -0.166581243 : f32
        %add3A_781 = vector.broadcast %add3A_780 : f32 to vector<16xf32>
        %add3A_782 = arith.addf %add3A_781, %mul3A_779 : vector<16xf32>
        %mul3A_783 = arith.mulf %mul3A_776, %add3A_782 : vector<16xf32>
        %add3A_784 = arith.addf %min3A_769, %mul3A_783 : vector<16xf32>
        %mul3A_785 = arith.mulf %min3A_773, %mul3A_775 : vector<16xf32>
        %mul3A_786 = arith.constant 7.893740e-03 : f32
        %mul3A_787 = vector.broadcast %mul3A_786 : f32 to vector<16xf32>
        %mul3A_788 = arith.mulf %mul3A_775, %mul3A_787 : vector<16xf32>
        %add3A_789 = arith.constant -0.166581243 : f32
        %add3A_790 = vector.broadcast %add3A_789 : f32 to vector<16xf32>
        %add3A_791 = arith.addf %add3A_790, %mul3A_788 : vector<16xf32>
        %mul3A_792 = arith.mulf %mul3A_785, %add3A_791 : vector<16xf32>
        %add3A_793 = arith.addf %min3A_773, %mul3A_792 : vector<16xf32>
        %sub3A_794 = arith.subf %gather3A_759, %gather3A_751 : vector<16xf32>
        %sub3A_795 = arith.subf %gather3A_761, %gather3A_753 : vector<16xf32>
        %add3A_796 = arith.addf %add3A_784, %add3A_793 : vector<16xf32>
        %mul3A_797 = arith.mulf %sub3A_794, %sub3A_794 : vector<16xf32>
        %mul3A_798 = arith.mulf %sub3A_795, %sub3A_795 : vector<16xf32>
        %add3A_799 = arith.addf %mul3A_797, %mul3A_798 : vector<16xf32>
        %reduce_sum3A_800 = arith.constant true
        %reduce_sum3A_801 = vector.broadcast %reduce_sum3A_800 : i1 to vector<16xi1>
        %reduce_sum3A_802 = tpu.scan <sum>, %add3A_796 masked %reduce_sum3A_801 : vector<16xf32>, vector<16xi1> -> vector<16xf32>
        %reduce_sum3A_803 = vector.extract %reduce_sum3A_802[15] : f32 from vector<16xf32>
        %reduce_sum3A_804 = arith.constant true
        %reduce_sum3A_805 = vector.broadcast %reduce_sum3A_804 : i1 to vector<16xi1>
        %reduce_sum3A_806 = tpu.scan <sum>, %add3A_799 masked %reduce_sum3A_805 : vector<16xf32>, vector<16xi1> -> vector<16xf32>
        %reduce_sum3A_807 = vector.extract %reduce_sum3A_806[15] : f32 from vector<16xf32>
        %broadcast_in_dim3A_808 = vector.broadcast %reduce_sum3A_803 : f32 to vector<16xf32>
        %select_n3A_809 = arith.select %eq3A_141, %broadcast_in_dim3A_808, %select_n3A_738 : vector<16xi1>, vector<16xf32>
        %broadcast_in_dim3A_810 = vector.broadcast %reduce_sum3A_807 : f32 to vector<16xf32>
        %select_n3A_811 = arith.select %eq3A_141, %broadcast_in_dim3A_810, %select_n3A_740 : vector<16xi1>, vector<16xf32>
        %or3A_812 = arith.constant 8 : i32
        %or3A_813 = vector.broadcast %or3A_812 : i32 to vector<16xi32>
        %or3A_814 = arith.ori %broadcast_in_dim3A_242, %or3A_813 : vector<16xi32>
        %gather3A_815 = tpu.vector_load_idx %arg20[%or3A_814] : memref<6400xi32, #tpu.memory_space<vmem>>[vector<16xi32>], vector<16xi32>,
        %gather3A_816 = tpu.vector_load_idx %arg21[%or3A_814] : memref<6400xi32, #tpu.memory_space<vmem>>[vector<16xi32>], vector<16xi32>,
        %or3A_817 = arith.ori %gather3A_815, %iota3A : vector<16xi32>
        %gather3A_818 = tpu.vector_load_idx %arg22[%or3A_817] : memref<64000xf32, #tpu.memory_space<vmem>>[vector<16xi32>], vector<16xf32>,
        %or3A_819 = arith.ori %gather3A_815, %add3A_168 : vector<16xi32>
        %gather3A_820 = tpu.vector_load_idx %arg22[%or3A_819] : memref<64000xf32, #tpu.memory_space<vmem>>[vector<16xi32>], vector<16xf32>,
        %or3A_821 = arith.ori %gather3A_815, %add3A_171 : vector<16xi32>
        %gather3A_822 = tpu.vector_load_idx %arg22[%or3A_821] : memref<64000xf32, #tpu.memory_space<vmem>>[vector<16xi32>], vector<16xf32>,
        %or3A_823 = arith.ori %gather3A_815, %add3A_174 : vector<16xi32>
        %gather3A_824 = tpu.vector_load_idx %arg22[%or3A_823] : memref<64000xf32, #tpu.memory_space<vmem>>[vector<16xi32>], vector<16xf32>,
        %or3A_825 = arith.ori %gather3A_816, %iota3A : vector<16xi32>
        %gather3A_826 = tpu.vector_load_idx %arg19[%or3A_825] : memref<8192xf32, #tpu.memory_space<vmem>>[vector<16xi32>], vector<16xf32>,
        %or3A_827 = arith.ori %gather3A_816, %add3A_168 : vector<16xi32>
        %gather3A_828 = tpu.vector_load_idx %arg19[%or3A_827] : memref<8192xf32, #tpu.memory_space<vmem>>[vector<16xi32>], vector<16xf32>,
        %or3A_829 = arith.ori %gather3A_816, %add3A_171 : vector<16xi32>
        %gather3A_830 = tpu.vector_load_idx %arg19[%or3A_829] : memref<8192xf32, #tpu.memory_space<vmem>>[vector<16xi32>], vector<16xf32>,
        %or3A_831 = arith.ori %gather3A_816, %add3A_174 : vector<16xi32>
        %gather3A_832 = tpu.vector_load_idx %arg19[%or3A_831] : memref<8192xf32, #tpu.memory_space<vmem>>[vector<16xi32>], vector<16xf32>,
        %sub3A_833 = arith.subf %gather3A_826, %gather3A_818 : vector<16xf32>
        %sub3A_834 = arith.subf %gather3A_828, %gather3A_820 : vector<16xf32>
        %abs3A_835 = math.absf %sub3A_833 : vector<16xf32>
        %abs3A_836 = math.absf %sub3A_834 : vector<16xf32>
        %sub3A_837 = arith.constant 3.14159274 : f32
        %sub3A_838 = vector.broadcast %sub3A_837 : f32 to vector<16xf32>
        %sub3A_839 = arith.subf %sub3A_838, %abs3A_835 : vector<16xf32>
        %min3A_840 = arith.minimumf %abs3A_835, %sub3A_839 : vector<16xf32>
        %sub3A_841 = arith.constant 3.14159274 : f32
        %sub3A_842 = vector.broadcast %sub3A_841 : f32 to vector<16xf32>
        %sub3A_843 = arith.subf %sub3A_842, %abs3A_836 : vector<16xf32>
        %min3A_844 = arith.minimumf %abs3A_836, %sub3A_843 : vector<16xf32>
        %mul3A_845 = arith.mulf %min3A_840, %min3A_840 : vector<16xf32>
        %mul3A_846 = arith.mulf %min3A_844, %min3A_844 : vector<16xf32>
        %mul3A_847 = arith.mulf %min3A_840, %mul3A_845 : vector<16xf32>
        %mul3A_848 = arith.constant 7.893740e-03 : f32
        %mul3A_849 = vector.broadcast %mul3A_848 : f32 to vector<16xf32>
        %mul3A_850 = arith.mulf %mul3A_845, %mul3A_849 : vector<16xf32>
        %add3A_851 = arith.constant -0.166581243 : f32
        %add3A_852 = vector.broadcast %add3A_851 : f32 to vector<16xf32>
        %add3A_853 = arith.addf %add3A_852, %mul3A_850 : vector<16xf32>
        %mul3A_854 = arith.mulf %mul3A_847, %add3A_853 : vector<16xf32>
        %add3A_855 = arith.addf %min3A_840, %mul3A_854 : vector<16xf32>
        %mul3A_856 = arith.mulf %min3A_844, %mul3A_846 : vector<16xf32>
        %mul3A_857 = arith.constant 7.893740e-03 : f32
        %mul3A_858 = vector.broadcast %mul3A_857 : f32 to vector<16xf32>
        %mul3A_859 = arith.mulf %mul3A_846, %mul3A_858 : vector<16xf32>
        %add3A_860 = arith.constant -0.166581243 : f32
        %add3A_861 = vector.broadcast %add3A_860 : f32 to vector<16xf32>
        %add3A_862 = arith.addf %add3A_861, %mul3A_859 : vector<16xf32>
        %mul3A_863 = arith.mulf %mul3A_856, %add3A_862 : vector<16xf32>
        %add3A_864 = arith.addf %min3A_844, %mul3A_863 : vector<16xf32>
        %sub3A_865 = arith.subf %gather3A_830, %gather3A_822 : vector<16xf32>
        %sub3A_866 = arith.subf %gather3A_832, %gather3A_824 : vector<16xf32>
        %add3A_867 = arith.addf %add3A_855, %add3A_864 : vector<16xf32>
        %mul3A_868 = arith.mulf %sub3A_865, %sub3A_865 : vector<16xf32>
        %mul3A_869 = arith.mulf %sub3A_866, %sub3A_866 : vector<16xf32>
        %add3A_870 = arith.addf %mul3A_868, %mul3A_869 : vector<16xf32>
        %reduce_sum3A_871 = arith.constant true
        %reduce_sum3A_872 = vector.broadcast %reduce_sum3A_871 : i1 to vector<16xi1>
        %reduce_sum3A_873 = tpu.scan <sum>, %add3A_867 masked %reduce_sum3A_872 : vector<16xf32>, vector<16xi1> -> vector<16xf32>
        %reduce_sum3A_874 = vector.extract %reduce_sum3A_873[15] : f32 from vector<16xf32>
        %reduce_sum3A_875 = arith.constant true
        %reduce_sum3A_876 = vector.broadcast %reduce_sum3A_875 : i1 to vector<16xi1>
        %reduce_sum3A_877 = tpu.scan <sum>, %add3A_870 masked %reduce_sum3A_876 : vector<16xf32>, vector<16xi1> -> vector<16xf32>
        %reduce_sum3A_878 = vector.extract %reduce_sum3A_877[15] : f32 from vector<16xf32>
        %broadcast_in_dim3A_879 = vector.broadcast %reduce_sum3A_874 : f32 to vector<16xf32>
        %select_n3A_880 = arith.select %eq3A_144, %broadcast_in_dim3A_879, %select_n3A_809 : vector<16xi1>, vector<16xf32>
        %broadcast_in_dim3A_881 = vector.broadcast %reduce_sum3A_878 : f32 to vector<16xf32>
        %select_n3A_882 = arith.select %eq3A_144, %broadcast_in_dim3A_881, %select_n3A_811 : vector<16xi1>, vector<16xf32>
        %or3A_883 = arith.constant 9 : i32
        %or3A_884 = vector.broadcast %or3A_883 : i32 to vector<16xi32>
        %or3A_885 = arith.ori %broadcast_in_dim3A_242, %or3A_884 : vector<16xi32>
        %gather3A_886 = tpu.vector_load_idx %arg20[%or3A_885] : memref<6400xi32, #tpu.memory_space<vmem>>[vector<16xi32>], vector<16xi32>,
        %gather3A_887 = tpu.vector_load_idx %arg21[%or3A_885] : memref<6400xi32, #tpu.memory_space<vmem>>[vector<16xi32>], vector<16xi32>,
        %or3A_888 = arith.ori %gather3A_886, %iota3A : vector<16xi32>
        %gather3A_889 = tpu.vector_load_idx %arg22[%or3A_888] : memref<64000xf32, #tpu.memory_space<vmem>>[vector<16xi32>], vector<16xf32>,
        %or3A_890 = arith.ori %gather3A_886, %add3A_168 : vector<16xi32>
        %gather3A_891 = tpu.vector_load_idx %arg22[%or3A_890] : memref<64000xf32, #tpu.memory_space<vmem>>[vector<16xi32>], vector<16xf32>,
        %or3A_892 = arith.ori %gather3A_886, %add3A_171 : vector<16xi32>
        %gather3A_893 = tpu.vector_load_idx %arg22[%or3A_892] : memref<64000xf32, #tpu.memory_space<vmem>>[vector<16xi32>], vector<16xf32>,
        %or3A_894 = arith.ori %gather3A_886, %add3A_174 : vector<16xi32>
        %gather3A_895 = tpu.vector_load_idx %arg22[%or3A_894] : memref<64000xf32, #tpu.memory_space<vmem>>[vector<16xi32>], vector<16xf32>,
        %or3A_896 = arith.ori %gather3A_887, %iota3A : vector<16xi32>
        %gather3A_897 = tpu.vector_load_idx %arg19[%or3A_896] : memref<8192xf32, #tpu.memory_space<vmem>>[vector<16xi32>], vector<16xf32>,
        %or3A_898 = arith.ori %gather3A_887, %add3A_168 : vector<16xi32>
        %gather3A_899 = tpu.vector_load_idx %arg19[%or3A_898] : memref<8192xf32, #tpu.memory_space<vmem>>[vector<16xi32>], vector<16xf32>,
        %or3A_900 = arith.ori %gather3A_887, %add3A_171 : vector<16xi32>
        %gather3A_901 = tpu.vector_load_idx %arg19[%or3A_900] : memref<8192xf32, #tpu.memory_space<vmem>>[vector<16xi32>], vector<16xf32>,
        %or3A_902 = arith.ori %gather3A_887, %add3A_174 : vector<16xi32>
        %gather3A_903 = tpu.vector_load_idx %arg19[%or3A_902] : memref<8192xf32, #tpu.memory_space<vmem>>[vector<16xi32>], vector<16xf32>,
        %sub3A_904 = arith.subf %gather3A_897, %gather3A_889 : vector<16xf32>
        %sub3A_905 = arith.subf %gather3A_899, %gather3A_891 : vector<16xf32>
        %abs3A_906 = math.absf %sub3A_904 : vector<16xf32>
        %abs3A_907 = math.absf %sub3A_905 : vector<16xf32>
        %sub3A_908 = arith.constant 3.14159274 : f32
        %sub3A_909 = vector.broadcast %sub3A_908 : f32 to vector<16xf32>
        %sub3A_910 = arith.subf %sub3A_909, %abs3A_906 : vector<16xf32>
        %min3A_911 = arith.minimumf %abs3A_906, %sub3A_910 : vector<16xf32>
        %sub3A_912 = arith.constant 3.14159274 : f32
        %sub3A_913 = vector.broadcast %sub3A_912 : f32 to vector<16xf32>
        %sub3A_914 = arith.subf %sub3A_913, %abs3A_907 : vector<16xf32>
        %min3A_915 = arith.minimumf %abs3A_907, %sub3A_914 : vector<16xf32>
        %mul3A_916 = arith.mulf %min3A_911, %min3A_911 : vector<16xf32>
        %mul3A_917 = arith.mulf %min3A_915, %min3A_915 : vector<16xf32>
        %mul3A_918 = arith.mulf %min3A_911, %mul3A_916 : vector<16xf32>
        %mul3A_919 = arith.constant 7.893740e-03 : f32
        %mul3A_920 = vector.broadcast %mul3A_919 : f32 to vector<16xf32>
        %mul3A_921 = arith.mulf %mul3A_916, %mul3A_920 : vector<16xf32>
        %add3A_922 = arith.constant -0.166581243 : f32
        %add3A_923 = vector.broadcast %add3A_922 : f32 to vector<16xf32>
        %add3A_924 = arith.addf %add3A_923, %mul3A_921 : vector<16xf32>
        %mul3A_925 = arith.mulf %mul3A_918, %add3A_924 : vector<16xf32>
        %add3A_926 = arith.addf %min3A_911, %mul3A_925 : vector<16xf32>
        %mul3A_927 = arith.mulf %min3A_915, %mul3A_917 : vector<16xf32>
        %mul3A_928 = arith.constant 7.893740e-03 : f32
        %mul3A_929 = vector.broadcast %mul3A_928 : f32 to vector<16xf32>
        %mul3A_930 = arith.mulf %mul3A_917, %mul3A_929 : vector<16xf32>
        %add3A_931 = arith.constant -0.166581243 : f32
        %add3A_932 = vector.broadcast %add3A_931 : f32 to vector<16xf32>
        %add3A_933 = arith.addf %add3A_932, %mul3A_930 : vector<16xf32>
        %mul3A_934 = arith.mulf %mul3A_927, %add3A_933 : vector<16xf32>
        %add3A_935 = arith.addf %min3A_915, %mul3A_934 : vector<16xf32>
        %sub3A_936 = arith.subf %gather3A_901, %gather3A_893 : vector<16xf32>
        %sub3A_937 = arith.subf %gather3A_903, %gather3A_895 : vector<16xf32>
        %add3A_938 = arith.addf %add3A_926, %add3A_935 : vector<16xf32>
        %mul3A_939 = arith.mulf %sub3A_936, %sub3A_936 : vector<16xf32>
        %mul3A_940 = arith.mulf %sub3A_937, %sub3A_937 : vector<16xf32>
        %add3A_941 = arith.addf %mul3A_939, %mul3A_940 : vector<16xf32>
        %reduce_sum3A_942 = arith.constant true
        %reduce_sum3A_943 = vector.broadcast %reduce_sum3A_942 : i1 to vector<16xi1>
        %reduce_sum3A_944 = tpu.scan <sum>, %add3A_938 masked %reduce_sum3A_943 : vector<16xf32>, vector<16xi1> -> vector<16xf32>
        %reduce_sum3A_945 = vector.extract %reduce_sum3A_944[15] : f32 from vector<16xf32>
        %reduce_sum3A_946 = arith.constant true
        %reduce_sum3A_947 = vector.broadcast %reduce_sum3A_946 : i1 to vector<16xi1>
        %reduce_sum3A_948 = tpu.scan <sum>, %add3A_941 masked %reduce_sum3A_947 : vector<16xf32>, vector<16xi1> -> vector<16xf32>
        %reduce_sum3A_949 = vector.extract %reduce_sum3A_948[15] : f32 from vector<16xf32>
        %broadcast_in_dim3A_950 = vector.broadcast %reduce_sum3A_945 : f32 to vector<16xf32>
        %select_n3A_951 = arith.select %eq3A_147, %broadcast_in_dim3A_950, %select_n3A_880 : vector<16xi1>, vector<16xf32>
        %broadcast_in_dim3A_952 = vector.broadcast %reduce_sum3A_949 : f32 to vector<16xf32>
        %select_n3A_953 = arith.select %eq3A_147, %broadcast_in_dim3A_952, %select_n3A_882 : vector<16xi1>, vector<16xf32>
        %or3A_954 = arith.constant 10 : i32
        %or3A_955 = vector.broadcast %or3A_954 : i32 to vector<16xi32>
        %or3A_956 = arith.ori %broadcast_in_dim3A_242, %or3A_955 : vector<16xi32>
        %gather3A_957 = tpu.vector_load_idx %arg20[%or3A_956] : memref<6400xi32, #tpu.memory_space<vmem>>[vector<16xi32>], vector<16xi32>,
        %gather3A_958 = tpu.vector_load_idx %arg21[%or3A_956] : memref<6400xi32, #tpu.memory_space<vmem>>[vector<16xi32>], vector<16xi32>,
        %or3A_959 = arith.ori %gather3A_957, %iota3A : vector<16xi32>
        %gather3A_960 = tpu.vector_load_idx %arg22[%or3A_959] : memref<64000xf32, #tpu.memory_space<vmem>>[vector<16xi32>], vector<16xf32>,
        %or3A_961 = arith.ori %gather3A_957, %add3A_168 : vector<16xi32>
        %gather3A_962 = tpu.vector_load_idx %arg22[%or3A_961] : memref<64000xf32, #tpu.memory_space<vmem>>[vector<16xi32>], vector<16xf32>,
        %or3A_963 = arith.ori %gather3A_957, %add3A_171 : vector<16xi32>
        %gather3A_964 = tpu.vector_load_idx %arg22[%or3A_963] : memref<64000xf32, #tpu.memory_space<vmem>>[vector<16xi32>], vector<16xf32>,
        %or3A_965 = arith.ori %gather3A_957, %add3A_174 : vector<16xi32>
        %gather3A_966 = tpu.vector_load_idx %arg22[%or3A_965] : memref<64000xf32, #tpu.memory_space<vmem>>[vector<16xi32>], vector<16xf32>,
        %or3A_967 = arith.ori %gather3A_958, %iota3A : vector<16xi32>
        %gather3A_968 = tpu.vector_load_idx %arg19[%or3A_967] : memref<8192xf32, #tpu.memory_space<vmem>>[vector<16xi32>], vector<16xf32>,
        %or3A_969 = arith.ori %gather3A_958, %add3A_168 : vector<16xi32>
        %gather3A_970 = tpu.vector_load_idx %arg19[%or3A_969] : memref<8192xf32, #tpu.memory_space<vmem>>[vector<16xi32>], vector<16xf32>,
        %or3A_971 = arith.ori %gather3A_958, %add3A_171 : vector<16xi32>
        %gather3A_972 = tpu.vector_load_idx %arg19[%or3A_971] : memref<8192xf32, #tpu.memory_space<vmem>>[vector<16xi32>], vector<16xf32>,
        %or3A_973 = arith.ori %gather3A_958, %add3A_174 : vector<16xi32>
        %gather3A_974 = tpu.vector_load_idx %arg19[%or3A_973] : memref<8192xf32, #tpu.memory_space<vmem>>[vector<16xi32>], vector<16xf32>,
        %sub3A_975 = arith.subf %gather3A_968, %gather3A_960 : vector<16xf32>
        %sub3A_976 = arith.subf %gather3A_970, %gather3A_962 : vector<16xf32>
        %abs3A_977 = math.absf %sub3A_975 : vector<16xf32>
        %abs3A_978 = math.absf %sub3A_976 : vector<16xf32>
        %sub3A_979 = arith.constant 3.14159274 : f32
        %sub3A_980 = vector.broadcast %sub3A_979 : f32 to vector<16xf32>
        %sub3A_981 = arith.subf %sub3A_980, %abs3A_977 : vector<16xf32>
        %min3A_982 = arith.minimumf %abs3A_977, %sub3A_981 : vector<16xf32>
        %sub3A_983 = arith.constant 3.14159274 : f32
        %sub3A_984 = vector.broadcast %sub3A_983 : f32 to vector<16xf32>
        %sub3A_985 = arith.subf %sub3A_984, %abs3A_978 : vector<16xf32>
        %min3A_986 = arith.minimumf %abs3A_978, %sub3A_985 : vector<16xf32>
        %mul3A_987 = arith.mulf %min3A_982, %min3A_982 : vector<16xf32>
        %mul3A_988 = arith.mulf %min3A_986, %min3A_986 : vector<16xf32>
        %mul3A_989 = arith.mulf %min3A_982, %mul3A_987 : vector<16xf32>
        %mul3A_990 = arith.constant 7.893740e-03 : f32
        %mul3A_991 = vector.broadcast %mul3A_990 : f32 to vector<16xf32>
        %mul3A_992 = arith.mulf %mul3A_987, %mul3A_991 : vector<16xf32>
        %add3A_993 = arith.constant -0.166581243 : f32
        %add3A_994 = vector.broadcast %add3A_993 : f32 to vector<16xf32>
        %add3A_995 = arith.addf %add3A_994, %mul3A_992 : vector<16xf32>
        %mul3A_996 = arith.mulf %mul3A_989, %add3A_995 : vector<16xf32>
        %add3A_997 = arith.addf %min3A_982, %mul3A_996 : vector<16xf32>
        %mul3A_998 = arith.mulf %min3A_986, %mul3A_988 : vector<16xf32>
        %mul3A_999 = arith.constant 7.893740e-03 : f32
        %mul3A_1000 = vector.broadcast %mul3A_999 : f32 to vector<16xf32>
        %mul3A_1001 = arith.mulf %mul3A_988, %mul3A_1000 : vector<16xf32>
        %add3A_1002 = arith.constant -0.166581243 : f32
        %add3A_1003 = vector.broadcast %add3A_1002 : f32 to vector<16xf32>
        %add3A_1004 = arith.addf %add3A_1003, %mul3A_1001 : vector<16xf32>
        %mul3A_1005 = arith.mulf %mul3A_998, %add3A_1004 : vector<16xf32>
        %add3A_1006 = arith.addf %min3A_986, %mul3A_1005 : vector<16xf32>
        %sub3A_1007 = arith.subf %gather3A_972, %gather3A_964 : vector<16xf32>
        %sub3A_1008 = arith.subf %gather3A_974, %gather3A_966 : vector<16xf32>
        %add3A_1009 = arith.addf %add3A_997, %add3A_1006 : vector<16xf32>
        %mul3A_1010 = arith.mulf %sub3A_1007, %sub3A_1007 : vector<16xf32>
        %mul3A_1011 = arith.mulf %sub3A_1008, %sub3A_1008 : vector<16xf32>
        %add3A_1012 = arith.addf %mul3A_1010, %mul3A_1011 : vector<16xf32>
        %reduce_sum3A_1013 = arith.constant true
        %reduce_sum3A_1014 = vector.broadcast %reduce_sum3A_1013 : i1 to vector<16xi1>
        %reduce_sum3A_1015 = tpu.scan <sum>, %add3A_1009 masked %reduce_sum3A_1014 : vector<16xf32>, vector<16xi1> -> vector<16xf32>
        %reduce_sum3A_1016 = vector.extract %reduce_sum3A_1015[15] : f32 from vector<16xf32>
        %reduce_sum3A_1017 = arith.constant true
        %reduce_sum3A_1018 = vector.broadcast %reduce_sum3A_1017 : i1 to vector<16xi1>
        %reduce_sum3A_1019 = tpu.scan <sum>, %add3A_1012 masked %reduce_sum3A_1018 : vector<16xf32>, vector<16xi1> -> vector<16xf32>
        %reduce_sum3A_1020 = vector.extract %reduce_sum3A_1019[15] : f32 from vector<16xf32>
        %broadcast_in_dim3A_1021 = vector.broadcast %reduce_sum3A_1016 : f32 to vector<16xf32>
        %select_n3A_1022 = arith.select %eq3A_150, %broadcast_in_dim3A_1021, %select_n3A_951 : vector<16xi1>, vector<16xf32>
        %broadcast_in_dim3A_1023 = vector.broadcast %reduce_sum3A_1020 : f32 to vector<16xf32>
        %select_n3A_1024 = arith.select %eq3A_150, %broadcast_in_dim3A_1023, %select_n3A_953 : vector<16xi1>, vector<16xf32>
        %or3A_1025 = arith.constant 11 : i32
        %or3A_1026 = vector.broadcast %or3A_1025 : i32 to vector<16xi32>
        %or3A_1027 = arith.ori %broadcast_in_dim3A_242, %or3A_1026 : vector<16xi32>
        %gather3A_1028 = tpu.vector_load_idx %arg20[%or3A_1027] : memref<6400xi32, #tpu.memory_space<vmem>>[vector<16xi32>], vector<16xi32>,
        %gather3A_1029 = tpu.vector_load_idx %arg21[%or3A_1027] : memref<6400xi32, #tpu.memory_space<vmem>>[vector<16xi32>], vector<16xi32>,
        %or3A_1030 = arith.ori %gather3A_1028, %iota3A : vector<16xi32>
        %gather3A_1031 = tpu.vector_load_idx %arg22[%or3A_1030] : memref<64000xf32, #tpu.memory_space<vmem>>[vector<16xi32>], vector<16xf32>,
        %or3A_1032 = arith.ori %gather3A_1028, %add3A_168 : vector<16xi32>
        %gather3A_1033 = tpu.vector_load_idx %arg22[%or3A_1032] : memref<64000xf32, #tpu.memory_space<vmem>>[vector<16xi32>], vector<16xf32>,
        %or3A_1034 = arith.ori %gather3A_1028, %add3A_171 : vector<16xi32>
        %gather3A_1035 = tpu.vector_load_idx %arg22[%or3A_1034] : memref<64000xf32, #tpu.memory_space<vmem>>[vector<16xi32>], vector<16xf32>,
        %or3A_1036 = arith.ori %gather3A_1028, %add3A_174 : vector<16xi32>
        %gather3A_1037 = tpu.vector_load_idx %arg22[%or3A_1036] : memref<64000xf32, #tpu.memory_space<vmem>>[vector<16xi32>], vector<16xf32>,
        %or3A_1038 = arith.ori %gather3A_1029, %iota3A : vector<16xi32>
        %gather3A_1039 = tpu.vector_load_idx %arg19[%or3A_1038] : memref<8192xf32, #tpu.memory_space<vmem>>[vector<16xi32>], vector<16xf32>,
        %or3A_1040 = arith.ori %gather3A_1029, %add3A_168 : vector<16xi32>
        %gather3A_1041 = tpu.vector_load_idx %arg19[%or3A_1040] : memref<8192xf32, #tpu.memory_space<vmem>>[vector<16xi32>], vector<16xf32>,
        %or3A_1042 = arith.ori %gather3A_1029, %add3A_171 : vector<16xi32>
        %gather3A_1043 = tpu.vector_load_idx %arg19[%or3A_1042] : memref<8192xf32, #tpu.memory_space<vmem>>[vector<16xi32>], vector<16xf32>,
        %or3A_1044 = arith.ori %gather3A_1029, %add3A_174 : vector<16xi32>
        %gather3A_1045 = tpu.vector_load_idx %arg19[%or3A_1044] : memref<8192xf32, #tpu.memory_space<vmem>>[vector<16xi32>], vector<16xf32>,
        %sub3A_1046 = arith.subf %gather3A_1039, %gather3A_1031 : vector<16xf32>
        %sub3A_1047 = arith.subf %gather3A_1041, %gather3A_1033 : vector<16xf32>
        %abs3A_1048 = math.absf %sub3A_1046 : vector<16xf32>
        %abs3A_1049 = math.absf %sub3A_1047 : vector<16xf32>
        %sub3A_1050 = arith.constant 3.14159274 : f32
        %sub3A_1051 = vector.broadcast %sub3A_1050 : f32 to vector<16xf32>
        %sub3A_1052 = arith.subf %sub3A_1051, %abs3A_1048 : vector<16xf32>
        %min3A_1053 = arith.minimumf %abs3A_1048, %sub3A_1052 : vector<16xf32>
        %sub3A_1054 = arith.constant 3.14159274 : f32
        %sub3A_1055 = vector.broadcast %sub3A_1054 : f32 to vector<16xf32>
        %sub3A_1056 = arith.subf %sub3A_1055, %abs3A_1049 : vector<16xf32>
        %min3A_1057 = arith.minimumf %abs3A_1049, %sub3A_1056 : vector<16xf32>
        %mul3A_1058 = arith.mulf %min3A_1053, %min3A_1053 : vector<16xf32>
        %mul3A_1059 = arith.mulf %min3A_1057, %min3A_1057 : vector<16xf32>
        %mul3A_1060 = arith.mulf %min3A_1053, %mul3A_1058 : vector<16xf32>
        %mul3A_1061 = arith.constant 7.893740e-03 : f32
        %mul3A_1062 = vector.broadcast %mul3A_1061 : f32 to vector<16xf32>
        %mul3A_1063 = arith.mulf %mul3A_1058, %mul3A_1062 : vector<16xf32>
        %add3A_1064 = arith.constant -0.166581243 : f32
        %add3A_1065 = vector.broadcast %add3A_1064 : f32 to vector<16xf32>
        %add3A_1066 = arith.addf %add3A_1065, %mul3A_1063 : vector<16xf32>
        %mul3A_1067 = arith.mulf %mul3A_1060, %add3A_1066 : vector<16xf32>
        %add3A_1068 = arith.addf %min3A_1053, %mul3A_1067 : vector<16xf32>
        %mul3A_1069 = arith.mulf %min3A_1057, %mul3A_1059 : vector<16xf32>
        %mul3A_1070 = arith.constant 7.893740e-03 : f32
        %mul3A_1071 = vector.broadcast %mul3A_1070 : f32 to vector<16xf32>
        %mul3A_1072 = arith.mulf %mul3A_1059, %mul3A_1071 : vector<16xf32>
        %add3A_1073 = arith.constant -0.166581243 : f32
        %add3A_1074 = vector.broadcast %add3A_1073 : f32 to vector<16xf32>
        %add3A_1075 = arith.addf %add3A_1074, %mul3A_1072 : vector<16xf32>
        %mul3A_1076 = arith.mulf %mul3A_1069, %add3A_1075 : vector<16xf32>
        %add3A_1077 = arith.addf %min3A_1057, %mul3A_1076 : vector<16xf32>
        %sub3A_1078 = arith.subf %gather3A_1043, %gather3A_1035 : vector<16xf32>
        %sub3A_1079 = arith.subf %gather3A_1045, %gather3A_1037 : vector<16xf32>
        %add3A_1080 = arith.addf %add3A_1068, %add3A_1077 : vector<16xf32>
        %mul3A_1081 = arith.mulf %sub3A_1078, %sub3A_1078 : vector<16xf32>
        %mul3A_1082 = arith.mulf %sub3A_1079, %sub3A_1079 : vector<16xf32>
        %add3A_1083 = arith.addf %mul3A_1081, %mul3A_1082 : vector<16xf32>
        %reduce_sum3A_1084 = arith.constant true
        %reduce_sum3A_1085 = vector.broadcast %reduce_sum3A_1084 : i1 to vector<16xi1>
        %reduce_sum3A_1086 = tpu.scan <sum>, %add3A_1080 masked %reduce_sum3A_1085 : vector<16xf32>, vector<16xi1> -> vector<16xf32>
        %reduce_sum3A_1087 = vector.extract %reduce_sum3A_1086[15] : f32 from vector<16xf32>
        %reduce_sum3A_1088 = arith.constant true
        %reduce_sum3A_1089 = vector.broadcast %reduce_sum3A_1088 : i1 to vector<16xi1>
        %reduce_sum3A_1090 = tpu.scan <sum>, %add3A_1083 masked %reduce_sum3A_1089 : vector<16xf32>, vector<16xi1> -> vector<16xf32>
        %reduce_sum3A_1091 = vector.extract %reduce_sum3A_1090[15] : f32 from vector<16xf32>
        %broadcast_in_dim3A_1092 = vector.broadcast %reduce_sum3A_1087 : f32 to vector<16xf32>
        %select_n3A_1093 = arith.select %eq3A_153, %broadcast_in_dim3A_1092, %select_n3A_1022 : vector<16xi1>, vector<16xf32>
        %broadcast_in_dim3A_1094 = vector.broadcast %reduce_sum3A_1091 : f32 to vector<16xf32>
        %select_n3A_1095 = arith.select %eq3A_153, %broadcast_in_dim3A_1094, %select_n3A_1024 : vector<16xi1>, vector<16xf32>
        %or3A_1096 = arith.constant 12 : i32
        %or3A_1097 = vector.broadcast %or3A_1096 : i32 to vector<16xi32>
        %or3A_1098 = arith.ori %broadcast_in_dim3A_242, %or3A_1097 : vector<16xi32>
        %gather3A_1099 = tpu.vector_load_idx %arg20[%or3A_1098] : memref<6400xi32, #tpu.memory_space<vmem>>[vector<16xi32>], vector<16xi32>,
        %gather3A_1100 = tpu.vector_load_idx %arg21[%or3A_1098] : memref<6400xi32, #tpu.memory_space<vmem>>[vector<16xi32>], vector<16xi32>,
        %or3A_1101 = arith.ori %gather3A_1099, %iota3A : vector<16xi32>
        %gather3A_1102 = tpu.vector_load_idx %arg22[%or3A_1101] : memref<64000xf32, #tpu.memory_space<vmem>>[vector<16xi32>], vector<16xf32>,
        %or3A_1103 = arith.ori %gather3A_1099, %add3A_168 : vector<16xi32>
        %gather3A_1104 = tpu.vector_load_idx %arg22[%or3A_1103] : memref<64000xf32, #tpu.memory_space<vmem>>[vector<16xi32>], vector<16xf32>,
        %or3A_1105 = arith.ori %gather3A_1099, %add3A_171 : vector<16xi32>
        %gather3A_1106 = tpu.vector_load_idx %arg22[%or3A_1105] : memref<64000xf32, #tpu.memory_space<vmem>>[vector<16xi32>], vector<16xf32>,
        %or3A_1107 = arith.ori %gather3A_1099, %add3A_174 : vector<16xi32>
        %gather3A_1108 = tpu.vector_load_idx %arg22[%or3A_1107] : memref<64000xf32, #tpu.memory_space<vmem>>[vector<16xi32>], vector<16xf32>,
        %or3A_1109 = arith.ori %gather3A_1100, %iota3A : vector<16xi32>
        %gather3A_1110 = tpu.vector_load_idx %arg19[%or3A_1109] : memref<8192xf32, #tpu.memory_space<vmem>>[vector<16xi32>], vector<16xf32>,
        %or3A_1111 = arith.ori %gather3A_1100, %add3A_168 : vector<16xi32>
        %gather3A_1112 = tpu.vector_load_idx %arg19[%or3A_1111] : memref<8192xf32, #tpu.memory_space<vmem>>[vector<16xi32>], vector<16xf32>,
        %or3A_1113 = arith.ori %gather3A_1100, %add3A_171 : vector<16xi32>
        %gather3A_1114 = tpu.vector_load_idx %arg19[%or3A_1113] : memref<8192xf32, #tpu.memory_space<vmem>>[vector<16xi32>], vector<16xf32>,
        %or3A_1115 = arith.ori %gather3A_1100, %add3A_174 : vector<16xi32>
        %gather3A_1116 = tpu.vector_load_idx %arg19[%or3A_1115] : memref<8192xf32, #tpu.memory_space<vmem>>[vector<16xi32>], vector<16xf32>,
        %sub3A_1117 = arith.subf %gather3A_1110, %gather3A_1102 : vector<16xf32>
        %sub3A_1118 = arith.subf %gather3A_1112, %gather3A_1104 : vector<16xf32>
        %abs3A_1119 = math.absf %sub3A_1117 : vector<16xf32>
        %abs3A_1120 = math.absf %sub3A_1118 : vector<16xf32>
        %sub3A_1121 = arith.constant 3.14159274 : f32
        %sub3A_1122 = vector.broadcast %sub3A_1121 : f32 to vector<16xf32>
        %sub3A_1123 = arith.subf %sub3A_1122, %abs3A_1119 : vector<16xf32>
        %min3A_1124 = arith.minimumf %abs3A_1119, %sub3A_1123 : vector<16xf32>
        %sub3A_1125 = arith.constant 3.14159274 : f32
        %sub3A_1126 = vector.broadcast %sub3A_1125 : f32 to vector<16xf32>
        %sub3A_1127 = arith.subf %sub3A_1126, %abs3A_1120 : vector<16xf32>
        %min3A_1128 = arith.minimumf %abs3A_1120, %sub3A_1127 : vector<16xf32>
        %mul3A_1129 = arith.mulf %min3A_1124, %min3A_1124 : vector<16xf32>
        %mul3A_1130 = arith.mulf %min3A_1128, %min3A_1128 : vector<16xf32>
        %mul3A_1131 = arith.mulf %min3A_1124, %mul3A_1129 : vector<16xf32>
        %mul3A_1132 = arith.constant 7.893740e-03 : f32
        %mul3A_1133 = vector.broadcast %mul3A_1132 : f32 to vector<16xf32>
        %mul3A_1134 = arith.mulf %mul3A_1129, %mul3A_1133 : vector<16xf32>
        %add3A_1135 = arith.constant -0.166581243 : f32
        %add3A_1136 = vector.broadcast %add3A_1135 : f32 to vector<16xf32>
        %add3A_1137 = arith.addf %add3A_1136, %mul3A_1134 : vector<16xf32>
        %mul3A_1138 = arith.mulf %mul3A_1131, %add3A_1137 : vector<16xf32>
        %add3A_1139 = arith.addf %min3A_1124, %mul3A_1138 : vector<16xf32>
        %mul3A_1140 = arith.mulf %min3A_1128, %mul3A_1130 : vector<16xf32>
        %mul3A_1141 = arith.constant 7.893740e-03 : f32
        %mul3A_1142 = vector.broadcast %mul3A_1141 : f32 to vector<16xf32>
        %mul3A_1143 = arith.mulf %mul3A_1130, %mul3A_1142 : vector<16xf32>
        %add3A_1144 = arith.constant -0.166581243 : f32
        %add3A_1145 = vector.broadcast %add3A_1144 : f32 to vector<16xf32>
        %add3A_1146 = arith.addf %add3A_1145, %mul3A_1143 : vector<16xf32>
        %mul3A_1147 = arith.mulf %mul3A_1140, %add3A_1146 : vector<16xf32>
        %add3A_1148 = arith.addf %min3A_1128, %mul3A_1147 : vector<16xf32>
        %sub3A_1149 = arith.subf %gather3A_1114, %gather3A_1106 : vector<16xf32>
        %sub3A_1150 = arith.subf %gather3A_1116, %gather3A_1108 : vector<16xf32>
        %add3A_1151 = arith.addf %add3A_1139, %add3A_1148 : vector<16xf32>
        %mul3A_1152 = arith.mulf %sub3A_1149, %sub3A_1149 : vector<16xf32>
        %mul3A_1153 = arith.mulf %sub3A_1150, %sub3A_1150 : vector<16xf32>
        %add3A_1154 = arith.addf %mul3A_1152, %mul3A_1153 : vector<16xf32>
        %reduce_sum3A_1155 = arith.constant true
        %reduce_sum3A_1156 = vector.broadcast %reduce_sum3A_1155 : i1 to vector<16xi1>
        %reduce_sum3A_1157 = tpu.scan <sum>, %add3A_1151 masked %reduce_sum3A_1156 : vector<16xf32>, vector<16xi1> -> vector<16xf32>
        %reduce_sum3A_1158 = vector.extract %reduce_sum3A_1157[15] : f32 from vector<16xf32>
        %reduce_sum3A_1159 = arith.constant true
        %reduce_sum3A_1160 = vector.broadcast %reduce_sum3A_1159 : i1 to vector<16xi1>
        %reduce_sum3A_1161 = tpu.scan <sum>, %add3A_1154 masked %reduce_sum3A_1160 : vector<16xf32>, vector<16xi1> -> vector<16xf32>
        %reduce_sum3A_1162 = vector.extract %reduce_sum3A_1161[15] : f32 from vector<16xf32>
        %broadcast_in_dim3A_1163 = vector.broadcast %reduce_sum3A_1158 : f32 to vector<16xf32>
        %select_n3A_1164 = arith.select %eq3A_156, %broadcast_in_dim3A_1163, %select_n3A_1093 : vector<16xi1>, vector<16xf32>
        %broadcast_in_dim3A_1165 = vector.broadcast %reduce_sum3A_1162 : f32 to vector<16xf32>
        %select_n3A_1166 = arith.select %eq3A_156, %broadcast_in_dim3A_1165, %select_n3A_1095 : vector<16xi1>, vector<16xf32>
        %or3A_1167 = arith.constant 13 : i32
        %or3A_1168 = vector.broadcast %or3A_1167 : i32 to vector<16xi32>
        %or3A_1169 = arith.ori %broadcast_in_dim3A_242, %or3A_1168 : vector<16xi32>
        %gather3A_1170 = tpu.vector_load_idx %arg20[%or3A_1169] : memref<6400xi32, #tpu.memory_space<vmem>>[vector<16xi32>], vector<16xi32>,
        %gather3A_1171 = tpu.vector_load_idx %arg21[%or3A_1169] : memref<6400xi32, #tpu.memory_space<vmem>>[vector<16xi32>], vector<16xi32>,
        %or3A_1172 = arith.ori %gather3A_1170, %iota3A : vector<16xi32>
        %gather3A_1173 = tpu.vector_load_idx %arg22[%or3A_1172] : memref<64000xf32, #tpu.memory_space<vmem>>[vector<16xi32>], vector<16xf32>,
        %or3A_1174 = arith.ori %gather3A_1170, %add3A_168 : vector<16xi32>
        %gather3A_1175 = tpu.vector_load_idx %arg22[%or3A_1174] : memref<64000xf32, #tpu.memory_space<vmem>>[vector<16xi32>], vector<16xf32>,
        %or3A_1176 = arith.ori %gather3A_1170, %add3A_171 : vector<16xi32>
        %gather3A_1177 = tpu.vector_load_idx %arg22[%or3A_1176] : memref<64000xf32, #tpu.memory_space<vmem>>[vector<16xi32>], vector<16xf32>,
        %or3A_1178 = arith.ori %gather3A_1170, %add3A_174 : vector<16xi32>
        %gather3A_1179 = tpu.vector_load_idx %arg22[%or3A_1178] : memref<64000xf32, #tpu.memory_space<vmem>>[vector<16xi32>], vector<16xf32>,
        %or3A_1180 = arith.ori %gather3A_1171, %iota3A : vector<16xi32>
        %gather3A_1181 = tpu.vector_load_idx %arg19[%or3A_1180] : memref<8192xf32, #tpu.memory_space<vmem>>[vector<16xi32>], vector<16xf32>,
        %or3A_1182 = arith.ori %gather3A_1171, %add3A_168 : vector<16xi32>
        %gather3A_1183 = tpu.vector_load_idx %arg19[%or3A_1182] : memref<8192xf32, #tpu.memory_space<vmem>>[vector<16xi32>], vector<16xf32>,
        %or3A_1184 = arith.ori %gather3A_1171, %add3A_171 : vector<16xi32>
        %gather3A_1185 = tpu.vector_load_idx %arg19[%or3A_1184] : memref<8192xf32, #tpu.memory_space<vmem>>[vector<16xi32>], vector<16xf32>,
        %or3A_1186 = arith.ori %gather3A_1171, %add3A_174 : vector<16xi32>
        %gather3A_1187 = tpu.vector_load_idx %arg19[%or3A_1186] : memref<8192xf32, #tpu.memory_space<vmem>>[vector<16xi32>], vector<16xf32>,
        %sub3A_1188 = arith.subf %gather3A_1181, %gather3A_1173 : vector<16xf32>
        %sub3A_1189 = arith.subf %gather3A_1183, %gather3A_1175 : vector<16xf32>
        %abs3A_1190 = math.absf %sub3A_1188 : vector<16xf32>
        %abs3A_1191 = math.absf %sub3A_1189 : vector<16xf32>
        %sub3A_1192 = arith.constant 3.14159274 : f32
        %sub3A_1193 = vector.broadcast %sub3A_1192 : f32 to vector<16xf32>
        %sub3A_1194 = arith.subf %sub3A_1193, %abs3A_1190 : vector<16xf32>
        %min3A_1195 = arith.minimumf %abs3A_1190, %sub3A_1194 : vector<16xf32>
        %sub3A_1196 = arith.constant 3.14159274 : f32
        %sub3A_1197 = vector.broadcast %sub3A_1196 : f32 to vector<16xf32>
        %sub3A_1198 = arith.subf %sub3A_1197, %abs3A_1191 : vector<16xf32>
        %min3A_1199 = arith.minimumf %abs3A_1191, %sub3A_1198 : vector<16xf32>
        %mul3A_1200 = arith.mulf %min3A_1195, %min3A_1195 : vector<16xf32>
        %mul3A_1201 = arith.mulf %min3A_1199, %min3A_1199 : vector<16xf32>
        %mul3A_1202 = arith.mulf %min3A_1195, %mul3A_1200 : vector<16xf32>
        %mul3A_1203 = arith.constant 7.893740e-03 : f32
        %mul3A_1204 = vector.broadcast %mul3A_1203 : f32 to vector<16xf32>
        %mul3A_1205 = arith.mulf %mul3A_1200, %mul3A_1204 : vector<16xf32>
        %add3A_1206 = arith.constant -0.166581243 : f32
        %add3A_1207 = vector.broadcast %add3A_1206 : f32 to vector<16xf32>
        %add3A_1208 = arith.addf %add3A_1207, %mul3A_1205 : vector<16xf32>
        %mul3A_1209 = arith.mulf %mul3A_1202, %add3A_1208 : vector<16xf32>
        %add3A_1210 = arith.addf %min3A_1195, %mul3A_1209 : vector<16xf32>
        %mul3A_1211 = arith.mulf %min3A_1199, %mul3A_1201 : vector<16xf32>
        %mul3A_1212 = arith.constant 7.893740e-03 : f32
        %mul3A_1213 = vector.broadcast %mul3A_1212 : f32 to vector<16xf32>
        %mul3A_1214 = arith.mulf %mul3A_1201, %mul3A_1213 : vector<16xf32>
        %add3A_1215 = arith.constant -0.166581243 : f32
        %add3A_1216 = vector.broadcast %add3A_1215 : f32 to vector<16xf32>
        %add3A_1217 = arith.addf %add3A_1216, %mul3A_1214 : vector<16xf32>
        %mul3A_1218 = arith.mulf %mul3A_1211, %add3A_1217 : vector<16xf32>
        %add3A_1219 = arith.addf %min3A_1199, %mul3A_1218 : vector<16xf32>
        %sub3A_1220 = arith.subf %gather3A_1185, %gather3A_1177 : vector<16xf32>
        %sub3A_1221 = arith.subf %gather3A_1187, %gather3A_1179 : vector<16xf32>
        %add3A_1222 = arith.addf %add3A_1210, %add3A_1219 : vector<16xf32>
        %mul3A_1223 = arith.mulf %sub3A_1220, %sub3A_1220 : vector<16xf32>
        %mul3A_1224 = arith.mulf %sub3A_1221, %sub3A_1221 : vector<16xf32>
        %add3A_1225 = arith.addf %mul3A_1223, %mul3A_1224 : vector<16xf32>
        %reduce_sum3A_1226 = arith.constant true
        %reduce_sum3A_1227 = vector.broadcast %reduce_sum3A_1226 : i1 to vector<16xi1>
        %reduce_sum3A_1228 = tpu.scan <sum>, %add3A_1222 masked %reduce_sum3A_1227 : vector<16xf32>, vector<16xi1> -> vector<16xf32>
        %reduce_sum3A_1229 = vector.extract %reduce_sum3A_1228[15] : f32 from vector<16xf32>
        %reduce_sum3A_1230 = arith.constant true
        %reduce_sum3A_1231 = vector.broadcast %reduce_sum3A_1230 : i1 to vector<16xi1>
        %reduce_sum3A_1232 = tpu.scan <sum>, %add3A_1225 masked %reduce_sum3A_1231 : vector<16xf32>, vector<16xi1> -> vector<16xf32>
        %reduce_sum3A_1233 = vector.extract %reduce_sum3A_1232[15] : f32 from vector<16xf32>
        %broadcast_in_dim3A_1234 = vector.broadcast %reduce_sum3A_1229 : f32 to vector<16xf32>
        %select_n3A_1235 = arith.select %eq3A_159, %broadcast_in_dim3A_1234, %select_n3A_1164 : vector<16xi1>, vector<16xf32>
        %broadcast_in_dim3A_1236 = vector.broadcast %reduce_sum3A_1233 : f32 to vector<16xf32>
        %select_n3A_1237 = arith.select %eq3A_159, %broadcast_in_dim3A_1236, %select_n3A_1166 : vector<16xi1>, vector<16xf32>
        %or3A_1238 = arith.constant 14 : i32
        %or3A_1239 = vector.broadcast %or3A_1238 : i32 to vector<16xi32>
        %or3A_1240 = arith.ori %broadcast_in_dim3A_242, %or3A_1239 : vector<16xi32>
        %gather3A_1241 = tpu.vector_load_idx %arg20[%or3A_1240] : memref<6400xi32, #tpu.memory_space<vmem>>[vector<16xi32>], vector<16xi32>,
        %gather3A_1242 = tpu.vector_load_idx %arg21[%or3A_1240] : memref<6400xi32, #tpu.memory_space<vmem>>[vector<16xi32>], vector<16xi32>,
        %or3A_1243 = arith.ori %gather3A_1241, %iota3A : vector<16xi32>
        %gather3A_1244 = tpu.vector_load_idx %arg22[%or3A_1243] : memref<64000xf32, #tpu.memory_space<vmem>>[vector<16xi32>], vector<16xf32>,
        %or3A_1245 = arith.ori %gather3A_1241, %add3A_168 : vector<16xi32>
        %gather3A_1246 = tpu.vector_load_idx %arg22[%or3A_1245] : memref<64000xf32, #tpu.memory_space<vmem>>[vector<16xi32>], vector<16xf32>,
        %or3A_1247 = arith.ori %gather3A_1241, %add3A_171 : vector<16xi32>
        %gather3A_1248 = tpu.vector_load_idx %arg22[%or3A_1247] : memref<64000xf32, #tpu.memory_space<vmem>>[vector<16xi32>], vector<16xf32>,
        %or3A_1249 = arith.ori %gather3A_1241, %add3A_174 : vector<16xi32>
        %gather3A_1250 = tpu.vector_load_idx %arg22[%or3A_1249] : memref<64000xf32, #tpu.memory_space<vmem>>[vector<16xi32>], vector<16xf32>,
        %or3A_1251 = arith.ori %gather3A_1242, %iota3A : vector<16xi32>
        %gather3A_1252 = tpu.vector_load_idx %arg19[%or3A_1251] : memref<8192xf32, #tpu.memory_space<vmem>>[vector<16xi32>], vector<16xf32>,
        %or3A_1253 = arith.ori %gather3A_1242, %add3A_168 : vector<16xi32>
        %gather3A_1254 = tpu.vector_load_idx %arg19[%or3A_1253] : memref<8192xf32, #tpu.memory_space<vmem>>[vector<16xi32>], vector<16xf32>,
        %or3A_1255 = arith.ori %gather3A_1242, %add3A_171 : vector<16xi32>
        %gather3A_1256 = tpu.vector_load_idx %arg19[%or3A_1255] : memref<8192xf32, #tpu.memory_space<vmem>>[vector<16xi32>], vector<16xf32>,
        %or3A_1257 = arith.ori %gather3A_1242, %add3A_174 : vector<16xi32>
        %gather3A_1258 = tpu.vector_load_idx %arg19[%or3A_1257] : memref<8192xf32, #tpu.memory_space<vmem>>[vector<16xi32>], vector<16xf32>,
        %sub3A_1259 = arith.subf %gather3A_1252, %gather3A_1244 : vector<16xf32>
        %sub3A_1260 = arith.subf %gather3A_1254, %gather3A_1246 : vector<16xf32>
        %abs3A_1261 = math.absf %sub3A_1259 : vector<16xf32>
        %abs3A_1262 = math.absf %sub3A_1260 : vector<16xf32>
        %sub3A_1263 = arith.constant 3.14159274 : f32
        %sub3A_1264 = vector.broadcast %sub3A_1263 : f32 to vector<16xf32>
        %sub3A_1265 = arith.subf %sub3A_1264, %abs3A_1261 : vector<16xf32>
        %min3A_1266 = arith.minimumf %abs3A_1261, %sub3A_1265 : vector<16xf32>
        %sub3A_1267 = arith.constant 3.14159274 : f32
        %sub3A_1268 = vector.broadcast %sub3A_1267 : f32 to vector<16xf32>
        %sub3A_1269 = arith.subf %sub3A_1268, %abs3A_1262 : vector<16xf32>
        %min3A_1270 = arith.minimumf %abs3A_1262, %sub3A_1269 : vector<16xf32>
        %mul3A_1271 = arith.mulf %min3A_1266, %min3A_1266 : vector<16xf32>
        %mul3A_1272 = arith.mulf %min3A_1270, %min3A_1270 : vector<16xf32>
        %mul3A_1273 = arith.mulf %min3A_1266, %mul3A_1271 : vector<16xf32>
        %mul3A_1274 = arith.constant 7.893740e-03 : f32
        %mul3A_1275 = vector.broadcast %mul3A_1274 : f32 to vector<16xf32>
        %mul3A_1276 = arith.mulf %mul3A_1271, %mul3A_1275 : vector<16xf32>
        %add3A_1277 = arith.constant -0.166581243 : f32
        %add3A_1278 = vector.broadcast %add3A_1277 : f32 to vector<16xf32>
        %add3A_1279 = arith.addf %add3A_1278, %mul3A_1276 : vector<16xf32>
        %mul3A_1280 = arith.mulf %mul3A_1273, %add3A_1279 : vector<16xf32>
        %add3A_1281 = arith.addf %min3A_1266, %mul3A_1280 : vector<16xf32>
        %mul3A_1282 = arith.mulf %min3A_1270, %mul3A_1272 : vector<16xf32>
        %mul3A_1283 = arith.constant 7.893740e-03 : f32
        %mul3A_1284 = vector.broadcast %mul3A_1283 : f32 to vector<16xf32>
        %mul3A_1285 = arith.mulf %mul3A_1272, %mul3A_1284 : vector<16xf32>
        %add3A_1286 = arith.constant -0.166581243 : f32
        %add3A_1287 = vector.broadcast %add3A_1286 : f32 to vector<16xf32>
        %add3A_1288 = arith.addf %add3A_1287, %mul3A_1285 : vector<16xf32>
        %mul3A_1289 = arith.mulf %mul3A_1282, %add3A_1288 : vector<16xf32>
        %add3A_1290 = arith.addf %min3A_1270, %mul3A_1289 : vector<16xf32>
        %sub3A_1291 = arith.subf %gather3A_1256, %gather3A_1248 : vector<16xf32>
        %sub3A_1292 = arith.subf %gather3A_1258, %gather3A_1250 : vector<16xf32>
        %add3A_1293 = arith.addf %add3A_1281, %add3A_1290 : vector<16xf32>
        %mul3A_1294 = arith.mulf %sub3A_1291, %sub3A_1291 : vector<16xf32>
        %mul3A_1295 = arith.mulf %sub3A_1292, %sub3A_1292 : vector<16xf32>
        %add3A_1296 = arith.addf %mul3A_1294, %mul3A_1295 : vector<16xf32>
        %reduce_sum3A_1297 = arith.constant true
        %reduce_sum3A_1298 = vector.broadcast %reduce_sum3A_1297 : i1 to vector<16xi1>
        %reduce_sum3A_1299 = tpu.scan <sum>, %add3A_1293 masked %reduce_sum3A_1298 : vector<16xf32>, vector<16xi1> -> vector<16xf32>
        %reduce_sum3A_1300 = vector.extract %reduce_sum3A_1299[15] : f32 from vector<16xf32>
        %reduce_sum3A_1301 = arith.constant true
        %reduce_sum3A_1302 = vector.broadcast %reduce_sum3A_1301 : i1 to vector<16xi1>
        %reduce_sum3A_1303 = tpu.scan <sum>, %add3A_1296 masked %reduce_sum3A_1302 : vector<16xf32>, vector<16xi1> -> vector<16xf32>
        %reduce_sum3A_1304 = vector.extract %reduce_sum3A_1303[15] : f32 from vector<16xf32>
        %broadcast_in_dim3A_1305 = vector.broadcast %reduce_sum3A_1300 : f32 to vector<16xf32>
        %select_n3A_1306 = arith.select %eq3A_162, %broadcast_in_dim3A_1305, %select_n3A_1235 : vector<16xi1>, vector<16xf32>
        %broadcast_in_dim3A_1307 = vector.broadcast %reduce_sum3A_1304 : f32 to vector<16xf32>
        %select_n3A_1308 = arith.select %eq3A_162, %broadcast_in_dim3A_1307, %select_n3A_1237 : vector<16xi1>, vector<16xf32>
        %or3A_1309 = arith.constant 15 : i32
        %or3A_1310 = vector.broadcast %or3A_1309 : i32 to vector<16xi32>
        %or3A_1311 = arith.ori %broadcast_in_dim3A_242, %or3A_1310 : vector<16xi32>
        %gather3A_1312 = tpu.vector_load_idx %arg20[%or3A_1311] : memref<6400xi32, #tpu.memory_space<vmem>>[vector<16xi32>], vector<16xi32>,
        %gather3A_1313 = tpu.vector_load_idx %arg21[%or3A_1311] : memref<6400xi32, #tpu.memory_space<vmem>>[vector<16xi32>], vector<16xi32>,
        %or3A_1314 = arith.ori %gather3A_1312, %iota3A : vector<16xi32>
        %gather3A_1315 = tpu.vector_load_idx %arg22[%or3A_1314] : memref<64000xf32, #tpu.memory_space<vmem>>[vector<16xi32>], vector<16xf32>,
        %or3A_1316 = arith.ori %gather3A_1312, %add3A_168 : vector<16xi32>
        %gather3A_1317 = tpu.vector_load_idx %arg22[%or3A_1316] : memref<64000xf32, #tpu.memory_space<vmem>>[vector<16xi32>], vector<16xf32>,
        %or3A_1318 = arith.ori %gather3A_1312, %add3A_171 : vector<16xi32>
        %gather3A_1319 = tpu.vector_load_idx %arg22[%or3A_1318] : memref<64000xf32, #tpu.memory_space<vmem>>[vector<16xi32>], vector<16xf32>,
        %or3A_1320 = arith.ori %gather3A_1312, %add3A_174 : vector<16xi32>
        %gather3A_1321 = tpu.vector_load_idx %arg22[%or3A_1320] : memref<64000xf32, #tpu.memory_space<vmem>>[vector<16xi32>], vector<16xf32>,
        %or3A_1322 = arith.ori %gather3A_1313, %iota3A : vector<16xi32>
        %gather3A_1323 = tpu.vector_load_idx %arg19[%or3A_1322] : memref<8192xf32, #tpu.memory_space<vmem>>[vector<16xi32>], vector<16xf32>,
        %or3A_1324 = arith.ori %gather3A_1313, %add3A_168 : vector<16xi32>
        %gather3A_1325 = tpu.vector_load_idx %arg19[%or3A_1324] : memref<8192xf32, #tpu.memory_space<vmem>>[vector<16xi32>], vector<16xf32>,
        %or3A_1326 = arith.ori %gather3A_1313, %add3A_171 : vector<16xi32>
        %gather3A_1327 = tpu.vector_load_idx %arg19[%or3A_1326] : memref<8192xf32, #tpu.memory_space<vmem>>[vector<16xi32>], vector<16xf32>,
        %or3A_1328 = arith.ori %gather3A_1313, %add3A_174 : vector<16xi32>
        %gather3A_1329 = tpu.vector_load_idx %arg19[%or3A_1328] : memref<8192xf32, #tpu.memory_space<vmem>>[vector<16xi32>], vector<16xf32>,
        %sub3A_1330 = arith.subf %gather3A_1323, %gather3A_1315 : vector<16xf32>
        %sub3A_1331 = arith.subf %gather3A_1325, %gather3A_1317 : vector<16xf32>
        %abs3A_1332 = math.absf %sub3A_1330 : vector<16xf32>
        %abs3A_1333 = math.absf %sub3A_1331 : vector<16xf32>
        %sub3A_1334 = arith.constant 3.14159274 : f32
        %sub3A_1335 = vector.broadcast %sub3A_1334 : f32 to vector<16xf32>
        %sub3A_1336 = arith.subf %sub3A_1335, %abs3A_1332 : vector<16xf32>
        %min3A_1337 = arith.minimumf %abs3A_1332, %sub3A_1336 : vector<16xf32>
        %sub3A_1338 = arith.constant 3.14159274 : f32
        %sub3A_1339 = vector.broadcast %sub3A_1338 : f32 to vector<16xf32>
        %sub3A_1340 = arith.subf %sub3A_1339, %abs3A_1333 : vector<16xf32>
        %min3A_1341 = arith.minimumf %abs3A_1333, %sub3A_1340 : vector<16xf32>
        %mul3A_1342 = arith.mulf %min3A_1337, %min3A_1337 : vector<16xf32>
        %mul3A_1343 = arith.mulf %min3A_1341, %min3A_1341 : vector<16xf32>
        %mul3A_1344 = arith.mulf %min3A_1337, %mul3A_1342 : vector<16xf32>
        %mul3A_1345 = arith.constant 7.893740e-03 : f32
        %mul3A_1346 = vector.broadcast %mul3A_1345 : f32 to vector<16xf32>
        %mul3A_1347 = arith.mulf %mul3A_1342, %mul3A_1346 : vector<16xf32>
        %add3A_1348 = arith.constant -0.166581243 : f32
        %add3A_1349 = vector.broadcast %add3A_1348 : f32 to vector<16xf32>
        %add3A_1350 = arith.addf %add3A_1349, %mul3A_1347 : vector<16xf32>
        %mul3A_1351 = arith.mulf %mul3A_1344, %add3A_1350 : vector<16xf32>
        %add3A_1352 = arith.addf %min3A_1337, %mul3A_1351 : vector<16xf32>
        %mul3A_1353 = arith.mulf %min3A_1341, %mul3A_1343 : vector<16xf32>
        %mul3A_1354 = arith.constant 7.893740e-03 : f32
        %mul3A_1355 = vector.broadcast %mul3A_1354 : f32 to vector<16xf32>
        %mul3A_1356 = arith.mulf %mul3A_1343, %mul3A_1355 : vector<16xf32>
        %add3A_1357 = arith.constant -0.166581243 : f32
        %add3A_1358 = vector.broadcast %add3A_1357 : f32 to vector<16xf32>
        %add3A_1359 = arith.addf %add3A_1358, %mul3A_1356 : vector<16xf32>
        %mul3A_1360 = arith.mulf %mul3A_1353, %add3A_1359 : vector<16xf32>
        %add3A_1361 = arith.addf %min3A_1341, %mul3A_1360 : vector<16xf32>
        %sub3A_1362 = arith.subf %gather3A_1327, %gather3A_1319 : vector<16xf32>
        %sub3A_1363 = arith.subf %gather3A_1329, %gather3A_1321 : vector<16xf32>
        %add3A_1364 = arith.addf %add3A_1352, %add3A_1361 : vector<16xf32>
        %mul3A_1365 = arith.mulf %sub3A_1362, %sub3A_1362 : vector<16xf32>
        %mul3A_1366 = arith.mulf %sub3A_1363, %sub3A_1363 : vector<16xf32>
        %add3A_1367 = arith.addf %mul3A_1365, %mul3A_1366 : vector<16xf32>
        %reduce_sum3A_1368 = arith.constant true
        %reduce_sum3A_1369 = vector.broadcast %reduce_sum3A_1368 : i1 to vector<16xi1>
        %reduce_sum3A_1370 = tpu.scan <sum>, %add3A_1364 masked %reduce_sum3A_1369 : vector<16xf32>, vector<16xi1> -> vector<16xf32>
        %reduce_sum3A_1371 = vector.extract %reduce_sum3A_1370[15] : f32 from vector<16xf32>
        %reduce_sum3A_1372 = arith.constant true
        %reduce_sum3A_1373 = vector.broadcast %reduce_sum3A_1372 : i1 to vector<16xi1>
        %reduce_sum3A_1374 = tpu.scan <sum>, %add3A_1367 masked %reduce_sum3A_1373 : vector<16xf32>, vector<16xi1> -> vector<16xf32>
        %reduce_sum3A_1375 = vector.extract %reduce_sum3A_1374[15] : f32 from vector<16xf32>
        %broadcast_in_dim3A_1376 = vector.broadcast %reduce_sum3A_1371 : f32 to vector<16xf32>
        %select_n3A_1377 = arith.select %eq3A_165, %broadcast_in_dim3A_1376, %select_n3A_1306 : vector<16xi1>, vector<16xf32>
        %broadcast_in_dim3A_1378 = vector.broadcast %reduce_sum3A_1375 : f32 to vector<16xf32>
        %select_n3A_1379 = arith.select %eq3A_165, %broadcast_in_dim3A_1378, %select_n3A_1308 : vector<16xi1>, vector<16xf32>
        %max3A = arith.constant 1.000000e-35 : f32
        %max3A_1380 = vector.broadcast %max3A : f32 to vector<16xf32>
        %max3A_1381 = arith.maximumf %select_n3A_1379, %max3A_1380 : vector<16xf32>
        %bitcast3A = vector.bitcast %max3A_1381 : vector<16xf32> to vector<16xi32>
        %shift_right_logical3A_1382 = arith.constant 1 : i32
        %shift_right_logical3A_1383 = vector.broadcast %shift_right_logical3A_1382 : i32 to vector<16xi32>
        %shift_right_logical3A_1384 = arith.shrui %bitcast3A, %shift_right_logical3A_1383 : vector<16xi32>
        %sub3A_1385 = arith.constant 1597463007 : i32
        %sub3A_1386 = vector.broadcast %sub3A_1385 : i32 to vector<16xi32>
        %sub3A_1387 = arith.subi %sub3A_1386, %shift_right_logical3A_1384 : vector<16xi32>
        %bitcast3A_1388 = vector.bitcast %sub3A_1387 : vector<16xi32> to vector<16xf32>
        %mul3A_1389 = arith.constant 5.000000e-01 : f32
        %mul3A_1390 = vector.broadcast %mul3A_1389 : f32 to vector<16xf32>
        %mul3A_1391 = arith.mulf %mul3A_1390, %max3A_1381 : vector<16xf32>
        %mul3A_1392 = arith.mulf %mul3A_1391, %bitcast3A_1388 : vector<16xf32>
        %mul3A_1393 = arith.mulf %mul3A_1392, %bitcast3A_1388 : vector<16xf32>
        %sub3A_1394 = arith.constant 1.500000e+00 : f32
        %sub3A_1395 = vector.broadcast %sub3A_1394 : f32 to vector<16xf32>
        %sub3A_1396 = arith.subf %sub3A_1395, %mul3A_1393 : vector<16xf32>
        %mul3A_1397 = arith.mulf %bitcast3A_1388, %sub3A_1396 : vector<16xf32>
        %mul3A_1398 = arith.constant 5.000000e-01 : f32
        %mul3A_1399 = vector.broadcast %mul3A_1398 : f32 to vector<16xf32>
        %mul3A_1400 = arith.mulf %mul3A_1399, %max3A_1381 : vector<16xf32>
        %mul3A_1401 = arith.mulf %mul3A_1400, %mul3A_1397 : vector<16xf32>
        %mul3A_1402 = arith.mulf %mul3A_1401, %mul3A_1397 : vector<16xf32>
        %sub3A_1403 = arith.constant 1.500000e+00 : f32
        %sub3A_1404 = vector.broadcast %sub3A_1403 : f32 to vector<16xf32>
        %sub3A_1405 = arith.subf %sub3A_1404, %mul3A_1402 : vector<16xf32>
        %mul3A_1406 = arith.mulf %mul3A_1397, %sub3A_1405 : vector<16xf32>
        %mul3A_1407 = arith.constant 5.000000e-01 : f32
        %mul3A_1408 = vector.broadcast %mul3A_1407 : f32 to vector<16xf32>
        %mul3A_1409 = arith.mulf %mul3A_1408, %max3A_1381 : vector<16xf32>
        %mul3A_1410 = arith.mulf %mul3A_1409, %mul3A_1406 : vector<16xf32>
        %mul3A_1411 = arith.mulf %mul3A_1410, %mul3A_1406 : vector<16xf32>
        %sub3A_1412 = arith.constant 1.500000e+00 : f32
        %sub3A_1413 = vector.broadcast %sub3A_1412 : f32 to vector<16xf32>
        %sub3A_1414 = arith.subf %sub3A_1413, %mul3A_1411 : vector<16xf32>
        %mul3A_1415 = arith.mulf %mul3A_1406, %sub3A_1414 : vector<16xf32>
        %mul3A_1416 = arith.mulf %select_n3A_1377, %get3A_115 : vector<16xf32>
        %mul3A_1417 = arith.mulf %select_n3A_1379, %mul3A_1415 : vector<16xf32>
        %mul3A_1418 = arith.mulf %mul3A_1417, %get3A_117 : vector<16xf32>
        %add3A_1419 = arith.addf %mul3A_1416, %mul3A_1418 : vector<16xf32>
        %sub3A_1420 = arith.constant 6.000000e+00 : f32
        %sub3A_1421 = vector.broadcast %sub3A_1420 : f32 to vector<16xf32>
        %sub3A_1422 = arith.subf %add3A_1419, %sub3A_1421 : vector<16xf32>
        %swap3A = arith.index_cast %multiple_of3A_241 : i32 to index
        %swap3A_1423 = tpu.vector_load %arg23[%swap3A] {strides = array<i32>} : memref<6400xf32, #tpu.memory_space<vmem>>, vector<16xf32>,
        tpu.vector_store %arg23[%swap3A], %sub3A_1422 {strides = array<i32>} : memref<6400xf32, #tpu.memory_space<vmem>>, vector<16xf32>,
      }
      scf.yield %while3A_222#0, %while3A_222#1, %while3A_222#2, %while3A_222#3 : i32, i32, i32, i32
    }
    %scan3A_179 = arith.constant 16 : i32
    %dma_wait3A = arith.constant 0 : i32
    %dma_wait3A_180 = arith.constant 0 : i32
    %dma_wait3A_181 = tpu.memref_slice %arg4[%dma_wait3A, %dma_wait3A_180] : memref<64x1000000xf32, #tpu.memory_space<hbm>> -> memref<64x128xf32, #tpu.memory_space<hbm>>
    %dma_wait3A_182 = arith.constant 0 : i32
    %dma_wait3A_183 = arith.constant 0 : i32
    %dma_wait3A_184 = tpu.memref_slice %arg4[%dma_wait3A_182, %dma_wait3A_183] : memref<64x1000000xf32, #tpu.memory_space<hbm>> -> memref<64x128xf32, #tpu.memory_space<hbm>>
    tpu.wait_dma2 semaphore(%arg15 : memref<!tpu.dma_semaphore, #tpu.memory_space<semaphore_mem>>) src(%dma_wait3A_184 : memref<64x128xf32, #tpu.memory_space<hbm>>) dst(%arg11 : memref<64x128xf32, #tpu.memory_space<vmem>>)
    %dma_wait3A_185 = arith.constant 0 : i32
    %dma_wait3A_186 = arith.constant 0 : i32
    %dma_wait3A_187 = tpu.memref_slice %arg4[%dma_wait3A_185, %dma_wait3A_186] : memref<64x1000000xf32, #tpu.memory_space<hbm>> -> memref<64x128xf32, #tpu.memory_space<hbm>>
    %dma_wait3A_188 = arith.constant 0 : i32
    %dma_wait3A_189 = arith.constant 0 : i32
    %dma_wait3A_190 = tpu.memref_slice %arg4[%dma_wait3A_188, %dma_wait3A_189] : memref<64x1000000xf32, #tpu.memory_space<hbm>> -> memref<64x128xf32, #tpu.memory_space<hbm>>
    tpu.wait_dma2 semaphore(%arg16 : memref<!tpu.dma_semaphore, #tpu.memory_space<semaphore_mem>>) src(%dma_wait3A_190 : memref<64x128xf32, #tpu.memory_space<hbm>>) dst(%arg12 : memref<64x128xf32, #tpu.memory_space<vmem>>)
    %dma_wait3A_191 = arith.constant 0 : i32
    %dma_wait3A_192 = arith.constant 0 : i32
    %dma_wait3A_193 = tpu.memref_slice %arg4[%dma_wait3A_191, %dma_wait3A_192] : memref<64x1000000xf32, #tpu.memory_space<hbm>> -> memref<64x128xf32, #tpu.memory_space<hbm>>
    %dma_wait3A_194 = arith.constant 0 : i32
    %dma_wait3A_195 = arith.constant 0 : i32
    %dma_wait3A_196 = tpu.memref_slice %arg4[%dma_wait3A_194, %dma_wait3A_195] : memref<64x1000000xf32, #tpu.memory_space<hbm>> -> memref<64x128xf32, #tpu.memory_space<hbm>>
    tpu.wait_dma2 semaphore(%arg17 : memref<!tpu.dma_semaphore, #tpu.memory_space<semaphore_mem>>) src(%dma_wait3A_196 : memref<64x128xf32, #tpu.memory_space<hbm>>) dst(%arg13 : memref<64x128xf32, #tpu.memory_space<vmem>>)
    %dma_wait3A_197 = arith.constant 0 : i32
    %dma_wait3A_198 = arith.constant 0 : i32
    %dma_wait3A_199 = tpu.memref_slice %arg4[%dma_wait3A_197, %dma_wait3A_198] : memref<64x1000000xf32, #tpu.memory_space<hbm>> -> memref<64x128xf32, #tpu.memory_space<hbm>>
    %dma_wait3A_200 = arith.constant 0 : i32
    %dma_wait3A_201 = arith.constant 0 : i32
    %dma_wait3A_202 = tpu.memref_slice %arg4[%dma_wait3A_200, %dma_wait3A_201] : memref<64x1000000xf32, #tpu.memory_space<hbm>> -> memref<64x128xf32, #tpu.memory_space<hbm>>
    tpu.wait_dma2 semaphore(%arg18 : memref<!tpu.dma_semaphore, #tpu.memory_space<semaphore_mem>>) src(%dma_wait3A_202 : memref<64x128xf32, #tpu.memory_space<hbm>>) dst(%arg14 : memref<64x128xf32, #tpu.memory_space<vmem>>)
    "tpu.region"() ({
      %run_scoped3A = tpu.sem_alloc : memref<!tpu.dma_semaphore, #tpu.memory_space<semaphore_mem>>
      %dma_start3A_203 = tpu.memref_slice %arg9[%mul3A_4] : memref<204800xf32, #tpu.memory_space<hbm>> -> memref<6400xf32, #tpu.memory_space<hbm>>
      %dma_start3A_204 = tpu.memref_slice %arg9[%mul3A_4] : memref<204800xf32, #tpu.memory_space<hbm>> -> memref<6400xf32, #tpu.memory_space<hbm>>
      tpu.enqueue_dma source(%arg23 : memref<6400xf32, #tpu.memory_space<vmem>>) target(%dma_start3A_204 : memref<6400xf32, #tpu.memory_space<hbm>>) target_semaphore(%run_scoped3A : memref<!tpu.dma_semaphore, #tpu.memory_space<semaphore_mem>>)
      %dma_wait3A_205 = tpu.memref_slice %arg9[%mul3A_4] : memref<204800xf32, #tpu.memory_space<hbm>> -> memref<6400xf32, #tpu.memory_space<hbm>>
      %dma_wait3A_206 = tpu.memref_slice %arg9[%mul3A_4] : memref<204800xf32, #tpu.memory_space<hbm>> -> memref<6400xf32, #tpu.memory_space<hbm>>
      tpu.wait_dma2 semaphore(%run_scoped3A : memref<!tpu.dma_semaphore, #tpu.memory_space<semaphore_mem>>) src(%arg23 : memref<6400xf32, #tpu.memory_space<vmem>>) dst(%dma_wait3A_206 : memref<6400xf32, #tpu.memory_space<hbm>>)
      tpu.yield
    }) : () -> ()
    return
  }
}

</mosaic_0001>

<sc_bundles>
// kernel: kernel.3.cloned.1.call-start
scs
__scs_entry_jumppad:
0x0: {  	(pc) =	sbr.rel $0x88, $3  }
0x1: {  	(tag) =	ssettag $0x0;
	lr =	simm.s32 $0x1  }
0x2: {  	[smem:$0x3F9B] =	sst lr;
	_ =	strace $0xD0000000  }
0x3: {  	_ = 	snop  }
0x4: {  	_ = 	snop  }
0x5: {  	_ = 	snop  }
0x6: {  	_ = 	snop  }
0x7: {  	_ = 	snop  }
__scs_overlays_trampoline_lowered:
0x8: {  	[smem:$0x3FAA] =	sst s0  }
0x9: {  	[smem:$0x3FAB] =	sst s1  }
0xa: {  	[smem:$0x3FAC] =	sst s2  }
0xb: {  	[smem:$0x3FAD] =	sst s3  }
0xc: {  	[smem:$0x3FAE] =	sst s4  }
0xd: {  	[smem:$0x3FAF] =	sst s5  }
0xe: {  	[smem:$0x3FB0] =	sst s6  }
0xf: {  	[smem:$0x3FB1] =	sst s7  }
0x10: {  	[smem:$0x3FB2] =	sst s8  }
0x11: {  	[smem:$0x3FB3] =	sst s9;
	s0 =	simm.s32 @!p0 $0x0  }
0x12: {  	s1 =	sld [smem:$0x3F99];
	s0 =	simm.s32 @p0 $0x1  }
0x13: {  	[smem:$0x3FB4] =	sst s0;
	s0 =	simm.s32 @!p1 $0x0  }
0x14: {  	s2 =	sld [smem:$0x3F98];
	s0 =	simm.s32 @p1 $0x1  }
0x15: {  	[smem:$0x3FB5] =	sst s0;
	s0 =	simm.s32 @!p2 $0x0  }
0x16: {  	s3 =	sld [smem:$0x3FDB];
	s0 =	simm.s32 @p2 $0x1  }
0x17: {  	s4 =	simm.s32 $0x1BF5;
	[smem:$0x3FB7] =	sst s0  }
0x18: {  	s0 =	sld [smem:$0x3F9A];
	_ =	swait.ge [sflag:s4], $0x0  }
0x19: {  	s7 =	sld [smem:$0x3F9B]  }
0x1a: {  	s8 =	sadd.s32 $0xFFFFE003, lr  }
0x1b: {  	s9 =	sadd.s32 $0xFFFFFEF7, lr;
	s5 =	simm.s32 $0xFFFFFFFF;
	p2 =	slt.u32 s8, $0xFFFFF086  }
0x1c: {  	p1 =	slt.u32 s9, $0xF7A;
	s5 =	simm.s32 @!p2 $0x0  }
0x1d: {  	s5 =	simm.s32 @p1 $0x1;
	p0 =	seq.s32 s7, s2  }
0x1e: {  	s7 =	smul.u32 @!p0 $0xF7A, s2;
	p2 =	seq.s32 @!p0 s5, $0x0  }
0x1f: {  	s9 =	smul.u32 $0xF7A, s1;
	s8 =	simm.s32 @!p0 $0x1BF5;
	p2 =	por !p2, p0  }
0x20: {  	[sflag:s8] =	ssyncset.s32 @!p0 $0xFFFFF086;
	s6 =	sadd.s32 @!p0 s3, s7;
	s7 =	simm.s32 @!p0 $0x108  }
0x21: {  	s3 =	sadd.s32 s3, s9;
	s6 =	sadd.s32 @!p0 $0x88, s6;
	s7 =	simm.s32 @p2 $0x1082  }
0x22: {  	[simem:s7], [sflag:s8] =	dma.local @!p0 [hbm:s6], $0xF7A  }
0x23: {  	s9 =	sor.u32 $0xD0000000, s2;
	s6 =	simm.s32 $0x108;
	_ =	swait.ge @!p0 [sflag:s8], $0x0  }
0x24: {  	s3 =	sadd.s32 $0x88, s3;
	s6 =	simm.s32 @!p1 $0x1082;
	[sflag:s4] =	ssyncset.s32 $0xFFFFF086  }
0x25: {  	[simem:s6], [sflag:s4] =	dma.local [hbm:s3], $0xF7A  }
0x26: {  	[smem:$0x3F9B] =	sst s1;
	(tag) =	ssettag s2;
	_ =	strace s9  }
0x27: {  	s1 =	sld [smem:$0x3FAB]  }
0x28: {  	s2 =	sld [smem:$0x3FAC]  }
0x29: {  	s4 =	sld [smem:$0x3FAE]  }
0x2a: {  	p0 =	seq.s32 s5, $0x0;
	s5 =	sld [smem:$0x3FAF]  }
0x2b: {  	s6 =	sld [smem:$0x3FB0]  }
0x2c: {  	s7 =	sld [smem:$0x3FB1]  }
0x2d: {  	s3 =	simm.s32 $0x108;
	s8 =	sld [smem:$0x3FB2]  }
0x2e: {  	s3 =	simm.s32 @!p0 $0x1082;
	s9 =	sld [smem:$0x3FB3]  }
0x2f: {  	lr =	sadd.s32 s0, s3;
	s0 =	sld [smem:$0x3FAA]  }
0x30: {  	s3 =	sld [smem:$0x3FAD]  }
0x31: {  	[smem:$0x3FB6] =	sst s10  }
0x32: {  	s10 =	sld [smem:$0x3FB4];
	_ =	sdelay $0x3  }
0x33: {  	p0 =	seq.s32 s10, $0x1;
	s10 =	sld [smem:$0x3FB6];
	_ =	sdelay $0x3  }
0x34: {  	[smem:$0x3FB6] =	sst s10  }
0x35: {  	s10 =	sld [smem:$0x3FB5];
	_ =	sdelay $0x3  }
0x36: {  	p1 =	seq.s32 s10, $0x1;
	s10 =	sld [smem:$0x3FB6];
	_ =	sdelay $0x3  }
0x37: {  	[smem:$0x3FB6] =	sst s10  }
0x38: {  	s10 =	sld [smem:$0x3FB7]  }
0x39: {  	_ = 	snop;
	(pc) =	sbr.ind lr, $3  }
0x3a: {  	_ = 	snop  }
0x3b: {  	_ = 	snop  }
0x3c: {  	p2 =	seq.s32 s10, $0x1;
	s10 =	sld [smem:$0x3FB6]  }
0x3d: {  	_ =	shalt  }
0x3e: {  	_ =	shalt  }
0x3f: {  	_ =	shalt  }
0x40: {  	_ =	shalt  }
0x41: {  	_ =	shalt  }
0x42: {  	_ =	shalt  }
0x43: {  	_ =	shalt  }
0x44: {  	_ =	shalt  }
0x45: {  	_ =	shalt  }
0x46: {  	_ =	shalt  }
0x47: {  	_ =	shalt  }
0x48: {  	_ =	shalt  }
0x49: {  	_ =	shalt  }
0x4a: {  	_ =	shalt  }
0x4b: {  	_ =	shalt  }
0x4c: {  	_ =	shalt  }
0x4d: {  	_ =	shalt  }
0x4e: {  	_ =	shalt  }
0x4f: {  	_ =	shalt  }
0x50: {  	_ =	shalt  }
0x51: {  	_ =	shalt  }
0x52: {  	_ =	shalt  }
0x53: {  	_ =	shalt  }
0x54: {  	_ =	shalt  }
0x55: {  	_ =	shalt  }
0x56: {  	_ =	shalt  }
0x57: {  	_ =	shalt  }
0x58: {  	_ =	shalt  }
0x59: {  	_ =	shalt  }
0x5a: {  	_ =	shalt  }
0x5b: {  	_ =	shalt  }
0x5c: {  	_ =	shalt  }
0x5d: {  	_ =	shalt  }
0x5e: {  	_ =	shalt  }
0x5f: {  	_ =	shalt  }
0x60: {  	_ =	shalt  }
0x61: {  	_ =	shalt  }
0x62: {  	_ =	shalt  }
0x63: {  	_ =	shalt  }
0x64: {  	_ =	shalt  }
0x65: {  	_ =	shalt  }
0x66: {  	_ =	shalt  }
0x67: {  	_ =	shalt  }
0x68: {  	_ =	shalt  }
0x69: {  	_ =	shalt  }
0x6a: {  	_ =	shalt  }
0x6b: {  	_ =	shalt  }
0x6c: {  	_ =	shalt  }
0x6d: {  	_ =	shalt  }
0x6e: {  	_ =	shalt  }
0x6f: {  	_ =	shalt  }
0x70: {  	_ =	shalt  }
0x71: {  	_ =	shalt  }
0x72: {  	_ =	shalt  }
0x73: {  	_ =	shalt  }
0x74: {  	_ =	shalt  }
0x75: {  	_ =	shalt  }
0x76: {  	_ =	shalt  }
0x77: {  	_ =	shalt  }
0x78: {  	_ =	shalt  }
0x79: {  	_ =	shalt  }
0x7a: {  	_ =	shalt  }
0x7b: {  	_ =	shalt  }
0x7c: {  	_ =	shalt  }
0x7d: {  	_ =	shalt  }
0x7e: {  	_ =	shalt  }
0x7f: {  	_ =	shalt  }
0x80: {  	_ =	shalt  }
0x81: {  	_ =	shalt  }
0x82: {  	_ =	shalt  }
0x83: {  	_ =	shalt  }
0x84: {  	_ =	shalt  }
0x85: {  	_ =	shalt  }
0x86: {  	_ =	shalt  }
0x87: {  	_ =	shalt  }
.Lfunc_end0:
.L_simem_size_0:
called_computation_lowered:
.L_overlay_start_0:
0x88: {  	s2 =	sld [smem:$0x3FD9]  }
0x89: {  	s3 =	sld [smem:$0x3FFE];
	_ =	sdelay $0x1  }
0x8a: {  	s1 =	srdreg.scid  }
0x8b: {  	s0 =	sand.u32 $0x1, s1  }
0x8c: {  	s17 =	sshll.u32 s0, $0xA;
	s2 =	sadd.s32 s3, s2  }
0x8d: {  	s2 =	sadd.s32 s2, s17  }
0x8e: {  	[smem:$0x3FC2] =	sst s2  }
0x8f: {  	_ = 	snop  }
0x90: {  	s2 =	sld [smem:$0x3FC9]  }
0x91: {  	s18 =	sld [smem:$0x3FC7]  }
0x92: {  	s4 =	sld [smem:$0x3FD0];
	(tm) =	ssettm $0x1  }
0x93: {  	s5 =	sld [smem:$0x3FFB];
	_ =	sdelay $0x3  }
0x94: {  	_ =	strace s5  }
0x95: {  	s5 =	sld [smem:$0x3FFC];
	_ =	sdelay $0x3  }
0x96: {  	_ =	strace s5  }
0x97: {  	s5 =	sld [smem:$0x3FFD];
	_ =	sdelay $0x3  }
0x98: {  	_ =	strace s5  }
0x99: {  	_ =	strace $0x8FFFFFFF  }
0x9a: {  	s19 =	sld [smem:$0x3FDB];
	_ =	sdelay $0x1  }
0x9b: {  	s6 =	simm.s32 $_scs_section_size  }
0x9c: {  	s7 =	simm.s32 $_size__tile_overlayer_lowered;
	s8 =	simm.s32 $_tile_overlayer_lowered  }
0x9d: {  	s22 =	simm.s32 $0x1BFF;
	s21 =	sshll.u32 s8, $0x1;
	s5 =	sadd.s32 s6, s19  }
0x9e: {  	s9 =	simm.s32 $0x0;
	s20 =	sshll.u32 s7, $0x1;
	s7 =	sadd.s32 s21, s5  }
0x9f: {  	[timem:s9], [sflag:s22] =	dma.local [hbm:s7], s20  }
0xa0: {  	_ =	swait.ge [sflag:s22], s20  }
0xa1: {  	s6 =	ssub.s32 $0x0, s20;
	[sflag:s22] =	ssyncset.done $0x0  }
0xa2: {  	[sflag:s22] =	ssyncadd.s32 s6;
	_ =	sdelay $0x1  }
0xa3: {  	s23 =	simm.s32 $0x1B8B  }
0xa4: {  	_ =	swait.ge [sflag:s23], $0x1  }
0xa5: {  	[sflag:s23] =	ssyncset.done $0x0  }
0xa6: {  	s25 =	simm.s32 $0x1B8E;
	s24 =	sld [smem:$0x3FFE];
	[sflag:s23] =	ssyncadd.s32 $0xFFFFFFFF  }
0xa7: {  	s26 =	simm.s32 $execute0_lowered;
	[smem:$0x3FD2] =	sst s25  }
0xa8: {  	s7 =	sshll.u32 s26, $0x1;
	_ =	strace $0x80000046;
	[dreg:$0x1] =	wrdreg $0xFFFFFFFF  }
0xa9: {  	s28 =	simm.s32 $_size_execute0_lowered;
	s5 =	sadd.s32 s5, s7;
	[dreg:$0x0] =	wrdreg $0x0  }
0xaa: {  	s7 =	sshll.u32 s28, $0x1;
	[dreg:$0x2] =	wrdreg s5  }
0xab: {  	[dreg:$0x3] =	wrdreg s7  }
0xac: {  	[dreg:$0x4] =	wrdreg $0xC0  }
0xad: {  	_ =	task [dreg:s9], $0x5FFFF  }
0xae: {  	[dreg:$0x1] =	wrdreg $0xFFFFFFFF  }
0xaf: {  	[dreg:$0x0] =	wrdreg $0x60  }
0xb0: {  	[dreg:$0x2] =	wrdreg s2  }
0xb1: {  	[dreg:$0x3] =	wrdreg s4  }
0xb2: {  	[dreg:$0x4] =	wrdreg s18  }
0xb3: {  	[dreg:$0x5] =	wrdreg s24  }
0xb4: {  	[dreg:$0x6] =	wrdreg $0x9  }
0xb5: {  	_ =	task.clear_ibuf [dreg:s9], $0x7FFFF;
	_ =	strace $0x90000046  }
0xb6: {  	s29 =	simm.s32 $0x9;
	_ =	strace $0x80000048  }
0xb7: {  	_ =	swait.ge [sflag:s29], $0x1  }
0xb8: {  	[sflag:s29] =	ssyncadd.s32 $0xFFFFFFFF  }
0xb9: {  	_ =	strace $0x90000048  }
0xba: {  	_ =	sfence  }
0xbb: {  	s30 =	sld [smem:$0x0];
	_ =	sdelay $0x2  }
0xbc: {  	s31 =	sshll.u32 s1, $0xD;
	s1 =	sshrl.u32 s1, $0x2  }
0xbd: {  	s3 =	sand.u32 $0x4000, s31;
	s1 =	sadd.s32 s1, s30  }
0xbe: {  	s0 =	sor.u32 s3, s0;
	s1 =	sshll.u32 s1, $0x11  }
0xbf: {  	s0 =	sor.u32 s1, s0  }
0xc0: {  	s0 =	sadd.s32 $0x8F2B, s0  }
0xc1: {  	[sflag:s0] =	ssyncadd.remote.s32 $0x1  }
0xc2: {  	_ =	sfence.sel $0xFFFF  }
0xc3: {  	[dreg:$0x0] =	wrdreg $0xFFFFFFFF;
	(pc) =	sbr.abs _section_cstart, $3  }
0xc4: {  	[dreg:$0x1] =	wrdreg $0xFFFFFFFF  }
0xc5: {  	_ =	task.clear_ibuf [dreg:s9], $0x2FFFF;
	_ =	strace $0x9FFFFFFF  }
0xc6: {  	(tm) =	ssettm $0x7FFFFFFF  }
0xc7: {  	_ =	shalt  }
tec
execute0_lowered:
.L_overlay_start_1:
0x0: {  	(tag) =	ssettag $0x1  }
0x1: {  	s0 =	rddreg [dreg:$0x0]  }
0x2: {  	s2 =	rddreg [dreg:$0x1]  }
0x3: {  	s1 =	rddreg [dreg:$0x2]  }
0x4: {  	s3 =	rddreg [dreg:$0x3];
	s8 =	simm.s32 $0x0  }
0x5: {  	s4 =	srdreg.scid;
	s5 =	stileid.u32;
	s13 =	simm.s32 $0xA080  }
0x6: {  	s14 =	simm.s32 $0xB980;
	s15 =	simm.s32 $0xD280;
	s18 =	simm.s32 $0x400  }
0x7: {  	s19 =	simm.s32 $0x7A1400;
	s20 =	simm.s32 $0x80;
	s21 =	simm.s32 $0x2080  }
0x8: {  	s28 =	simm.s32 $0x4;
	[smem:$0x7FF] =	sst s8;
	s6 =	sadd.s32 $0xC00, s3  }
0x9: {  	s22 =	sadd.s32 $0x800, s3;
	_ =	strace $0x80000047;
	[dreg:$0x5] =	wrdreg s6  }
0xa: {  	s4 =	sand.u32 $0x1, s4;
	s7 =	sadd.s32 $0x3000, s3;
	[dreg:$0x6] =	wrdreg s22  }
0xb: {  	s5 =	sshll.u32 s5, $0x1;
	s24 =	sadd.s32 $0x2C00, s3;
	[dreg:$0x7] =	wrdreg s7  }
0xc: {  	v0 =	vlaneseq.u32;
	vm0 =	vmmov $0x1;
	s29 =	simm.s32 $0x8080;
	s5 =	sor.u32 s4, s5;
	[dreg:$0x8] =	wrdreg s24  }
0xd: {  	vm4 =	vmmov $0x3;
	vm5 =	vmmov $0x7;
	vm6 =	vmmov $0xf;
	s4 =	ssub.s32 $0x2, s4;
	s22 =	simm.s32 $0x4080;
	s24 =	simm.s32 $0x1  }
0xe: {  	vm7 =	vmmov $0x1f;
	vm8 =	vmmov $0x3f;
	v3 =	vmul.u32 $0x80, v0;
	s23 =	smul.u32 $0x320, s5;
	s25 =	sshrl.u32 s4, $0x1;
	s5 =	sshll.u32 s5, $0x4  }
0xf: {  	vm9 =	vmmov $0x7f;
	vm10 =	vmmov $0xff;
	vm11 =	vmmov $0x1ff;
	s4 =	ssub.s32 s4, s25;
	s0 =	sadd.s32 s0, s5;
	s25 =	simm.s32 $0x2  }
0x10: {  	vm12 =	vmmov $0x3ff;
	vm13 =	vmmov $0x7ff;
	v4 =	vor.u32 $0x800, v3;
	[tilespmem:$0x1FFC0] =	vst v3;
	s3 =	sadd.s32 s23, s3;
	[dreg:$0x9] =	wrdreg s0;
	s26 =	sadd.s32 s2, s23  }
0x11: {  	vm14 =	vmmov $0xfff;
	vm15 =	vmmov $0x1fff;
	v8 =	vor.u32 $0x1000, v3;
	[tilespmem:$0x1FFD0] =	vst v4;
	s31 =	smax.u32 s4, $0x1;
	s2 =	simm.s32 $0x5;
	[dreg:$0xa] =	wrdreg s26  }
0x12: {  	vm1 =	vmmov $0x3fff;
	vm2 =	vmmov $0x7fff;
	v9 =	vor.u32 $0x1800, v3;
	[tilespmem:$0x1FFE0] =	vst v8;
	s23 =	simm.s32 $0x6080;
	s30 =	sadd.s32 $0x3200, s3;
	[dreg:$0xc] =	wrdreg s31  }
0x13: {  	v5 =	vor.u32 $0x10, v0;
	v6 =	vor.u32 $0x20, v0;
	v7 =	vor.u32 $0x30, v0;
	[tilespmem:$0x1FFF0] =	vst v9;
	s26 =	simm.s32 $0x3;
	s3 =	simm.s32 $0x0;
	[dreg:$0xb] =	wrdreg s30  }
.LBB2_1:
0x14: {  	[dreg:$0xd] =	wrdreg s3  }
0x15: {  	s0 =	rddreg [dreg:$0x9]  }
0x16: {  	[tilespmem:s8], [sflag:$0x5] =	stream.linear.gather [hbm4b:s0+s8], $0x80, $0x38;
	[tilespmem:$0x1E680] =	vst v63  }
0x17: {  	_ =	swait.ge [sflag:s2], $0x80  }
0x18: {  	[sflag:s2] =	ssyncset.done $0x0  }
0x19: {  	s4 =	rddreg [dreg:$0xa];
	[sflag:s2] =	ssyncadd.s32 $0xFFFFFF80  }
0x1a: {  	[tilespmem:s13], [sflag:$0x5] =	stream.linear.gather [hbm4b:s4+s8], $0x1900, $0x38;
	[tilespmem:$0x1E680] =	vst v63  }
0x1b: {  	_ =	swait.ge [sflag:s2], $0x1900  }
0x1c: {  	[sflag:s2] =	ssyncset.done $0x0  }
0x1d: {  	s5 =	rddreg [dreg:$0x6];
	[sflag:s2] =	ssyncadd.s32 $0xFFFFE700  }
0x1e: {  	[tilespmem:s14], [sflag:$0x5] =	stream.linear.gather [hbm4b:s5+s8], $0x1900, $0x38;
	[tilespmem:$0x1E680] =	vst v63  }
0x1f: {  	_ =	swait.ge [sflag:s2], $0x1900  }
0x20: {  	[sflag:s2] =	ssyncset.done $0x0  }
0x21: {  	s6 =	rddreg [dreg:$0x5];
	[sflag:s2] =	ssyncadd.s32 $0xFFFFE700  }
0x22: {  	[tilespmem:s15], [sflag:$0x5] =	stream.linear.gather [hbm4b:s6+s8], $0xFA00, $0x38;
	[tilespmem:$0x1E680] =	vst v63  }
0x23: {  	_ =	swait.ge [sflag:s2], $0xFA00  }
0x24: {  	[sflag:s2] =	ssyncset.done $0x0  }
0x25: {  	s9 =	simm.s32 $0x1E580;
	s7 =	rddreg [dreg:$0x7];
	[sflag:s2] =	ssyncadd.s32 $0xFFFF0600  }
0x26: {  	[tilespmem:s9], [sflag:$0x5] =	stream.linear.gather [hbm4b:s7+s8], $0x80, $0x38;
	[tilespmem:$0x1E680] =	vst v63  }
0x27: {  	_ =	swait.ge [sflag:s2], $0x80  }
0x28: {  	[sflag:s2] =	ssyncset.done $0x0  }
0x29: {  	s11 =	simm.s32 $0x1E600;
	s10 =	rddreg [dreg:$0x8];
	[sflag:s2] =	ssyncadd.s32 $0xFFFFFF80  }
0x2a: {  	[tilespmem:s11], [sflag:$0x5] =	stream.linear.gather [hbm4b:s10+s8], $0x80, $0x38;
	[tilespmem:$0x1E680] =	vst v63  }
0x2b: {  	_ =	swait.ge [sflag:s2], $0x80  }
0x2c: {  	[sflag:s2] =	ssyncset.done $0x0  }
0x2d: {  	[sflag:s2] =	ssyncadd.s32 $0xFFFFFF80  }
0x2e: {  	v1 =	vld [tilespmem:$0x0];
	_ =	sdelay $0x4  }
0x2f: {  	v1 =	vnsel vm0, $0x0, v1  }
0x30: {  	(xrf0) =	vadd.scan.msk.s32 $0xffff, v1;
	_ =	sdelay $0x5  }
0x31: {  	v1, _, _ =	vpop (xrf0)  }
0x32: {  	(v2sf) =	vpush v1, $0xF;
	_ =	sdelay $0xe  }
0x33: {  	s12 =	spop (v2sf)  }
0x34: {  	s2 =	sand.u32 $0xFFFFFF80, s12  }
0x35: {  	p0 =	slt.s32 s2, $0xF41C0  }
0x36: {  	s2 =	simm.s32 @!p0 $0xF41C0  }
0x37: {  	s16 =	sand.u32 $0xFFFFF80, s2  }
0x38: {  	s3 =	sadd.s32 s1, s16  }
0x39: {  	[tilespmem:s20], [sflag:$0x1] =	stream.strided.gather [hbm4b:s3+s18], $0x2000, s19, s18, $0x38;
	[tilespmem:$0x1E680] =	vst v63  }
0x3a: {  	v1 =	vld [tilespmem:$0x0];
	_ =	sdelay $0x3  }
0x3b: {  	vm3 =	vcmask $0x308  }
0x3c: {  	v1 =	vsel vm3, $0x0, v1  }
0x3d: {  	(xrf0) =	vadd.scan.msk.s32 $0xffff, v1;
	_ =	sdelay $0x5  }
0x3e: {  	v1, _, _ =	vpop (xrf0)  }
0x3f: {  	(v2sf) =	vpush v1, $0xF;
	_ =	sdelay $0xe  }
0x40: {  	s17 =	spop (v2sf)  }
0x41: {  	s4 =	sand.u32 $0xFFFFFF80, s17  }
0x42: {  	p0 =	slt.s32 s4, $0xF41C0  }
0x43: {  	s4 =	simm.s32 @!p0 $0xF41C0  }
0x44: {  	s5 =	sand.u32 $0xFFFFF80, s4  }
0x45: {  	s5 =	sadd.s32 s1, s5  }
0x46: {  	[tilespmem:s21], [sflag:$0x2] =	stream.strided.gather [hbm4b:s5+s18], $0x2000, s19, s18, $0x38;
	[tilespmem:$0x1E680] =	vst v63  }
0x47: {  	v1 =	vld [tilespmem:$0x0];
	_ =	sdelay $0x3  }
0x48: {  	vm3 =	vcmask $0x70C  }
0x49: {  	v1 =	vsel vm3, $0x0, v1  }
0x4a: {  	(xrf0) =	vadd.scan.msk.s32 $0xffff, v1;
	_ =	sdelay $0x5  }
0x4b: {  	v1, _, _ =	vpop (xrf0)  }
0x4c: {  	(v2sf) =	vpush v1, $0xF;
	_ =	sdelay $0xe  }
0x4d: {  	s30 =	spop (v2sf)  }
0x4e: {  	s6 =	sand.u32 $0xFFFFFF80, s30  }
0x4f: {  	p0 =	slt.s32 s6, $0xF41C0  }
0x50: {  	s6 =	simm.s32 @!p0 $0xF41C0  }
0x51: {  	s7 =	sand.u32 $0xFFFFF80, s6  }
0x52: {  	s7 =	sadd.s32 s1, s7  }
0x53: {  	[tilespmem:s22], [sflag:$0x3] =	stream.strided.gather [hbm4b:s7+s18], $0x2000, s19, s18, $0x38;
	[tilespmem:$0x1E680] =	vst v63  }
0x54: {  	v1 =	vld [tilespmem:$0x0];
	_ =	sdelay $0x3  }
0x55: {  	vm3 =	vcmask $0xB10  }
0x56: {  	v1 =	vsel vm3, $0x0, v1  }
0x57: {  	(xrf0) =	vadd.scan.msk.s32 $0xffff, v1;
	_ =	sdelay $0x5  }
0x58: {  	v1, _, _ =	vpop (xrf0)  }
0x59: {  	(v2sf) =	vpush v1, $0xF;
	_ =	sdelay $0xe  }
0x5a: {  	s9 =	spop (v2sf)  }
0x5b: {  	s10 =	sand.u32 $0xFFFFFF80, s9  }
0x5c: {  	p0 =	slt.s32 s10, $0xF41C0  }
0x5d: {  	s10 =	simm.s32 @!p0 $0xF41C0  }
0x5e: {  	s31 =	sand.u32 $0xFFFFF80, s10  }
0x5f: {  	s0 =	sadd.s32 s1, s31  }
0x60: {  	[tilespmem:s23], [sflag:$0x4] =	stream.strided.gather [hbm4b:s0+s18], $0x2000, s19, s18, $0x38;
	[tilespmem:$0x1E680] =	vst v63  }
0x61: {  	v1 =	vld [tilespmem:$0x1E580]  }
0x62: {  	v2 =	vld [tilespmem:$0x1E600];
	_ =	sdelay $0x2  }
0x63: {  	s8 =	ssub.s32 s12, s2;
	s16 =	simm.s32 $0x1CC80;
	s3 =	simm.s32 $0x0  }
0x64: {  	s6 =	ssub.s32 s30, s6;
	s7 =	ssub.s32 s17, s4;
	s17 =	simm.s32 $0x0;
	[tilespmem:$0x1FFA0] =	vst v1  }
0x65: {  	s5 =	ssub.s32 s9, s10;
	s10 =	simm.s32 $0x0;
	s0 =	simm.s32 $0x8100;
	[tilespmem:$0x1FFB0] =	vst v2  }
.LBB2_2:
0x66: {  	[dreg:$0xe] =	wrdreg s3  }
0x67: {  	s4 =	simm.s32 $0x0;
	s2 =	smov.u32 s0;
	s9 =	simm.s32 $0x0  }
.LBB2_3:
0x68: {  	v1 =	vadd.s32 s8, v3;
	_ =	sdelay $0x1  }
0x69: {  	_ =	swait.ge [sflag:s24], $0x2000  }
0x6a: {  	[sflag:s24] =	ssyncset.done $0x0  }
0x6b: {  	[sflag:s24] =	ssyncadd.s32 $0xFFFFE000  }
0x6c: {  	v1 =	vld.idx.msk [tilespmem:v1+s20+$0x0], $0xffff;
	_ =	sdelay $0x2  }
0x6d: {  	v2 =	vadd.s32 s8, v4;
	_ =	sdelay $0x1  }
0x6e: {  	v1 =	vmul.f32 $1.570796300e+01, v1;
	_ =	sdelay $0x1  }
0x6f: {  	[tilespmem:s2+$0xFFFFFF80] =	vst v1  }
0x70: {  	v1 =	vld.idx.msk [tilespmem:v2+s20+$0x0], $0xffff;
	_ =	sdelay $0x2  }
0x71: {  	v2 =	vadd.s32 s8, v8;
	_ =	sdelay $0x1  }
0x72: {  	v1 =	vmul.f32 $1.570796300e+01, v1;
	_ =	sdelay $0x1  }
0x73: {  	[tilespmem:s2+$0xFFFFFF90] =	vst v1  }
0x74: {  	v1 =	vld.idx.msk [tilespmem:v2+s20+$0x0], $0xffff  }
0x75: {  	v2 =	vadd.s32 s8, v9;
	_ =	sdelay $0x2  }
0x76: {  	s3 =	sadd.s32 s9, s17  }
0x77: {  	p0 =	slt.s32 s3, $0x7B;
	s8 =	smov.u32 s3;
	[tilespmem:s2+$0xFFFFFFA0] =	vst v1  }
0x78: {  	s8 =	simm.s32 @!p0 $0x7B;
	v1 =	vld.idx.msk [tilespmem:v2+s20+$0x0], $0xffff  }
0x79: {  	s8 =	sadd.s32 $0x4, s8  }
0x7a: {  	s11 =	sshra.s32 s8, $0x1F  }
0x7b: {  	s11 =	sshrl.u32 s11, $0x1C  }
0x7c: {  	s11 =	sadd.s32 s11, s8  }
0x7d: {  	s11 =	sand.u32 $0xFFFFFFF0, s11;
	[tilespmem:s2+$0xFFFFFFB0] =	vst v1  }
0x7e: {  	v1 =	vld [tilespmem:s11+$0x0];
	_ =	sdelay $0x1  }
0x7f: {  	s8 =	ssub.s32 s8, s11  }
0x80: {  	v2 =	vmov s8  }
0x81: {  	vm3 =	veq.s32 v2, v0  }
0x82: {  	v1 =	vnsel vm3, $0x0, v1  }
0x83: {  	(xrf0) =	vadd.scan.msk.s32 $0xffff, v1;
	_ =	sdelay $0x5  }
0x84: {  	v1, _, _ =	vpop (xrf0)  }
0x85: {  	(v2sf) =	vpush v1, $0xF;
	_ =	sdelay $0xe  }
0x86: {  	s8 =	spop (v2sf)  }
0x87: {  	s11 =	sand.u32 $0xFFFFFF80, s8  }
0x88: {  	p0 =	slt.s32 s11, $0xF41C0  }
0x89: {  	s11 =	simm.s32 @!p0 $0xF41C0  }
0x8a: {  	s31 =	sand.u32 $0xFFFFF80, s11  }
0x8b: {  	v1 =	vadd.s32 s7, v3;
	s31 =	sadd.s32 s1, s31  }
0x8c: {  	[tilespmem:s20], [sflag:$0x1] =	stream.strided.gather [hbm4b:s31+s18], $0x2000, s19, s18, $0x38;
	[tilespmem:$0x1E680] =	vst v63  }
0x8d: {  	_ =	swait.ge [sflag:s25], $0x2000  }
0x8e: {  	[sflag:s25] =	ssyncset.done $0x0  }
0x8f: {  	[sflag:s25] =	ssyncadd.s32 $0xFFFFE000  }
0x90: {  	v1 =	vld.idx.msk [tilespmem:v1+s21+$0x0], $0xffff;
	_ =	sdelay $0x2  }
0x91: {  	v2 =	vadd.s32 s7, v4;
	_ =	sdelay $0x1  }
0x92: {  	v1 =	vmul.f32 $1.570796300e+01, v1;
	_ =	sdelay $0x1  }
0x93: {  	[tilespmem:s2+$0xFFFFFFC0] =	vst v1  }
0x94: {  	v1 =	vld.idx.msk [tilespmem:v2+s21+$0x0], $0xffff;
	_ =	sdelay $0x2  }
0x95: {  	v2 =	vadd.s32 s7, v8;
	_ =	sdelay $0x1  }
0x96: {  	v1 =	vmul.f32 $1.570796300e+01, v1;
	_ =	sdelay $0x1  }
0x97: {  	[tilespmem:s2+$0xFFFFFFD0] =	vst v1  }
0x98: {  	v1 =	vld.idx.msk [tilespmem:v2+s21+$0x0], $0xffff  }
0x99: {  	v2 =	vadd.s32 s7, v9;
	_ =	sdelay $0x1  }
0x9a: {  	s7 =	sadd.s32 $0x5, s3  }
0x9b: {  	p0 =	slt.s32 s7, $0x7F  }
0x9c: {  	s30 =	sshra.s32 s7, $0x1F;
	s7 =	simm.s32 @!p0 $0x7F;
	[tilespmem:s2+$0xFFFFFFE0] =	vst v1  }
0x9d: {  	s12 =	sshra.s32 s7, $0x1F;
	v1 =	vld.idx.msk [tilespmem:v2+s21+$0x0], $0xffff  }
0x9e: {  	s12 =	sshrl.u32 s12, $0x1C  }
0x9f: {  	s12 =	sadd.s32 s12, s7  }
0xa0: {  	s12 =	sshrl.u32 s12, $0x4  }
0xa1: {  	s12 =	sadd.s32 s30, s12  }
0xa2: {  	s12 =	sshll.u32 s12, $0x4;
	[tilespmem:s2+$0xFFFFFFF0] =	vst v1  }
0xa3: {  	v1 =	vld [tilespmem:s12+$0x0];
	_ =	sdelay $0x1  }
0xa4: {  	s7 =	ssub.s32 s7, s12  }
0xa5: {  	v2 =	vmov s7  }
0xa6: {  	vm3 =	veq.s32 v2, v0  }
0xa7: {  	v1 =	vnsel vm3, $0x0, v1  }
0xa8: {  	(xrf0) =	vadd.scan.msk.s32 $0xffff, v1;
	_ =	sdelay $0x5  }
0xa9: {  	v1, _, _ =	vpop (xrf0)  }
0xaa: {  	(v2sf) =	vpush v1, $0xF;
	_ =	sdelay $0xe  }
0xab: {  	s7 =	spop (v2sf)  }
0xac: {  	s31 =	sand.u32 $0xFFFFFF80, s7  }
0xad: {  	p0 =	slt.s32 s31, $0xF41C0  }
0xae: {  	s31 =	simm.s32 @!p0 $0xF41C0  }
0xaf: {  	s30 =	sand.u32 $0xFFFFF80, s31  }
0xb0: {  	v1 =	vadd.s32 s6, v3;
	s12 =	sadd.s32 s1, s30  }
0xb1: {  	[tilespmem:s21], [sflag:$0x2] =	stream.strided.gather [hbm4b:s12+s18], $0x2000, s19, s18, $0x38;
	[tilespmem:$0x1E680] =	vst v63  }
0xb2: {  	_ =	swait.ge [sflag:s26], $0x2000  }
0xb3: {  	[sflag:s26] =	ssyncset.done $0x0  }
0xb4: {  	[sflag:s26] =	ssyncadd.s32 $0xFFFFE000  }
0xb5: {  	v1 =	vld.idx.msk [tilespmem:v1+s22+$0x0], $0xffff;
	_ =	sdelay $0x2  }
0xb6: {  	v2 =	vadd.s32 s6, v4;
	_ =	sdelay $0x1  }
0xb7: {  	v1 =	vmul.f32 $1.570796300e+01, v1;
	_ =	sdelay $0x1  }
0xb8: {  	[tilespmem:s2+$0x0] =	vst v1  }
0xb9: {  	v1 =	vld.idx.msk [tilespmem:v2+s22+$0x0], $0xffff;
	_ =	sdelay $0x2  }
0xba: {  	v2 =	vadd.s32 s6, v8;
	_ =	sdelay $0x1  }
0xbb: {  	v1 =	vmul.f32 $1.570796300e+01, v1;
	_ =	sdelay $0x1  }
0xbc: {  	[tilespmem:s2+$0x10] =	vst v1  }
0xbd: {  	v1 =	vld.idx.msk [tilespmem:v2+s22+$0x0], $0xffff  }
0xbe: {  	v2 =	vadd.s32 s6, v9;
	_ =	sdelay $0x1  }
0xbf: {  	s6 =	sadd.s32 $0x6, s3  }
0xc0: {  	p0 =	slt.s32 s6, $0x7F  }
0xc1: {  	s12 =	sshra.s32 s6, $0x1F;
	s6 =	simm.s32 @!p0 $0x7F;
	[tilespmem:s2+$0x20] =	vst v1  }
0xc2: {  	s30 =	sshra.s32 s6, $0x1F;
	v1 =	vld.idx.msk [tilespmem:v2+s22+$0x0], $0xffff  }
0xc3: {  	s30 =	sshrl.u32 s30, $0x1C  }
0xc4: {  	s30 =	sadd.s32 s30, s6  }
0xc5: {  	s30 =	sshrl.u32 s30, $0x4  }
0xc6: {  	s12 =	sadd.s32 s12, s30  }
0xc7: {  	s12 =	sshll.u32 s12, $0x4;
	[tilespmem:s2+$0x30] =	vst v1  }
0xc8: {  	v1 =	vld [tilespmem:s12+$0x0];
	_ =	sdelay $0x1  }
0xc9: {  	s6 =	ssub.s32 s6, s12  }
0xca: {  	v2 =	vmov s6  }
0xcb: {  	vm3 =	veq.s32 v2, v0  }
0xcc: {  	v1 =	vnsel vm3, $0x0, v1  }
0xcd: {  	(xrf0) =	vadd.scan.msk.s32 $0xffff, v1;
	_ =	sdelay $0x5  }
0xce: {  	v1, _, _ =	vpop (xrf0)  }
0xcf: {  	(v2sf) =	vpush v1, $0xF;
	_ =	sdelay $0xe  }
0xd0: {  	s6 =	spop (v2sf)  }
0xd1: {  	s12 =	sand.u32 $0xFFFFFF80, s6  }
0xd2: {  	p0 =	slt.s32 s12, $0xF41C0  }
0xd3: {  	s12 =	simm.s32 @!p0 $0xF41C0  }
0xd4: {  	s30 =	sand.u32 $0xFFFFF80, s12  }
0xd5: {  	v1 =	vadd.s32 s5, v3;
	s30 =	sadd.s32 s1, s30  }
0xd6: {  	[tilespmem:s22], [sflag:$0x3] =	stream.strided.gather [hbm4b:s30+s18], $0x2000, s19, s18, $0x38;
	[tilespmem:$0x1E680] =	vst v63  }
0xd7: {  	_ =	swait.ge [sflag:s28], $0x2000  }
0xd8: {  	[sflag:s28] =	ssyncset.done $0x0  }
0xd9: {  	[sflag:s28] =	ssyncadd.s32 $0xFFFFE000  }
0xda: {  	v1 =	vld.idx.msk [tilespmem:v1+s23+$0x0], $0xffff;
	_ =	sdelay $0x2  }
0xdb: {  	v2 =	vadd.s32 s5, v4;
	_ =	sdelay $0x1  }
0xdc: {  	v1 =	vmul.f32 $1.570796300e+01, v1;
	_ =	sdelay $0x1  }
0xdd: {  	[tilespmem:s2+$0x40] =	vst v1  }
0xde: {  	v1 =	vld.idx.msk [tilespmem:v2+s23+$0x0], $0xffff;
	_ =	sdelay $0x2  }
0xdf: {  	v2 =	vadd.s32 s5, v8;
	_ =	sdelay $0x1  }
0xe0: {  	v1 =	vmul.f32 $1.570796300e+01, v1;
	_ =	sdelay $0x1  }
0xe1: {  	[tilespmem:s2+$0x50] =	vst v1  }
0xe2: {  	v1 =	vld.idx.msk [tilespmem:v2+s23+$0x0], $0xffff  }
0xe3: {  	v2 =	vadd.s32 s5, v9;
	_ =	sdelay $0x1  }
0xe4: {  	s3 =	sadd.s32 $0x7, s3  }
0xe5: {  	p0 =	slt.s32 s3, $0x7F  }
0xe6: {  	s5 =	sshra.s32 s3, $0x1F;
	s3 =	simm.s32 @!p0 $0x7F;
	[tilespmem:s2+$0x60] =	vst v1  }
0xe7: {  	s30 =	sshra.s32 s3, $0x1F;
	v1 =	vld.idx.msk [tilespmem:v2+s23+$0x0], $0xffff  }
0xe8: {  	s30 =	sshrl.u32 s30, $0x1C  }
0xe9: {  	s30 =	sadd.s32 s30, s3  }
0xea: {  	s30 =	sshrl.u32 s30, $0x4  }
0xeb: {  	s5 =	sadd.s32 s5, s30  }
0xec: {  	s5 =	sshll.u32 s5, $0x4;
	[tilespmem:s2+$0x70] =	vst v1  }
0xed: {  	v1 =	vld [tilespmem:s5+$0x0];
	_ =	sdelay $0x1  }
0xee: {  	s3 =	ssub.s32 s3, s5  }
0xef: {  	v2 =	vmov s3  }
0xf0: {  	vm3 =	veq.s32 v2, v0  }
0xf1: {  	v1 =	vnsel vm3, $0x0, v1  }
0xf2: {  	(xrf0) =	vadd.scan.msk.s32 $0xffff, v1;
	_ =	sdelay $0x5  }
0xf3: {  	v1, _, _ =	vpop (xrf0)  }
0xf4: {  	(v2sf) =	vpush v1, $0xF;
	_ =	sdelay $0xe  }
0xf5: {  	s3 =	spop (v2sf)  }
0xf6: {  	s5 =	sand.u32 $0xFFFFFF80, s3  }
0xf7: {  	p0 =	slt.s32 s5, $0xF41C0  }
0xf8: {  	s5 =	simm.s32 @!p0 $0xF41C0;
	p0 =	sne.s32 s9, $0x4  }
.Ltmp0:
0xf9: {  	_ = 	snop;
	(pc) =	sbr.rel @p0 .LBB2_3-.Ltmp0, $4  }
0xfa: {  	s8 =	ssub.s32 s8, s11;
	s7 =	ssub.s32 s7, s31  }
0xfb: {  	s6 =	ssub.s32 s6, s12;
	s2 =	sadd.s32 $0x100, s2;
	s30 =	sand.u32 $0xFFFFF80, s5  }
0xfc: {  	s9 =	sadd.s32 $0x4, s9;
	s5 =	ssub.s32 s3, s5;
	s30 =	sadd.s32 s1, s30  }
0xfd: {  	[tilespmem:s23], [sflag:$0x4] =	stream.strided.gather [hbm4b:s30+s18], $0x2000, s19, s18, $0x38;
	[tilespmem:$0x1E680] =	vst v63  }
0xfe: {  	v23 =	vmov s10  }
0xff: {  	v1 =	vor.u32 $0xF, v23;
	_ =	sdelay $0x4  }
0x100: {  	v2 =	vld.idx.msk [tilespmem:v1+s14+$0x0], $0xffff  }
0x101: {  	v3 =	vor.u32 $0xE, v23;
	_ =	sdelay $0x1  }
0x102: {  	v19 =	vor.u32 $0xD, v23  }
0x103: {  	v25 =	vor.u32 $0x9, v23;
	v1 =	vld.idx.msk [tilespmem:v1+s13+$0x0], $0xffff  }
0x104: {  	v4 =	vor.u32 v0, v2  }
0x105: {  	v10 =	vld.idx.msk [tilespmem:v3+s14+$0x0], $0xffff;
	v8 =	vor.u32 v5, v2  }
0x106: {  	v3 =	vld.idx.msk [tilespmem:v3+s13+$0x0], $0xffff;
	v9 =	vor.u32 v6, v2  }
0x107: {  	v22 =	vld.idx.msk [tilespmem:v19+s14+$0x0], $0xffff;
	v2 =	vor.u32 v7, v2  }
0x108: {  	v44 =	vld.idx.msk [tilespmem:v25+s14+$0x0], $0xffff;
	v11 =	vor.u32 v0, v1  }
0x109: {  	v12 =	vor.u32 v5, v1;
	v4 =	vld.idx.msk [tilespmem:v4+s29+$0x0], $0xffff  }
0x10a: {  	v13 =	vor.u32 v6, v1;
	v8 =	vld.idx.msk [tilespmem:v8+s29+$0x0], $0xffff  }
0x10b: {  	v1 =	vor.u32 v7, v1;
	v9 =	vld.idx.msk [tilespmem:v9+s29+$0x0], $0xffff  }
0x10c: {  	v14 =	vor.u32 v0, v10;
	v2 =	vld.idx.msk [tilespmem:v2+s29+$0x0], $0xffff  }
0x10d: {  	v15 =	vor.u32 v5, v10;
	v11 =	vld.idx.msk [tilespmem:v11+s15+$0x0], $0xffff  }
0x10e: {  	v16 =	vor.u32 v6, v10;
	v12 =	vld.idx.msk [tilespmem:v12+s15+$0x0], $0xffff  }
0x10f: {  	v10 =	vor.u32 v7, v10;
	v13 =	vld.idx.msk [tilespmem:v13+s15+$0x0], $0xffff  }
0x110: {  	v17 =	vor.u32 v0, v3;
	v18 =	vld.idx.msk [tilespmem:v1+s15+$0x0], $0xffff  }
0x111: {  	v20 =	vor.u32 v5, v3;
	v14 =	vld.idx.msk [tilespmem:v14+s29+$0x0], $0xffff  }
0x112: {  	v21 =	vor.u32 v6, v3;
	v15 =	vld.idx.msk [tilespmem:v15+s29+$0x0], $0xffff  }
0x113: {  	v3 =	vor.u32 v7, v3;
	v16 =	vld.idx.msk [tilespmem:v16+s29+$0x0], $0xffff  }
0x114: {  	v10 =	vld.idx.msk [tilespmem:v10+s29+$0x0], $0xffff  }
0x115: {  	v17 =	vld.idx.msk [tilespmem:v17+s15+$0x0], $0xffff  }
0x116: {  	v20 =	vld.idx.msk [tilespmem:v20+s15+$0x0], $0xffff  }
0x117: {  	v26 =	vor.u32 $0xB, v23;
	v27 =	vor.u32 $0xC, v23;
	v33 =	vor.u32 $0x7, v23;
	v21 =	vld.idx.msk [tilespmem:v21+s15+$0x0], $0xffff  }
0x118: {  	v24 =	vor.u32 $0x8, v23;
	v42 =	vor.u32 $0x4, v23;
	v53 =	vor.u32 v5, v44;
	v3 =	vld.idx.msk [tilespmem:v3+s15+$0x0], $0xffff  }
0x119: {  	v4 =	vsub.f32 v4, v11;
	v8 =	vsub.f32 v8, v12;
	v11 =	vor.u32 $0x2, v23  }
0x11a: {  	v9 =	vsub.f32 v9, v13;
	v2 =	vsub.f32 v2, v18;
	v12 =	vor.u32 v0, v22  }
0x11b: {  	v13 =	vor.u32 v5, v22;
	v18 =	vor.u32 v6, v22;
	v14 =	vsub.f32 v14, v17  }
0x11c: {  	v35 =	vor.u32 $0x6, v23;
	v15 =	vsub.f32 v15, v20;
	v17 =	vor.u32 v7, v22;
	[tilespmem:$0x1FF90] =	vst v11;
	v11 =	vld.idx.msk [tilespmem:v19+s13+$0x0], $0xffff  }
0x11d: {  	v16 =	vsub.f32 v16, v21;
	v3 =	vsub.f32 v10, v3;
	v4 =	vand.u32 $0x7FFFFFFF, v4  }
0x11e: {  	v8 =	vand.u32 $0x7FFFFFFF, v8;
	v10 =	vand.u32 $0x7FFFFFFF, v14;
	v14 =	vand.u32 $0x7FFFFFFF, v15  }
0x11f: {  	v19 =	vld.idx.msk [tilespmem:v27+s14+$0x0], $0xffff;
	v9 =	vmul.f32 v9, v9;
	v2 =	vmul.f32 v2, v2;
	v28 =	vsub.f32 $3.141592740e+00, v14  }
0x120: {  	v3 =	vmul.f32 v3, v3;
	v15 =	vsub.f32 $3.141592740e+00, v4;
	v22 =	vsub.f32 $3.141592740e+00, v10;
	v21 =	vld.idx.msk [tilespmem:v12+s29+$0x0], $0xffff  }
0x121: {  	v12 =	vmul.f32 v16, v16;
	v14 =	vmin.f32 v14, v28;
	v28 =	vld.idx.msk [tilespmem:v27+s13+$0x0], $0xffff;
	v20 =	vor.u32 v0, v11  }
0x122: {  	v38 =	vld.idx.msk [tilespmem:v26+s14+$0x0], $0xffff;
	v2 =	vadd.f32 v2, v9;
	v22 =	vmin.f32 v10, v22;
	v16 =	vor.u32 v5, v11  }
0x123: {  	v13 =	vld.idx.msk [tilespmem:v13+s29+$0x0], $0xffff;
	v29 =	vor.u32 v6, v11;
	v30 =	vor.u32 v7, v11;
	v3 =	vadd.f32 v3, v12  }
0x124: {  	v18 =	vld.idx.msk [tilespmem:v18+s29+$0x0], $0xffff;
	v27 =	vmul.f32 v22, v22;
	v31 =	vmul.f32 v14, v14;
	v11 =	vmin.f32 v4, v15  }
0x125: {  	v17 =	vld.idx.msk [tilespmem:v17+s29+$0x0], $0xffff;
	v4 =	vor.u32 v5, v19;
	v12 =	vsub.f32 $3.141592740e+00, v8;
	(xrf2) =	vadd.scan.msk.f32 $0xffff, v3;
	v3 =	vor.u32 v0, v19  }
0x126: {  	[tilespmem:$0x1FEA0] =	vst v2;
	v39 =	vmul.f32 v11, v11;
	v15 =	vmul.f32 $7.893740200e-03, v31;
	v2 =	vor.u32 v0, v28;
	v20 =	vld.idx.msk [tilespmem:v20+s15+$0x0], $0xffff  }
0x127: {  	v10 =	vmin.f32 v8, v12;
	v12 =	vmul.f32 $7.893740200e-03, v27;
	v8 =	vld.idx.msk [tilespmem:v16+s15+$0x0], $0xffff;
	v16 =	vor.u32 v6, v19  }
0x128: {  	v31 =	vmul.f32 v31, v14;
	v15 =	vadd.f32 $-1.665812430e-01, v15;
	v29 =	vld.idx.msk [tilespmem:v29+s15+$0x0], $0xffff;
	v19 =	vor.u32 v7, v19  }
0x129: {  	v1 =	vor.u32 $0xA, v23;
	v34 =	vmul.f32 v27, v22;
	v30 =	vld.idx.msk [tilespmem:v30+s15+$0x0], $0xffff;
	v36 =	vadd.f32 $-1.665812430e-01, v12  }
0x12a: {  	v27 =	vmul.f32 v39, v11;
	v55 =	vor.u32 v6, v28;
	v15 =	vmul.f32 v15, v31;
	v3 =	vld.idx.msk [tilespmem:v3+s29+$0x0], $0xffff  }
0x12b: {  	v54 =	vor.u32 v5, v28;
	v12 =	vmul.f32 v10, v10;
	v9 =	vmul.f32 v36, v34;
	v2 =	vld.idx.msk [tilespmem:v2+s15+$0x0], $0xffff  }
0x12c: {  	v31 =	vmul.f32 $7.893740200e-03, v39;
	v14 =	vadd.f32 v15, v14;
	v15 =	vor.u32 v7, v28;
	v56 =	vld.idx.msk [tilespmem:v16+s29+$0x0], $0xffff  }
0x12d: {  	v9 =	vadd.f32 v9, v22;
	v22 =	vor.u32 v6, v38;
	v28 =	vld.idx.msk [tilespmem:v19+s29+$0x0], $0xffff;
	v16 =	vsub.f32 v21, v20  }
0x12e: {  	v19 =	vadd.f32 $-1.665812430e-01, v31;
	v21 =	vld.idx.msk [tilespmem:v26+s13+$0x0], $0xffff;
	v8 =	vsub.f32 v13, v8;
	v13 =	vor.u32 v0, v38  }
0x12f: {  	v26 =	vld.idx.msk [tilespmem:v55+s15+$0x0], $0xffff;
	v18 =	vsub.f32 v18, v29;
	v31 =	vadd.f32 v14, v9;
	v14 =	vand.u32 $0x7FFFFFFF, v16  }
0x130: {  	v4 =	vld.idx.msk [tilespmem:v4+s29+$0x0], $0xffff;
	v9 =	vmul.f32 v12, v10;
	v8 =	vand.u32 $0x7FFFFFFF, v8;
	v16 =	vsub.f32 $3.141592740e+00, v14  }
0x131: {  	v29 =	vor.u32 v7, v38;
	[tilespmem:$0x1FEC0] =	vst v19;
	v19 =	vld.idx.msk [tilespmem:v54+s15+$0x0], $0xffff;
	v18 =	vmul.f32 v18, v18;
	v57 =	vsub.f32 $3.141592740e+00, v8  }
0x132: {  	[tilespmem:$0x1FEF0] =	vst v9;
	v2 =	vsub.f32 v3, v2;
	v16 =	vmin.f32 v14, v16;
	v14 =	vsub.f32 v17, v30  }
0x133: {  	v15 =	vld.idx.msk [tilespmem:v15+s15+$0x0], $0xffff;
	v17 =	vmin.f32 v8, v57;
	v58 =	vor.u32 v0, v21;
	v60 =	vor.u32 v5, v21  }
0x134: {  	v9, _, _ =	vpop (xrf2);
	v30 =	vld.idx.msk [tilespmem:v1+s14+$0x0], $0xffff;
	v41 =	vor.u32 v7, v21;
	v26 =	vsub.f32 v56, v26;
	v8 =	vmul.f32 v16, v16  }
0x135: {  	[tilespmem:$0x1FED0] =	vst v10;
	v1 =	vld.idx.msk [tilespmem:v1+s13+$0x0], $0xffff;
	v9 =	vbroadcast v9, $0xF;
	v59 =	vmul.f32 v17, v17;
	v2 =	vand.u32 $0x7FFFFFFF, v2  }
0x136: {  	v40 =	vld.idx.msk [tilespmem:v22+s29+$0x0], $0xffff;
	v14 =	vmul.f32 v14, v14;
	v4 =	vsub.f32 v4, v19;
	v3 =	vmul.f32 v8, v16  }
0x137: {  	v13 =	vld.idx.msk [tilespmem:v13+s29+$0x0], $0xffff;
	v26 =	vmul.f32 v26, v26;
	[tilespmem:$0x1FF00] =	vst v9;
	v9 =	vor.u32 v5, v38;
	v8 =	vmul.f32 $7.893740200e-03, v8  }
0x138: {  	v29 =	vld.idx.msk [tilespmem:v29+s29+$0x0], $0xffff;
	v10 =	vmul.f32 v59, v17;
	v4 =	vand.u32 $0x7FFFFFFF, v4;
	v14 =	vadd.f32 v14, v18;
	[tilespmem:$0x1FF10] =	vst v3  }
0x139: {  	v57 =	vld.idx.msk [tilespmem:v24+s14+$0x0], $0xffff;
	v3 =	vor.u32 v6, v21;
	[tilespmem:$0x1FF30] =	vst v8;
	v8 =	vsub.f32 $3.141592740e+00, v2;
	v61 =	vor.u32 v0, v30  }
0x13a: {  	v24 =	vld.idx.msk [tilespmem:v24+s13+$0x0], $0xffff;
	[tilespmem:$0x1FF20] =	vst v10;
	v43 =	vsub.f32 $3.141592740e+00, v4;
	v62 =	vor.u32 v5, v30;
	v18 =	vor.u32 v0, v1  }
0x13b: {  	v34 =	vld.idx.msk [tilespmem:v58+s15+$0x0], $0xffff;
	v49 =	vor.u32 v5, v1;
	v48 =	vor.u32 v6, v1;
	v1 =	vor.u32 v7, v1  }
0x13c: {  	v41 =	vld.idx.msk [tilespmem:v41+s15+$0x0], $0xffff;
	v58 =	vor.u32 v7, v44;
	v2 =	vmin.f32 v2, v8;
	v8 =	vsub.f32 v28, v15  }
0x13d: {  	v10 =	vmul.f32 $7.893740200e-03, v59;
	(xrf2) =	vadd.scan.msk.f32 $0xffff, v14;
	v14 =	vld.idx.msk [tilespmem:v25+s13+$0x0], $0xffff;
	v4 =	vmin.f32 v4, v43;
	v28 =	vmul.f32 v2, v2  }
0x13e: {  	v38 =	vld.idx.msk [tilespmem:v60+s15+$0x0], $0xffff;
	v15 =	vor.u32 v6, v30;
	v43 =	vmul.f32 v4, v4;
	v8 =	vmul.f32 v8, v8  }
0x13f: {  	v30 =	vor.u32 v7, v30;
	v9 =	vld.idx.msk [tilespmem:v9+s29+$0x0], $0xffff;
	v45 =	vmul.f32 $7.893740200e-03, v28;
	v28 =	vmul.f32 v28, v2  }
0x140: {  	v3 =	vld.idx.msk [tilespmem:v3+s15+$0x0], $0xffff;
	v47 =	vmul.f32 $7.893740200e-03, v43;
	v43 =	vmul.f32 v43, v4;
	v13 =	vsub.f32 v13, v34  }
0x141: {  	v29 =	vsub.f32 v29, v41;
	v41 =	vld.idx.msk [tilespmem:v58+s29+$0x0], $0xffff;
	v58 =	vor.u32 v7, v24;
	v8 =	vadd.f32 v8, v26  }
0x142: {  	v36 =	vld.idx.msk [tilespmem:v61+s29+$0x0], $0xffff;
	v26 =	vor.u32 v0, v44;
	v60 =	vor.u32 v0, v14;
	v63 =	vadd.f32 $-1.665812430e-01, v45  }
0x143: {  	v55 =	vld.idx.msk [tilespmem:v48+s15+$0x0], $0xffff;
	v51 =	vadd.f32 $-1.665812430e-01, v47;
	v13 =	vand.u32 $0x7FFFFFFF, v13;
	v29 =	vmul.f32 v29, v29  }
0x144: {  	v1 =	vld.idx.msk [tilespmem:v1+s15+$0x0], $0xffff;
	v9 =	vsub.f32 v9, v38;
	v52 =	vsub.f32 $3.141592740e+00, v13;
	(xrf2) =	vadd.scan.msk.f32 $0xffff, v8;
	v8 =	vor.u32 v6, v44  }
0x145: {  	v15 =	vld.idx.msk [tilespmem:v15+s29+$0x0], $0xffff;
	v28 =	vmul.f32 v63, v28;
	v25 =	vmul.f32 v51, v43;
	v63 =	vor.u32 v6, v14  }
0x146: {  	v30 =	vld.idx.msk [tilespmem:v30+s29+$0x0], $0xffff;
	v51 =	vor.u32 v0, v57;
	v9 =	vand.u32 $0x7FFFFFFF, v9;
	v3 =	vsub.f32 v40, v3  }
0x147: {  	v50 =	vld.idx.msk [tilespmem:v62+s29+$0x0], $0xffff;
	v13 =	vmin.f32 v13, v52;
	v40 =	vor.u32 v7, v57;
	v54 =	vsub.f32 $3.141592740e+00, v9  }
0x148: {  	v18 =	vld.idx.msk [tilespmem:v18+s15+$0x0], $0xffff;
	v56 =	vmul.f32 v13, v13;
	v2 =	vadd.f32 v28, v2;
	v28 =	vor.u32 v5, v14  }
0x149: {  	v43 =	vld.idx.msk [tilespmem:v49+s15+$0x0], $0xffff;
	v4 =	vadd.f32 v25, v4;
	v25 =	vor.u32 v5, v57;
	v3 =	vmul.f32 v3, v3  }
0x14a: {  	v62 =	vld.idx.msk [tilespmem:v26+s29+$0x0], $0xffff;
	v15 =	vsub.f32 v15, v55;
	v9 =	vmin.f32 v9, v54;
	v61 =	vmul.f32 $7.893740200e-03, v56  }
0x14b: {  	v1 =	vsub.f32 v30, v1;
	v39 =	vmul.f32 v56, v13;
	v8 =	vld.idx.msk [tilespmem:v8+s29+$0x0], $0xffff;
	v59 =	vmul.f32 v9, v9  }
0x14c: {  	v3 =	vadd.f32 v29, v3;
	v29 =	vld.idx.msk [tilespmem:v53+s29+$0x0], $0xffff;
	v53 =	vor.u32 v6, v57;
	v47 =	vadd.f32 $-1.665812430e-01, v61  }
0x14d: {  	v38 =	vld.idx.msk [tilespmem:v63+s15+$0x0], $0xffff;
	v57 =	vor.u32 v6, v24;
	v15 =	vmul.f32 v15, v15;
	v1 =	vmul.f32 v1, v1  }
0x14e: {  	v18 =	vsub.f32 v36, v18;
	v14 =	vor.u32 v7, v14;
	v63 =	vld.idx.msk [tilespmem:v33+s13+$0x0], $0xffff;
	v39 =	vmul.f32 v47, v39  }
0x14f: {  	v54 =	vsub.f32 v50, v43;
	v61 =	vld.idx.msk [tilespmem:v58+s15+$0x0], $0xffff;
	v26 =	vmul.f32 $7.893740200e-03, v59;
	v1 =	vadd.f32 v1, v15  }
0x150: {  	v18 =	vand.u32 $0x7FFFFFFF, v18;
	(xrf2) =	vadd.scan.msk.f32 $0xffff, v3;
	v13 =	vadd.f32 v39, v13;
	v39 =	vadd.f32 v4, v2;
	v2 =	vld.idx.msk [tilespmem:v28+s15+$0x0], $0xffff  }
0x151: {  	v30 =	vor.u32 v5, v24;
	v44 =	vmul.f32 v59, v9;
	v26 =	vadd.f32 $-1.665812430e-01, v26;
	v3, _, _ =	vpop (xrf2);
	v45 =	vld.idx.msk [tilespmem:v53+s29+$0x0], $0xffff  }
0x152: {  	v56 =	vsub.f32 $3.141592740e+00, v18;
	v55 =	vand.u32 $0x7FFFFFFF, v54;
	(xrf2) =	vadd.scan.msk.f32 $0xffff, v1;
	v3 =	vbroadcast v3, $0xF;
	v15 =	vld.idx.msk [tilespmem:v57+s15+$0x0], $0xffff  }
0x153: {  	v4, _, _ =	vpop (xrf2);
	v8 =	vsub.f32 v8, v38;
	v57 =	vld.idx.msk [tilespmem:v35+s14+$0x0], $0xffff;
	v58 =	vor.u32 v0, v63;
	v44 =	vmul.f32 v26, v44  }
0x154: {  	v52 =	vor.u32 v6, v63;
	v1 =	vor.u32 v7, v63;
	v4 =	vbroadcast v4, $0xF;
	[tilespmem:$0x1FF50] =	vst v3;
	v3 =	vld.idx.msk [tilespmem:v60+s15+$0x0], $0xffff  }
0x155: {  	v8 =	vmul.f32 v8, v8;
	v9 =	vadd.f32 v44, v9;
	v44 =	vld.idx.msk [tilespmem:v25+s29+$0x0], $0xffff;
	v25 =	vsub.f32 $3.141592740e+00, v55  }
0x156: {  	v37 =	vor.u32 $0x5, v23;
	[tilespmem:$0x1FF60] =	vst v4;
	v4 =	vld.idx.msk [tilespmem:v14+s15+$0x0], $0xffff;
	v14 =	vor.u32 v0, v24;
	v24 =	vmin.f32 v18, v56  }
0x157: {  	[tilespmem:$0x1FF40] =	vst v10;
	v59 =	vmul.f32 v24, v24;
	v25 =	vmin.f32 v55, v25;
	v36 =	vadd.f32 v9, v13  }
0x158: {  	v18 =	vld.idx.msk [tilespmem:v40+s29+$0x0], $0xffff;
	v2 =	vsub.f32 v29, v2;
	v15 =	vsub.f32 v45, v15;
	v47 =	vor.u32 v5, v57  }
0x159: {  	v13 =	vld.idx.msk [tilespmem:v33+s14+$0x0], $0xffff;
	v50 =	vor.u32 v7, v57;
	v60 =	vmul.f32 v25, v25;
	v10 =	vmul.f32 v59, v24  }
0x15a: {  	v38 =	vmul.f32 $7.893740200e-03, v59;
	v59 =	vor.u32 v5, v63;
	v9, _, _ =	vpop (xrf2);
	v3 =	vsub.f32 v62, v3  }
0x15b: {  	v43 =	vld.idx.msk [tilespmem:v51+s29+$0x0], $0xffff;
	v2 =	vand.u32 $0x7FFFFFFF, v2;
	v15 =	vmul.f32 v15, v15;
	v34 =	vbroadcast v9, $0xF  }
0x15c: {  	v9 =	vld.idx.msk [tilespmem:v14+s15+$0x0], $0xffff;
	[tilespmem:$0x1FF70] =	vst v10;
	v4 =	vsub.f32 v41, v4;
	v10 =	vmul.f32 v60, v25;
	v55 =	vsub.f32 $3.141592740e+00, v2  }
0x15d: {  	v14 =	vld.idx.msk [tilespmem:v30+s15+$0x0], $0xffff;
	v18 =	vsub.f32 v18, v61;
	v61 =	vor.u32 v0, v57;
	v3 =	vand.u32 $0x7FFFFFFF, v3  }
0x15e: {  	v62 =	vsub.f32 $3.141592740e+00, v3;
	v4 =	vmul.f32 v4, v4;
	v54 =	vor.u32 v0, v13  }
0x15f: {  	v56 =	vor.u32 v5, v13;
	v2 =	vmin.f32 v2, v55;
	v18 =	vmul.f32 v18, v18  }
0x160: {  	v1 =	vld.idx.msk [tilespmem:v1+s15+$0x0], $0xffff;
	v3 =	vmin.f32 v3, v62;
	v4 =	vadd.f32 v4, v8;
	v8 =	vor.u32 v6, v13  }
0x161: {  	v55 =	vld.idx.msk [tilespmem:v59+s15+$0x0], $0xffff;
	v13 =	vor.u32 v7, v13;
	v15 =	vadd.f32 v18, v15;
	v9 =	vsub.f32 v43, v9  }
0x162: {  	v33 =	vmul.f32 $7.893740200e-03, v60;
	v41 =	vmul.f32 v3, v3;
	v14 =	vsub.f32 v44, v14;
	(xrf2) =	vadd.scan.msk.f32 $0xffff, v4;
	v4 =	vld.idx.msk [tilespmem:v35+s13+$0x0], $0xffff  }
0x163: {  	v43 =	vmul.f32 v2, v2;
	v35 =	vadd.f32 $-1.665812430e-01, v38;
	v38 =	vld.idx.msk [tilespmem:v52+s15+$0x0], $0xffff;
	v9 =	vand.u32 $0x7FFFFFFF, v9  }
0x164: {  	v49 =	vld.idx.msk [tilespmem:v54+s29+$0x0], $0xffff;
	v14 =	vand.u32 $0x7FFFFFFF, v14;
	v18 =	vmul.f32 $7.893740200e-03, v41;
	v53 =	vsub.f32 $3.141592740e+00, v9  }
0x165: {  	v51 =	vld.idx.msk [tilespmem:v56+s29+$0x0], $0xffff;
	v54 =	vmul.f32 v43, v2;
	v43 =	vmul.f32 $7.893740200e-03, v43;
	v60 =	vsub.f32 $3.141592740e+00, v14  }
0x166: {  	v52 =	vld.idx.msk [tilespmem:v37+s13+$0x0], $0xffff;
	v44 =	vmul.f32 v41, v3;
	v18 =	vadd.f32 $-1.665812430e-01, v18;
	v9 =	vmin.f32 v9, v53  }
0x167: {  	(xrf2) =	vadd.scan.msk.f32 $0xffff, v15;
	v13 =	vld.idx.msk [tilespmem:v13+s29+$0x0], $0xffff;
	v43 =	vadd.f32 $-1.665812430e-01, v43;
	v14 =	vmin.f32 v14, v60;
	v62 =	vmul.f32 v9, v9  }
0x168: {  	v15 =	vor.u32 v6, v57;
	v8 =	vld.idx.msk [tilespmem:v8+s29+$0x0], $0xffff;
	v63 =	vmul.f32 v14, v14;
	v18 =	vmul.f32 v18, v44  }
0x169: {  	v53 =	vld.idx.msk [tilespmem:v58+s15+$0x0], $0xffff;
	v58 =	vor.u32 v0, v4;
	v43 =	vmul.f32 v43, v54;
	v60 =	vmul.f32 $7.893740200e-03, v62  }
0x16a: {  	v57 =	vld.idx.msk [tilespmem:v37+s14+$0x0], $0xffff;
	v51 =	vsub.f32 v51, v55;
	v56 =	vmul.f32 $7.893740200e-03, v63;
	v45 =	vmul.f32 v62, v9  }
0x16b: {  	v47 =	vld.idx.msk [tilespmem:v47+s29+$0x0], $0xffff;
	v40 =	vmul.f32 v63, v14;
	v63 =	vor.u32 v5, v4;
	v3 =	vadd.f32 v18, v3  }
0x16c: {  	v59 =	vld.idx.msk [tilespmem:v61+s29+$0x0], $0xffff;
	v1 =	vsub.f32 v13, v1;
	v13 =	vor.u32 v0, v52;
	v61 =	vadd.f32 $-1.665812430e-01, v60  }
0x16d: {  	v50 =	vld.idx.msk [tilespmem:v50+s29+$0x0], $0xffff;
	v62 =	vadd.f32 $-1.665812430e-01, v56;
	v60 =	vor.u32 v6, v4;
	v4 =	vor.u32 v7, v4  }
0x16e: {  	v46 =	vor.u32 $0x3, v23;
	v15 =	vld.idx.msk [tilespmem:v15+s29+$0x0], $0xffff;
	v2 =	vadd.f32 v43, v2;
	v8 =	vsub.f32 v8, v38  }
0x16f: {  	v58 =	vld.idx.msk [tilespmem:v58+s15+$0x0], $0xffff;
	v41 =	vmul.f32 v61, v45;
	v40 =	vmul.f32 v62, v40;
	v62 =	vor.u32 v0, v57  }
0x170: {  	v8 =	vmul.f32 v8, v8;
	v1 =	vmul.f32 v1, v1;
	v45 =	vadd.f32 v2, v3;
	v3 =	vld.idx.msk [tilespmem:v63+s15+$0x0], $0xffff;
	v61, _, _ =	vpop (xrf2)  }
0x171: {  	v2 =	vor.u32 v5, v57;
	v9 =	vadd.f32 v41, v9;
	v14 =	vadd.f32 v40, v14;
	v13 =	vld.idx.msk [tilespmem:v13+s15+$0x0], $0xffff;
	v18, _, _ =	vpop (xrf2)  }
0x172: {  	v63 =	vand.u32 $0x7FFFFFFF, v51;
	v4 =	vld.idx.msk [tilespmem:v4+s15+$0x0], $0xffff;
	v41 =	vbroadcast v18, $0xF;
	v18 =	vsub.f32 v49, v53  }
0x173: {  	v40 =	vbroadcast v61, $0xF;
	v61 =	vsub.f32 $3.141592740e+00, v63;
	v44 =	vadd.f32 v14, v9;
	v49 =	vld.idx.msk [tilespmem:v60+s15+$0x0], $0xffff  }
0x174: {  	v14 =	vor.u32 v6, v57;
	v54 =	vld.idx.msk [tilespmem:v62+s29+$0x0], $0xffff;
	v62 =	vor.u32 v5, v52;
	v18 =	vand.u32 $0x7FFFFFFF, v18  }
0x175: {  	v53 =	vld.idx.msk [tilespmem:v42+s14+$0x0], $0xffff;
	v38 =	vmin.f32 v63, v61;
	v63 =	vsub.f32 v59, v58;
	v9, _, _ =	vpop (xrf2);
	v60 =	vsub.f32 $3.141592740e+00, v18  }
0x176: {  	v48 =	vld.idx.msk [tilespmem:v2+s29+$0x0], $0xffff;
	v2 =	vadd.f32 v1, v8;
	v43 =	vbroadcast v9, $0xF;
	v9 =	vor.u32 v7, v57  }
0x177: {  	v8 =	vld.idx.msk [tilespmem:v42+s13+$0x0], $0xffff;
	v37 =	vmin.f32 v18, v60;
	v18 =	vor.u32 v6, v52;
	v52 =	vor.u32 v7, v52  }
0x178: {  	v3 =	vsub.f32 v47, v3;
	v47 =	vand.u32 $0x7FFFFFFF, v63;
	v63 =	vld.idx.msk [tilespmem:v46+s13+$0x0], $0xffff  }
0x179: {  	v32 =	vor.u32 $0x1, v23;
	v57 =	vmul.f32 v38, v38;
	v58 =	vsub.f32 $3.141592740e+00, v47;
	v14 =	vld.idx.msk [tilespmem:v14+s29+$0x0], $0xffff  }
0x17a: {  	[tilespmem:$0x1FF80] =	vst v10;
	v3 =	vand.u32 $0x7FFFFFFF, v3;
	v4 =	vsub.f32 v50, v4;
	v51 =	vor.u32 v0, v53;
	v56 =	vld.idx.msk [tilespmem:v62+s15+$0x0], $0xffff  }
0x17b: {  	v59 =	vor.u32 v5, v53;
	v60 =	vor.u32 v6, v53;
	v15 =	vsub.f32 v15, v49;
	v10 =	vld.idx.msk [tilespmem:v9+s29+$0x0], $0xffff  }
0x17c: {  	v50 =	vsub.f32 $3.141592740e+00, v3;
	v53 =	vor.u32 v7, v53;
	v55 =	vmul.f32 v37, v37;
	v49 =	vld.idx.msk [tilespmem:v52+s15+$0x0], $0xffff  }
0x17d: {  	v47 =	vmin.f32 v47, v58;
	v58 =	vld.idx.msk [tilespmem:v46+s14+$0x0], $0xffff;
	v4 =	vmul.f32 v4, v4;
	v61 =	vor.u32 v0, v8  }
0x17e: {  	v13 =	vsub.f32 v54, v13;
	v15 =	vmul.f32 v15, v15;
	v42 =	vmul.f32 v55, v37;
	v18 =	vld.idx.msk [tilespmem:v18+s15+$0x0], $0xffff  }
0x17f: {  	v62 =	vor.u32 v5, v8;
	v20 =	vmul.f32 $7.893740200e-03, v55;
	v55 =	vmul.f32 v47, v47;
	v19 =	vld.idx.msk [tilespmem:v51+s29+$0x0], $0xffff  }
0x180: {  	[tilespmem:$0x1FEE0] =	vst v12;
	v3 =	vmin.f32 v3, v50;
	v13 =	vand.u32 $0x7FFFFFFF, v13;
	v9 =	vadd.f32 v4, v15;
	v12 =	vld.idx.msk [tilespmem:v59+s29+$0x0], $0xffff  }
0x181: {  	v15 =	vor.u32 v6, v8;
	v50 =	vmul.f32 $7.893740200e-03, v55;
	v49 =	vsub.f32 v10, v49;
	v10 =	vld [tilespmem:$0x1FF90]  }
0x182: {  	v8 =	vor.u32 v7, v8;
	v59 =	vmul.f32 v3, v3;
	v60 =	vld.idx.msk [tilespmem:v60+s29+$0x0], $0xffff;
	v55 =	vmul.f32 v55, v47  }
0x183: {  	v4 =	vor.u32 v0, v58;
	v22 =	vld.idx.msk [tilespmem:v61+s15+$0x0], $0xffff;
	v48 =	vsub.f32 v48, v56;
	v52 =	vadd.f32 $-1.665812430e-01, v50  }
0x184: {  	v56 =	vor.u32 v5, v58;
	v21 =	vld.idx.msk [tilespmem:v62+s15+$0x0], $0xffff;
	v61 =	vsub.f32 $3.141592740e+00, v13;
	v46 =	vmul.f32 $7.893740200e-03, v59  }
0x185: {  	v50 =	vld.idx.msk [tilespmem:v53+s29+$0x0], $0xffff;
	v48 =	vand.u32 $0x7FFFFFFF, v48;
	v55 =	vmul.f32 v52, v55;
	v52 =	vmul.f32 v59, v3  }
0x186: {  	(xrf2) =	vadd.scan.msk.f32 $0xffff, v2;
	v46 =	vadd.f32 $-1.665812430e-01, v46;
	v15 =	vld.idx.msk [tilespmem:v15+s15+$0x0], $0xffff;
	v14 =	vsub.f32 v14, v18;
	v18 =	vor.u32 v6, v58  }
0x187: {  	v2 =	vor.u32 v7, v58;
	(xrf2) =	vadd.scan.msk.f32 $0xffff, v9;
	v9 =	vmul.f32 $7.893740200e-03, v57;
	v8 =	vld.idx.msk [tilespmem:v8+s15+$0x0], $0xffff;
	v62 =	vsub.f32 $3.141592740e+00, v48  }
0x188: {  	v53 =	vmin.f32 v13, v61;
	v13 =	vor.u32 v0, v63;
	v1 =	vmul.f32 v46, v52;
	v59 =	vld.idx.msk [tilespmem:v4+s29+$0x0], $0xffff  }
0x189: {  	v46 =	vmul.f32 v57, v38;
	v52 =	vmin.f32 v48, v62;
	v48 =	vor.u32 v5, v63;
	v54 =	vld.idx.msk [tilespmem:v10+s14+$0x0], $0xffff  }
0x18a: {  	v61 =	vld.idx.msk [tilespmem:v56+s29+$0x0], $0xffff;
	v47 =	vadd.f32 v55, v47;
	v4 =	vmul.f32 v14, v14;
	v14 =	vmul.f32 v49, v49  }
0x18b: {  	v55 =	vor.u32 v6, v63;
	v57 =	vmul.f32 v52, v52;
	v62 =	vld.idx.msk [tilespmem:v18+s29+$0x0], $0xffff;
	v18 =	vmul.f32 v53, v53  }
0x18c: {  	v56 =	vor.u32 v7, v63;
	v63 =	vld.idx.msk [tilespmem:v2+s29+$0x0], $0xffff;
	v1 =	vadd.f32 v1, v3;
	v14 =	vadd.f32 v14, v4  }
0x18d: {  	v2 =	vld.idx.msk [tilespmem:v13+s15+$0x0], $0xffff;
	v51 =	vsub.f32 v50, v8;
	v8 =	vmul.f32 $7.893740200e-03, v57;
	v4 =	vmul.f32 $7.893740200e-03, v18  }
0x18e: {  	v26 =	vsub.f32 v60, v15;
	v60 =	vld.idx.msk [tilespmem:v23+s14+$0x0], $0xffff;
	v49 =	vadd.f32 v1, v47;
	v58 =	vor.u32 v0, v54  }
0x18f: {  	v47 =	vadd.f32 $-1.665812430e-01, v20;
	v3 =	vld.idx.msk [tilespmem:v48+s15+$0x0], $0xffff;
	v13 =	vmul.f32 v18, v53;
	v15 =	vadd.f32 $-1.665812430e-01, v4  }
0x190: {  	v48 =	vadd.f32 $-1.665812430e-01, v9;
	v9 =	vmul.f32 v57, v52;
	v4 =	vld.idx.msk [tilespmem:v55+s15+$0x0], $0xffff;
	v55 =	vor.u32 v5, v54  }
0x191: {  	[tilespmem:$0x1FEB0] =	vst v27;
	v18 =	vadd.f32 $-1.665812430e-01, v8;
	v1 =	vld.idx.msk [tilespmem:v10+s13+$0x0], $0xffff;
	v8, _, _ =	vpop (xrf2);
	v13 =	vmul.f32 v15, v13;
	v15 =	vor.u32 v6, v54  }
0x192: {  	(xrf2) =	vadd.scan.msk.f32 $0xffff, v14;
	v14 =	vmul.f32 v26, v26;
	v50 =	vbroadcast v8, $0xF;
	v8 =	vld.idx.msk [tilespmem:v56+s15+$0x0], $0xffff;
	v56 =	vsub.f32 v19, v22  }
0x193: {  	s9 =	simm.s32 $0x40;
	s2 =	smov.u32 s10;
	v57 =	vmul.f32 v18, v9;
	v9 =	vsub.f32 v12, v21;
	v18 =	vmul.f32 v51, v51;
	v51, _, _ =	vpop (xrf2);
	v58 =	vld.idx.msk [tilespmem:v58+s29+$0x0], $0xffff  }
.LBB2_5:
0x194: {  	v23 =	vld.idx.msk [tilespmem:v23+s13+$0x0], $0xffff  }
0x195: {  	v54 =	vor.u32 v7, v54;
	v19 =	vld.idx.msk [tilespmem:v55+s29+$0x0], $0xffff;
	v56 =	vand.u32 $0x7FFFFFFF, v56  }
0x196: {  	v15 =	vld.idx.msk [tilespmem:v15+s29+$0x0], $0xffff;
	v13 =	vadd.f32 v13, v53;
	v9 =	vand.u32 $0x7FFFFFFF, v9;
	v20 =	vor.u32 v6, v1  }
0x197: {  	v26 =	vld.idx.msk [tilespmem:v32+s13+$0x0], $0xffff;
	v14 =	vadd.f32 v18, v14;
	v53 =	vor.u32 v0, v1;
	v12 =	vor.u32 v7, v1  }
0x198: {  	v10 =	vld [tilespmem:$0x1FEA0];
	v21 =	vsub.f32 $3.141592740e+00, v56;
	v22 =	vsub.f32 $3.141592740e+00, v9;
	v1 =	vor.u32 v5, v1  }
0x199: {  	v55 =	vbroadcast v51, $0xF;
	v18 =	vld.idx.msk [tilespmem:v32+s14+$0x0], $0xffff;
	v52 =	vadd.f32 v57, v52;
	(xrf2) =	vadd.scan.msk.f32 $0xffff, v14;
	v14 =	vor.u32 v6, v60  }
0x19a: {  	v32 =	vmin.f32 v56, v21;
	v51 =	vmin.f32 v9, v22;
	v9 =	vor.u32 v7, v60;
	v21 =	vld.idx.msk [tilespmem:v54+s29+$0x0], $0xffff  }
0x19b: {  	v2 =	vsub.f32 v59, v2;
	v4 =	vsub.f32 v62, v4;
	v27 =	vor.u32 v6, v23;
	v20 =	vld.idx.msk [tilespmem:v20+s15+$0x0], $0xffff  }
0x19c: {  	v8 =	vsub.f32 v63, v8;
	v56 =	vadd.f32 v52, v13;
	v13 =	vor.u32 v7, v23;
	v12 =	vld.idx.msk [tilespmem:v12+s15+$0x0], $0xffff  }
0x19d: {  	v2 =	vand.u32 $0x7FFFFFFF, v2;
	v3 =	vsub.f32 v61, v3;
	v62 =	vor.u32 v7, v26;
	v1 =	vld.idx.msk [tilespmem:v1+s15+$0x0], $0xffff  }
0x19e: {  	v4 =	vmul.f32 v4, v4;
	v22 =	vmul.f32 v32, v32;
	v29 =	vor.u32 v6, v18;
	v14 =	vld.idx.msk [tilespmem:v14+s29+$0x0], $0xffff  }
0x19f: {  	v59 =	vsub.f32 $3.141592740e+00, v2;
	v8 =	vmul.f32 v8, v8;
	v30 =	vor.u32 v7, v18;
	v57, _, _ =	vpop (xrf2);
	(xrf2) =	vadd.scan.msk.f32 $0xffff, v10;
	v9 =	vld.idx.msk [tilespmem:v9+s29+$0x0], $0xffff  }
0x1a0: {  	v61 =	vor.u32 v6, v26;
	v52 =	vmul.f32 v22, v32;
	v22 =	vmul.f32 $7.893740200e-03, v22;
	v27 =	vld.idx.msk [tilespmem:v27+s15+$0x0], $0xffff  }
0x1a1: {  	v54 =	vmul.f32 v51, v51;
	v3 =	vand.u32 $0x7FFFFFFF, v3;
	v13 =	vld.idx.msk [tilespmem:v13+s15+$0x0], $0xffff  }
0x1a2: {  	v2 =	vmin.f32 v2, v59;
	v4 =	vadd.f32 v8, v4;
	v63 =	vsub.f32 $3.141592740e+00, v3;
	v62 =	vld.idx.msk [tilespmem:v62+s15+$0x0], $0xffff  }
0x1a3: {  	v8 =	vor.u32 v0, v60;
	v10 =	vmul.f32 v2, v2;
	(xrf2) =	vadd.scan.msk.f32 $0xffff, v31;
	v31 =	vadd.f32 $-1.665812430e-01, v22;
	v29 =	vld.idx.msk [tilespmem:v29+s29+$0x0], $0xffff  }
0x1a4: {  	v3 =	vmin.f32 v3, v63;
	v30 =	vld.idx.msk [tilespmem:v30+s29+$0x0], $0xffff;
	v15 =	vsub.f32 v15, v20;
	v12 =	vsub.f32 v21, v12;
	v22, _, _ =	vpop (xrf2)  }
0x1a5: {  	v20 =	vor.u32 v5, v60;
	v21 =	vmul.f32 v10, v2;
	(xrf2) =	vadd.scan.msk.f32 $0xffff, v39;
	v59 =	vbroadcast v22, $0xF;
	v22 =	vld.idx.msk [tilespmem:v61+s15+$0x0], $0xffff  }
0x1a6: {  	v28 =	vld.idx.msk [tilespmem:v53+s15+$0x0], $0xffff;
	v60 =	vmul.f32 $7.893740200e-03, v10;
	v10 =	vor.u32 v5, v23;
	v1 =	vsub.f32 v19, v1  }
0x1a7: {  	v15 =	vmul.f32 v15, v15;
	v12 =	vmul.f32 v12, v12;
	v14 =	vsub.f32 v14, v27  }
0x1a8: {  	v63 =	vor.u32 v0, v23;
	v61 =	vmul.f32 v3, v3;
	v9 =	vsub.f32 v9, v13  }
0x1a9: {  	v1 =	vand.u32 $0x7FFFFFFF, v1;
	v39, _, _ =	vpop (xrf2);
	(xrf2) =	vadd.scan.msk.f32 $0xffff, v4;
	v4 =	vadd.f32 v12, v15;
	v14 =	vmul.f32 v14, v14  }
0x1aa: {  	v8 =	vld.idx.msk [tilespmem:v8+s29+$0x0], $0xffff;
	v9 =	vmul.f32 v9, v9;
	v22 =	vsub.f32 v29, v22;
	v29 =	vsub.f32 v30, v62  }
0x1ab: {  	v12 =	vadd.f32 $-1.665812430e-01, v60;
	v15 =	vsub.f32 v58, v28;
	v20 =	vld.idx.msk [tilespmem:v20+s29+$0x0], $0xffff;
	v28 =	vmul.f32 $7.893740200e-03, v61  }
0x1ac: {  	v10 =	vld.idx.msk [tilespmem:v10+s15+$0x0], $0xffff;
	v9 =	vadd.f32 v9, v14;
	v14 =	vmul.f32 v22, v22;
	v19 =	vmul.f32 v29, v29  }
0x1ad: {  	v13 =	vmul.f32 v61, v3;
	v23, _, _ =	vpop (xrf2);
	(xrf2) =	vadd.scan.msk.f32 $0xffff, v4;
	v4 =	vld.idx.msk [tilespmem:v63+s15+$0x0], $0xffff;
	v12 =	vmul.f32 v12, v21;
	v21 =	vadd.f32 $-1.665812430e-01, v28  }
0x1ae: {  	v15 =	vand.u32 $0x7FFFFFFF, v15;
	v28 =	vsub.f32 $3.141592740e+00, v1;
	v14 =	vadd.f32 v19, v14  }
0x1af: {  	v22 =	vor.u32 v0, v18;
	v13 =	vmul.f32 v21, v13;
	v21 =	vor.u32 v5, v26;
	v27, _, _ =	vpop (xrf2);
	(xrf2) =	vadd.scan.msk.f32 $0xffff, v9  }
0x1b0: {  	v9 =	vor.u32 v5, v18;
	v18 =	vsub.f32 $3.141592740e+00, v15;
	v19 =	vor.u32 v0, v26;
	(xrf2) =	vadd.scan.msk.f32 $0xffff, v14  }
0x1b1: {  	v2 =	vadd.f32 v12, v2;
	v1 =	vmin.f32 v1, v28;
	v10 =	vsub.f32 v20, v10  }
0x1b2: {  	v4 =	vsub.f32 v8, v4;
	v15 =	vmin.f32 v15, v18;
	v18 =	vmul.f32 v1, v1  }
0x1b3: {  	v3 =	vadd.f32 v13, v3;
	v10 =	vand.u32 $0x7FFFFFFF, v10;
	v8 =	vmul.f32 v15, v15  }
0x1b4: {  	v28 =	vsub.f32 $3.141592740e+00, v10;
	v14 =	vld.idx.msk [tilespmem:v22+s29+$0x0], $0xffff;
	v4 =	vand.u32 $0x7FFFFFFF, v4;
	v22 =	vmul.f32 $7.893740200e-03, v18  }
0x1b5: {  	v12, _, _ =	vpop (xrf2);
	v20 =	vsub.f32 $3.141592740e+00, v4;
	v18 =	vmul.f32 v18, v1;
	v13 =	vmul.f32 $7.893740200e-03, v8;
	v19 =	vld.idx.msk [tilespmem:v19+s15+$0x0], $0xffff  }
0x1b6: {  	v21 =	vld.idx.msk [tilespmem:v21+s15+$0x0], $0xffff;
	v10 =	vmin.f32 v10, v28;
	v12 =	vbroadcast v12, $0xF;
	v8 =	vmul.f32 v8, v15  }
0x1b7: {  	v9 =	vld.idx.msk [tilespmem:v9+s29+$0x0], $0xffff;
	v4 =	vmin.f32 v4, v20;
	v20 =	vadd.f32 $-1.665812430e-01, v22;
	v29 =	vadd.f32 $-1.665812430e-01, v13  }
0x1b8: {  	v28 =	vmul.f32 v10, v10;
	v26, _, _ =	vpop (xrf2);
	v22 =	vmul.f32 v4, v4  }
0x1b9: {  	v3 =	vadd.f32 v3, v2;
	(xrf2) =	vadd.scan.msk.f32 $0xffff, v36;
	v8 =	vmul.f32 v29, v8;
	v29 =	vmul.f32 v20, v18;
	v13, _, _ =	vpop (xrf2)  }
0x1ba: {  	v2 =	vmul.f32 v22, v4;
	v20 =	vmul.f32 v28, v10;
	(xrf2) =	vadd.scan.msk.f32 $0xffff, v45;
	v14 =	vsub.f32 v14, v19;
	v18, _, _ =	vpop (xrf2)  }
0x1bb: {  	v13 =	vbroadcast v13, $0xF;
	v18 =	vbroadcast v18, $0xF  }
0x1bc: {  	v9 =	vsub.f32 v9, v21;
	v8 =	vadd.f32 v8, v15;
	v14 =	vand.u32 $0x7FFFFFFF, v14  }
0x1bd: {  	v15 =	vbroadcast v26, $0xF;
	v26 =	vsel vm0, v13, v18;
	v13 =	vsub.f32 $3.141592740e+00, v14  }
0x1be: {  	v19 =	vmul.f32 $7.893740200e-03, v22;
	v21 =	vmul.f32 $7.893740200e-03, v28;
	v1 =	vadd.f32 v29, v1  }
0x1bf: {  	v9 =	vand.u32 $0x7FFFFFFF, v9;
	v22 =	vsel vm4, v26, v15;
	v13 =	vmin.f32 v14, v13  }
0x1c0: {  	(xrf2) =	vadd.scan.msk.f32 $0xffff, v44;
	v15 =	vadd.f32 $-1.665812430e-01, v19;
	v19 =	vadd.f32 $-1.665812430e-01, v21;
	v14 =	vmul.f32 v13, v13  }
0x1c1: {  	v57 =	vbroadcast v57, $0xF;
	v8 =	vadd.f32 v1, v8;
	v18 =	vsub.f32 $3.141592740e+00, v9  }
0x1c2: {  	(xrf2) =	vadd.scan.msk.f32 $0xffff, v49;
	v12 =	vsel vm5, v22, v12;
	v19 =	vmul.f32 v19, v20;
	v20 =	vmul.f32 $7.893740200e-03, v14  }
0x1c3: {  	v1, _, _ =	vpop (xrf2);
	(xrf2) =	vadd.scan.msk.f32 $0xffff, v56;
	v9 =	vmin.f32 v9, v18;
	v12 =	vsel vm6, v12, v59;
	v15 =	vmul.f32 v15, v2  }
0x1c4: {  	v18 =	vmul.f32 v9, v9;
	v2, _, _ =	vpop (xrf2);
	v14 =	vmul.f32 v14, v13;
	(xrf2) =	vadd.scan.msk.f32 $0xffff, v3;
	v3 =	vadd.f32 $-1.665812430e-01, v20  }
0x1c5: {  	v12 =	vsel vm7, v12, v57;
	v4 =	vadd.f32 v15, v4;
	v10 =	vadd.f32 v19, v10  }
0x1c6: {  	v53 =	vmul.f32 v54, v51;
	v12 =	vsel vm8, v12, v55;
	v3 =	vmul.f32 v3, v14  }
0x1c7: {  	v22 =	vmul.f32 $7.893740200e-03, v18;
	v12 =	vsel vm9, v12, v50;
	v4 =	vadd.f32 v10, v4;
	v10 =	vld [tilespmem:$0x1FF60]  }
0x1c8: {  	v54 =	vmul.f32 $7.893740200e-03, v54;
	v12 =	vsel vm10, v12, v43;
	v3 =	vadd.f32 v3, v13;
	v13 =	vld [tilespmem:$0x1FF50]  }
0x1c9: {  	v18 =	vmul.f32 v18, v9;
	v20 =	vadd.f32 $-1.665812430e-01, v22;
	v12 =	vsel vm11, v12, v41  }
0x1ca: {  	v21, _, _ =	vpop (xrf2);
	(xrf2) =	vadd.scan.msk.f32 $0xffff, v8;
	v8 =	vadd.f32 $-1.665812430e-01, v54;
	v19 =	vsel vm12, v12, v40  }
0x1cb: {  	v14 =	vmul.f32 v20, v18;
	v15 =	vsel vm13, v19, v34  }
0x1cc: {  	v8 =	vmul.f32 v8, v53;
	v10 =	vsel vm14, v15, v10  }
0x1cd: {  	v22 =	vld [tilespmem:$0x1FF80];
	v9 =	vadd.f32 v14, v9;
	v15 =	vsel vm15, v10, v13;
	v13 =	vmul.f32 v31, v52  }
0x1ce: {  	v14 =	vld [tilespmem:$0x1FF00];
	v8 =	vadd.f32 v8, v51  }
0x1cf: {  	v3 =	vadd.f32 v9, v3;
	v13 =	vadd.f32 v13, v32  }
0x1d0: {  	v12, _, _ =	vpop (xrf2);
	(xrf2) =	vadd.scan.msk.f32 $0xffff, v4  }
0x1d1: {  	v10, _, _ =	vpop (xrf2);
	(xrf2) =	vadd.scan.msk.f32 $0xffff, v3;
	v3 =	vadd.f32 v8, v13;
	v8 =	vadd.f32 $-1.665812430e-01, v33  }
0x1d2: {  	v20 =	vld [tilespmem:$0x1FF70]  }
0x1d3: {  	v4 =	vmul.f32 v47, v42;
	v14 =	vsel vm1, v15, v14;
	v8 =	vmul.f32 v8, v22;
	v22 =	vld [tilespmem:$0x1FF30]  }
0x1d4: {  	v15 =	vmul.f32 v48, v46;
	v9 =	vsel vm2, v14, v39  }
0x1d5: {  	v4 =	vadd.f32 v4, v37;
	v14 =	vmax.f32 v9, $1.000000020e-35;
	v8 =	vadd.f32 v8, v25;
	v25 =	vld [tilespmem:$0x1FF10]  }
0x1d6: {  	v15 =	vadd.f32 v15, v38;
	v19 =	vshrl.u32 v14, $0x1;
	v14 =	vmul.f32 $5.000000000e-01, v14  }
0x1d7: {  	v20 =	vmul.f32 v35, v20;
	v13 =	vsub.s32 $0x5F3759DF, v19  }
0x1d8: {  	v18, _, _ =	vpop (xrf2);
	v26 =	vmul.f32 v13, v14;
	(xrf2) =	vadd.scan.msk.f32 $0xffff, v3;
	v3 =	vadd.f32 v15, v4;
	v4 =	vld [tilespmem:$0x1FF40];
	v22 =	vadd.f32 $-1.665812430e-01, v22  }
0x1d9: {  	v20 =	vadd.f32 v20, v24;
	v24 =	vld [tilespmem:$0x1FEE0]  }
0x1da: {  	v15 =	vmul.f32 v13, v26;
	v22 =	vmul.f32 v22, v25;
	v25 =	vld [tilespmem:$0x1FF20]  }
0x1db: {  	v19, _, _ =	vpop (xrf2);
	(xrf2) =	vadd.scan.msk.f32 $0xffff, v3;
	v3 =	vadd.f32 v8, v20;
	v8 =	vld [tilespmem:$0x1FEB0]  }
0x1dc: {  	v15 =	vsub.f32 $1.500000000e+00, v15;
	v20 =	vld [tilespmem:$0x1FEC0]  }
0x1dd: {  	v4 =	vadd.f32 $-1.665812430e-01, v4  }
0x1de: {  	v13 =	vmul.f32 v13, v15;
	v15 =	vld [tilespmem:$0x1FEF0]  }
0x1df: {  	v26 =	vmul.f32 $7.893740200e-03, v24;
	v4 =	vmul.f32 v4, v25;
	_ =	sdelay $0x1  }
0x1e0: {  	v8 =	vmul.f32 v20, v8;
	v20 =	vadd.f32 $-1.665812430e-01, v26;
	v4 =	vadd.f32 v4, v17;
	v17 =	vld [tilespmem:$0x1FED0]  }
0x1e1: {  	v16 =	vadd.f32 v22, v16  }
0x1e2: {  	v24, _, _ =	vpop (xrf2);
	(xrf2) =	vadd.scan.msk.f32 $0xffff, v3;
	v15 =	vmul.f32 v20, v15  }
0x1e3: {  	v3 =	vadd.f32 v4, v16;
	v4 =	vadd.f32 v8, v11;
	v11, _, _ =	vpop (xrf2)  }
0x1e4: {  	v16 =	vbroadcast v24, $0xF;
	v11 =	vbroadcast v11, $0xF  }
0x1e5: {  	(xrf2) =	vadd.scan.msk.f32 $0xffff, v3;
	v20 =	vadd.f32 v15, v17;
	v17 =	vbroadcast v19, $0xF  }
0x1e6: {  	v3 =	vsel vm0, v16, v11;
	v11 =	vbroadcast v18, $0xF;
	v15, _, _ =	vpop (xrf2)  }
0x1e7: {  	v15 =	vbroadcast v15, $0xF;
	v4 =	vadd.f32 v20, v4;
	v3 =	vsel vm4, v3, v17  }
0x1e8: {  	v10 =	vbroadcast v10, $0xF;
	v3 =	vsel vm5, v3, v11  }
0x1e9: {  	v11 =	vbroadcast v12, $0xF;
	v12, _, _ =	vpop (xrf2);
	v3 =	vsel vm6, v3, v15;
	(xrf2) =	vadd.scan.msk.f32 $0xffff, v4  }
0x1ea: {  	v12 =	vbroadcast v12, $0xF;
	v3 =	vsel vm7, v3, v10  }
0x1eb: {  	v10 =	vbroadcast v21, $0xF;
	v3 =	vsel vm8, v3, v11  }
0x1ec: {  	v2 =	vbroadcast v2, $0xF;
	v8 =	vmul.f32 v13, v14;
	v4, _, _ =	vpop (xrf2);
	v3 =	vsel vm9, v3, v12  }
0x1ed: {  	v4 =	vbroadcast v4, $0xF;
	v3 =	vsel vm10, v3, v10  }
0x1ee: {  	v1 =	vbroadcast v1, $0xF;
	v8 =	vmul.f32 v8, v13;
	v2 =	vsel vm11, v3, v2  }
0x1ef: {  	v3 =	vbroadcast v27, $0xF;
	v10, _, _ =	vpop (xrf2);
	v2 =	vsel vm12, v2, v4  }
0x1f0: {  	v8 =	vsub.f32 $1.500000000e+00, v8;
	v1 =	vsel vm13, v2, v1;
	v2 =	vbroadcast v10, $0xF  }
0x1f1: {  	v10 =	vbroadcast v23, $0xF;
	v1 =	vsel vm14, v1, v3  }
0x1f2: {  	v8 =	vmul.f32 v8, v13;
	v1 =	vsel vm15, v1, v2  }
0x1f3: {  	v1 =	vsel vm1, v1, v10;
	v3, _, _ =	vpop (xrf2)  }
0x1f4: {  	v11 =	vmul.f32 v8, v14;
	v1 =	vsel vm2, v1, v3;
	v3 =	vld [tilespmem:$0x1FFA0];
	_ =	sdelay $0x1  }
0x1f5: {  	v11 =	vmul.f32 v11, v8;
	_ =	sdelay $0x1  }
0x1f6: {  	v4 =	vsub.f32 $1.500000000e+00, v11  }
0x1f7: {  	v1 =	vmul.f32 v1, v3;
	v3 =	vld [tilespmem:$0x1FFB0]  }
0x1f8: {  	v4 =	vmul.f32 v4, v8;
	_ =	sdelay $0x1  }
0x1f9: {  	v2 =	vmul.f32 v4, v9;
	_ =	sdelay $0x1  }
0x1fa: {  	s2 =	sadd.s32 $0x10, s2;
	v2 =	vmul.f32 v2, v3  }
0x1fb: {  	v23 =	vmov s2  }
0x1fc: {  	v3 =	vor.u32 $0xF, v23;
	v1 =	vadd.f32 v2, v1;
	_ =	sdelay $0x1  }
0x1fd: {  	s3 =	sshra.s32 s4, $0x2;
	v1 =	vadd.f32 $-6.000000000e+00, v1  }
0x1fe: {  	s3 =	sadd.s32 s3, s16  }
0x1ff: {  	[tilespmem:s3+$0x0] =	vst v1  }
0x200: {  	v1 =	vld.idx.msk [tilespmem:v3+s14+$0x0], $0xffff;
	_ =	sdelay $0x1  }
0x201: {  	v2 =	vor.u32 $0xE, v23;
	_ =	sdelay $0x1  }
0x202: {  	v18 =	vor.u32 $0xD, v23;
	v3 =	vld.idx.msk [tilespmem:v3+s13+$0x0], $0xffff  }
0x203: {  	v4 =	vor.u32 v0, v1  }
0x204: {  	v8 =	vor.u32 v5, v1  }
0x205: {  	v9 =	vld.idx.msk [tilespmem:v2+s14+$0x0], $0xffff;
	v10 =	vor.u32 v6, v1  }
0x206: {  	v2 =	vld.idx.msk [tilespmem:v2+s13+$0x0], $0xffff;
	v1 =	vor.u32 v7, v1  }
0x207: {  	v21 =	vld.idx.msk [tilespmem:v18+s14+$0x0], $0xffff;
	v11 =	vor.u32 v0, v3  }
0x208: {  	v12 =	vor.u32 v5, v3;
	v4 =	vld.idx.msk [tilespmem:v4+s29+$0x0], $0xffff  }
0x209: {  	v13 =	vor.u32 v6, v3;
	v8 =	vld.idx.msk [tilespmem:v8+s29+$0x0], $0xffff  }
0x20a: {  	v3 =	vor.u32 v7, v3;
	v10 =	vld.idx.msk [tilespmem:v10+s29+$0x0], $0xffff  }
0x20b: {  	v14 =	vor.u32 v0, v9;
	v1 =	vld.idx.msk [tilespmem:v1+s29+$0x0], $0xffff  }
0x20c: {  	v15 =	vor.u32 v5, v9;
	v11 =	vld.idx.msk [tilespmem:v11+s15+$0x0], $0xffff  }
0x20d: {  	v16 =	vor.u32 v6, v9;
	v12 =	vld.idx.msk [tilespmem:v12+s15+$0x0], $0xffff  }
0x20e: {  	v9 =	vor.u32 v7, v9;
	v13 =	vld.idx.msk [tilespmem:v13+s15+$0x0], $0xffff  }
0x20f: {  	v17 =	vor.u32 v0, v2;
	v3 =	vld.idx.msk [tilespmem:v3+s15+$0x0], $0xffff  }
0x210: {  	v19 =	vor.u32 v5, v2;
	v14 =	vld.idx.msk [tilespmem:v14+s29+$0x0], $0xffff  }
0x211: {  	v20 =	vor.u32 v6, v2;
	v15 =	vld.idx.msk [tilespmem:v15+s29+$0x0], $0xffff  }
0x212: {  	v2 =	vor.u32 v7, v2;
	v16 =	vld.idx.msk [tilespmem:v16+s29+$0x0], $0xffff  }
0x213: {  	v9 =	vld.idx.msk [tilespmem:v9+s29+$0x0], $0xffff  }
0x214: {  	v17 =	vld.idx.msk [tilespmem:v17+s15+$0x0], $0xffff  }
0x215: {  	v22 =	vor.u32 $0xA, v23;
	v26 =	vor.u32 $0xB, v23;
	v27 =	vor.u32 $0xC, v23;
	v19 =	vld.idx.msk [tilespmem:v19+s15+$0x0], $0xffff  }
0x216: {  	v62 =	vor.u32 $0x7, v23;
	v24 =	vor.u32 $0x8, v23;
	v25 =	vor.u32 $0x9, v23;
	v20 =	vld.idx.msk [tilespmem:v20+s15+$0x0], $0xffff  }
0x217: {  	v42 =	vor.u32 $0x4, v23;
	v37 =	vor.u32 $0x5, v23;
	v35 =	vor.u32 $0x6, v23;
	v2 =	vld.idx.msk [tilespmem:v2+s15+$0x0], $0xffff  }
0x218: {  	v48 =	vor.u32 $0x3, v23;
	v4 =	vsub.f32 v4, v11;
	v8 =	vsub.f32 v8, v12  }
0x219: {  	v10 =	vsub.f32 v10, v13;
	v1 =	vsub.f32 v1, v3;
	v3 =	vor.u32 v0, v21  }
0x21a: {  	v12 =	vor.u32 v5, v21;
	v13 =	vor.u32 v6, v21;
	v14 =	vsub.f32 v14, v17  }
0x21b: {  	v46 =	vld.idx.msk [tilespmem:v25+s14+$0x0], $0xffff;
	v15 =	vsub.f32 v15, v19;
	v17 =	vor.u32 v7, v21;
	v16 =	vsub.f32 v16, v20  }
0x21c: {  	v11 =	vld.idx.msk [tilespmem:v18+s13+$0x0], $0xffff;
	v2 =	vsub.f32 v9, v2;
	v4 =	vand.u32 $0x7FFFFFFF, v4;
	v8 =	vand.u32 $0x7FFFFFFF, v8  }
0x21d: {  	v10 =	vmul.f32 v10, v10;
	v14 =	vand.u32 $0x7FFFFFFF, v14;
	v15 =	vand.u32 $0x7FFFFFFF, v15  }
0x21e: {  	v16 =	vmul.f32 v16, v16;
	v2 =	vmul.f32 v2, v2;
	v18 =	vsub.f32 $3.141592740e+00, v4  }
0x21f: {  	v43 =	vld.idx.msk [tilespmem:v26+s14+$0x0], $0xffff;
	v1 =	vmul.f32 v1, v1;
	v21 =	vsub.f32 $3.141592740e+00, v14;
	v28 =	vsub.f32 $3.141592740e+00, v15  }
0x220: {  	v34 =	vor.u32 v7, v46;
	v9 =	vld.idx.msk [tilespmem:v27+s14+$0x0], $0xffff;
	v2 =	vadd.f32 v2, v16;
	v16 =	vsub.f32 $3.141592740e+00, v8  }
0x221: {  	v1 =	vadd.f32 v1, v10;
	v19 =	vor.u32 v0, v11;
	v3 =	vld.idx.msk [tilespmem:v3+s29+$0x0], $0xffff;
	v14 =	vmin.f32 v14, v21  }
0x222: {  	v20 =	vor.u32 v5, v11;
	v15 =	vmin.f32 v15, v28;
	v21 =	vld.idx.msk [tilespmem:v27+s13+$0x0], $0xffff;
	v27 =	vmul.f32 v14, v14  }
0x223: {  	v12 =	vld.idx.msk [tilespmem:v12+s29+$0x0], $0xffff;
	v29 =	vor.u32 v6, v11;
	v30 =	vor.u32 v7, v11;
	v28 =	vmul.f32 v15, v15  }
0x224: {  	v13 =	vld.idx.msk [tilespmem:v13+s29+$0x0], $0xffff;
	v11 =	vmin.f32 v4, v18;
	(xrf2) =	vadd.scan.msk.f32 $0xffff, v2;
	v63 =	vmin.f32 v8, v16;
	v16 =	vmul.f32 $7.893740200e-03, v27  }
0x225: {  	v17 =	vld.idx.msk [tilespmem:v17+s29+$0x0], $0xffff;
	v4 =	vor.u32 v5, v9;
	v2 =	vor.u32 v0, v9;
	v18 =	vmul.f32 $7.893740200e-03, v28  }
0x226: {  	v31 =	vmul.f32 v11, v11;
	v27 =	vmul.f32 v27, v14;
	v19 =	vld.idx.msk [tilespmem:v19+s15+$0x0], $0xffff;
	v16 =	vadd.f32 $-1.665812430e-01, v16  }
0x227: {  	v28 =	vmul.f32 v28, v15;
	v8 =	vld.idx.msk [tilespmem:v20+s15+$0x0], $0xffff;
	v20 =	vor.u32 v6, v9;
	v18 =	vadd.f32 $-1.665812430e-01, v18  }
0x228: {  	v49 =	vor.u32 $0x2, v23;
	[tilespmem:$0x1FEA0] =	vst v1;
	v44 =	vmul.f32 v63, v63;
	v29 =	vld.idx.msk [tilespmem:v29+s15+$0x0], $0xffff;
	v10 =	vmul.f32 v16, v27  }
0x229: {  	v30 =	vld.idx.msk [tilespmem:v30+s15+$0x0], $0xffff;
	v1 =	vor.u32 v0, v21;
	v16 =	vmul.f32 v18, v28;
	v27 =	vmul.f32 v31, v11  }
0x22a: {  	v9 =	vor.u32 v7, v9;
	v4 =	vld.idx.msk [tilespmem:v4+s29+$0x0], $0xffff;
	v18 =	vor.u32 v5, v21;
	v28 =	vor.u32 v6, v21  }
0x22b: {  	v2 =	vld.idx.msk [tilespmem:v2+s29+$0x0], $0xffff;
	[tilespmem:$0x1FEB0] =	vst v27;
	v27 =	vmul.f32 $7.893740200e-03, v31;
	v45 =	vadd.f32 v10, v14;
	v14 =	vadd.f32 v16, v15  }
0x22c: {  	v15 =	vor.u32 v7, v21;
	v20 =	vld.idx.msk [tilespmem:v20+s29+$0x0], $0xffff;
	v3 =	vsub.f32 v3, v19;
	v8 =	vsub.f32 v12, v8  }
0x22d: {  	v19 =	vld.idx.msk [tilespmem:v26+s13+$0x0], $0xffff;
	v12 =	vmul.f32 v44, v63;
	v13 =	vsub.f32 v13, v29;
	v16 =	vadd.f32 $-1.665812430e-01, v27  }
0x22e: {  	v1 =	vld.idx.msk [tilespmem:v1+s15+$0x0], $0xffff;
	v31 =	vadd.f32 v14, v45;
	v10, _, _ =	vpop (xrf2);
	v27 =	vor.u32 v7, v43;
	v3 =	vand.u32 $0x7FFFFFFF, v3  }
0x22f: {  	v10 =	vbroadcast v10, $0xF;
	v14 =	vld.idx.msk [tilespmem:v18+s15+$0x0], $0xffff;
	v8 =	vand.u32 $0x7FFFFFFF, v8;
	[tilespmem:$0x1FEC0] =	vst v16;
	v16 =	vsub.f32 $3.141592740e+00, v3  }
0x230: {  	[tilespmem:$0x1FEF0] =	vst v12;
	v12 =	vor.u32 v0, v43;
	v18 =	vor.u32 v6, v43;
	v21 =	vld.idx.msk [tilespmem:v28+s15+$0x0], $0xffff;
	v26 =	vsub.f32 $3.141592740e+00, v8  }
0x231: {  	v32 =	vor.u32 $0x1, v23;
	v28 =	vld.idx.msk [tilespmem:v22+s14+$0x0], $0xffff;
	[tilespmem:$0x1FF00] =	vst v10;
	v10 =	vor.u32 v5, v43;
	v16 =	vmin.f32 v3, v16  }
0x232: {  	v9 =	vld.idx.msk [tilespmem:v9+s29+$0x0], $0xffff;
	v3 =	vsub.f32 v17, v30;
	v17 =	vmin.f32 v8, v26;
	v8 =	vmul.f32 v16, v16  }
0x233: {  	v13 =	vmul.f32 v13, v13;
	v15 =	vld.idx.msk [tilespmem:v15+s15+$0x0], $0xffff;
	v26 =	vor.u32 v0, v19;
	v29 =	vmul.f32 v17, v17  }
0x234: {  	v58 =	vld.idx.msk [tilespmem:v34+s29+$0x0], $0xffff;
	v30 =	vor.u32 v5, v19;
	v1 =	vsub.f32 v2, v1;
	v2 =	vmul.f32 v8, v16  }
0x235: {  	v12 =	vld.idx.msk [tilespmem:v12+s29+$0x0], $0xffff;
	v3 =	vmul.f32 v3, v3;
	v4 =	vsub.f32 v4, v14;
	v14 =	vmul.f32 v29, v17  }
0x236: {  	v20 =	vsub.f32 v20, v21;
	v21 =	vor.u32 v5, v28;
	v8 =	vmul.f32 $7.893740200e-03, v8;
	v10 =	vld.idx.msk [tilespmem:v10+s29+$0x0], $0xffff;
	[tilespmem:$0x1FF10] =	vst v2  }
0x237: {  	v1 =	vand.u32 $0x7FFFFFFF, v1;
	v2 =	vor.u32 v6, v19;
	[tilespmem:$0x1FF20] =	vst v14;
	v14 =	vor.u32 v7, v19;
	v19 =	vld.idx.msk [tilespmem:v27+s29+$0x0], $0xffff  }
0x238: {  	v4 =	vand.u32 $0x7FFFFFFF, v4;
	v9 =	vsub.f32 v9, v15;
	[tilespmem:$0x1FF30] =	vst v8;
	v8 =	vld.idx.msk [tilespmem:v22+s13+$0x0], $0xffff;
	v22 =	vsub.f32 $3.141592740e+00, v1  }
0x239: {  	v3 =	vadd.f32 v3, v13;
	v27 =	vmul.f32 $7.893740200e-03, v29;
	v26 =	vld.idx.msk [tilespmem:v26+s15+$0x0], $0xffff;
	v29 =	vsub.f32 $3.141592740e+00, v4  }
0x23a: {  	v15 =	vor.u32 v6, v28;
	v20 =	vmul.f32 v20, v20;
	v30 =	vld.idx.msk [tilespmem:v30+s15+$0x0], $0xffff;
	v1 =	vmin.f32 v1, v22  }
0x23b: {  	v9 =	vmul.f32 v9, v9;
	(xrf2) =	vadd.scan.msk.f32 $0xffff, v3;
	v4 =	vmin.f32 v4, v29;
	v22 =	vmul.f32 v1, v1  }
0x23c: {  	[tilespmem:$0x1FF40] =	vst v27;
	v27 =	vor.u32 v0, v28;
	v28 =	vor.u32 v7, v28;
	v29 =	vmul.f32 v4, v4  }
0x23d: {  	v18 =	vld.idx.msk [tilespmem:v18+s29+$0x0], $0xffff;
	v9 =	vadd.f32 v9, v20;
	v47 =	vmul.f32 $7.893740200e-03, v22;
	v13 =	vor.u32 v0, v8  }
0x23e: {  	v20 =	vld.idx.msk [tilespmem:v25+s13+$0x0], $0xffff;
	v22 =	vmul.f32 v22, v1;
	v50 =	vmul.f32 $7.893740200e-03, v29;
	v51 =	vor.u32 v5, v8  }
0x23f: {  	v2 =	vld.idx.msk [tilespmem:v2+s15+$0x0], $0xffff;
	v29 =	vmul.f32 v29, v4;
	v12 =	vsub.f32 v12, v26;
	v10 =	vsub.f32 v10, v30  }
0x240: {  	v14 =	vld.idx.msk [tilespmem:v14+s15+$0x0], $0xffff;
	v52 =	vor.u32 v6, v8;
	v8 =	vor.u32 v7, v8;
	v36 =	vadd.f32 $-1.665812430e-01, v47  }
0x241: {  	v15 =	vld.idx.msk [tilespmem:v15+s29+$0x0], $0xffff;
	v26 =	vadd.f32 $-1.665812430e-01, v50;
	v12 =	vand.u32 $0x7FFFFFFF, v12;
	v10 =	vand.u32 $0x7FFFFFFF, v10  }
0x242: {  	(xrf2) =	vadd.scan.msk.f32 $0xffff, v9;
	v9 =	vor.u32 v6, v46;
	v3 =	vld.idx.msk [tilespmem:v28+s29+$0x0], $0xffff;
	v28 =	vsub.f32 $3.141592740e+00, v12;
	v53 =	vsub.f32 $3.141592740e+00, v10  }
0x243: {  	v27 =	vld.idx.msk [tilespmem:v27+s29+$0x0], $0xffff;
	v54 =	vor.u32 v0, v20;
	v22 =	vmul.f32 v36, v22;
	v25 =	vmul.f32 v26, v29  }
0x244: {  	v26 =	vor.u32 v0, v46;
	v13 =	vld.idx.msk [tilespmem:v13+s15+$0x0], $0xffff;
	v2 =	vsub.f32 v18, v2;
	v12 =	vmin.f32 v12, v28  }
0x245: {  	v18 =	vld.idx.msk [tilespmem:v52+s15+$0x0], $0xffff;
	v14 =	vsub.f32 v19, v14;
	v10 =	vmin.f32 v10, v53;
	v28 =	vmul.f32 v12, v12  }
0x246: {  	v29 =	vor.u32 v5, v46;
	v19 =	vld.idx.msk [tilespmem:v24+s14+$0x0], $0xffff;
	v36 =	vmul.f32 v10, v10;
	v57, _, _ =	vpop (xrf2);
	v2 =	vmul.f32 v2, v2  }
0x247: {  	v8 =	vld.idx.msk [tilespmem:v8+s15+$0x0], $0xffff;
	v1 =	vadd.f32 v22, v1;
	v14 =	vmul.f32 v14, v14;
	v60 =	vbroadcast v57, $0xF  }
0x248: {  	v24 =	vld.idx.msk [tilespmem:v24+s13+$0x0], $0xffff;
	v22 =	vor.u32 v5, v20;
	v55 =	vmul.f32 $7.893740200e-03, v28;
	v56 =	vmul.f32 $7.893740200e-03, v36  }
0x249: {  	v21 =	vld.idx.msk [tilespmem:v21+s29+$0x0], $0xffff;
	v4 =	vadd.f32 v25, v4;
	v28 =	vmul.f32 v28, v12;
	v36 =	vmul.f32 v36, v10  }
0x24a: {  	v30 =	vld.idx.msk [tilespmem:v51+s15+$0x0], $0xffff;
	v2 =	vadd.f32 v14, v2;
	v14 =	vor.u32 v6, v20;
	v20 =	vor.u32 v7, v20  }
0x24b: {  	v9 =	vld.idx.msk [tilespmem:v9+s29+$0x0], $0xffff;
	v39 =	vadd.f32 $-1.665812430e-01, v55;
	v40 =	vadd.f32 $-1.665812430e-01, v56;
	v25 =	vor.u32 v5, v19  }
0x24c: {  	v29 =	vld.idx.msk [tilespmem:v29+s29+$0x0], $0xffff;
	v61 =	vor.u32 v6, v19;
	v13 =	vsub.f32 v27, v13;
	v15 =	vsub.f32 v15, v18  }
0x24d: {  	v3 =	vsub.f32 v3, v8;
	v8 =	vor.u32 v5, v24;
	v27 =	vor.u32 v6, v24;
	(xrf2) =	vadd.scan.msk.f32 $0xffff, v2  }
0x24e: {  	v2 =	vor.u32 v0, v19;
	v22 =	vld.idx.msk [tilespmem:v22+s15+$0x0], $0xffff;
	v28 =	vmul.f32 v39, v28;
	v59 =	vmul.f32 v40, v36  }
0x24f: {  	v38 =	vld.idx.msk [tilespmem:v54+s15+$0x0], $0xffff;
	v39 =	vadd.f32 v4, v1;
	v4 =	vor.u32 v7, v19;
	v13 =	vand.u32 $0x7FFFFFFF, v13  }
0x250: {  	v1, _, _ =	vpop (xrf2);
	v15 =	vmul.f32 v15, v15;
	v3 =	vmul.f32 v3, v3;
	v19 =	vld.idx.msk [tilespmem:v20+s15+$0x0], $0xffff;
	v20 =	vsub.f32 v21, v30  }
0x251: {  	v1 =	vbroadcast v1, $0xF;
	v12 =	vadd.f32 v28, v12;
	v14 =	vld.idx.msk [tilespmem:v14+s15+$0x0], $0xffff;
	v10 =	vadd.f32 v59, v10  }
0x252: {  	v21 =	vsub.f32 $3.141592740e+00, v13;
	v3 =	vadd.f32 v3, v15;
	v18 =	vld.idx.msk [tilespmem:v25+s29+$0x0], $0xffff;
	v20 =	vand.u32 $0x7FFFFFFF, v20  }
0x253: {  	v30 =	vor.u32 v7, v24;
	[tilespmem:$0x1FF60] =	vst v1;
	v8 =	vld.idx.msk [tilespmem:v8+s15+$0x0], $0xffff;
	v15 =	vsub.f32 v29, v22;
	v25 =	vsub.f32 $3.141592740e+00, v20  }
0x254: {  	v1 =	vor.u32 v0, v24;
	v24 =	vmin.f32 v13, v21;
	v36 =	vadd.f32 v10, v12;
	v22 =	vld.idx.msk [tilespmem:v62+s13+$0x0], $0xffff  }
0x255: {  	v26 =	vld.idx.msk [tilespmem:v26+s29+$0x0], $0xffff;
	v15 =	vand.u32 $0x7FFFFFFF, v15;
	v25 =	vmin.f32 v20, v25;
	v20 =	vmul.f32 v24, v24  }
0x256: {  	v13 =	vld.idx.msk [tilespmem:v62+s14+$0x0], $0xffff;
	v9 =	vsub.f32 v9, v14;
	v14 =	vsub.f32 v58, v19;
	v12 =	vmul.f32 v25, v25  }
0x257: {  	v28 =	vld.idx.msk [tilespmem:v61+s29+$0x0], $0xffff;
	v29 =	vsub.f32 $3.141592740e+00, v15;
	v21 =	vmul.f32 v20, v24;
	v20 =	vmul.f32 $7.893740200e-03, v20  }
0x258: {  	v2 =	vld.idx.msk [tilespmem:v2+s29+$0x0], $0xffff;
	v8 =	vsub.f32 v18, v8;
	v10, _, _ =	vpop (xrf2);
	v9 =	vmul.f32 v9, v9;
	v14 =	vmul.f32 v14, v14  }
0x259: {  	v1 =	vld.idx.msk [tilespmem:v1+s15+$0x0], $0xffff;
	v15 =	vmin.f32 v15, v29;
	(xrf2) =	vadd.scan.msk.f32 $0xffff, v3;
	v3 =	vor.u32 v5, v22;
	v34 =	vbroadcast v10, $0xF  }
0x25a: {  	v29 =	vld.idx.msk [tilespmem:v35+s14+$0x0], $0xffff;
	v10 =	vsub.f32 v26, v38;
	v19 =	vmul.f32 v12, v25;
	v33 =	vmul.f32 $7.893740200e-03, v12  }
0x25b: {  	v12 =	vor.u32 v5, v13;
	v8 =	vand.u32 $0x7FFFFFFF, v8;
	[tilespmem:$0x1FF70] =	vst v21;
	v21 =	vld.idx.msk [tilespmem:v27+s15+$0x0], $0xffff;
	v27 =	vor.u32 v0, v13  }
0x25c: {  	v4 =	vld.idx.msk [tilespmem:v4+s29+$0x0], $0xffff;
	v9 =	vadd.f32 v14, v9;
	v62 =	vsub.f32 $3.141592740e+00, v8;
	v10 =	vand.u32 $0x7FFFFFFF, v10  }
0x25d: {  	v14 =	vor.u32 v6, v13;
	v13 =	vor.u32 v7, v13;
	[tilespmem:$0x1FF80] =	vst v19;
	v19 =	vld.idx.msk [tilespmem:v30+s15+$0x0], $0xffff;
	v26 =	vsub.f32 $3.141592740e+00, v10  }
0x25e: {  	[tilespmem:$0x1FED0] =	vst v63;
	v1 =	vsub.f32 v2, v1;
	v2 =	vmul.f32 v15, v15;
	v8 =	vmin.f32 v8, v62  }
0x25f: {  	(xrf2) =	vadd.scan.msk.f32 $0xffff, v9;
	v9 =	vld.idx.msk [tilespmem:v35+s13+$0x0], $0xffff;
	v35 =	vadd.f32 $-1.665812430e-01, v20;
	v52 =	vor.u32 v5, v29;
	v53 =	vmul.f32 v8, v8  }
0x260: {  	v55 =	vld.idx.msk [tilespmem:v37+s14+$0x0], $0xffff;
	v20 =	vor.u32 v7, v29;
	v10 =	vmin.f32 v10, v26;
	v63 =	vmul.f32 v2, v15  }
0x261: {  	v3 =	vld.idx.msk [tilespmem:v3+s15+$0x0], $0xffff;
	v1 =	vand.u32 $0x7FFFFFFF, v1;
	v2 =	vmul.f32 $7.893740200e-03, v2;
	v26 =	vmul.f32 v10, v10  }
0x262: {  	v12 =	vld.idx.msk [tilespmem:v12+s29+$0x0], $0xffff;
	v18 =	vsub.f32 v28, v21;
	v28 =	vor.u32 v0, v22;
	v4 =	vsub.f32 v4, v19  }
0x263: {  	v27 =	vld.idx.msk [tilespmem:v27+s29+$0x0], $0xffff;
	v30 =	vsub.f32 $3.141592740e+00, v1;
	v54 =	vmul.f32 $7.893740200e-03, v53;
	v41 =	vmul.f32 v53, v8  }
0x264: {  	v14 =	vld.idx.msk [tilespmem:v14+s29+$0x0], $0xffff;
	v19 =	vor.u32 v6, v22;
	v18 =	vmul.f32 v18, v18;
	v4 =	vmul.f32 v4, v4  }
0x265: {  	v13 =	vld.idx.msk [tilespmem:v13+s29+$0x0], $0xffff;
	v22 =	vor.u32 v7, v22;
	v2 =	vadd.f32 $-1.665812430e-01, v2;
	v1 =	vmin.f32 v1, v30  }
0x266: {  	v43 =	vadd.f32 $-1.665812430e-01, v54;
	v54 =	vld.idx.msk [tilespmem:v49+s14+$0x0], $0xffff;
	v30 =	vmul.f32 v1, v1;
	v4 =	vadd.f32 v4, v18  }
0x267: {  	v21 =	vmul.f32 v26, v10;
	v59 =	vld.idx.msk [tilespmem:v52+s29+$0x0], $0xffff;
	v18 =	vmul.f32 $7.893740200e-03, v26;
	v26 =	vor.u32 v0, v29  }
0x268: {  	v56 =	vor.u32 v0, v9;
	v28 =	vld.idx.msk [tilespmem:v28+s15+$0x0], $0xffff;
	(xrf2) =	vadd.scan.msk.f32 $0xffff, v4;
	v4 =	vor.u32 v6, v29;
	v29 =	vmul.f32 $7.893740200e-03, v30  }
0x269: {  	v2 =	vmul.f32 v2, v63;
	v3 =	vsub.f32 v12, v3;
	v19 =	vld.idx.msk [tilespmem:v19+s15+$0x0], $0xffff;
	v18 =	vadd.f32 $-1.665812430e-01, v18  }
0x26a: {  	v58 =	vor.u32 v5, v9;
	v20 =	vld.idx.msk [tilespmem:v20+s29+$0x0], $0xffff;
	v30 =	vmul.f32 v30, v1;
	v29 =	vadd.f32 $-1.665812430e-01, v29  }
0x26b: {  	v57, _, _ =	vpop (xrf2);
	v2 =	vadd.f32 v2, v15;
	v22 =	vld.idx.msk [tilespmem:v22+s15+$0x0], $0xffff;
	v3 =	vand.u32 $0x7FFFFFFF, v3;
	v18 =	vmul.f32 v18, v21  }
0x26c: {  	v15, _, _ =	vpop (xrf2);
	v21 =	vor.u32 v6, v9;
	v26 =	vld.idx.msk [tilespmem:v26+s29+$0x0], $0xffff;
	v29 =	vmul.f32 v29, v30;
	v30 =	vmul.f32 v43, v41  }
0x26d: {  	v10 =	vadd.f32 v18, v10;
	v18 =	vld.idx.msk [tilespmem:v37+s13+$0x0], $0xffff;
	v41 =	vbroadcast v15, $0xF;
	v15 =	vsub.f32 v27, v28  }
0x26e: {  	[tilespmem:$0x1FF50] =	vst v60;
	v9 =	vor.u32 v7, v9;
	v14 =	vsub.f32 v14, v19;
	v28 =	vsub.f32 $3.141592740e+00, v3;
	v4 =	vld.idx.msk [tilespmem:v4+s29+$0x0], $0xffff  }
0x26f: {  	v60 =	vadd.f32 v29, v1;
	v8 =	vadd.f32 v30, v8;
	v29 =	vor.u32 v0, v55;
	v30 =	vld.idx.msk [tilespmem:v56+s15+$0x0], $0xffff  }
0x270: {  	v45 =	vadd.f32 v2, v10;
	v2 =	vor.u32 v5, v55;
	v10 =	vld.idx.msk [tilespmem:v58+s15+$0x0], $0xffff;
	v12 =	vand.u32 $0x7FFFFFFF, v15  }
0x271: {  	[tilespmem:$0x1FEE0] =	vst v44;
	v40 =	vbroadcast v57, $0xF;
	v13 =	vsub.f32 v13, v22;
	v15 =	vld.idx.msk [tilespmem:v42+s14+$0x0], $0xffff;
	v19 =	vsub.f32 $3.141592740e+00, v12  }
0x272: {  	v14 =	vmul.f32 v14, v14;
	v38 =	vmin.f32 v3, v28;
	v21 =	vld.idx.msk [tilespmem:v21+s15+$0x0], $0xffff;
	v44 =	vadd.f32 v8, v60  }
0x273: {  	v9 =	vld.idx.msk [tilespmem:v9+s15+$0x0], $0xffff;
	v8 =	vor.u32 v6, v55;
	v22 =	vor.u32 v0, v18;
	v37 =	vmin.f32 v12, v19  }
0x274: {  	v12 =	vmul.f32 v13, v13;
	v13 =	vor.u32 v6, v18;
	v19 =	vmul.f32 v38, v38;
	v1, _, _ =	vpop (xrf2);
	v27 =	vld.idx.msk [tilespmem:v29+s29+$0x0], $0xffff  }
0x275: {  	v3 =	vmul.f32 v37, v37;
	v43 =	vbroadcast v1, $0xF;
	v1 =	vor.u32 v7, v55;
	v2 =	vld.idx.msk [tilespmem:v2+s29+$0x0], $0xffff  }
0x276: {  	v29 =	vor.u32 v5, v18;
	v18 =	vor.u32 v7, v18;
	v12 =	vadd.f32 v12, v14;
	v14 =	vld.idx.msk [tilespmem:v42+s13+$0x0], $0xffff  }
0x277: {  	v26 =	vsub.f32 v26, v30;
	v28 =	vor.u32 v0, v15;
	v10 =	vsub.f32 v59, v10;
	v55 =	vld.idx.msk [tilespmem:v48+s13+$0x0], $0xffff  }
0x278: {  	v46 =	vmul.f32 v19, v38;
	v19 =	vmul.f32 $7.893740200e-03, v19;
	v4 =	vsub.f32 v4, v21;
	v21 =	vld.idx.msk [tilespmem:v48+s14+$0x0], $0xffff  }
0x279: {  	v30 =	vor.u32 v5, v15;
	v42 =	vmul.f32 v3, v37;
	v3 =	vmul.f32 $7.893740200e-03, v3;
	v8 =	vld.idx.msk [tilespmem:v8+s29+$0x0], $0xffff  }
0x27a: {  	v9 =	vsub.f32 v20, v9;
	v26 =	vand.u32 $0x7FFFFFFF, v26;
	v10 =	vand.u32 $0x7FFFFFFF, v10;
	v22 =	vld.idx.msk [tilespmem:v22+s15+$0x0], $0xffff  }
0x27b: {  	v47 =	vadd.f32 $-1.665812430e-01, v3;
	v3 =	vor.u32 v6, v15;
	v13 =	vld.idx.msk [tilespmem:v13+s15+$0x0], $0xffff;
	v61 =	vsub.f32 $3.141592740e+00, v26  }
0x27c: {  	v48 =	vadd.f32 $-1.665812430e-01, v19;
	v62 =	vsub.f32 $3.141592740e+00, v10;
	v15 =	vor.u32 v7, v15;
	v1 =	vld.idx.msk [tilespmem:v1+s29+$0x0], $0xffff  }
0x27d: {  	v4 =	vmul.f32 v4, v4;
	v9 =	vmul.f32 v9, v9;
	v29 =	vld.idx.msk [tilespmem:v29+s15+$0x0], $0xffff;
	v26 =	vmin.f32 v26, v61  }
0x27e: {  	v18 =	vld.idx.msk [tilespmem:v18+s15+$0x0], $0xffff;
	v20 =	vor.u32 v0, v14;
	v10 =	vmin.f32 v10, v62;
	v50 =	vmul.f32 v26, v26  }
0x27f: {  	v28 =	vld.idx.msk [tilespmem:v28+s29+$0x0], $0xffff;
	v51 =	vor.u32 v5, v14;
	v60 =	vor.u32 v6, v14;
	v63 =	vmul.f32 v10, v10  }
0x280: {  	(xrf2) =	vadd.scan.msk.f32 $0xffff, v12;
	v14 =	vor.u32 v7, v14;
	v4 =	vadd.f32 v9, v4;
	v56 =	vld.idx.msk [tilespmem:v3+s29+$0x0], $0xffff;
	v3 =	vmul.f32 $7.893740200e-03, v50  }
0x281: {  	v30 =	vld.idx.msk [tilespmem:v30+s29+$0x0], $0xffff;
	v9 =	vor.u32 v0, v21;
	v61 =	vmul.f32 $7.893740200e-03, v63;
	v22 =	vsub.f32 v27, v22  }
0x282: {  	v15 =	vld.idx.msk [tilespmem:v15+s29+$0x0], $0xffff;
	v19 =	vmul.f32 v50, v26;
	v8 =	vsub.f32 v8, v13;
	v3 =	vadd.f32 $-1.665812430e-01, v3  }
0x283: {  	v12 =	vld.idx.msk [tilespmem:v20+s15+$0x0], $0xffff;
	v20 =	vmul.f32 v63, v10;
	v62 =	vadd.f32 $-1.665812430e-01, v61;
	v63 =	vor.u32 v5, v21  }
0x284: {  	v13 =	vor.u32 v7, v21;
	v51 =	vld.idx.msk [tilespmem:v51+s15+$0x0], $0xffff;
	v2 =	vsub.f32 v2, v29;
	v1 =	vsub.f32 v1, v18  }
0x285: {  	v27 =	vld.idx.msk [tilespmem:v60+s15+$0x0], $0xffff;
	v18 =	vor.u32 v0, v55;
	v3 =	vmul.f32 v3, v19;
	v19 =	vor.u32 v6, v21  }
0x286: {  	v14 =	vld.idx.msk [tilespmem:v14+s15+$0x0], $0xffff;
	v21 =	vand.u32 $0x7FFFFFFF, v22;
	v2 =	vand.u32 $0x7FFFFFFF, v2;
	v20 =	vmul.f32 v62, v20  }
0x287: {  	(xrf2) =	vadd.scan.msk.f32 $0xffff, v4;
	v29 =	vor.u32 v5, v55;
	v59 =	vld.idx.msk [tilespmem:v9+s29+$0x0], $0xffff;
	v22 =	vsub.f32 $3.141592740e+00, v21;
	v9 =	vsub.f32 $3.141592740e+00, v2  }
0x288: {  	v4 =	vmul.f32 v8, v8;
	v8 =	vor.u32 v6, v55;
	v10 =	vadd.f32 v20, v10;
	v61 =	vld.idx.msk [tilespmem:v63+s29+$0x0], $0xffff  }
0x289: {  	v53 =	vmin.f32 v21, v22;
	v22 =	vmul.f32 v1, v1;
	v52 =	vmin.f32 v2, v9;
	v63 =	vld.idx.msk [tilespmem:v13+s29+$0x0], $0xffff  }
0x28a: {  	v1, _, _ =	vpop (xrf2);
	v9 =	vmul.f32 v53, v53;
	v13 =	vmul.f32 v52, v52;
	v62 =	vld.idx.msk [tilespmem:v19+s29+$0x0], $0xffff;
	v19 =	vor.u32 v7, v55  }
0x28b: {  	v60 =	vld.idx.msk [tilespmem:v23+s14+$0x0], $0xffff;
	v20 =	vor.u32 v0, v54;
	v21 =	vadd.f32 v3, v26;
	v50 =	vbroadcast v1, $0xF  }
0x28c: {  	p0 =	sne.s32 s9, $0x600;
	v2 =	vld.idx.msk [tilespmem:v18+s15+$0x0], $0xffff;
	v4 =	vadd.f32 v22, v4;
	v18 =	vmul.f32 $7.893740200e-03, v9;
	v22 =	vmul.f32 $7.893740200e-03, v13  }
.Ltmp1:
0x28d: {  	v1 =	vld.idx.msk [tilespmem:v49+s13+$0x0], $0xffff;
	v49 =	vadd.f32 v10, v21;
	v55 =	vor.u32 v5, v54;
	v9 =	vmul.f32 v9, v53;
	(pc) =	sbr.rel @p0 .LBB2_5-.Ltmp1, $4  }
0x28e: {  	v10 =	vmul.f32 v13, v52;
	(xrf2) =	vadd.scan.msk.f32 $0xffff, v4;
	v4 =	vld.idx.msk [tilespmem:v8+s15+$0x0], $0xffff;
	v18 =	vadd.f32 $-1.665812430e-01, v18;
	v21 =	vadd.f32 $-1.665812430e-01, v22  }
0x28f: {  	v22 =	vsub.f32 v15, v14;
	v15 =	vor.u32 v6, v54;
	v8 =	vld.idx.msk [tilespmem:v19+s15+$0x0], $0xffff;
	v19 =	vsub.f32 v56, v27  }
0x290: {  	v3 =	vld.idx.msk [tilespmem:v29+s15+$0x0], $0xffff;
	v13 =	vmul.f32 v18, v9;
	v56 =	vsub.f32 v28, v12;
	v57 =	vmul.f32 v21, v10  }
0x291: {  	s4 =	smov.u32 s9;
	s9 =	sadd.s32 $0x40, s9;
	v58 =	vld.idx.msk [tilespmem:v20+s29+$0x0], $0xffff;
	v9 =	vsub.f32 v30, v51;
	v18 =	vmul.f32 v22, v22;
	v51, _, _ =	vpop (xrf2);
	v14 =	vmul.f32 v19, v19  }
0x292: {  	_ =	sdelay $0x2  }
0x293: {  	v10 =	vor.u32 v7, v54  }
0x294: {  	v12 =	vld.idx.msk [tilespmem:v23+s13+$0x0], $0xffff;
	v19 =	vor.u32 v0, v1  }
0x295: {  	v15 =	vld.idx.msk [tilespmem:v15+s29+$0x0], $0xffff;
	v20 =	vor.u32 v6, v1  }
0x296: {  	v21 =	vld.idx.msk [tilespmem:v32+s14+$0x0], $0xffff;
	v22 =	vor.u32 v7, v1  }
0x297: {  	v23 =	vld.idx.msk [tilespmem:v32+s13+$0x0], $0xffff;
	v26 =	vor.u32 v6, v60  }
0x298: {  	v27 =	vor.u32 v7, v60;
	v10 =	vld.idx.msk [tilespmem:v10+s29+$0x0], $0xffff  }
0x299: {  	v1 =	vor.u32 v5, v1;
	v19 =	vld.idx.msk [tilespmem:v19+s15+$0x0], $0xffff  }
0x29a: {  	v28 =	vor.u32 v6, v12;
	v20 =	vld.idx.msk [tilespmem:v20+s15+$0x0], $0xffff  }
0x29b: {  	v13 =	vadd.f32 v13, v53;
	v29 =	vor.u32 v7, v12;
	v22 =	vld.idx.msk [tilespmem:v22+s15+$0x0], $0xffff  }
0x29c: {  	v2 =	vsub.f32 v59, v2;
	v14 =	vadd.f32 v18, v14;
	v26 =	vld.idx.msk [tilespmem:v26+s29+$0x0], $0xffff;
	v32 =	vor.u32 v7, v21  }
0x29d: {  	v4 =	vsub.f32 v62, v4;
	v8 =	vsub.f32 v63, v8;
	v18 =	vld.idx.msk [tilespmem:v27+s29+$0x0], $0xffff;
	v53 =	vor.u32 v7, v23  }
0x29e: {  	v2 =	vand.u32 $0x7FFFFFFF, v2;
	v3 =	vsub.f32 v61, v3;
	v30 =	vor.u32 v6, v21;
	v1 =	vld.idx.msk [tilespmem:v1+s15+$0x0], $0xffff  }
0x29f: {  	v62 =	vsub.f32 $3.141592740e+00, v2;
	v27 =	vor.u32 v6, v23;
	v28 =	vld.idx.msk [tilespmem:v28+s15+$0x0], $0xffff  }
0x2a0: {  	v4 =	vmul.f32 v4, v4;
	v8 =	vmul.f32 v8, v8;
	v3 =	vand.u32 $0x7FFFFFFF, v3;
	v59 =	vld.idx.msk [tilespmem:v29+s15+$0x0], $0xffff  }
0x2a1: {  	v9 =	vand.u32 $0x7FFFFFFF, v9;
	v2 =	vmin.f32 v2, v62;
	v54 =	vsub.f32 $3.141592740e+00, v3;
	v63 =	vld.idx.msk [tilespmem:v32+s29+$0x0], $0xffff  }
0x2a2: {  	v62 =	vor.u32 v0, v12;
	v4 =	vadd.f32 v8, v4;
	v15 =	vsub.f32 v15, v20;
	v8 =	vld.idx.msk [tilespmem:v53+s15+$0x0], $0xffff  }
0x2a3: {  	v3 =	vmin.f32 v3, v54;
	v10 =	vsub.f32 v10, v22;
	v61 =	vld.idx.msk [tilespmem:v30+s29+$0x0], $0xffff;
	v19 =	vsub.f32 v58, v19  }
0x2a4: {  	v12 =	vor.u32 v5, v12;
	v32 =	vadd.f32 v57, v52;
	v27 =	vld.idx.msk [tilespmem:v27+s15+$0x0], $0xffff;
	v29 =	vmul.f32 v3, v3  }
0x2a5: {  	v20 =	vld.idx.msk [tilespmem:v55+s29+$0x0], $0xffff;
	v15 =	vmul.f32 v15, v15;
	v10 =	vmul.f32 v10, v10;
	v19 =	vand.u32 $0x7FFFFFFF, v19  }
0x2a6: {  	v57 =	vmul.f32 v2, v2;
	v55 =	vmul.f32 v29, v3;
	v58 =	vsub.f32 $3.141592740e+00, v19  }
0x2a7: {  	v29 =	vmul.f32 $7.893740200e-03, v29;
	v10 =	vadd.f32 v10, v15;
	v8 =	vsub.f32 v63, v8;
	v63 =	vld [tilespmem:$0x1FEA0]  }
0x2a8: {  	v15 =	vmul.f32 $7.893740200e-03, v57;
	v26 =	vsub.f32 v26, v28;
	v18 =	vsub.f32 v18, v59  }
0x2a9: {  	v28 =	vand.u32 $0x7FFFFFFF, v56;
	v22 =	vsub.f32 v61, v27;
	v59 =	vor.u32 v0, v60  }
0x2aa: {  	v60 =	vor.u32 v5, v60;
	v61 =	vmul.f32 v57, v2;
	v1 =	vsub.f32 v20, v1  }
0x2ab: {  	(xrf2) =	vadd.scan.msk.f32 $0xffff, v14;
	v56 =	vsub.f32 $3.141592740e+00, v9;
	v57 =	vor.u32 v0, v21;
	v14 =	vmin.f32 v19, v58  }
0x2ac: {  	v53 =	vsub.f32 $3.141592740e+00, v28;
	v19 =	vmul.f32 v14, v14;
	v26 =	vmul.f32 v26, v26;
	(xrf2) =	vadd.scan.msk.f32 $0xffff, v63  }
0x2ad: {  	v12 =	vld.idx.msk [tilespmem:v12+s15+$0x0], $0xffff;
	v15 =	vadd.f32 $-1.665812430e-01, v15;
	v18 =	vmul.f32 v18, v18;
	v22 =	vmul.f32 v22, v22;
	(xrf2) =	vadd.scan.msk.f32 $0xffff, v31  }
0x2ae: {  	v8 =	vmul.f32 v8, v8;
	v1 =	vand.u32 $0x7FFFFFFF, v1;
	v9 =	vmin.f32 v9, v56;
	v27 =	vld.idx.msk [tilespmem:v59+s29+$0x0], $0xffff;
	(xrf2) =	vadd.scan.msk.f32 $0xffff, v39  }
0x2af: {  	v15 =	vmul.f32 v15, v61;
	v61 =	vadd.f32 $-1.665812430e-01, v29;
	(xrf2) =	vadd.scan.msk.f32 $0xffff, v4;
	v4 =	vld.idx.msk [tilespmem:v60+s29+$0x0], $0xffff;
	v60 =	vsub.f32 $3.141592740e+00, v1  }
0x2b0: {  	v52 =	vmul.f32 $7.893740200e-03, v19;
	v19 =	vmul.f32 v19, v14;
	v18 =	vadd.f32 v18, v26;
	(xrf2) =	vadd.scan.msk.f32 $0xffff, v10;
	v10 =	vld.idx.msk [tilespmem:v62+s15+$0x0], $0xffff  }
0x2b1: {  	v8 =	vadd.f32 v8, v22;
	v62 =	vor.u32 v0, v23;
	v1 =	vmin.f32 v1, v60  }
0x2b2: {  	v59 =	vor.u32 v5, v21;
	v21 =	vmin.f32 v28, v53;
	(xrf2) =	vadd.scan.msk.f32 $0xffff, v18;
	v63 =	vmul.f32 v1, v1  }
0x2b3: {  	v20 =	vmul.f32 v61, v55;
	v2 =	vadd.f32 v15, v2;
	(xrf2) =	vadd.scan.msk.f32 $0xffff, v8;
	v8 =	vor.u32 v5, v23  }
0x2b4: {  	v28, _, _ =	vpop (xrf2);
	v22 =	vadd.f32 $-1.665812430e-01, v52;
	v4 =	vsub.f32 v4, v12;
	v54 =	vmul.f32 $7.893740200e-03, v63  }
0x2b5: {  	v31, _, _ =	vpop (xrf2);
	v52 =	vbroadcast v28, $0xF;
	v39 =	vld.idx.msk [tilespmem:v57+s29+$0x0], $0xffff;
	v3 =	vadd.f32 v20, v3;
	v10 =	vsub.f32 v27, v10  }
0x2b6: {  	v56 =	vmul.f32 v63, v1;
	v55 =	vld.idx.msk [tilespmem:v62+s15+$0x0], $0xffff;
	v26, _, _ =	vpop (xrf2);
	v18 =	vadd.f32 $-1.665812430e-01, v54;
	v4 =	vand.u32 $0x7FFFFFFF, v4  }
0x2b7: {  	v19 =	vmul.f32 v22, v19;
	v53 =	vld.idx.msk [tilespmem:v59+s29+$0x0], $0xffff;
	v23, _, _ =	vpop (xrf2);
	v10 =	vand.u32 $0x7FFFFFFF, v10;
	v60 =	vsub.f32 $3.141592740e+00, v4  }
0x2b8: {  	v2 =	vadd.f32 v3, v2;
	v8 =	vld.idx.msk [tilespmem:v8+s15+$0x0], $0xffff;
	v27, _, _ =	vpop (xrf2);
	v58 =	vsub.f32 $3.141592740e+00, v10;
	v18 =	vmul.f32 v18, v56  }
0x2b9: {  	v3 =	vadd.f32 v19, v14;
	v57, _, _ =	vpop (xrf2);
	v4 =	vmin.f32 v4, v60;
	v60 =	vmul.f32 v9, v9  }
0x2ba: {  	v10 =	vmin.f32 v10, v58;
	v1 =	vadd.f32 v18, v1;
	v30 =	vbroadcast v57, $0xF  }
0x2bb: {  	v59, _, _ =	vpop (xrf2);
	v15 =	vsub.f32 v39, v55;
	v55 =	vbroadcast v51, $0xF;
	v58 =	vmul.f32 v21, v21  }
0x2bc: {  	v13 =	vadd.f32 v32, v13;
	v61, _, _ =	vpop (xrf2);
	v29 =	vbroadcast v59, $0xF;
	v32 =	vmul.f32 v10, v10  }
0x2bd: {  	v62, _, _ =	vpop (xrf2);
	v8 =	vsub.f32 v53, v8;
	v63 =	vbroadcast v61, $0xF;
	v1 =	vadd.f32 v1, v3  }
0x2be: {  	v3 =	vbroadcast v31, $0xF;
	v15 =	vand.u32 $0x7FFFFFFF, v15;
	v22 =	vbroadcast v62, $0xF  }
0x2bf: {  	v53 =	vmul.f32 v4, v4;
	v31 =	vsub.f32 $3.141592740e+00, v15;
	v54 =	vmul.f32 $7.893740200e-03, v32  }
0x2c0: {  	v18 =	vmul.f32 v32, v10;
	v8 =	vand.u32 $0x7FFFFFFF, v8;
	v12 =	vsel vm0, v63, v22  }
0x2c1: {  	v56 =	vmul.f32 $7.893740200e-03, v53;
	v39 =	vsub.f32 $3.141592740e+00, v8;
	v12 =	vsel vm4, v12, v29  }
0x2c2: {  	v14 =	vmin.f32 v15, v31;
	v15 =	vmul.f32 v53, v4;
	v12 =	vsel vm5, v12, v30  }
0x2c3: {  	v20 =	vadd.f32 $-1.665812430e-01, v56;
	v3 =	vsel vm6, v12, v3;
	v12 =	vadd.f32 $-1.665812430e-01, v54  }
0x2c4: {  	v62 =	vmul.f32 $7.893740200e-03, v58;
	v32 =	vmul.f32 $7.893740200e-03, v60;
	v8 =	vmin.f32 v8, v39  }
0x2c5: {  	v15 =	vmul.f32 v20, v15;
	v3 =	vsel vm7, v3, v52;
	v12 =	vmul.f32 v12, v18  }
0x2c6: {  	(xrf2) =	vadd.scan.msk.f32 $0xffff, v36;
	v57 =	vmul.f32 v14, v14;
	v61 =	vmul.f32 v8, v8;
	v3 =	vsel vm8, v3, v55  }
0x2c7: {  	(xrf2) =	vadd.scan.msk.f32 $0xffff, v45;
	v4 =	vadd.f32 v15, v4;
	v3 =	vsel vm9, v3, v50;
	v10 =	vadd.f32 v12, v10  }
0x2c8: {  	(xrf2) =	vadd.scan.msk.f32 $0xffff, v44;
	v22 =	vmul.f32 v60, v9;
	v59 =	vmul.f32 $7.893740200e-03, v57;
	v3 =	vsel vm10, v3, v43  }
0x2c9: {  	(xrf2) =	vadd.scan.msk.f32 $0xffff, v49;
	v63 =	vmul.f32 $7.893740200e-03, v61;
	v3 =	vsel vm11, v3, v41;
	v4 =	vadd.f32 v4, v10;
	v10 =	vld [tilespmem:$0x1FF60]  }
0x2ca: {  	(xrf2) =	vadd.scan.msk.f32 $0xffff, v13;
	v19 =	vmul.f32 v57, v14;
	v20 =	vadd.f32 $-1.665812430e-01, v59;
	v3 =	vsel vm12, v3, v40;
	v40 =	vld [tilespmem:$0x1FF50]  }
0x2cb: {  	(xrf2) =	vadd.scan.msk.f32 $0xffff, v2;
	v2 =	vld [tilespmem:$0x1FF00];
	v18 =	vmul.f32 v58, v21;
	v28 =	vmul.f32 v61, v8;
	v15 =	vadd.f32 $-1.665812430e-01, v63  }
0x2cc: {  	v19 =	vmul.f32 v20, v19;
	v12 =	vadd.f32 $-1.665812430e-01, v62;
	v20 =	vadd.f32 $-1.665812430e-01, v32  }
0x2cd: {  	v43 =	vld [tilespmem:$0x1FF70];
	v15 =	vmul.f32 v15, v28;
	v3 =	vsel vm13, v3, v34  }
0x2ce: {  	v45 =	vld [tilespmem:$0x1FF30];
	v36 =	vmul.f32 v20, v22;
	v3 =	vsel vm14, v3, v10;
	v10 =	vmul.f32 v12, v18  }
0x2cf: {  	v44 =	vld [tilespmem:$0x1FF80];
	v39 =	vadd.f32 v19, v14;
	v8 =	vadd.f32 v15, v8;
	v3 =	vsel vm15, v3, v40  }
0x2d0: {  	v49 =	vld [tilespmem:$0x1FF10];
	(xrf2) =	vadd.scan.msk.f32 $0xffff, v1;
	v9 =	vadd.f32 v36, v9;
	v2 =	vsel vm1, v3, v2;
	v3 =	vadd.f32 v10, v21  }
0x2d1: {  	(xrf2) =	vadd.scan.msk.f32 $0xffff, v4;
	v4 =	vmul.f32 v48, v46;
	v46 =	vld [tilespmem:$0x1FF40];
	v1 =	vadd.f32 v8, v39;
	v8 =	vmul.f32 v47, v42  }
0x2d2: {  	v48 =	vld [tilespmem:$0x1FEE0];
	v14 =	vmul.f32 v35, v43;
	v10 =	vadd.f32 $-1.665812430e-01, v33;
	v3 =	vadd.f32 v9, v3  }
0x2d3: {  	v50 =	vld [tilespmem:$0x1FF20];
	v4 =	vadd.f32 v4, v38;
	(xrf2) =	vadd.scan.msk.f32 $0xffff, v1;
	v8 =	vadd.f32 v8, v37;
	v2 =	vsel vm2, v2, v26  }
0x2d4: {  	v51 =	vld [tilespmem:$0x1FEB0];
	v14 =	vadd.f32 v14, v24;
	v9 =	vmax.f32 v2, $1.000000020e-35;
	v10 =	vmul.f32 v10, v44  }
0x2d5: {  	v56 =	vld [tilespmem:$0x1FEF0];
	v41, _, _ =	vpop (xrf2);
	v4 =	vadd.f32 v4, v8;
	v1 =	vshrl.u32 v9, $0x1;
	v9 =	vmul.f32 $5.000000000e-01, v9  }
0x2d6: {  	v52 =	vld [tilespmem:$0x1FEC0];
	v18 =	vadd.f32 $-1.665812430e-01, v46;
	v1 =	vsub.s32 $0x5F3759DF, v1;
	(xrf2) =	vadd.scan.msk.f32 $0xffff, v3;
	v10 =	vadd.f32 v10, v25;
	v3, _, _ =	vpop (xrf2)  }
0x2d7: {  	v20 =	vmul.f32 $7.893740200e-03, v48;
	v42 =	vmul.f32 v1, v9;
	v8, _, _ =	vpop (xrf2)  }
0x2d8: {  	v59 =	vld [tilespmem:$0x1FED0];
	v15 =	vadd.f32 $-1.665812430e-01, v45;
	v18 =	vmul.f32 v18, v50;
	v10 =	vadd.f32 v10, v14;
	v47, _, _ =	vpop (xrf2)  }
0x2d9: {  	v20 =	vadd.f32 $-1.665812430e-01, v20;
	(xrf2) =	vadd.scan.msk.f32 $0xffff, v4;
	v13 =	vmul.f32 v1, v42;
	v4, _, _ =	vpop (xrf2)  }
0x2da: {  	v15 =	vmul.f32 v15, v49;
	v54 =	vadd.f32 v18, v17;
	v53, _, _ =	vpop (xrf2)  }
0x2db: {  	v17 =	vmul.f32 v20, v56;
	v14 =	vmul.f32 v52, v51;
	v13 =	vsub.f32 $1.500000000e+00, v13;
	v55, _, _ =	vpop (xrf2)  }
0x2dc: {  	v15 =	vadd.f32 v15, v16;
	(xrf2) =	vadd.scan.msk.f32 $0xffff, v10;
	v10, _, _ =	vpop (xrf2)  }
0x2dd: {  	v17 =	vadd.f32 v17, v59;
	v11 =	vadd.f32 v14, v11;
	v1 =	vmul.f32 v1, v13;
	v58, _, _ =	vpop (xrf2)  }
0x2de: {  	v15 =	vadd.f32 v54, v15;
	v10 =	vbroadcast v10, $0xF;
	v16 =	vbroadcast v58, $0xF  }
0x2df: {  	v11 =	vadd.f32 v17, v11;
	v13 =	vbroadcast v55, $0xF;
	v57 =	vmul.f32 v1, v9  }
0x2e0: {  	v60 =	vbroadcast v53, $0xF;
	v61, _, _ =	vpop (xrf2);
	v10 =	vsel vm0, v10, v16  }
0x2e1: {  	(xrf2) =	vadd.scan.msk.f32 $0xffff, v15;
	v14 =	vmul.f32 v57, v1;
	v62 =	vbroadcast v61, $0xF;
	v10 =	vsel vm4, v10, v13  }
0x2e2: {  	v4 =	vbroadcast v4, $0xF;
	v10 =	vsel vm5, v10, v60  }
0x2e3: {  	(xrf2) =	vadd.scan.msk.f32 $0xffff, v11;
	v11, _, _ =	vpop (xrf2);
	v14 =	vsub.f32 $1.500000000e+00, v14;
	v10 =	vsel vm6, v10, v62  }
0x2e4: {  	v4 =	vsel vm7, v10, v4;
	v10 =	vbroadcast v11, $0xF  }
0x2e5: {  	v63 =	vbroadcast v47, $0xF;
	v1 =	vmul.f32 v14, v1;
	_ =	sdelay $0x1  }
0x2e6: {  	v8 =	vbroadcast v8, $0xF;
	v4 =	vsel vm8, v4, v63;
	v9 =	vmul.f32 v1, v9  }
0x2e7: {  	v3 =	vbroadcast v3, $0xF;
	v4 =	vsel vm9, v4, v10;
	v10, _, _ =	vpop (xrf2)  }
0x2e8: {  	v4 =	vsel vm10, v4, v8;
	v9 =	vmul.f32 v9, v1;
	v8 =	vbroadcast v10, $0xF  }
0x2e9: {  	v3 =	vsel vm11, v4, v3;
	v4 =	vbroadcast v41, $0xF  }
0x2ea: {  	v11 =	vld [tilespmem:$0x1FFB0];
	v9 =	vsub.f32 $1.500000000e+00, v9;
	v10, _, _ =	vpop (xrf2);
	v3 =	vsel vm12, v3, v8;
	v8 =	vbroadcast v27, $0xF  }
0x2eb: {  	v3 =	vsel vm13, v3, v4;
	v4 =	vbroadcast v10, $0xF;
	v10 =	vld [tilespmem:$0x1FFA0]  }
0x2ec: {  	v1 =	vmul.f32 v9, v1;
	v3 =	vsel vm14, v3, v8;
	v8 =	vbroadcast v23, $0xF  }
0x2ed: {  	v3 =	vsel vm15, v3, v4  }
0x2ee: {  	v1 =	vmul.f32 v1, v2;
	v2, _, _ =	vpop (xrf2);
	v3 =	vsel vm1, v3, v8  }
0x2ef: {  	s3 =	rddreg [dreg:$0xe];
	v2 =	vsel vm2, v3, v2  }
0x2f0: {  	s3 =	sadd.s32 $0x1, s3;
	v1 =	vmul.f32 v1, v11;
	v2 =	vmul.f32 v2, v10  }
0x2f1: {  	p0 =	sne.s32 s3, $0x10  }
.Ltmp2:
0x2f2: {  	v3 =	vld [tilespmem:$0x1FFC0];
	v1 =	vadd.f32 v1, v2;
	(pc) =	sbr.rel @p0 .LBB2_2-.Ltmp2, $4  }
0x2f3: {  	_ = 	snop  }
0x2f4: {  	s2 =	sshra.s32 s4, $0x2;
	v9 =	vld [tilespmem:$0x1FFF0];
	v1 =	vadd.f32 $-6.000000000e+00, v1  }
0x2f5: {  	s17 =	sadd.s32 $0x8, s17;
	s2 =	sadd.s32 s2, s16;
	v4 =	vld [tilespmem:$0x1FFD0]  }
0x2f6: {  	s0 =	sadd.s32 $0x200, s0;
	s10 =	sadd.s32 $0x190, s10;
	s16 =	sadd.s32 $0x190, s16;
	v8 =	vld [tilespmem:$0x1FFE0];
	[tilespmem:s2+$0x0] =	vst v1  }
0x2f7: {  	_ =	swait.ge [sflag:s24], $0x2000  }
0x2f8: {  	[sflag:s24] =	ssyncset.done $0x0  }
0x2f9: {  	[sflag:s24] =	ssyncadd.s32 $0xFFFFE000  }
0x2fa: {  	_ =	swait.ge [sflag:s25], $0x2000  }
0x2fb: {  	[sflag:s25] =	ssyncset.done $0x0  }
0x2fc: {  	[sflag:s25] =	ssyncadd.s32 $0xFFFFE000  }
0x2fd: {  	_ =	swait.ge [sflag:s26], $0x2000  }
0x2fe: {  	[sflag:s26] =	ssyncset.done $0x0  }
0x2ff: {  	[sflag:s26] =	ssyncadd.s32 $0xFFFFE000  }
0x300: {  	_ =	swait.ge [sflag:s28], $0x2000  }
0x301: {  	s8 =	simm.s32 $0x0;
	[sflag:s28] =	ssyncset.done $0x0  }
0x302: {  	s2 =	simm.s32 $0x1CC80;
	s0 =	rddreg [dreg:$0xb];
	[sflag:s28] =	ssyncadd.s32 $0xFFFFE000  }
0x303: {  	[hbm4b:s0+s8] =	stream.linear.scatter [tilespmem:s2], [sflag:$0x5], $0x1900, $0x38;
	[tilespmem:$0x1E680] =	vst v63  }
0x304: {  	s2 =	simm.s32 $0x5  }
0x305: {  	_ =	swait.ge [sflag:s2], $0x1900  }
0x306: {  	s3 =	rddreg [dreg:$0xd]  }
0x307: {  	s31 =	rddreg [dreg:$0xc];
	s3 =	sadd.s32 $0x1, s3  }
0x308: {  	p0 =	sne.s32 s3, s31  }
.Ltmp3:
0x309: {  	_ = 	snop;
	(pc) =	sbr.rel @p0 .LBB2_1-.Ltmp3, $3  }
0x30a: {  	_ =	sdelay $0x1  }
0x30b: {  	[sflag:s2] =	ssyncset.done $0x0  }
0x30c: {  	[sflag:s2] =	ssyncadd.s32 $0xFFFFE700  }
0x30d: {  	_ =	sfence.sel $0x180000  }
0x30e: {  	[bflag:$0x0] =	sbarrier.arrive $0xFFFF  }
0x30f: {  	_ =	strace $0x90000047  }
0x310: {  	s0 =	stileid.u32;
	[bflag:$0x2] =	sbarrier.arrive $0xFFFF  }
0x311: {  	p0 =	sne.s32 s0, $0x0;
	s0 =	rddreg [dreg:$0x4]  }
0x312: {  	s0 =	sadd.s32 @!p0 $0x100000, s0  }
0x313: {  	[sflag:s0] =	ssyncadd.tile.s32 @!p0 $0x1;
	_ =	shalt  }
.Lfunc_end2:
_tile_overlayer_lowered:
.L_overlay_start_2:
0x314: {  	(tag) =	ssettag $0x2  }
0x315: {  	s0 =	rddreg [dreg:$0x0];
	s2 =	stileid.u32  }
0x316: {  	s1 =	rddreg [dreg:$0x1];
	p0 =	sne.s32 s2, $0x0  }
0x317: {  	s3 =	rddreg [dreg:$0x2];
	[bflag:$0x3] =	sbarrier.arrive $0xFFFF;
	s2 =	simm.s32 @!p0 $0x1C05  }
0x318: {  	[timem:s3], [sflag:s2] =	dma.local @!p0 [hbm:s0], s1  }
0x319: {  	s0 =	simm.s32 @!p0 $0x5  }
0x31a: {  	_ =	swait.ge @!p0 [sflag:s0], s1  }
0x31b: {  	s1 =	ssub.s32 @!p0 $0x0, s1;
	[sflag:s0] =	ssyncset.done @!p0 $0x0  }
0x31c: {  	[sflag:s0] =	ssyncadd.s32 @!p0 s1  }
0x31d: {  	[bflag:$0x3] =	sbarrier.arrive $0xFFFF  }
0x31e: {  	_ =	shalt  }

</sc_bundles>
